<compile_context>
chip_gen: v7x
topology: tpu7x:2x2x1
jax: 0.10.2.dev20260603
libtpu: 0.0.44.dev20260713+nightly
codegen_flags: <defaults>
</compile_context>

<pallas_src>
import functools

import jax
import jax.numpy as jnp
from jax import lax
from jax.experimental import pallas as pl
from jax.experimental.pallas import tpu as pltpu
from jax.experimental.pallas import tpu_sc as plsc

VOCAB = 1000000
EMBED = 128
BATCH = 16384
CTX = 20

NC = 2
NS = 16
L = 16
NW = NC * NS
BPW = BATCH // NW
IW = 128
NCHUNK = BPW // IW
NVEC = EMBED // L
NBUF = 4

_mesh = plsc.VectorSubcoreMesh(core_axis_name="c", subcore_axis_name="s")


@functools.partial(
    pl.kernel,
    mesh=_mesh,
    out_type=jax.ShapeDtypeStruct((BATCH, EMBED), jnp.float32),
    scratch_types=[
        pltpu.VMEM((NCHUNK, CTX, IW), jnp.int32),
        pltpu.VMEM((NBUF, IW, EMBED), jnp.float32),
        pltpu.SemaphoreType.DMA,
        pltpu.SemaphoreType.DMA,
        pltpu.SemaphoreType.DMA,
        pltpu.SemaphoreType.DMA,
        pltpu.SemaphoreType.DMA,
    ],
)
def _cbow_sc(ctx_hbm, table_hbm, out_hbm, idx_v, acc_v, sem0, sem1, sem2, sem3, osem):
    wid = lax.axis_index("s") * NC + lax.axis_index("c")
    sems = [sem0, sem1, sem2, sem3]
    icps = [
        pltpu.async_copy(
            ctx_hbm.at[:, pl.ds((wid * NCHUNK + k) * IW, IW)],
            idx_v.at[k],
            sems[k],
        )
        for k in range(NCHUNK)
    ]

    def zero_buf(buf):
        def zrow(b, carry):
            for c in range(NVEC):
                acc_v[buf, b, pl.ds(c * L, L)] = jnp.zeros((L,), jnp.float32)
            return carry

        lax.fori_loop(0, IW, zrow, 0)

    def fire(ck, buf, sem):
        return [
            pltpu.async_copy(
                table_hbm.at[idx_v.at[ck, p]],
                acc_v.at[buf],
                sem,
                add=True,
            )
            for p in range(CTX)
        ]

    pending = {}
    for ck in range(NBUF):
        zero_buf(ck)
        icps[ck].wait()
        pending[ck] = fire(ck, ck, sems[ck])

    out_cps = []
    for ck in range(NCHUNK):
        buf = ck % NBUF
        for cp in pending.pop(ck):
            cp.wait()

        def scale_row(b, carry):
            for c in range(NVEC):
                sl = pl.ds(c * L, L)
                acc_v[buf, b, sl] = acc_v[buf, b, sl] * (1.0 / CTX)
            return carry

        lax.fori_loop(0, IW, scale_row, 0)
        out_cps.append(
            pltpu.async_copy(
                acc_v.at[buf],
                out_hbm.at[pl.ds((wid * NCHUNK + ck) * IW, IW)],
                osem,
            )
        )
    for cp in out_cps:
        cp.wait()


def kernel(context, table):
    return _cbow_sc(context.astype(jnp.int32).T, table)

# --- scband reference (transcript-rebuilt; emitter-appended) ---
"""Pipeline reference for scband-cbowmodel-55705725829183 (READ-ONLY COPY).

The authoritative reference and input builder live on the scoring server;
editing this copy changes nothing except your own understanding.
"""

import jax, jax.numpy as jnp
import numpy as np

VOCAB = 1000000
EMBED = 128
BATCH = 16384
CTX = 20

def setup_inputs(seed: int = 0) -> dict:
    key = jax.random.key(seed)
    k1, k2 = jax.random.split(key)
    context = jax.random.randint(k1, (BATCH, CTX), 0, VOCAB, dtype=jnp.int64 if jax.config.jax_enable_x64 else jnp.int32)
    table = jax.random.normal(k2, (VOCAB, EMBED), dtype=jnp.float32) * 0.02
    return {"context": context, "table": table}

def reference(context, table):
    # Embedding lookup: gather rows of the table by context indices -> [B, CTX, EMBED]
    embedded = jnp.take(table, context, axis=0)
    # CBOW: mean over the context window axis -> [B, EMBED]
    return jnp.mean(embedded, axis=1)

if __name__ == "__main__":
    import jax
    _d = setup_inputs()
    print(jax.jit(kernel)(*tuple(_d.values())))

</pallas_src>

<mosaic_0001>
#map = affine_map<(d0, d1) -> (0, 0)>
module attributes {stable_mosaic.version = 14 : i64} {
  func.func @_cbow_sc(%arg0: i32, %arg1: i32, %arg2: memref<20x16384xi32, #tpu.memory_space<hbm>>, %arg3: memref<1000000x128xf32, #tpu.memory_space<hbm>>, %arg4: memref<16384x128xf32, #tpu.memory_space<hbm>>, %arg5: memref<4x20x128xi32, #tpu.memory_space<vmem>>, %arg6: memref<4x128x128xf32, #tpu.memory_space<vmem>>, %arg7: memref<!tpu.dma_semaphore, #tpu.memory_space<semaphore_mem>>, %arg8: memref<!tpu.dma_semaphore, #tpu.memory_space<semaphore_mem>>, %arg9: memref<!tpu.dma_semaphore, #tpu.memory_space<semaphore_mem>>, %arg10: memref<!tpu.dma_semaphore, #tpu.memory_space<semaphore_mem>>, %arg11: memref<!tpu.dma_semaphore, #tpu.memory_space<semaphore_mem>>) attributes {dimension_semantics = [#tpu.dimension_semantics<core_parallel>, #tpu.dimension_semantics<subcore_parallel>], iteration_bounds = array<i64: 2, 16>, scalar_prefetch = 0 : i64, scratch_operands = 7 : i64, tpu.core_type = #tpu.core_type<sc_vector_subcore>, window_params = [{transform_indices = #map}, {transform_indices = #map}, {transform_indices = #map}]} {
    %mul3A = arith.constant 2 : i32
    %mul3A_0 = arith.muli %arg1, %mul3A : i32
    %add3A = arith.addi %mul3A_0, %arg0 : i32
    %mul3A_1 = arith.constant 4 : i32
    %mul3A_2 = arith.muli %add3A, %mul3A_1 : i32
    %add3A_3 = arith.constant 0 : i32
    %add3A_4 = arith.addi %mul3A_2, %add3A_3 : i32
    %mul3A_5 = arith.constant 128 : i32
    %mul3A_6 = arith.muli %add3A_4, %mul3A_5 : i32
    %dma_start3A = arith.constant 0 : i32
    %dma_start3A_7 = arith.constant 0 : i32
    %dma_start3A_8 = arith.constant 0 : i32
    %dma_start3A_9 = tpu.memref_slice %arg5[%dma_start3A, %dma_start3A_7, %dma_start3A_8] : memref<4x20x128xi32, #tpu.memory_space<vmem>> -> memref<1x20x128xi32, #tpu.memory_space<vmem>>
    %dma_start3A_10 = tpu.memref_squeeze %dma_start3A_9 : memref<1x20x128xi32, #tpu.memory_space<vmem>> -> memref<20x128xi32, #tpu.memory_space<vmem>>
    %dma_start3A_11 = arith.constant 0 : i32
    %dma_start3A_12 = tpu.memref_slice %arg2[%dma_start3A_11, %mul3A_6] : memref<20x16384xi32, #tpu.memory_space<hbm>> -> memref<20x128xi32, #tpu.memory_space<hbm>>
    %dma_start3A_13 = arith.constant 0 : i32
    %dma_start3A_14 = arith.constant 0 : i32
    %dma_start3A_15 = tpu.memref_slice %arg5[%dma_start3A, %dma_start3A_13, %dma_start3A_14] : memref<4x20x128xi32, #tpu.memory_space<vmem>> -> memref<1x20x128xi32, #tpu.memory_space<vmem>>
    %dma_start3A_16 = tpu.memref_squeeze %dma_start3A_15 : memref<1x20x128xi32, #tpu.memory_space<vmem>> -> memref<20x128xi32, #tpu.memory_space<vmem>>
    %dma_start3A_17 = arith.constant 0 : i32
    %dma_start3A_18 = tpu.memref_slice %arg2[%dma_start3A_17, %mul3A_6] : memref<20x16384xi32, #tpu.memory_space<hbm>> -> memref<20x128xi32, #tpu.memory_space<hbm>>
    tpu.enqueue_dma source(%dma_start3A_18 : memref<20x128xi32, #tpu.memory_space<hbm>>) target(%dma_start3A_16 : memref<20x128xi32, #tpu.memory_space<vmem>>) target_semaphore(%arg7 : memref<!tpu.dma_semaphore, #tpu.memory_space<semaphore_mem>>)
    %mul3A_19 = arith.constant 4 : i32
    %mul3A_20 = arith.muli %add3A, %mul3A_19 : i32
    %add3A_21 = arith.constant 1 : i32
    %add3A_22 = arith.addi %mul3A_20, %add3A_21 : i32
    %mul3A_23 = arith.constant 128 : i32
    %mul3A_24 = arith.muli %add3A_22, %mul3A_23 : i32
    %dma_start3A_25 = arith.constant 1 : i32
    %dma_start3A_26 = arith.constant 0 : i32
    %dma_start3A_27 = arith.constant 0 : i32
    %dma_start3A_28 = tpu.memref_slice %arg5[%dma_start3A_25, %dma_start3A_26, %dma_start3A_27] : memref<4x20x128xi32, #tpu.memory_space<vmem>> -> memref<1x20x128xi32, #tpu.memory_space<vmem>>
    %dma_start3A_29 = tpu.memref_squeeze %dma_start3A_28 : memref<1x20x128xi32, #tpu.memory_space<vmem>> -> memref<20x128xi32, #tpu.memory_space<vmem>>
    %dma_start3A_30 = arith.constant 0 : i32
    %dma_start3A_31 = tpu.memref_slice %arg2[%dma_start3A_30, %mul3A_24] : memref<20x16384xi32, #tpu.memory_space<hbm>> -> memref<20x128xi32, #tpu.memory_space<hbm>>
    %dma_start3A_32 = arith.constant 0 : i32
    %dma_start3A_33 = arith.constant 0 : i32
    %dma_start3A_34 = tpu.memref_slice %arg5[%dma_start3A_25, %dma_start3A_32, %dma_start3A_33] : memref<4x20x128xi32, #tpu.memory_space<vmem>> -> memref<1x20x128xi32, #tpu.memory_space<vmem>>
    %dma_start3A_35 = tpu.memref_squeeze %dma_start3A_34 : memref<1x20x128xi32, #tpu.memory_space<vmem>> -> memref<20x128xi32, #tpu.memory_space<vmem>>
    %dma_start3A_36 = arith.constant 0 : i32
    %dma_start3A_37 = tpu.memref_slice %arg2[%dma_start3A_36, %mul3A_24] : memref<20x16384xi32, #tpu.memory_space<hbm>> -> memref<20x128xi32, #tpu.memory_space<hbm>>
    tpu.enqueue_dma source(%dma_start3A_37 : memref<20x128xi32, #tpu.memory_space<hbm>>) target(%dma_start3A_35 : memref<20x128xi32, #tpu.memory_space<vmem>>) target_semaphore(%arg8 : memref<!tpu.dma_semaphore, #tpu.memory_space<semaphore_mem>>)
    %mul3A_38 = arith.constant 4 : i32
    %mul3A_39 = arith.muli %add3A, %mul3A_38 : i32
    %add3A_40 = arith.constant 2 : i32
    %add3A_41 = arith.addi %mul3A_39, %add3A_40 : i32
    %mul3A_42 = arith.constant 128 : i32
    %mul3A_43 = arith.muli %add3A_41, %mul3A_42 : i32
    %dma_start3A_44 = arith.constant 2 : i32
    %dma_start3A_45 = arith.constant 0 : i32
    %dma_start3A_46 = arith.constant 0 : i32
    %dma_start3A_47 = tpu.memref_slice %arg5[%dma_start3A_44, %dma_start3A_45, %dma_start3A_46] : memref<4x20x128xi32, #tpu.memory_space<vmem>> -> memref<1x20x128xi32, #tpu.memory_space<vmem>>
    %dma_start3A_48 = tpu.memref_squeeze %dma_start3A_47 : memref<1x20x128xi32, #tpu.memory_space<vmem>> -> memref<20x128xi32, #tpu.memory_space<vmem>>
    %dma_start3A_49 = arith.constant 0 : i32
    %dma_start3A_50 = tpu.memref_slice %arg2[%dma_start3A_49, %mul3A_43] : memref<20x16384xi32, #tpu.memory_space<hbm>> -> memref<20x128xi32, #tpu.memory_space<hbm>>
    %dma_start3A_51 = arith.constant 0 : i32
    %dma_start3A_52 = arith.constant 0 : i32
    %dma_start3A_53 = tpu.memref_slice %arg5[%dma_start3A_44, %dma_start3A_51, %dma_start3A_52] : memref<4x20x128xi32, #tpu.memory_space<vmem>> -> memref<1x20x128xi32, #tpu.memory_space<vmem>>
    %dma_start3A_54 = tpu.memref_squeeze %dma_start3A_53 : memref<1x20x128xi32, #tpu.memory_space<vmem>> -> memref<20x128xi32, #tpu.memory_space<vmem>>
    %dma_start3A_55 = arith.constant 0 : i32
    %dma_start3A_56 = tpu.memref_slice %arg2[%dma_start3A_55, %mul3A_43] : memref<20x16384xi32, #tpu.memory_space<hbm>> -> memref<20x128xi32, #tpu.memory_space<hbm>>
    tpu.enqueue_dma source(%dma_start3A_56 : memref<20x128xi32, #tpu.memory_space<hbm>>) target(%dma_start3A_54 : memref<20x128xi32, #tpu.memory_space<vmem>>) target_semaphore(%arg9 : memref<!tpu.dma_semaphore, #tpu.memory_space<semaphore_mem>>)
    %mul3A_57 = arith.constant 4 : i32
    %mul3A_58 = arith.muli %add3A, %mul3A_57 : i32
    %add3A_59 = arith.constant 3 : i32
    %add3A_60 = arith.addi %mul3A_58, %add3A_59 : i32
    %mul3A_61 = arith.constant 128 : i32
    %mul3A_62 = arith.muli %add3A_60, %mul3A_61 : i32
    %dma_start3A_63 = arith.constant 3 : i32
    %dma_start3A_64 = arith.constant 0 : i32
    %dma_start3A_65 = arith.constant 0 : i32
    %dma_start3A_66 = tpu.memref_slice %arg5[%dma_start3A_63, %dma_start3A_64, %dma_start3A_65] : memref<4x20x128xi32, #tpu.memory_space<vmem>> -> memref<1x20x128xi32, #tpu.memory_space<vmem>>
    %dma_start3A_67 = tpu.memref_squeeze %dma_start3A_66 : memref<1x20x128xi32, #tpu.memory_space<vmem>> -> memref<20x128xi32, #tpu.memory_space<vmem>>
    %dma_start3A_68 = arith.constant 0 : i32
    %dma_start3A_69 = tpu.memref_slice %arg2[%dma_start3A_68, %mul3A_62] : memref<20x16384xi32, #tpu.memory_space<hbm>> -> memref<20x128xi32, #tpu.memory_space<hbm>>
    %dma_start3A_70 = arith.constant 0 : i32
    %dma_start3A_71 = arith.constant 0 : i32
    %dma_start3A_72 = tpu.memref_slice %arg5[%dma_start3A_63, %dma_start3A_70, %dma_start3A_71] : memref<4x20x128xi32, #tpu.memory_space<vmem>> -> memref<1x20x128xi32, #tpu.memory_space<vmem>>
    %dma_start3A_73 = tpu.memref_squeeze %dma_start3A_72 : memref<1x20x128xi32, #tpu.memory_space<vmem>> -> memref<20x128xi32, #tpu.memory_space<vmem>>
    %dma_start3A_74 = arith.constant 0 : i32
    %dma_start3A_75 = tpu.memref_slice %arg2[%dma_start3A_74, %mul3A_62] : memref<20x16384xi32, #tpu.memory_space<hbm>> -> memref<20x128xi32, #tpu.memory_space<hbm>>
    tpu.enqueue_dma source(%dma_start3A_75 : memref<20x128xi32, #tpu.memory_space<hbm>>) target(%dma_start3A_73 : memref<20x128xi32, #tpu.memory_space<vmem>>) target_semaphore(%arg10 : memref<!tpu.dma_semaphore, #tpu.memory_space<semaphore_mem>>)
    %scan3A = arith.constant 0 : i32
    %scan3A_76 = arith.constant 0 : i32
    %scan3A_77 = arith.constant 128 : i32
    %scan3A_78 = arith.addi %scan3A_76, %scan3A_77 : i32
    %scan3A_79 = arith.constant 1 : i32
    scf.for %scan3A_2382 = %scan3A_76 to %scan3A_78 step %scan3A_79  : i32 {
      %broadcast_in_dim3A = arith.constant 0.000000e+00 : f32
      %broadcast_in_dim3A_2383 = vector.broadcast %broadcast_in_dim3A : f32 to vector<16xf32>
      %swap3A = arith.constant 0 : i32
      %swap3A_2384 = arith.index_cast %swap3A : i32 to index
      %swap3A_2385 = arith.index_cast %scan3A_2382 : i32 to index
      %swap3A_2386 = arith.constant 0 : index
      %swap3A_2387 = tpu.vector_load %arg6[%swap3A_2384, %swap3A_2385, %swap3A_2386] {strides = array<i32>} : memref<4x128x128xf32, #tpu.memory_space<vmem>>, vector<1x1x16xf32>,
      %swap3A_2388 = vector.shape_cast %swap3A_2387 : vector<1x1x16xf32> to vector<16xf32>
      %swap3A_2389 = vector.shape_cast %broadcast_in_dim3A_2383 : vector<16xf32> to vector<1x1x16xf32>
      tpu.vector_store %arg6[%swap3A_2384, %swap3A_2385, %swap3A_2386], %swap3A_2389 {strides = array<i32>} : memref<4x128x128xf32, #tpu.memory_space<vmem>>, vector<1x1x16xf32>,
      %broadcast_in_dim3A_2390 = arith.constant 0.000000e+00 : f32
      %broadcast_in_dim3A_2391 = vector.broadcast %broadcast_in_dim3A_2390 : f32 to vector<16xf32>
      %swap3A_2392 = arith.constant 0 : i32
      %swap3A_2393 = arith.index_cast %swap3A_2392 : i32 to index
      %swap3A_2394 = arith.index_cast %scan3A_2382 : i32 to index
      %swap3A_2395 = arith.constant 16 : index
      %swap3A_2396 = tpu.vector_load %arg6[%swap3A_2393, %swap3A_2394, %swap3A_2395] {strides = array<i32>} : memref<4x128x128xf32, #tpu.memory_space<vmem>>, vector<1x1x16xf32>,
      %swap3A_2397 = vector.shape_cast %swap3A_2396 : vector<1x1x16xf32> to vector<16xf32>
      %swap3A_2398 = vector.shape_cast %broadcast_in_dim3A_2391 : vector<16xf32> to vector<1x1x16xf32>
      tpu.vector_store %arg6[%swap3A_2393, %swap3A_2394, %swap3A_2395], %swap3A_2398 {strides = array<i32>} : memref<4x128x128xf32, #tpu.memory_space<vmem>>, vector<1x1x16xf32>,
      %broadcast_in_dim3A_2399 = arith.constant 0.000000e+00 : f32
      %broadcast_in_dim3A_2400 = vector.broadcast %broadcast_in_dim3A_2399 : f32 to vector<16xf32>
      %swap3A_2401 = arith.constant 0 : i32
      %swap3A_2402 = arith.index_cast %swap3A_2401 : i32 to index
      %swap3A_2403 = arith.index_cast %scan3A_2382 : i32 to index
      %swap3A_2404 = arith.constant 32 : index
      %swap3A_2405 = tpu.vector_load %arg6[%swap3A_2402, %swap3A_2403, %swap3A_2404] {strides = array<i32>} : memref<4x128x128xf32, #tpu.memory_space<vmem>>, vector<1x1x16xf32>,
      %swap3A_2406 = vector.shape_cast %swap3A_2405 : vector<1x1x16xf32> to vector<16xf32>
      %swap3A_2407 = vector.shape_cast %broadcast_in_dim3A_2400 : vector<16xf32> to vector<1x1x16xf32>
      tpu.vector_store %arg6[%swap3A_2402, %swap3A_2403, %swap3A_2404], %swap3A_2407 {strides = array<i32>} : memref<4x128x128xf32, #tpu.memory_space<vmem>>, vector<1x1x16xf32>,
      %broadcast_in_dim3A_2408 = arith.constant 0.000000e+00 : f32
      %broadcast_in_dim3A_2409 = vector.broadcast %broadcast_in_dim3A_2408 : f32 to vector<16xf32>
      %swap3A_2410 = arith.constant 0 : i32
      %swap3A_2411 = arith.index_cast %swap3A_2410 : i32 to index
      %swap3A_2412 = arith.index_cast %scan3A_2382 : i32 to index
      %swap3A_2413 = arith.constant 48 : index
      %swap3A_2414 = tpu.vector_load %arg6[%swap3A_2411, %swap3A_2412, %swap3A_2413] {strides = array<i32>} : memref<4x128x128xf32, #tpu.memory_space<vmem>>, vector<1x1x16xf32>,
      %swap3A_2415 = vector.shape_cast %swap3A_2414 : vector<1x1x16xf32> to vector<16xf32>
      %swap3A_2416 = vector.shape_cast %broadcast_in_dim3A_2409 : vector<16xf32> to vector<1x1x16xf32>
      tpu.vector_store %arg6[%swap3A_2411, %swap3A_2412, %swap3A_2413], %swap3A_2416 {strides = array<i32>} : memref<4x128x128xf32, #tpu.memory_space<vmem>>, vector<1x1x16xf32>,
      %broadcast_in_dim3A_2417 = arith.constant 0.000000e+00 : f32
      %broadcast_in_dim3A_2418 = vector.broadcast %broadcast_in_dim3A_2417 : f32 to vector<16xf32>
      %swap3A_2419 = arith.constant 0 : i32
      %swap3A_2420 = arith.index_cast %swap3A_2419 : i32 to index
      %swap3A_2421 = arith.index_cast %scan3A_2382 : i32 to index
      %swap3A_2422 = arith.constant 64 : index
      %swap3A_2423 = tpu.vector_load %arg6[%swap3A_2420, %swap3A_2421, %swap3A_2422] {strides = array<i32>} : memref<4x128x128xf32, #tpu.memory_space<vmem>>, vector<1x1x16xf32>,
      %swap3A_2424 = vector.shape_cast %swap3A_2423 : vector<1x1x16xf32> to vector<16xf32>
      %swap3A_2425 = vector.shape_cast %broadcast_in_dim3A_2418 : vector<16xf32> to vector<1x1x16xf32>
      tpu.vector_store %arg6[%swap3A_2420, %swap3A_2421, %swap3A_2422], %swap3A_2425 {strides = array<i32>} : memref<4x128x128xf32, #tpu.memory_space<vmem>>, vector<1x1x16xf32>,
      %broadcast_in_dim3A_2426 = arith.constant 0.000000e+00 : f32
      %broadcast_in_dim3A_2427 = vector.broadcast %broadcast_in_dim3A_2426 : f32 to vector<16xf32>
      %swap3A_2428 = arith.constant 0 : i32
      %swap3A_2429 = arith.index_cast %swap3A_2428 : i32 to index
      %swap3A_2430 = arith.index_cast %scan3A_2382 : i32 to index
      %swap3A_2431 = arith.constant 80 : index
      %swap3A_2432 = tpu.vector_load %arg6[%swap3A_2429, %swap3A_2430, %swap3A_2431] {strides = array<i32>} : memref<4x128x128xf32, #tpu.memory_space<vmem>>, vector<1x1x16xf32>,
      %swap3A_2433 = vector.shape_cast %swap3A_2432 : vector<1x1x16xf32> to vector<16xf32>
      %swap3A_2434 = vector.shape_cast %broadcast_in_dim3A_2427 : vector<16xf32> to vector<1x1x16xf32>
      tpu.vector_store %arg6[%swap3A_2429, %swap3A_2430, %swap3A_2431], %swap3A_2434 {strides = array<i32>} : memref<4x128x128xf32, #tpu.memory_space<vmem>>, vector<1x1x16xf32>,
      %broadcast_in_dim3A_2435 = arith.constant 0.000000e+00 : f32
      %broadcast_in_dim3A_2436 = vector.broadcast %broadcast_in_dim3A_2435 : f32 to vector<16xf32>
      %swap3A_2437 = arith.constant 0 : i32
      %swap3A_2438 = arith.index_cast %swap3A_2437 : i32 to index
      %swap3A_2439 = arith.index_cast %scan3A_2382 : i32 to index
      %swap3A_2440 = arith.constant 96 : index
      %swap3A_2441 = tpu.vector_load %arg6[%swap3A_2438, %swap3A_2439, %swap3A_2440] {strides = array<i32>} : memref<4x128x128xf32, #tpu.memory_space<vmem>>, vector<1x1x16xf32>,
      %swap3A_2442 = vector.shape_cast %swap3A_2441 : vector<1x1x16xf32> to vector<16xf32>
      %swap3A_2443 = vector.shape_cast %broadcast_in_dim3A_2436 : vector<16xf32> to vector<1x1x16xf32>
      tpu.vector_store %arg6[%swap3A_2438, %swap3A_2439, %swap3A_2440], %swap3A_2443 {strides = array<i32>} : memref<4x128x128xf32, #tpu.memory_space<vmem>>, vector<1x1x16xf32>,
      %broadcast_in_dim3A_2444 = arith.constant 0.000000e+00 : f32
      %broadcast_in_dim3A_2445 = vector.broadcast %broadcast_in_dim3A_2444 : f32 to vector<16xf32>
      %swap3A_2446 = arith.constant 0 : i32
      %swap3A_2447 = arith.index_cast %swap3A_2446 : i32 to index
      %swap3A_2448 = arith.index_cast %scan3A_2382 : i32 to index
      %swap3A_2449 = arith.constant 112 : index
      %swap3A_2450 = tpu.vector_load %arg6[%swap3A_2447, %swap3A_2448, %swap3A_2449] {strides = array<i32>} : memref<4x128x128xf32, #tpu.memory_space<vmem>>, vector<1x1x16xf32>,
      %swap3A_2451 = vector.shape_cast %swap3A_2450 : vector<1x1x16xf32> to vector<16xf32>
      %swap3A_2452 = vector.shape_cast %broadcast_in_dim3A_2445 : vector<16xf32> to vector<1x1x16xf32>
      tpu.vector_store %arg6[%swap3A_2447, %swap3A_2448, %swap3A_2449], %swap3A_2452 {strides = array<i32>} : memref<4x128x128xf32, #tpu.memory_space<vmem>>, vector<1x1x16xf32>,
    }
    %scan3A_80 = arith.constant 128 : i32
    %dma_wait3A = arith.constant 0 : i32
    %dma_wait3A_81 = arith.constant 0 : i32
    %dma_wait3A_82 = arith.constant 0 : i32
    %dma_wait3A_83 = tpu.memref_slice %arg5[%dma_wait3A, %dma_wait3A_81, %dma_wait3A_82] : memref<4x20x128xi32, #tpu.memory_space<vmem>> -> memref<1x20x128xi32, #tpu.memory_space<vmem>>
    %dma_wait3A_84 = tpu.memref_squeeze %dma_wait3A_83 : memref<1x20x128xi32, #tpu.memory_space<vmem>> -> memref<20x128xi32, #tpu.memory_space<vmem>>
    %dma_wait3A_85 = arith.constant 0 : i32
    %dma_wait3A_86 = tpu.memref_slice %arg2[%dma_wait3A_85, %mul3A_6] : memref<20x16384xi32, #tpu.memory_space<hbm>> -> memref<20x128xi32, #tpu.memory_space<hbm>>
    %dma_wait3A_87 = arith.constant 0 : i32
    %dma_wait3A_88 = arith.constant 0 : i32
    %dma_wait3A_89 = tpu.memref_slice %arg5[%dma_wait3A, %dma_wait3A_87, %dma_wait3A_88] : memref<4x20x128xi32, #tpu.memory_space<vmem>> -> memref<1x20x128xi32, #tpu.memory_space<vmem>>
    %dma_wait3A_90 = tpu.memref_squeeze %dma_wait3A_89 : memref<1x20x128xi32, #tpu.memory_space<vmem>> -> memref<20x128xi32, #tpu.memory_space<vmem>>
    %dma_wait3A_91 = arith.constant 0 : i32
    %dma_wait3A_92 = tpu.memref_slice %arg2[%dma_wait3A_91, %mul3A_6] : memref<20x16384xi32, #tpu.memory_space<hbm>> -> memref<20x128xi32, #tpu.memory_space<hbm>>
    tpu.wait_dma2 semaphore(%arg7 : memref<!tpu.dma_semaphore, #tpu.memory_space<semaphore_mem>>) src(%dma_wait3A_92 : memref<20x128xi32, #tpu.memory_space<hbm>>) dst(%dma_wait3A_90 : memref<20x128xi32, #tpu.memory_space<vmem>>)
    %dma_start3A_93 = arith.constant 0 : i32
    %dma_start3A_94 = arith.constant 0 : i32
    %dma_start3A_95 = arith.constant 0 : i32
    %dma_start3A_96 = arith.constant 0 : i32
    %dma_start3A_97 = arith.constant 0 : i32
    %dma_start3A_98 = tpu.memref_slice %arg6[%dma_start3A_95, %dma_start3A_96, %dma_start3A_97] : memref<4x128x128xf32, #tpu.memory_space<vmem>> -> memref<1x128x128xf32, #tpu.memory_space<vmem>>
    %dma_start3A_99 = tpu.memref_squeeze %dma_start3A_98 : memref<1x128x128xf32, #tpu.memory_space<vmem>> -> memref<128x128xf32, #tpu.memory_space<vmem>>
    %dma_start3A_100 = arith.constant 0 : i32
    %dma_start3A_101 = tpu.memref_slice %arg5[%dma_start3A_93, %dma_start3A_94, %dma_start3A_100] : memref<4x20x128xi32, #tpu.memory_space<vmem>> -> memref<1x1x128xi32, #tpu.memory_space<vmem>>
    %dma_start3A_102 = tpu.memref_squeeze %dma_start3A_101 : memref<1x1x128xi32, #tpu.memory_space<vmem>> -> memref<128xi32, #tpu.memory_space<vmem>>
    %dma_start3A_103 = arith.constant 0 : i32
    %dma_start3A_104 = arith.constant 0 : i32
    %dma_start3A_105 = tpu.memref_slice %arg3[%dma_start3A_103, %dma_start3A_104] : memref<1000000x128xf32, #tpu.memory_space<hbm>> -> memref<1000000x128xf32, #tpu.memory_space<hbm>>
    tpu.enqueue_indirect_dma source(%dma_start3A_105 : memref<1000000x128xf32, #tpu.memory_space<hbm>>) target(%dma_start3A_99 : memref<128x128xf32, #tpu.memory_space<vmem>>) offsets(%dma_start3A_102 : memref<128xi32, #tpu.memory_space<vmem>>) semaphore(%arg7 : memref<!tpu.dma_semaphore, #tpu.memory_space<semaphore_mem>>) {add = true}
    %dma_start3A_106 = arith.constant 0 : i32
    %dma_start3A_107 = arith.constant 1 : i32
    %dma_start3A_108 = arith.constant 0 : i32
    %dma_start3A_109 = arith.constant 0 : i32
    %dma_start3A_110 = arith.constant 0 : i32
    %dma_start3A_111 = tpu.memref_slice %arg6[%dma_start3A_108, %dma_start3A_109, %dma_start3A_110] : memref<4x128x128xf32, #tpu.memory_space<vmem>> -> memref<1x128x128xf32, #tpu.memory_space<vmem>>
    %dma_start3A_112 = tpu.memref_squeeze %dma_start3A_111 : memref<1x128x128xf32, #tpu.memory_space<vmem>> -> memref<128x128xf32, #tpu.memory_space<vmem>>
    %dma_start3A_113 = arith.constant 0 : i32
    %dma_start3A_114 = tpu.memref_slice %arg5[%dma_start3A_106, %dma_start3A_107, %dma_start3A_113] : memref<4x20x128xi32, #tpu.memory_space<vmem>> -> memref<1x1x128xi32, #tpu.memory_space<vmem>>
    %dma_start3A_115 = tpu.memref_squeeze %dma_start3A_114 : memref<1x1x128xi32, #tpu.memory_space<vmem>> -> memref<128xi32, #tpu.memory_space<vmem>>
    %dma_start3A_116 = arith.constant 0 : i32
    %dma_start3A_117 = arith.constant 0 : i32
    %dma_start3A_118 = tpu.memref_slice %arg3[%dma_start3A_116, %dma_start3A_117] : memref<1000000x128xf32, #tpu.memory_space<hbm>> -> memref<1000000x128xf32, #tpu.memory_space<hbm>>
    tpu.enqueue_indirect_dma source(%dma_start3A_118 : memref<1000000x128xf32, #tpu.memory_space<hbm>>) target(%dma_start3A_112 : memref<128x128xf32, #tpu.memory_space<vmem>>) offsets(%dma_start3A_115 : memref<128xi32, #tpu.memory_space<vmem>>) semaphore(%arg7 : memref<!tpu.dma_semaphore, #tpu.memory_space<semaphore_mem>>) {add = true}
    %dma_start3A_119 = arith.constant 0 : i32
    %dma_start3A_120 = arith.constant 2 : i32
    %dma_start3A_121 = arith.constant 0 : i32
    %dma_start3A_122 = arith.constant 0 : i32
    %dma_start3A_123 = arith.constant 0 : i32
    %dma_start3A_124 = tpu.memref_slice %arg6[%dma_start3A_121, %dma_start3A_122, %dma_start3A_123] : memref<4x128x128xf32, #tpu.memory_space<vmem>> -> memref<1x128x128xf32, #tpu.memory_space<vmem>>
    %dma_start3A_125 = tpu.memref_squeeze %dma_start3A_124 : memref<1x128x128xf32, #tpu.memory_space<vmem>> -> memref<128x128xf32, #tpu.memory_space<vmem>>
    %dma_start3A_126 = arith.constant 0 : i32
    %dma_start3A_127 = tpu.memref_slice %arg5[%dma_start3A_119, %dma_start3A_120, %dma_start3A_126] : memref<4x20x128xi32, #tpu.memory_space<vmem>> -> memref<1x1x128xi32, #tpu.memory_space<vmem>>
    %dma_start3A_128 = tpu.memref_squeeze %dma_start3A_127 : memref<1x1x128xi32, #tpu.memory_space<vmem>> -> memref<128xi32, #tpu.memory_space<vmem>>
    %dma_start3A_129 = arith.constant 0 : i32
    %dma_start3A_130 = arith.constant 0 : i32
    %dma_start3A_131 = tpu.memref_slice %arg3[%dma_start3A_129, %dma_start3A_130] : memref<1000000x128xf32, #tpu.memory_space<hbm>> -> memref<1000000x128xf32, #tpu.memory_space<hbm>>
    tpu.enqueue_indirect_dma source(%dma_start3A_131 : memref<1000000x128xf32, #tpu.memory_space<hbm>>) target(%dma_start3A_125 : memref<128x128xf32, #tpu.memory_space<vmem>>) offsets(%dma_start3A_128 : memref<128xi32, #tpu.memory_space<vmem>>) semaphore(%arg7 : memref<!tpu.dma_semaphore, #tpu.memory_space<semaphore_mem>>) {add = true}
    %dma_start3A_132 = arith.constant 0 : i32
    %dma_start3A_133 = arith.constant 3 : i32
    %dma_start3A_134 = arith.constant 0 : i32
    %dma_start3A_135 = arith.constant 0 : i32
    %dma_start3A_136 = arith.constant 0 : i32
    %dma_start3A_137 = tpu.memref_slice %arg6[%dma_start3A_134, %dma_start3A_135, %dma_start3A_136] : memref<4x128x128xf32, #tpu.memory_space<vmem>> -> memref<1x128x128xf32, #tpu.memory_space<vmem>>
    %dma_start3A_138 = tpu.memref_squeeze %dma_start3A_137 : memref<1x128x128xf32, #tpu.memory_space<vmem>> -> memref<128x128xf32, #tpu.memory_space<vmem>>
    %dma_start3A_139 = arith.constant 0 : i32
    %dma_start3A_140 = tpu.memref_slice %arg5[%dma_start3A_132, %dma_start3A_133, %dma_start3A_139] : memref<4x20x128xi32, #tpu.memory_space<vmem>> -> memref<1x1x128xi32, #tpu.memory_space<vmem>>
    %dma_start3A_141 = tpu.memref_squeeze %dma_start3A_140 : memref<1x1x128xi32, #tpu.memory_space<vmem>> -> memref<128xi32, #tpu.memory_space<vmem>>
    %dma_start3A_142 = arith.constant 0 : i32
    %dma_start3A_143 = arith.constant 0 : i32
    %dma_start3A_144 = tpu.memref_slice %arg3[%dma_start3A_142, %dma_start3A_143] : memref<1000000x128xf32, #tpu.memory_space<hbm>> -> memref<1000000x128xf32, #tpu.memory_space<hbm>>
    tpu.enqueue_indirect_dma source(%dma_start3A_144 : memref<1000000x128xf32, #tpu.memory_space<hbm>>) target(%dma_start3A_138 : memref<128x128xf32, #tpu.memory_space<vmem>>) offsets(%dma_start3A_141 : memref<128xi32, #tpu.memory_space<vmem>>) semaphore(%arg7 : memref<!tpu.dma_semaphore, #tpu.memory_space<semaphore_mem>>) {add = true}
    %dma_start3A_145 = arith.constant 0 : i32
    %dma_start3A_146 = arith.constant 4 : i32
    %dma_start3A_147 = arith.constant 0 : i32
    %dma_start3A_148 = arith.constant 0 : i32
    %dma_start3A_149 = arith.constant 0 : i32
    %dma_start3A_150 = tpu.memref_slice %arg6[%dma_start3A_147, %dma_start3A_148, %dma_start3A_149] : memref<4x128x128xf32, #tpu.memory_space<vmem>> -> memref<1x128x128xf32, #tpu.memory_space<vmem>>
    %dma_start3A_151 = tpu.memref_squeeze %dma_start3A_150 : memref<1x128x128xf32, #tpu.memory_space<vmem>> -> memref<128x128xf32, #tpu.memory_space<vmem>>
    %dma_start3A_152 = arith.constant 0 : i32
    %dma_start3A_153 = tpu.memref_slice %arg5[%dma_start3A_145, %dma_start3A_146, %dma_start3A_152] : memref<4x20x128xi32, #tpu.memory_space<vmem>> -> memref<1x1x128xi32, #tpu.memory_space<vmem>>
    %dma_start3A_154 = tpu.memref_squeeze %dma_start3A_153 : memref<1x1x128xi32, #tpu.memory_space<vmem>> -> memref<128xi32, #tpu.memory_space<vmem>>
    %dma_start3A_155 = arith.constant 0 : i32
    %dma_start3A_156 = arith.constant 0 : i32
    %dma_start3A_157 = tpu.memref_slice %arg3[%dma_start3A_155, %dma_start3A_156] : memref<1000000x128xf32, #tpu.memory_space<hbm>> -> memref<1000000x128xf32, #tpu.memory_space<hbm>>
    tpu.enqueue_indirect_dma source(%dma_start3A_157 : memref<1000000x128xf32, #tpu.memory_space<hbm>>) target(%dma_start3A_151 : memref<128x128xf32, #tpu.memory_space<vmem>>) offsets(%dma_start3A_154 : memref<128xi32, #tpu.memory_space<vmem>>) semaphore(%arg7 : memref<!tpu.dma_semaphore, #tpu.memory_space<semaphore_mem>>) {add = true}
    %dma_start3A_158 = arith.constant 0 : i32
    %dma_start3A_159 = arith.constant 5 : i32
    %dma_start3A_160 = arith.constant 0 : i32
    %dma_start3A_161 = arith.constant 0 : i32
    %dma_start3A_162 = arith.constant 0 : i32
    %dma_start3A_163 = tpu.memref_slice %arg6[%dma_start3A_160, %dma_start3A_161, %dma_start3A_162] : memref<4x128x128xf32, #tpu.memory_space<vmem>> -> memref<1x128x128xf32, #tpu.memory_space<vmem>>
    %dma_start3A_164 = tpu.memref_squeeze %dma_start3A_163 : memref<1x128x128xf32, #tpu.memory_space<vmem>> -> memref<128x128xf32, #tpu.memory_space<vmem>>
    %dma_start3A_165 = arith.constant 0 : i32
    %dma_start3A_166 = tpu.memref_slice %arg5[%dma_start3A_158, %dma_start3A_159, %dma_start3A_165] : memref<4x20x128xi32, #tpu.memory_space<vmem>> -> memref<1x1x128xi32, #tpu.memory_space<vmem>>
    %dma_start3A_167 = tpu.memref_squeeze %dma_start3A_166 : memref<1x1x128xi32, #tpu.memory_space<vmem>> -> memref<128xi32, #tpu.memory_space<vmem>>
    %dma_start3A_168 = arith.constant 0 : i32
    %dma_start3A_169 = arith.constant 0 : i32
    %dma_start3A_170 = tpu.memref_slice %arg3[%dma_start3A_168, %dma_start3A_169] : memref<1000000x128xf32, #tpu.memory_space<hbm>> -> memref<1000000x128xf32, #tpu.memory_space<hbm>>
    tpu.enqueue_indirect_dma source(%dma_start3A_170 : memref<1000000x128xf32, #tpu.memory_space<hbm>>) target(%dma_start3A_164 : memref<128x128xf32, #tpu.memory_space<vmem>>) offsets(%dma_start3A_167 : memref<128xi32, #tpu.memory_space<vmem>>) semaphore(%arg7 : memref<!tpu.dma_semaphore, #tpu.memory_space<semaphore_mem>>) {add = true}
    %dma_start3A_171 = arith.constant 0 : i32
    %dma_start3A_172 = arith.constant 6 : i32
    %dma_start3A_173 = arith.constant 0 : i32
    %dma_start3A_174 = arith.constant 0 : i32
    %dma_start3A_175 = arith.constant 0 : i32
    %dma_start3A_176 = tpu.memref_slice %arg6[%dma_start3A_173, %dma_start3A_174, %dma_start3A_175] : memref<4x128x128xf32, #tpu.memory_space<vmem>> -> memref<1x128x128xf32, #tpu.memory_space<vmem>>
    %dma_start3A_177 = tpu.memref_squeeze %dma_start3A_176 : memref<1x128x128xf32, #tpu.memory_space<vmem>> -> memref<128x128xf32, #tpu.memory_space<vmem>>
    %dma_start3A_178 = arith.constant 0 : i32
    %dma_start3A_179 = tpu.memref_slice %arg5[%dma_start3A_171, %dma_start3A_172, %dma_start3A_178] : memref<4x20x128xi32, #tpu.memory_space<vmem>> -> memref<1x1x128xi32, #tpu.memory_space<vmem>>
    %dma_start3A_180 = tpu.memref_squeeze %dma_start3A_179 : memref<1x1x128xi32, #tpu.memory_space<vmem>> -> memref<128xi32, #tpu.memory_space<vmem>>
    %dma_start3A_181 = arith.constant 0 : i32
    %dma_start3A_182 = arith.constant 0 : i32
    %dma_start3A_183 = tpu.memref_slice %arg3[%dma_start3A_181, %dma_start3A_182] : memref<1000000x128xf32, #tpu.memory_space<hbm>> -> memref<1000000x128xf32, #tpu.memory_space<hbm>>
    tpu.enqueue_indirect_dma source(%dma_start3A_183 : memref<1000000x128xf32, #tpu.memory_space<hbm>>) target(%dma_start3A_177 : memref<128x128xf32, #tpu.memory_space<vmem>>) offsets(%dma_start3A_180 : memref<128xi32, #tpu.memory_space<vmem>>) semaphore(%arg7 : memref<!tpu.dma_semaphore, #tpu.memory_space<semaphore_mem>>) {add = true}
    %dma_start3A_184 = arith.constant 0 : i32
    %dma_start3A_185 = arith.constant 7 : i32
    %dma_start3A_186 = arith.constant 0 : i32
    %dma_start3A_187 = arith.constant 0 : i32
    %dma_start3A_188 = arith.constant 0 : i32
    %dma_start3A_189 = tpu.memref_slice %arg6[%dma_start3A_186, %dma_start3A_187, %dma_start3A_188] : memref<4x128x128xf32, #tpu.memory_space<vmem>> -> memref<1x128x128xf32, #tpu.memory_space<vmem>>
    %dma_start3A_190 = tpu.memref_squeeze %dma_start3A_189 : memref<1x128x128xf32, #tpu.memory_space<vmem>> -> memref<128x128xf32, #tpu.memory_space<vmem>>
    %dma_start3A_191 = arith.constant 0 : i32
    %dma_start3A_192 = tpu.memref_slice %arg5[%dma_start3A_184, %dma_start3A_185, %dma_start3A_191] : memref<4x20x128xi32, #tpu.memory_space<vmem>> -> memref<1x1x128xi32, #tpu.memory_space<vmem>>
    %dma_start3A_193 = tpu.memref_squeeze %dma_start3A_192 : memref<1x1x128xi32, #tpu.memory_space<vmem>> -> memref<128xi32, #tpu.memory_space<vmem>>
    %dma_start3A_194 = arith.constant 0 : i32
    %dma_start3A_195 = arith.constant 0 : i32
    %dma_start3A_196 = tpu.memref_slice %arg3[%dma_start3A_194, %dma_start3A_195] : memref<1000000x128xf32, #tpu.memory_space<hbm>> -> memref<1000000x128xf32, #tpu.memory_space<hbm>>
    tpu.enqueue_indirect_dma source(%dma_start3A_196 : memref<1000000x128xf32, #tpu.memory_space<hbm>>) target(%dma_start3A_190 : memref<128x128xf32, #tpu.memory_space<vmem>>) offsets(%dma_start3A_193 : memref<128xi32, #tpu.memory_space<vmem>>) semaphore(%arg7 : memref<!tpu.dma_semaphore, #tpu.memory_space<semaphore_mem>>) {add = true}
    %dma_start3A_197 = arith.constant 0 : i32
    %dma_start3A_198 = arith.constant 8 : i32
    %dma_start3A_199 = arith.constant 0 : i32
    %dma_start3A_200 = arith.constant 0 : i32
    %dma_start3A_201 = arith.constant 0 : i32
    %dma_start3A_202 = tpu.memref_slice %arg6[%dma_start3A_199, %dma_start3A_200, %dma_start3A_201] : memref<4x128x128xf32, #tpu.memory_space<vmem>> -> memref<1x128x128xf32, #tpu.memory_space<vmem>>
    %dma_start3A_203 = tpu.memref_squeeze %dma_start3A_202 : memref<1x128x128xf32, #tpu.memory_space<vmem>> -> memref<128x128xf32, #tpu.memory_space<vmem>>
    %dma_start3A_204 = arith.constant 0 : i32
    %dma_start3A_205 = tpu.memref_slice %arg5[%dma_start3A_197, %dma_start3A_198, %dma_start3A_204] : memref<4x20x128xi32, #tpu.memory_space<vmem>> -> memref<1x1x128xi32, #tpu.memory_space<vmem>>
    %dma_start3A_206 = tpu.memref_squeeze %dma_start3A_205 : memref<1x1x128xi32, #tpu.memory_space<vmem>> -> memref<128xi32, #tpu.memory_space<vmem>>
    %dma_start3A_207 = arith.constant 0 : i32
    %dma_start3A_208 = arith.constant 0 : i32
    %dma_start3A_209 = tpu.memref_slice %arg3[%dma_start3A_207, %dma_start3A_208] : memref<1000000x128xf32, #tpu.memory_space<hbm>> -> memref<1000000x128xf32, #tpu.memory_space<hbm>>
    tpu.enqueue_indirect_dma source(%dma_start3A_209 : memref<1000000x128xf32, #tpu.memory_space<hbm>>) target(%dma_start3A_203 : memref<128x128xf32, #tpu.memory_space<vmem>>) offsets(%dma_start3A_206 : memref<128xi32, #tpu.memory_space<vmem>>) semaphore(%arg7 : memref<!tpu.dma_semaphore, #tpu.memory_space<semaphore_mem>>) {add = true}
    %dma_start3A_210 = arith.constant 0 : i32
    %dma_start3A_211 = arith.constant 9 : i32
    %dma_start3A_212 = arith.constant 0 : i32
    %dma_start3A_213 = arith.constant 0 : i32
    %dma_start3A_214 = arith.constant 0 : i32
    %dma_start3A_215 = tpu.memref_slice %arg6[%dma_start3A_212, %dma_start3A_213, %dma_start3A_214] : memref<4x128x128xf32, #tpu.memory_space<vmem>> -> memref<1x128x128xf32, #tpu.memory_space<vmem>>
    %dma_start3A_216 = tpu.memref_squeeze %dma_start3A_215 : memref<1x128x128xf32, #tpu.memory_space<vmem>> -> memref<128x128xf32, #tpu.memory_space<vmem>>
    %dma_start3A_217 = arith.constant 0 : i32
    %dma_start3A_218 = tpu.memref_slice %arg5[%dma_start3A_210, %dma_start3A_211, %dma_start3A_217] : memref<4x20x128xi32, #tpu.memory_space<vmem>> -> memref<1x1x128xi32, #tpu.memory_space<vmem>>
    %dma_start3A_219 = tpu.memref_squeeze %dma_start3A_218 : memref<1x1x128xi32, #tpu.memory_space<vmem>> -> memref<128xi32, #tpu.memory_space<vmem>>
    %dma_start3A_220 = arith.constant 0 : i32
    %dma_start3A_221 = arith.constant 0 : i32
    %dma_start3A_222 = tpu.memref_slice %arg3[%dma_start3A_220, %dma_start3A_221] : memref<1000000x128xf32, #tpu.memory_space<hbm>> -> memref<1000000x128xf32, #tpu.memory_space<hbm>>
    tpu.enqueue_indirect_dma source(%dma_start3A_222 : memref<1000000x128xf32, #tpu.memory_space<hbm>>) target(%dma_start3A_216 : memref<128x128xf32, #tpu.memory_space<vmem>>) offsets(%dma_start3A_219 : memref<128xi32, #tpu.memory_space<vmem>>) semaphore(%arg7 : memref<!tpu.dma_semaphore, #tpu.memory_space<semaphore_mem>>) {add = true}
    %dma_start3A_223 = arith.constant 0 : i32
    %dma_start3A_224 = arith.constant 10 : i32
    %dma_start3A_225 = arith.constant 0 : i32
    %dma_start3A_226 = arith.constant 0 : i32
    %dma_start3A_227 = arith.constant 0 : i32
    %dma_start3A_228 = tpu.memref_slice %arg6[%dma_start3A_225, %dma_start3A_226, %dma_start3A_227] : memref<4x128x128xf32, #tpu.memory_space<vmem>> -> memref<1x128x128xf32, #tpu.memory_space<vmem>>
    %dma_start3A_229 = tpu.memref_squeeze %dma_start3A_228 : memref<1x128x128xf32, #tpu.memory_space<vmem>> -> memref<128x128xf32, #tpu.memory_space<vmem>>
    %dma_start3A_230 = arith.constant 0 : i32
    %dma_start3A_231 = tpu.memref_slice %arg5[%dma_start3A_223, %dma_start3A_224, %dma_start3A_230] : memref<4x20x128xi32, #tpu.memory_space<vmem>> -> memref<1x1x128xi32, #tpu.memory_space<vmem>>
    %dma_start3A_232 = tpu.memref_squeeze %dma_start3A_231 : memref<1x1x128xi32, #tpu.memory_space<vmem>> -> memref<128xi32, #tpu.memory_space<vmem>>
    %dma_start3A_233 = arith.constant 0 : i32
    %dma_start3A_234 = arith.constant 0 : i32
    %dma_start3A_235 = tpu.memref_slice %arg3[%dma_start3A_233, %dma_start3A_234] : memref<1000000x128xf32, #tpu.memory_space<hbm>> -> memref<1000000x128xf32, #tpu.memory_space<hbm>>
    tpu.enqueue_indirect_dma source(%dma_start3A_235 : memref<1000000x128xf32, #tpu.memory_space<hbm>>) target(%dma_start3A_229 : memref<128x128xf32, #tpu.memory_space<vmem>>) offsets(%dma_start3A_232 : memref<128xi32, #tpu.memory_space<vmem>>) semaphore(%arg7 : memref<!tpu.dma_semaphore, #tpu.memory_space<semaphore_mem>>) {add = true}
    %dma_start3A_236 = arith.constant 0 : i32
    %dma_start3A_237 = arith.constant 11 : i32
    %dma_start3A_238 = arith.constant 0 : i32
    %dma_start3A_239 = arith.constant 0 : i32
    %dma_start3A_240 = arith.constant 0 : i32
    %dma_start3A_241 = tpu.memref_slice %arg6[%dma_start3A_238, %dma_start3A_239, %dma_start3A_240] : memref<4x128x128xf32, #tpu.memory_space<vmem>> -> memref<1x128x128xf32, #tpu.memory_space<vmem>>
    %dma_start3A_242 = tpu.memref_squeeze %dma_start3A_241 : memref<1x128x128xf32, #tpu.memory_space<vmem>> -> memref<128x128xf32, #tpu.memory_space<vmem>>
    %dma_start3A_243 = arith.constant 0 : i32
    %dma_start3A_244 = tpu.memref_slice %arg5[%dma_start3A_236, %dma_start3A_237, %dma_start3A_243] : memref<4x20x128xi32, #tpu.memory_space<vmem>> -> memref<1x1x128xi32, #tpu.memory_space<vmem>>
    %dma_start3A_245 = tpu.memref_squeeze %dma_start3A_244 : memref<1x1x128xi32, #tpu.memory_space<vmem>> -> memref<128xi32, #tpu.memory_space<vmem>>
    %dma_start3A_246 = arith.constant 0 : i32
    %dma_start3A_247 = arith.constant 0 : i32
    %dma_start3A_248 = tpu.memref_slice %arg3[%dma_start3A_246, %dma_start3A_247] : memref<1000000x128xf32, #tpu.memory_space<hbm>> -> memref<1000000x128xf32, #tpu.memory_space<hbm>>
    tpu.enqueue_indirect_dma source(%dma_start3A_248 : memref<1000000x128xf32, #tpu.memory_space<hbm>>) target(%dma_start3A_242 : memref<128x128xf32, #tpu.memory_space<vmem>>) offsets(%dma_start3A_245 : memref<128xi32, #tpu.memory_space<vmem>>) semaphore(%arg7 : memref<!tpu.dma_semaphore, #tpu.memory_space<semaphore_mem>>) {add = true}
    %dma_start3A_249 = arith.constant 0 : i32
    %dma_start3A_250 = arith.constant 12 : i32
    %dma_start3A_251 = arith.constant 0 : i32
    %dma_start3A_252 = arith.constant 0 : i32
    %dma_start3A_253 = arith.constant 0 : i32
    %dma_start3A_254 = tpu.memref_slice %arg6[%dma_start3A_251, %dma_start3A_252, %dma_start3A_253] : memref<4x128x128xf32, #tpu.memory_space<vmem>> -> memref<1x128x128xf32, #tpu.memory_space<vmem>>
    %dma_start3A_255 = tpu.memref_squeeze %dma_start3A_254 : memref<1x128x128xf32, #tpu.memory_space<vmem>> -> memref<128x128xf32, #tpu.memory_space<vmem>>
    %dma_start3A_256 = arith.constant 0 : i32
    %dma_start3A_257 = tpu.memref_slice %arg5[%dma_start3A_249, %dma_start3A_250, %dma_start3A_256] : memref<4x20x128xi32, #tpu.memory_space<vmem>> -> memref<1x1x128xi32, #tpu.memory_space<vmem>>
    %dma_start3A_258 = tpu.memref_squeeze %dma_start3A_257 : memref<1x1x128xi32, #tpu.memory_space<vmem>> -> memref<128xi32, #tpu.memory_space<vmem>>
    %dma_start3A_259 = arith.constant 0 : i32
    %dma_start3A_260 = arith.constant 0 : i32
    %dma_start3A_261 = tpu.memref_slice %arg3[%dma_start3A_259, %dma_start3A_260] : memref<1000000x128xf32, #tpu.memory_space<hbm>> -> memref<1000000x128xf32, #tpu.memory_space<hbm>>
    tpu.enqueue_indirect_dma source(%dma_start3A_261 : memref<1000000x128xf32, #tpu.memory_space<hbm>>) target(%dma_start3A_255 : memref<128x128xf32, #tpu.memory_space<vmem>>) offsets(%dma_start3A_258 : memref<128xi32, #tpu.memory_space<vmem>>) semaphore(%arg7 : memref<!tpu.dma_semaphore, #tpu.memory_space<semaphore_mem>>) {add = true}
    %dma_start3A_262 = arith.constant 0 : i32
    %dma_start3A_263 = arith.constant 13 : i32
    %dma_start3A_264 = arith.constant 0 : i32
    %dma_start3A_265 = arith.constant 0 : i32
    %dma_start3A_266 = arith.constant 0 : i32
    %dma_start3A_267 = tpu.memref_slice %arg6[%dma_start3A_264, %dma_start3A_265, %dma_start3A_266] : memref<4x128x128xf32, #tpu.memory_space<vmem>> -> memref<1x128x128xf32, #tpu.memory_space<vmem>>
    %dma_start3A_268 = tpu.memref_squeeze %dma_start3A_267 : memref<1x128x128xf32, #tpu.memory_space<vmem>> -> memref<128x128xf32, #tpu.memory_space<vmem>>
    %dma_start3A_269 = arith.constant 0 : i32
    %dma_start3A_270 = tpu.memref_slice %arg5[%dma_start3A_262, %dma_start3A_263, %dma_start3A_269] : memref<4x20x128xi32, #tpu.memory_space<vmem>> -> memref<1x1x128xi32, #tpu.memory_space<vmem>>
    %dma_start3A_271 = tpu.memref_squeeze %dma_start3A_270 : memref<1x1x128xi32, #tpu.memory_space<vmem>> -> memref<128xi32, #tpu.memory_space<vmem>>
    %dma_start3A_272 = arith.constant 0 : i32
    %dma_start3A_273 = arith.constant 0 : i32
    %dma_start3A_274 = tpu.memref_slice %arg3[%dma_start3A_272, %dma_start3A_273] : memref<1000000x128xf32, #tpu.memory_space<hbm>> -> memref<1000000x128xf32, #tpu.memory_space<hbm>>
    tpu.enqueue_indirect_dma source(%dma_start3A_274 : memref<1000000x128xf32, #tpu.memory_space<hbm>>) target(%dma_start3A_268 : memref<128x128xf32, #tpu.memory_space<vmem>>) offsets(%dma_start3A_271 : memref<128xi32, #tpu.memory_space<vmem>>) semaphore(%arg7 : memref<!tpu.dma_semaphore, #tpu.memory_space<semaphore_mem>>) {add = true}
    %dma_start3A_275 = arith.constant 0 : i32
    %dma_start3A_276 = arith.constant 14 : i32
    %dma_start3A_277 = arith.constant 0 : i32
    %dma_start3A_278 = arith.constant 0 : i32
    %dma_start3A_279 = arith.constant 0 : i32
    %dma_start3A_280 = tpu.memref_slice %arg6[%dma_start3A_277, %dma_start3A_278, %dma_start3A_279] : memref<4x128x128xf32, #tpu.memory_space<vmem>> -> memref<1x128x128xf32, #tpu.memory_space<vmem>>
    %dma_start3A_281 = tpu.memref_squeeze %dma_start3A_280 : memref<1x128x128xf32, #tpu.memory_space<vmem>> -> memref<128x128xf32, #tpu.memory_space<vmem>>
    %dma_start3A_282 = arith.constant 0 : i32
    %dma_start3A_283 = tpu.memref_slice %arg5[%dma_start3A_275, %dma_start3A_276, %dma_start3A_282] : memref<4x20x128xi32, #tpu.memory_space<vmem>> -> memref<1x1x128xi32, #tpu.memory_space<vmem>>
    %dma_start3A_284 = tpu.memref_squeeze %dma_start3A_283 : memref<1x1x128xi32, #tpu.memory_space<vmem>> -> memref<128xi32, #tpu.memory_space<vmem>>
    %dma_start3A_285 = arith.constant 0 : i32
    %dma_start3A_286 = arith.constant 0 : i32
    %dma_start3A_287 = tpu.memref_slice %arg3[%dma_start3A_285, %dma_start3A_286] : memref<1000000x128xf32, #tpu.memory_space<hbm>> -> memref<1000000x128xf32, #tpu.memory_space<hbm>>
    tpu.enqueue_indirect_dma source(%dma_start3A_287 : memref<1000000x128xf32, #tpu.memory_space<hbm>>) target(%dma_start3A_281 : memref<128x128xf32, #tpu.memory_space<vmem>>) offsets(%dma_start3A_284 : memref<128xi32, #tpu.memory_space<vmem>>) semaphore(%arg7 : memref<!tpu.dma_semaphore, #tpu.memory_space<semaphore_mem>>) {add = true}
    %dma_start3A_288 = arith.constant 0 : i32
    %dma_start3A_289 = arith.constant 15 : i32
    %dma_start3A_290 = arith.constant 0 : i32
    %dma_start3A_291 = arith.constant 0 : i32
    %dma_start3A_292 = arith.constant 0 : i32
    %dma_start3A_293 = tpu.memref_slice %arg6[%dma_start3A_290, %dma_start3A_291, %dma_start3A_292] : memref<4x128x128xf32, #tpu.memory_space<vmem>> -> memref<1x128x128xf32, #tpu.memory_space<vmem>>
    %dma_start3A_294 = tpu.memref_squeeze %dma_start3A_293 : memref<1x128x128xf32, #tpu.memory_space<vmem>> -> memref<128x128xf32, #tpu.memory_space<vmem>>
    %dma_start3A_295 = arith.constant 0 : i32
    %dma_start3A_296 = tpu.memref_slice %arg5[%dma_start3A_288, %dma_start3A_289, %dma_start3A_295] : memref<4x20x128xi32, #tpu.memory_space<vmem>> -> memref<1x1x128xi32, #tpu.memory_space<vmem>>
    %dma_start3A_297 = tpu.memref_squeeze %dma_start3A_296 : memref<1x1x128xi32, #tpu.memory_space<vmem>> -> memref<128xi32, #tpu.memory_space<vmem>>
    %dma_start3A_298 = arith.constant 0 : i32
    %dma_start3A_299 = arith.constant 0 : i32
    %dma_start3A_300 = tpu.memref_slice %arg3[%dma_start3A_298, %dma_start3A_299] : memref<1000000x128xf32, #tpu.memory_space<hbm>> -> memref<1000000x128xf32, #tpu.memory_space<hbm>>
    tpu.enqueue_indirect_dma source(%dma_start3A_300 : memref<1000000x128xf32, #tpu.memory_space<hbm>>) target(%dma_start3A_294 : memref<128x128xf32, #tpu.memory_space<vmem>>) offsets(%dma_start3A_297 : memref<128xi32, #tpu.memory_space<vmem>>) semaphore(%arg7 : memref<!tpu.dma_semaphore, #tpu.memory_space<semaphore_mem>>) {add = true}
    %dma_start3A_301 = arith.constant 0 : i32
    %dma_start3A_302 = arith.constant 16 : i32
    %dma_start3A_303 = arith.constant 0 : i32
    %dma_start3A_304 = arith.constant 0 : i32
    %dma_start3A_305 = arith.constant 0 : i32
    %dma_start3A_306 = tpu.memref_slice %arg6[%dma_start3A_303, %dma_start3A_304, %dma_start3A_305] : memref<4x128x128xf32, #tpu.memory_space<vmem>> -> memref<1x128x128xf32, #tpu.memory_space<vmem>>
    %dma_start3A_307 = tpu.memref_squeeze %dma_start3A_306 : memref<1x128x128xf32, #tpu.memory_space<vmem>> -> memref<128x128xf32, #tpu.memory_space<vmem>>
    %dma_start3A_308 = arith.constant 0 : i32
    %dma_start3A_309 = tpu.memref_slice %arg5[%dma_start3A_301, %dma_start3A_302, %dma_start3A_308] : memref<4x20x128xi32, #tpu.memory_space<vmem>> -> memref<1x1x128xi32, #tpu.memory_space<vmem>>
    %dma_start3A_310 = tpu.memref_squeeze %dma_start3A_309 : memref<1x1x128xi32, #tpu.memory_space<vmem>> -> memref<128xi32, #tpu.memory_space<vmem>>
    %dma_start3A_311 = arith.constant 0 : i32
    %dma_start3A_312 = arith.constant 0 : i32
    %dma_start3A_313 = tpu.memref_slice %arg3[%dma_start3A_311, %dma_start3A_312] : memref<1000000x128xf32, #tpu.memory_space<hbm>> -> memref<1000000x128xf32, #tpu.memory_space<hbm>>
    tpu.enqueue_indirect_dma source(%dma_start3A_313 : memref<1000000x128xf32, #tpu.memory_space<hbm>>) target(%dma_start3A_307 : memref<128x128xf32, #tpu.memory_space<vmem>>) offsets(%dma_start3A_310 : memref<128xi32, #tpu.memory_space<vmem>>) semaphore(%arg7 : memref<!tpu.dma_semaphore, #tpu.memory_space<semaphore_mem>>) {add = true}
    %dma_start3A_314 = arith.constant 0 : i32
    %dma_start3A_315 = arith.constant 17 : i32
    %dma_start3A_316 = arith.constant 0 : i32
    %dma_start3A_317 = arith.constant 0 : i32
    %dma_start3A_318 = arith.constant 0 : i32
    %dma_start3A_319 = tpu.memref_slice %arg6[%dma_start3A_316, %dma_start3A_317, %dma_start3A_318] : memref<4x128x128xf32, #tpu.memory_space<vmem>> -> memref<1x128x128xf32, #tpu.memory_space<vmem>>
    %dma_start3A_320 = tpu.memref_squeeze %dma_start3A_319 : memref<1x128x128xf32, #tpu.memory_space<vmem>> -> memref<128x128xf32, #tpu.memory_space<vmem>>
    %dma_start3A_321 = arith.constant 0 : i32
    %dma_start3A_322 = tpu.memref_slice %arg5[%dma_start3A_314, %dma_start3A_315, %dma_start3A_321] : memref<4x20x128xi32, #tpu.memory_space<vmem>> -> memref<1x1x128xi32, #tpu.memory_space<vmem>>
    %dma_start3A_323 = tpu.memref_squeeze %dma_start3A_322 : memref<1x1x128xi32, #tpu.memory_space<vmem>> -> memref<128xi32, #tpu.memory_space<vmem>>
    %dma_start3A_324 = arith.constant 0 : i32
    %dma_start3A_325 = arith.constant 0 : i32
    %dma_start3A_326 = tpu.memref_slice %arg3[%dma_start3A_324, %dma_start3A_325] : memref<1000000x128xf32, #tpu.memory_space<hbm>> -> memref<1000000x128xf32, #tpu.memory_space<hbm>>
    tpu.enqueue_indirect_dma source(%dma_start3A_326 : memref<1000000x128xf32, #tpu.memory_space<hbm>>) target(%dma_start3A_320 : memref<128x128xf32, #tpu.memory_space<vmem>>) offsets(%dma_start3A_323 : memref<128xi32, #tpu.memory_space<vmem>>) semaphore(%arg7 : memref<!tpu.dma_semaphore, #tpu.memory_space<semaphore_mem>>) {add = true}
    %dma_start3A_327 = arith.constant 0 : i32
    %dma_start3A_328 = arith.constant 18 : i32
    %dma_start3A_329 = arith.constant 0 : i32
    %dma_start3A_330 = arith.constant 0 : i32
    %dma_start3A_331 = arith.constant 0 : i32
    %dma_start3A_332 = tpu.memref_slice %arg6[%dma_start3A_329, %dma_start3A_330, %dma_start3A_331] : memref<4x128x128xf32, #tpu.memory_space<vmem>> -> memref<1x128x128xf32, #tpu.memory_space<vmem>>
    %dma_start3A_333 = tpu.memref_squeeze %dma_start3A_332 : memref<1x128x128xf32, #tpu.memory_space<vmem>> -> memref<128x128xf32, #tpu.memory_space<vmem>>
    %dma_start3A_334 = arith.constant 0 : i32
    %dma_start3A_335 = tpu.memref_slice %arg5[%dma_start3A_327, %dma_start3A_328, %dma_start3A_334] : memref<4x20x128xi32, #tpu.memory_space<vmem>> -> memref<1x1x128xi32, #tpu.memory_space<vmem>>
    %dma_start3A_336 = tpu.memref_squeeze %dma_start3A_335 : memref<1x1x128xi32, #tpu.memory_space<vmem>> -> memref<128xi32, #tpu.memory_space<vmem>>
    %dma_start3A_337 = arith.constant 0 : i32
    %dma_start3A_338 = arith.constant 0 : i32
    %dma_start3A_339 = tpu.memref_slice %arg3[%dma_start3A_337, %dma_start3A_338] : memref<1000000x128xf32, #tpu.memory_space<hbm>> -> memref<1000000x128xf32, #tpu.memory_space<hbm>>
    tpu.enqueue_indirect_dma source(%dma_start3A_339 : memref<1000000x128xf32, #tpu.memory_space<hbm>>) target(%dma_start3A_333 : memref<128x128xf32, #tpu.memory_space<vmem>>) offsets(%dma_start3A_336 : memref<128xi32, #tpu.memory_space<vmem>>) semaphore(%arg7 : memref<!tpu.dma_semaphore, #tpu.memory_space<semaphore_mem>>) {add = true}
    %dma_start3A_340 = arith.constant 0 : i32
    %dma_start3A_341 = arith.constant 19 : i32
    %dma_start3A_342 = arith.constant 0 : i32
    %dma_start3A_343 = arith.constant 0 : i32
    %dma_start3A_344 = arith.constant 0 : i32
    %dma_start3A_345 = tpu.memref_slice %arg6[%dma_start3A_342, %dma_start3A_343, %dma_start3A_344] : memref<4x128x128xf32, #tpu.memory_space<vmem>> -> memref<1x128x128xf32, #tpu.memory_space<vmem>>
    %dma_start3A_346 = tpu.memref_squeeze %dma_start3A_345 : memref<1x128x128xf32, #tpu.memory_space<vmem>> -> memref<128x128xf32, #tpu.memory_space<vmem>>
    %dma_start3A_347 = arith.constant 0 : i32
    %dma_start3A_348 = tpu.memref_slice %arg5[%dma_start3A_340, %dma_start3A_341, %dma_start3A_347] : memref<4x20x128xi32, #tpu.memory_space<vmem>> -> memref<1x1x128xi32, #tpu.memory_space<vmem>>
    %dma_start3A_349 = tpu.memref_squeeze %dma_start3A_348 : memref<1x1x128xi32, #tpu.memory_space<vmem>> -> memref<128xi32, #tpu.memory_space<vmem>>
    %dma_start3A_350 = arith.constant 0 : i32
    %dma_start3A_351 = arith.constant 0 : i32
    %dma_start3A_352 = tpu.memref_slice %arg3[%dma_start3A_350, %dma_start3A_351] : memref<1000000x128xf32, #tpu.memory_space<hbm>> -> memref<1000000x128xf32, #tpu.memory_space<hbm>>
    tpu.enqueue_indirect_dma source(%dma_start3A_352 : memref<1000000x128xf32, #tpu.memory_space<hbm>>) target(%dma_start3A_346 : memref<128x128xf32, #tpu.memory_space<vmem>>) offsets(%dma_start3A_349 : memref<128xi32, #tpu.memory_space<vmem>>) semaphore(%arg7 : memref<!tpu.dma_semaphore, #tpu.memory_space<semaphore_mem>>) {add = true}
    %scan3A_353 = arith.constant 0 : i32
    %scan3A_354 = arith.constant 0 : i32
    %scan3A_355 = arith.constant 128 : i32
    %scan3A_356 = arith.addi %scan3A_354, %scan3A_355 : i32
    %scan3A_357 = arith.constant 1 : i32
    scf.for %scan3A_2382 = %scan3A_354 to %scan3A_356 step %scan3A_357  : i32 {
      %broadcast_in_dim3A = arith.constant 0.000000e+00 : f32
      %broadcast_in_dim3A_2383 = vector.broadcast %broadcast_in_dim3A : f32 to vector<16xf32>
      %swap3A = arith.constant 1 : i32
      %swap3A_2384 = arith.index_cast %swap3A : i32 to index
      %swap3A_2385 = arith.index_cast %scan3A_2382 : i32 to index
      %swap3A_2386 = arith.constant 0 : index
      %swap3A_2387 = tpu.vector_load %arg6[%swap3A_2384, %swap3A_2385, %swap3A_2386] {strides = array<i32>} : memref<4x128x128xf32, #tpu.memory_space<vmem>>, vector<1x1x16xf32>,
      %swap3A_2388 = vector.shape_cast %swap3A_2387 : vector<1x1x16xf32> to vector<16xf32>
      %swap3A_2389 = vector.shape_cast %broadcast_in_dim3A_2383 : vector<16xf32> to vector<1x1x16xf32>
      tpu.vector_store %arg6[%swap3A_2384, %swap3A_2385, %swap3A_2386], %swap3A_2389 {strides = array<i32>} : memref<4x128x128xf32, #tpu.memory_space<vmem>>, vector<1x1x16xf32>,
      %broadcast_in_dim3A_2390 = arith.constant 0.000000e+00 : f32
      %broadcast_in_dim3A_2391 = vector.broadcast %broadcast_in_dim3A_2390 : f32 to vector<16xf32>
      %swap3A_2392 = arith.constant 1 : i32
      %swap3A_2393 = arith.index_cast %swap3A_2392 : i32 to index
      %swap3A_2394 = arith.index_cast %scan3A_2382 : i32 to index
      %swap3A_2395 = arith.constant 16 : index
      %swap3A_2396 = tpu.vector_load %arg6[%swap3A_2393, %swap3A_2394, %swap3A_2395] {strides = array<i32>} : memref<4x128x128xf32, #tpu.memory_space<vmem>>, vector<1x1x16xf32>,
      %swap3A_2397 = vector.shape_cast %swap3A_2396 : vector<1x1x16xf32> to vector<16xf32>
      %swap3A_2398 = vector.shape_cast %broadcast_in_dim3A_2391 : vector<16xf32> to vector<1x1x16xf32>
      tpu.vector_store %arg6[%swap3A_2393, %swap3A_2394, %swap3A_2395], %swap3A_2398 {strides = array<i32>} : memref<4x128x128xf32, #tpu.memory_space<vmem>>, vector<1x1x16xf32>,
      %broadcast_in_dim3A_2399 = arith.constant 0.000000e+00 : f32
      %broadcast_in_dim3A_2400 = vector.broadcast %broadcast_in_dim3A_2399 : f32 to vector<16xf32>
      %swap3A_2401 = arith.constant 1 : i32
      %swap3A_2402 = arith.index_cast %swap3A_2401 : i32 to index
      %swap3A_2403 = arith.index_cast %scan3A_2382 : i32 to index
      %swap3A_2404 = arith.constant 32 : index
      %swap3A_2405 = tpu.vector_load %arg6[%swap3A_2402, %swap3A_2403, %swap3A_2404] {strides = array<i32>} : memref<4x128x128xf32, #tpu.memory_space<vmem>>, vector<1x1x16xf32>,
      %swap3A_2406 = vector.shape_cast %swap3A_2405 : vector<1x1x16xf32> to vector<16xf32>
      %swap3A_2407 = vector.shape_cast %broadcast_in_dim3A_2400 : vector<16xf32> to vector<1x1x16xf32>
      tpu.vector_store %arg6[%swap3A_2402, %swap3A_2403, %swap3A_2404], %swap3A_2407 {strides = array<i32>} : memref<4x128x128xf32, #tpu.memory_space<vmem>>, vector<1x1x16xf32>,
      %broadcast_in_dim3A_2408 = arith.constant 0.000000e+00 : f32
      %broadcast_in_dim3A_2409 = vector.broadcast %broadcast_in_dim3A_2408 : f32 to vector<16xf32>
      %swap3A_2410 = arith.constant 1 : i32
      %swap3A_2411 = arith.index_cast %swap3A_2410 : i32 to index
      %swap3A_2412 = arith.index_cast %scan3A_2382 : i32 to index
      %swap3A_2413 = arith.constant 48 : index
      %swap3A_2414 = tpu.vector_load %arg6[%swap3A_2411, %swap3A_2412, %swap3A_2413] {strides = array<i32>} : memref<4x128x128xf32, #tpu.memory_space<vmem>>, vector<1x1x16xf32>,
      %swap3A_2415 = vector.shape_cast %swap3A_2414 : vector<1x1x16xf32> to vector<16xf32>
      %swap3A_2416 = vector.shape_cast %broadcast_in_dim3A_2409 : vector<16xf32> to vector<1x1x16xf32>
      tpu.vector_store %arg6[%swap3A_2411, %swap3A_2412, %swap3A_2413], %swap3A_2416 {strides = array<i32>} : memref<4x128x128xf32, #tpu.memory_space<vmem>>, vector<1x1x16xf32>,
      %broadcast_in_dim3A_2417 = arith.constant 0.000000e+00 : f32
      %broadcast_in_dim3A_2418 = vector.broadcast %broadcast_in_dim3A_2417 : f32 to vector<16xf32>
      %swap3A_2419 = arith.constant 1 : i32
      %swap3A_2420 = arith.index_cast %swap3A_2419 : i32 to index
      %swap3A_2421 = arith.index_cast %scan3A_2382 : i32 to index
      %swap3A_2422 = arith.constant 64 : index
      %swap3A_2423 = tpu.vector_load %arg6[%swap3A_2420, %swap3A_2421, %swap3A_2422] {strides = array<i32>} : memref<4x128x128xf32, #tpu.memory_space<vmem>>, vector<1x1x16xf32>,
      %swap3A_2424 = vector.shape_cast %swap3A_2423 : vector<1x1x16xf32> to vector<16xf32>
      %swap3A_2425 = vector.shape_cast %broadcast_in_dim3A_2418 : vector<16xf32> to vector<1x1x16xf32>
      tpu.vector_store %arg6[%swap3A_2420, %swap3A_2421, %swap3A_2422], %swap3A_2425 {strides = array<i32>} : memref<4x128x128xf32, #tpu.memory_space<vmem>>, vector<1x1x16xf32>,
      %broadcast_in_dim3A_2426 = arith.constant 0.000000e+00 : f32
      %broadcast_in_dim3A_2427 = vector.broadcast %broadcast_in_dim3A_2426 : f32 to vector<16xf32>
      %swap3A_2428 = arith.constant 1 : i32
      %swap3A_2429 = arith.index_cast %swap3A_2428 : i32 to index
      %swap3A_2430 = arith.index_cast %scan3A_2382 : i32 to index
      %swap3A_2431 = arith.constant 80 : index
      %swap3A_2432 = tpu.vector_load %arg6[%swap3A_2429, %swap3A_2430, %swap3A_2431] {strides = array<i32>} : memref<4x128x128xf32, #tpu.memory_space<vmem>>, vector<1x1x16xf32>,
      %swap3A_2433 = vector.shape_cast %swap3A_2432 : vector<1x1x16xf32> to vector<16xf32>
      %swap3A_2434 = vector.shape_cast %broadcast_in_dim3A_2427 : vector<16xf32> to vector<1x1x16xf32>
      tpu.vector_store %arg6[%swap3A_2429, %swap3A_2430, %swap3A_2431], %swap3A_2434 {strides = array<i32>} : memref<4x128x128xf32, #tpu.memory_space<vmem>>, vector<1x1x16xf32>,
      %broadcast_in_dim3A_2435 = arith.constant 0.000000e+00 : f32
      %broadcast_in_dim3A_2436 = vector.broadcast %broadcast_in_dim3A_2435 : f32 to vector<16xf32>
      %swap3A_2437 = arith.constant 1 : i32
      %swap3A_2438 = arith.index_cast %swap3A_2437 : i32 to index
      %swap3A_2439 = arith.index_cast %scan3A_2382 : i32 to index
      %swap3A_2440 = arith.constant 96 : index
      %swap3A_2441 = tpu.vector_load %arg6[%swap3A_2438, %swap3A_2439, %swap3A_2440] {strides = array<i32>} : memref<4x128x128xf32, #tpu.memory_space<vmem>>, vector<1x1x16xf32>,
      %swap3A_2442 = vector.shape_cast %swap3A_2441 : vector<1x1x16xf32> to vector<16xf32>
      %swap3A_2443 = vector.shape_cast %broadcast_in_dim3A_2436 : vector<16xf32> to vector<1x1x16xf32>
      tpu.vector_store %arg6[%swap3A_2438, %swap3A_2439, %swap3A_2440], %swap3A_2443 {strides = array<i32>} : memref<4x128x128xf32, #tpu.memory_space<vmem>>, vector<1x1x16xf32>,
      %broadcast_in_dim3A_2444 = arith.constant 0.000000e+00 : f32
      %broadcast_in_dim3A_2445 = vector.broadcast %broadcast_in_dim3A_2444 : f32 to vector<16xf32>
      %swap3A_2446 = arith.constant 1 : i32
      %swap3A_2447 = arith.index_cast %swap3A_2446 : i32 to index
      %swap3A_2448 = arith.index_cast %scan3A_2382 : i32 to index
      %swap3A_2449 = arith.constant 112 : index
      %swap3A_2450 = tpu.vector_load %arg6[%swap3A_2447, %swap3A_2448, %swap3A_2449] {strides = array<i32>} : memref<4x128x128xf32, #tpu.memory_space<vmem>>, vector<1x1x16xf32>,
      %swap3A_2451 = vector.shape_cast %swap3A_2450 : vector<1x1x16xf32> to vector<16xf32>
      %swap3A_2452 = vector.shape_cast %broadcast_in_dim3A_2445 : vector<16xf32> to vector<1x1x16xf32>
      tpu.vector_store %arg6[%swap3A_2447, %swap3A_2448, %swap3A_2449], %swap3A_2452 {strides = array<i32>} : memref<4x128x128xf32, #tpu.memory_space<vmem>>, vector<1x1x16xf32>,
    }
    %scan3A_358 = arith.constant 128 : i32
    %dma_wait3A_359 = arith.constant 1 : i32
    %dma_wait3A_360 = arith.constant 0 : i32
    %dma_wait3A_361 = arith.constant 0 : i32
    %dma_wait3A_362 = tpu.memref_slice %arg5[%dma_wait3A_359, %dma_wait3A_360, %dma_wait3A_361] : memref<4x20x128xi32, #tpu.memory_space<vmem>> -> memref<1x20x128xi32, #tpu.memory_space<vmem>>
    %dma_wait3A_363 = tpu.memref_squeeze %dma_wait3A_362 : memref<1x20x128xi32, #tpu.memory_space<vmem>> -> memref<20x128xi32, #tpu.memory_space<vmem>>
    %dma_wait3A_364 = arith.constant 0 : i32
    %dma_wait3A_365 = tpu.memref_slice %arg2[%dma_wait3A_364, %mul3A_24] : memref<20x16384xi32, #tpu.memory_space<hbm>> -> memref<20x128xi32, #tpu.memory_space<hbm>>
    %dma_wait3A_366 = arith.constant 0 : i32
    %dma_wait3A_367 = arith.constant 0 : i32
    %dma_wait3A_368 = tpu.memref_slice %arg5[%dma_wait3A_359, %dma_wait3A_366, %dma_wait3A_367] : memref<4x20x128xi32, #tpu.memory_space<vmem>> -> memref<1x20x128xi32, #tpu.memory_space<vmem>>
    %dma_wait3A_369 = tpu.memref_squeeze %dma_wait3A_368 : memref<1x20x128xi32, #tpu.memory_space<vmem>> -> memref<20x128xi32, #tpu.memory_space<vmem>>
    %dma_wait3A_370 = arith.constant 0 : i32
    %dma_wait3A_371 = tpu.memref_slice %arg2[%dma_wait3A_370, %mul3A_24] : memref<20x16384xi32, #tpu.memory_space<hbm>> -> memref<20x128xi32, #tpu.memory_space<hbm>>
    tpu.wait_dma2 semaphore(%arg8 : memref<!tpu.dma_semaphore, #tpu.memory_space<semaphore_mem>>) src(%dma_wait3A_371 : memref<20x128xi32, #tpu.memory_space<hbm>>) dst(%dma_wait3A_369 : memref<20x128xi32, #tpu.memory_space<vmem>>)
    %dma_start3A_372 = arith.constant 1 : i32
    %dma_start3A_373 = arith.constant 0 : i32
    %dma_start3A_374 = arith.constant 1 : i32
    %dma_start3A_375 = arith.constant 0 : i32
    %dma_start3A_376 = arith.constant 0 : i32
    %dma_start3A_377 = tpu.memref_slice %arg6[%dma_start3A_374, %dma_start3A_375, %dma_start3A_376] : memref<4x128x128xf32, #tpu.memory_space<vmem>> -> memref<1x128x128xf32, #tpu.memory_space<vmem>>
    %dma_start3A_378 = tpu.memref_squeeze %dma_start3A_377 : memref<1x128x128xf32, #tpu.memory_space<vmem>> -> memref<128x128xf32, #tpu.memory_space<vmem>>
    %dma_start3A_379 = arith.constant 0 : i32
    %dma_start3A_380 = tpu.memref_slice %arg5[%dma_start3A_372, %dma_start3A_373, %dma_start3A_379] : memref<4x20x128xi32, #tpu.memory_space<vmem>> -> memref<1x1x128xi32, #tpu.memory_space<vmem>>
    %dma_start3A_381 = tpu.memref_squeeze %dma_start3A_380 : memref<1x1x128xi32, #tpu.memory_space<vmem>> -> memref<128xi32, #tpu.memory_space<vmem>>
    %dma_start3A_382 = arith.constant 0 : i32
    %dma_start3A_383 = arith.constant 0 : i32
    %dma_start3A_384 = tpu.memref_slice %arg3[%dma_start3A_382, %dma_start3A_383] : memref<1000000x128xf32, #tpu.memory_space<hbm>> -> memref<1000000x128xf32, #tpu.memory_space<hbm>>
    tpu.enqueue_indirect_dma source(%dma_start3A_384 : memref<1000000x128xf32, #tpu.memory_space<hbm>>) target(%dma_start3A_378 : memref<128x128xf32, #tpu.memory_space<vmem>>) offsets(%dma_start3A_381 : memref<128xi32, #tpu.memory_space<vmem>>) semaphore(%arg8 : memref<!tpu.dma_semaphore, #tpu.memory_space<semaphore_mem>>) {add = true}
    %dma_start3A_385 = arith.constant 1 : i32
    %dma_start3A_386 = arith.constant 1 : i32
    %dma_start3A_387 = arith.constant 1 : i32
    %dma_start3A_388 = arith.constant 0 : i32
    %dma_start3A_389 = arith.constant 0 : i32
    %dma_start3A_390 = tpu.memref_slice %arg6[%dma_start3A_387, %dma_start3A_388, %dma_start3A_389] : memref<4x128x128xf32, #tpu.memory_space<vmem>> -> memref<1x128x128xf32, #tpu.memory_space<vmem>>
    %dma_start3A_391 = tpu.memref_squeeze %dma_start3A_390 : memref<1x128x128xf32, #tpu.memory_space<vmem>> -> memref<128x128xf32, #tpu.memory_space<vmem>>
    %dma_start3A_392 = arith.constant 0 : i32
    %dma_start3A_393 = tpu.memref_slice %arg5[%dma_start3A_385, %dma_start3A_386, %dma_start3A_392] : memref<4x20x128xi32, #tpu.memory_space<vmem>> -> memref<1x1x128xi32, #tpu.memory_space<vmem>>
    %dma_start3A_394 = tpu.memref_squeeze %dma_start3A_393 : memref<1x1x128xi32, #tpu.memory_space<vmem>> -> memref<128xi32, #tpu.memory_space<vmem>>
    %dma_start3A_395 = arith.constant 0 : i32
    %dma_start3A_396 = arith.constant 0 : i32
    %dma_start3A_397 = tpu.memref_slice %arg3[%dma_start3A_395, %dma_start3A_396] : memref<1000000x128xf32, #tpu.memory_space<hbm>> -> memref<1000000x128xf32, #tpu.memory_space<hbm>>
    tpu.enqueue_indirect_dma source(%dma_start3A_397 : memref<1000000x128xf32, #tpu.memory_space<hbm>>) target(%dma_start3A_391 : memref<128x128xf32, #tpu.memory_space<vmem>>) offsets(%dma_start3A_394 : memref<128xi32, #tpu.memory_space<vmem>>) semaphore(%arg8 : memref<!tpu.dma_semaphore, #tpu.memory_space<semaphore_mem>>) {add = true}
    %dma_start3A_398 = arith.constant 1 : i32
    %dma_start3A_399 = arith.constant 2 : i32
    %dma_start3A_400 = arith.constant 1 : i32
    %dma_start3A_401 = arith.constant 0 : i32
    %dma_start3A_402 = arith.constant 0 : i32
    %dma_start3A_403 = tpu.memref_slice %arg6[%dma_start3A_400, %dma_start3A_401, %dma_start3A_402] : memref<4x128x128xf32, #tpu.memory_space<vmem>> -> memref<1x128x128xf32, #tpu.memory_space<vmem>>
    %dma_start3A_404 = tpu.memref_squeeze %dma_start3A_403 : memref<1x128x128xf32, #tpu.memory_space<vmem>> -> memref<128x128xf32, #tpu.memory_space<vmem>>
    %dma_start3A_405 = arith.constant 0 : i32
    %dma_start3A_406 = tpu.memref_slice %arg5[%dma_start3A_398, %dma_start3A_399, %dma_start3A_405] : memref<4x20x128xi32, #tpu.memory_space<vmem>> -> memref<1x1x128xi32, #tpu.memory_space<vmem>>
    %dma_start3A_407 = tpu.memref_squeeze %dma_start3A_406 : memref<1x1x128xi32, #tpu.memory_space<vmem>> -> memref<128xi32, #tpu.memory_space<vmem>>
    %dma_start3A_408 = arith.constant 0 : i32
    %dma_start3A_409 = arith.constant 0 : i32
    %dma_start3A_410 = tpu.memref_slice %arg3[%dma_start3A_408, %dma_start3A_409] : memref<1000000x128xf32, #tpu.memory_space<hbm>> -> memref<1000000x128xf32, #tpu.memory_space<hbm>>
    tpu.enqueue_indirect_dma source(%dma_start3A_410 : memref<1000000x128xf32, #tpu.memory_space<hbm>>) target(%dma_start3A_404 : memref<128x128xf32, #tpu.memory_space<vmem>>) offsets(%dma_start3A_407 : memref<128xi32, #tpu.memory_space<vmem>>) semaphore(%arg8 : memref<!tpu.dma_semaphore, #tpu.memory_space<semaphore_mem>>) {add = true}
    %dma_start3A_411 = arith.constant 1 : i32
    %dma_start3A_412 = arith.constant 3 : i32
    %dma_start3A_413 = arith.constant 1 : i32
    %dma_start3A_414 = arith.constant 0 : i32
    %dma_start3A_415 = arith.constant 0 : i32
    %dma_start3A_416 = tpu.memref_slice %arg6[%dma_start3A_413, %dma_start3A_414, %dma_start3A_415] : memref<4x128x128xf32, #tpu.memory_space<vmem>> -> memref<1x128x128xf32, #tpu.memory_space<vmem>>
    %dma_start3A_417 = tpu.memref_squeeze %dma_start3A_416 : memref<1x128x128xf32, #tpu.memory_space<vmem>> -> memref<128x128xf32, #tpu.memory_space<vmem>>
    %dma_start3A_418 = arith.constant 0 : i32
    %dma_start3A_419 = tpu.memref_slice %arg5[%dma_start3A_411, %dma_start3A_412, %dma_start3A_418] : memref<4x20x128xi32, #tpu.memory_space<vmem>> -> memref<1x1x128xi32, #tpu.memory_space<vmem>>
    %dma_start3A_420 = tpu.memref_squeeze %dma_start3A_419 : memref<1x1x128xi32, #tpu.memory_space<vmem>> -> memref<128xi32, #tpu.memory_space<vmem>>
    %dma_start3A_421 = arith.constant 0 : i32
    %dma_start3A_422 = arith.constant 0 : i32
    %dma_start3A_423 = tpu.memref_slice %arg3[%dma_start3A_421, %dma_start3A_422] : memref<1000000x128xf32, #tpu.memory_space<hbm>> -> memref<1000000x128xf32, #tpu.memory_space<hbm>>
    tpu.enqueue_indirect_dma source(%dma_start3A_423 : memref<1000000x128xf32, #tpu.memory_space<hbm>>) target(%dma_start3A_417 : memref<128x128xf32, #tpu.memory_space<vmem>>) offsets(%dma_start3A_420 : memref<128xi32, #tpu.memory_space<vmem>>) semaphore(%arg8 : memref<!tpu.dma_semaphore, #tpu.memory_space<semaphore_mem>>) {add = true}
    %dma_start3A_424 = arith.constant 1 : i32
    %dma_start3A_425 = arith.constant 4 : i32
    %dma_start3A_426 = arith.constant 1 : i32
    %dma_start3A_427 = arith.constant 0 : i32
    %dma_start3A_428 = arith.constant 0 : i32
    %dma_start3A_429 = tpu.memref_slice %arg6[%dma_start3A_426, %dma_start3A_427, %dma_start3A_428] : memref<4x128x128xf32, #tpu.memory_space<vmem>> -> memref<1x128x128xf32, #tpu.memory_space<vmem>>
    %dma_start3A_430 = tpu.memref_squeeze %dma_start3A_429 : memref<1x128x128xf32, #tpu.memory_space<vmem>> -> memref<128x128xf32, #tpu.memory_space<vmem>>
    %dma_start3A_431 = arith.constant 0 : i32
    %dma_start3A_432 = tpu.memref_slice %arg5[%dma_start3A_424, %dma_start3A_425, %dma_start3A_431] : memref<4x20x128xi32, #tpu.memory_space<vmem>> -> memref<1x1x128xi32, #tpu.memory_space<vmem>>
    %dma_start3A_433 = tpu.memref_squeeze %dma_start3A_432 : memref<1x1x128xi32, #tpu.memory_space<vmem>> -> memref<128xi32, #tpu.memory_space<vmem>>
    %dma_start3A_434 = arith.constant 0 : i32
    %dma_start3A_435 = arith.constant 0 : i32
    %dma_start3A_436 = tpu.memref_slice %arg3[%dma_start3A_434, %dma_start3A_435] : memref<1000000x128xf32, #tpu.memory_space<hbm>> -> memref<1000000x128xf32, #tpu.memory_space<hbm>>
    tpu.enqueue_indirect_dma source(%dma_start3A_436 : memref<1000000x128xf32, #tpu.memory_space<hbm>>) target(%dma_start3A_430 : memref<128x128xf32, #tpu.memory_space<vmem>>) offsets(%dma_start3A_433 : memref<128xi32, #tpu.memory_space<vmem>>) semaphore(%arg8 : memref<!tpu.dma_semaphore, #tpu.memory_space<semaphore_mem>>) {add = true}
    %dma_start3A_437 = arith.constant 1 : i32
    %dma_start3A_438 = arith.constant 5 : i32
    %dma_start3A_439 = arith.constant 1 : i32
    %dma_start3A_440 = arith.constant 0 : i32
    %dma_start3A_441 = arith.constant 0 : i32
    %dma_start3A_442 = tpu.memref_slice %arg6[%dma_start3A_439, %dma_start3A_440, %dma_start3A_441] : memref<4x128x128xf32, #tpu.memory_space<vmem>> -> memref<1x128x128xf32, #tpu.memory_space<vmem>>
    %dma_start3A_443 = tpu.memref_squeeze %dma_start3A_442 : memref<1x128x128xf32, #tpu.memory_space<vmem>> -> memref<128x128xf32, #tpu.memory_space<vmem>>
    %dma_start3A_444 = arith.constant 0 : i32
    %dma_start3A_445 = tpu.memref_slice %arg5[%dma_start3A_437, %dma_start3A_438, %dma_start3A_444] : memref<4x20x128xi32, #tpu.memory_space<vmem>> -> memref<1x1x128xi32, #tpu.memory_space<vmem>>
    %dma_start3A_446 = tpu.memref_squeeze %dma_start3A_445 : memref<1x1x128xi32, #tpu.memory_space<vmem>> -> memref<128xi32, #tpu.memory_space<vmem>>
    %dma_start3A_447 = arith.constant 0 : i32
    %dma_start3A_448 = arith.constant 0 : i32
    %dma_start3A_449 = tpu.memref_slice %arg3[%dma_start3A_447, %dma_start3A_448] : memref<1000000x128xf32, #tpu.memory_space<hbm>> -> memref<1000000x128xf32, #tpu.memory_space<hbm>>
    tpu.enqueue_indirect_dma source(%dma_start3A_449 : memref<1000000x128xf32, #tpu.memory_space<hbm>>) target(%dma_start3A_443 : memref<128x128xf32, #tpu.memory_space<vmem>>) offsets(%dma_start3A_446 : memref<128xi32, #tpu.memory_space<vmem>>) semaphore(%arg8 : memref<!tpu.dma_semaphore, #tpu.memory_space<semaphore_mem>>) {add = true}
    %dma_start3A_450 = arith.constant 1 : i32
    %dma_start3A_451 = arith.constant 6 : i32
    %dma_start3A_452 = arith.constant 1 : i32
    %dma_start3A_453 = arith.constant 0 : i32
    %dma_start3A_454 = arith.constant 0 : i32
    %dma_start3A_455 = tpu.memref_slice %arg6[%dma_start3A_452, %dma_start3A_453, %dma_start3A_454] : memref<4x128x128xf32, #tpu.memory_space<vmem>> -> memref<1x128x128xf32, #tpu.memory_space<vmem>>
    %dma_start3A_456 = tpu.memref_squeeze %dma_start3A_455 : memref<1x128x128xf32, #tpu.memory_space<vmem>> -> memref<128x128xf32, #tpu.memory_space<vmem>>
    %dma_start3A_457 = arith.constant 0 : i32
    %dma_start3A_458 = tpu.memref_slice %arg5[%dma_start3A_450, %dma_start3A_451, %dma_start3A_457] : memref<4x20x128xi32, #tpu.memory_space<vmem>> -> memref<1x1x128xi32, #tpu.memory_space<vmem>>
    %dma_start3A_459 = tpu.memref_squeeze %dma_start3A_458 : memref<1x1x128xi32, #tpu.memory_space<vmem>> -> memref<128xi32, #tpu.memory_space<vmem>>
    %dma_start3A_460 = arith.constant 0 : i32
    %dma_start3A_461 = arith.constant 0 : i32
    %dma_start3A_462 = tpu.memref_slice %arg3[%dma_start3A_460, %dma_start3A_461] : memref<1000000x128xf32, #tpu.memory_space<hbm>> -> memref<1000000x128xf32, #tpu.memory_space<hbm>>
    tpu.enqueue_indirect_dma source(%dma_start3A_462 : memref<1000000x128xf32, #tpu.memory_space<hbm>>) target(%dma_start3A_456 : memref<128x128xf32, #tpu.memory_space<vmem>>) offsets(%dma_start3A_459 : memref<128xi32, #tpu.memory_space<vmem>>) semaphore(%arg8 : memref<!tpu.dma_semaphore, #tpu.memory_space<semaphore_mem>>) {add = true}
    %dma_start3A_463 = arith.constant 1 : i32
    %dma_start3A_464 = arith.constant 7 : i32
    %dma_start3A_465 = arith.constant 1 : i32
    %dma_start3A_466 = arith.constant 0 : i32
    %dma_start3A_467 = arith.constant 0 : i32
    %dma_start3A_468 = tpu.memref_slice %arg6[%dma_start3A_465, %dma_start3A_466, %dma_start3A_467] : memref<4x128x128xf32, #tpu.memory_space<vmem>> -> memref<1x128x128xf32, #tpu.memory_space<vmem>>
    %dma_start3A_469 = tpu.memref_squeeze %dma_start3A_468 : memref<1x128x128xf32, #tpu.memory_space<vmem>> -> memref<128x128xf32, #tpu.memory_space<vmem>>
    %dma_start3A_470 = arith.constant 0 : i32
    %dma_start3A_471 = tpu.memref_slice %arg5[%dma_start3A_463, %dma_start3A_464, %dma_start3A_470] : memref<4x20x128xi32, #tpu.memory_space<vmem>> -> memref<1x1x128xi32, #tpu.memory_space<vmem>>
    %dma_start3A_472 = tpu.memref_squeeze %dma_start3A_471 : memref<1x1x128xi32, #tpu.memory_space<vmem>> -> memref<128xi32, #tpu.memory_space<vmem>>
    %dma_start3A_473 = arith.constant 0 : i32
    %dma_start3A_474 = arith.constant 0 : i32
    %dma_start3A_475 = tpu.memref_slice %arg3[%dma_start3A_473, %dma_start3A_474] : memref<1000000x128xf32, #tpu.memory_space<hbm>> -> memref<1000000x128xf32, #tpu.memory_space<hbm>>
    tpu.enqueue_indirect_dma source(%dma_start3A_475 : memref<1000000x128xf32, #tpu.memory_space<hbm>>) target(%dma_start3A_469 : memref<128x128xf32, #tpu.memory_space<vmem>>) offsets(%dma_start3A_472 : memref<128xi32, #tpu.memory_space<vmem>>) semaphore(%arg8 : memref<!tpu.dma_semaphore, #tpu.memory_space<semaphore_mem>>) {add = true}
    %dma_start3A_476 = arith.constant 1 : i32
    %dma_start3A_477 = arith.constant 8 : i32
    %dma_start3A_478 = arith.constant 1 : i32
    %dma_start3A_479 = arith.constant 0 : i32
    %dma_start3A_480 = arith.constant 0 : i32
    %dma_start3A_481 = tpu.memref_slice %arg6[%dma_start3A_478, %dma_start3A_479, %dma_start3A_480] : memref<4x128x128xf32, #tpu.memory_space<vmem>> -> memref<1x128x128xf32, #tpu.memory_space<vmem>>
    %dma_start3A_482 = tpu.memref_squeeze %dma_start3A_481 : memref<1x128x128xf32, #tpu.memory_space<vmem>> -> memref<128x128xf32, #tpu.memory_space<vmem>>
    %dma_start3A_483 = arith.constant 0 : i32
    %dma_start3A_484 = tpu.memref_slice %arg5[%dma_start3A_476, %dma_start3A_477, %dma_start3A_483] : memref<4x20x128xi32, #tpu.memory_space<vmem>> -> memref<1x1x128xi32, #tpu.memory_space<vmem>>
    %dma_start3A_485 = tpu.memref_squeeze %dma_start3A_484 : memref<1x1x128xi32, #tpu.memory_space<vmem>> -> memref<128xi32, #tpu.memory_space<vmem>>
    %dma_start3A_486 = arith.constant 0 : i32
    %dma_start3A_487 = arith.constant 0 : i32
    %dma_start3A_488 = tpu.memref_slice %arg3[%dma_start3A_486, %dma_start3A_487] : memref<1000000x128xf32, #tpu.memory_space<hbm>> -> memref<1000000x128xf32, #tpu.memory_space<hbm>>
    tpu.enqueue_indirect_dma source(%dma_start3A_488 : memref<1000000x128xf32, #tpu.memory_space<hbm>>) target(%dma_start3A_482 : memref<128x128xf32, #tpu.memory_space<vmem>>) offsets(%dma_start3A_485 : memref<128xi32, #tpu.memory_space<vmem>>) semaphore(%arg8 : memref<!tpu.dma_semaphore, #tpu.memory_space<semaphore_mem>>) {add = true}
    %dma_start3A_489 = arith.constant 1 : i32
    %dma_start3A_490 = arith.constant 9 : i32
    %dma_start3A_491 = arith.constant 1 : i32
    %dma_start3A_492 = arith.constant 0 : i32
    %dma_start3A_493 = arith.constant 0 : i32
    %dma_start3A_494 = tpu.memref_slice %arg6[%dma_start3A_491, %dma_start3A_492, %dma_start3A_493] : memref<4x128x128xf32, #tpu.memory_space<vmem>> -> memref<1x128x128xf32, #tpu.memory_space<vmem>>
    %dma_start3A_495 = tpu.memref_squeeze %dma_start3A_494 : memref<1x128x128xf32, #tpu.memory_space<vmem>> -> memref<128x128xf32, #tpu.memory_space<vmem>>
    %dma_start3A_496 = arith.constant 0 : i32
    %dma_start3A_497 = tpu.memref_slice %arg5[%dma_start3A_489, %dma_start3A_490, %dma_start3A_496] : memref<4x20x128xi32, #tpu.memory_space<vmem>> -> memref<1x1x128xi32, #tpu.memory_space<vmem>>
    %dma_start3A_498 = tpu.memref_squeeze %dma_start3A_497 : memref<1x1x128xi32, #tpu.memory_space<vmem>> -> memref<128xi32, #tpu.memory_space<vmem>>
    %dma_start3A_499 = arith.constant 0 : i32
    %dma_start3A_500 = arith.constant 0 : i32
    %dma_start3A_501 = tpu.memref_slice %arg3[%dma_start3A_499, %dma_start3A_500] : memref<1000000x128xf32, #tpu.memory_space<hbm>> -> memref<1000000x128xf32, #tpu.memory_space<hbm>>
    tpu.enqueue_indirect_dma source(%dma_start3A_501 : memref<1000000x128xf32, #tpu.memory_space<hbm>>) target(%dma_start3A_495 : memref<128x128xf32, #tpu.memory_space<vmem>>) offsets(%dma_start3A_498 : memref<128xi32, #tpu.memory_space<vmem>>) semaphore(%arg8 : memref<!tpu.dma_semaphore, #tpu.memory_space<semaphore_mem>>) {add = true}
    %dma_start3A_502 = arith.constant 1 : i32
    %dma_start3A_503 = arith.constant 10 : i32
    %dma_start3A_504 = arith.constant 1 : i32
    %dma_start3A_505 = arith.constant 0 : i32
    %dma_start3A_506 = arith.constant 0 : i32
    %dma_start3A_507 = tpu.memref_slice %arg6[%dma_start3A_504, %dma_start3A_505, %dma_start3A_506] : memref<4x128x128xf32, #tpu.memory_space<vmem>> -> memref<1x128x128xf32, #tpu.memory_space<vmem>>
    %dma_start3A_508 = tpu.memref_squeeze %dma_start3A_507 : memref<1x128x128xf32, #tpu.memory_space<vmem>> -> memref<128x128xf32, #tpu.memory_space<vmem>>
    %dma_start3A_509 = arith.constant 0 : i32
    %dma_start3A_510 = tpu.memref_slice %arg5[%dma_start3A_502, %dma_start3A_503, %dma_start3A_509] : memref<4x20x128xi32, #tpu.memory_space<vmem>> -> memref<1x1x128xi32, #tpu.memory_space<vmem>>
    %dma_start3A_511 = tpu.memref_squeeze %dma_start3A_510 : memref<1x1x128xi32, #tpu.memory_space<vmem>> -> memref<128xi32, #tpu.memory_space<vmem>>
    %dma_start3A_512 = arith.constant 0 : i32
    %dma_start3A_513 = arith.constant 0 : i32
    %dma_start3A_514 = tpu.memref_slice %arg3[%dma_start3A_512, %dma_start3A_513] : memref<1000000x128xf32, #tpu.memory_space<hbm>> -> memref<1000000x128xf32, #tpu.memory_space<hbm>>
    tpu.enqueue_indirect_dma source(%dma_start3A_514 : memref<1000000x128xf32, #tpu.memory_space<hbm>>) target(%dma_start3A_508 : memref<128x128xf32, #tpu.memory_space<vmem>>) offsets(%dma_start3A_511 : memref<128xi32, #tpu.memory_space<vmem>>) semaphore(%arg8 : memref<!tpu.dma_semaphore, #tpu.memory_space<semaphore_mem>>) {add = true}
    %dma_start3A_515 = arith.constant 1 : i32
    %dma_start3A_516 = arith.constant 11 : i32
    %dma_start3A_517 = arith.constant 1 : i32
    %dma_start3A_518 = arith.constant 0 : i32
    %dma_start3A_519 = arith.constant 0 : i32
    %dma_start3A_520 = tpu.memref_slice %arg6[%dma_start3A_517, %dma_start3A_518, %dma_start3A_519] : memref<4x128x128xf32, #tpu.memory_space<vmem>> -> memref<1x128x128xf32, #tpu.memory_space<vmem>>
    %dma_start3A_521 = tpu.memref_squeeze %dma_start3A_520 : memref<1x128x128xf32, #tpu.memory_space<vmem>> -> memref<128x128xf32, #tpu.memory_space<vmem>>
    %dma_start3A_522 = arith.constant 0 : i32
    %dma_start3A_523 = tpu.memref_slice %arg5[%dma_start3A_515, %dma_start3A_516, %dma_start3A_522] : memref<4x20x128xi32, #tpu.memory_space<vmem>> -> memref<1x1x128xi32, #tpu.memory_space<vmem>>
    %dma_start3A_524 = tpu.memref_squeeze %dma_start3A_523 : memref<1x1x128xi32, #tpu.memory_space<vmem>> -> memref<128xi32, #tpu.memory_space<vmem>>
    %dma_start3A_525 = arith.constant 0 : i32
    %dma_start3A_526 = arith.constant 0 : i32
    %dma_start3A_527 = tpu.memref_slice %arg3[%dma_start3A_525, %dma_start3A_526] : memref<1000000x128xf32, #tpu.memory_space<hbm>> -> memref<1000000x128xf32, #tpu.memory_space<hbm>>
    tpu.enqueue_indirect_dma source(%dma_start3A_527 : memref<1000000x128xf32, #tpu.memory_space<hbm>>) target(%dma_start3A_521 : memref<128x128xf32, #tpu.memory_space<vmem>>) offsets(%dma_start3A_524 : memref<128xi32, #tpu.memory_space<vmem>>) semaphore(%arg8 : memref<!tpu.dma_semaphore, #tpu.memory_space<semaphore_mem>>) {add = true}
    %dma_start3A_528 = arith.constant 1 : i32
    %dma_start3A_529 = arith.constant 12 : i32
    %dma_start3A_530 = arith.constant 1 : i32
    %dma_start3A_531 = arith.constant 0 : i32
    %dma_start3A_532 = arith.constant 0 : i32
    %dma_start3A_533 = tpu.memref_slice %arg6[%dma_start3A_530, %dma_start3A_531, %dma_start3A_532] : memref<4x128x128xf32, #tpu.memory_space<vmem>> -> memref<1x128x128xf32, #tpu.memory_space<vmem>>
    %dma_start3A_534 = tpu.memref_squeeze %dma_start3A_533 : memref<1x128x128xf32, #tpu.memory_space<vmem>> -> memref<128x128xf32, #tpu.memory_space<vmem>>
    %dma_start3A_535 = arith.constant 0 : i32
    %dma_start3A_536 = tpu.memref_slice %arg5[%dma_start3A_528, %dma_start3A_529, %dma_start3A_535] : memref<4x20x128xi32, #tpu.memory_space<vmem>> -> memref<1x1x128xi32, #tpu.memory_space<vmem>>
    %dma_start3A_537 = tpu.memref_squeeze %dma_start3A_536 : memref<1x1x128xi32, #tpu.memory_space<vmem>> -> memref<128xi32, #tpu.memory_space<vmem>>
    %dma_start3A_538 = arith.constant 0 : i32
    %dma_start3A_539 = arith.constant 0 : i32
    %dma_start3A_540 = tpu.memref_slice %arg3[%dma_start3A_538, %dma_start3A_539] : memref<1000000x128xf32, #tpu.memory_space<hbm>> -> memref<1000000x128xf32, #tpu.memory_space<hbm>>
    tpu.enqueue_indirect_dma source(%dma_start3A_540 : memref<1000000x128xf32, #tpu.memory_space<hbm>>) target(%dma_start3A_534 : memref<128x128xf32, #tpu.memory_space<vmem>>) offsets(%dma_start3A_537 : memref<128xi32, #tpu.memory_space<vmem>>) semaphore(%arg8 : memref<!tpu.dma_semaphore, #tpu.memory_space<semaphore_mem>>) {add = true}
    %dma_start3A_541 = arith.constant 1 : i32
    %dma_start3A_542 = arith.constant 13 : i32
    %dma_start3A_543 = arith.constant 1 : i32
    %dma_start3A_544 = arith.constant 0 : i32
    %dma_start3A_545 = arith.constant 0 : i32
    %dma_start3A_546 = tpu.memref_slice %arg6[%dma_start3A_543, %dma_start3A_544, %dma_start3A_545] : memref<4x128x128xf32, #tpu.memory_space<vmem>> -> memref<1x128x128xf32, #tpu.memory_space<vmem>>
    %dma_start3A_547 = tpu.memref_squeeze %dma_start3A_546 : memref<1x128x128xf32, #tpu.memory_space<vmem>> -> memref<128x128xf32, #tpu.memory_space<vmem>>
    %dma_start3A_548 = arith.constant 0 : i32
    %dma_start3A_549 = tpu.memref_slice %arg5[%dma_start3A_541, %dma_start3A_542, %dma_start3A_548] : memref<4x20x128xi32, #tpu.memory_space<vmem>> -> memref<1x1x128xi32, #tpu.memory_space<vmem>>
    %dma_start3A_550 = tpu.memref_squeeze %dma_start3A_549 : memref<1x1x128xi32, #tpu.memory_space<vmem>> -> memref<128xi32, #tpu.memory_space<vmem>>
    %dma_start3A_551 = arith.constant 0 : i32
    %dma_start3A_552 = arith.constant 0 : i32
    %dma_start3A_553 = tpu.memref_slice %arg3[%dma_start3A_551, %dma_start3A_552] : memref<1000000x128xf32, #tpu.memory_space<hbm>> -> memref<1000000x128xf32, #tpu.memory_space<hbm>>
    tpu.enqueue_indirect_dma source(%dma_start3A_553 : memref<1000000x128xf32, #tpu.memory_space<hbm>>) target(%dma_start3A_547 : memref<128x128xf32, #tpu.memory_space<vmem>>) offsets(%dma_start3A_550 : memref<128xi32, #tpu.memory_space<vmem>>) semaphore(%arg8 : memref<!tpu.dma_semaphore, #tpu.memory_space<semaphore_mem>>) {add = true}
    %dma_start3A_554 = arith.constant 1 : i32
    %dma_start3A_555 = arith.constant 14 : i32
    %dma_start3A_556 = arith.constant 1 : i32
    %dma_start3A_557 = arith.constant 0 : i32
    %dma_start3A_558 = arith.constant 0 : i32
    %dma_start3A_559 = tpu.memref_slice %arg6[%dma_start3A_556, %dma_start3A_557, %dma_start3A_558] : memref<4x128x128xf32, #tpu.memory_space<vmem>> -> memref<1x128x128xf32, #tpu.memory_space<vmem>>
    %dma_start3A_560 = tpu.memref_squeeze %dma_start3A_559 : memref<1x128x128xf32, #tpu.memory_space<vmem>> -> memref<128x128xf32, #tpu.memory_space<vmem>>
    %dma_start3A_561 = arith.constant 0 : i32
    %dma_start3A_562 = tpu.memref_slice %arg5[%dma_start3A_554, %dma_start3A_555, %dma_start3A_561] : memref<4x20x128xi32, #tpu.memory_space<vmem>> -> memref<1x1x128xi32, #tpu.memory_space<vmem>>
    %dma_start3A_563 = tpu.memref_squeeze %dma_start3A_562 : memref<1x1x128xi32, #tpu.memory_space<vmem>> -> memref<128xi32, #tpu.memory_space<vmem>>
    %dma_start3A_564 = arith.constant 0 : i32
    %dma_start3A_565 = arith.constant 0 : i32
    %dma_start3A_566 = tpu.memref_slice %arg3[%dma_start3A_564, %dma_start3A_565] : memref<1000000x128xf32, #tpu.memory_space<hbm>> -> memref<1000000x128xf32, #tpu.memory_space<hbm>>
    tpu.enqueue_indirect_dma source(%dma_start3A_566 : memref<1000000x128xf32, #tpu.memory_space<hbm>>) target(%dma_start3A_560 : memref<128x128xf32, #tpu.memory_space<vmem>>) offsets(%dma_start3A_563 : memref<128xi32, #tpu.memory_space<vmem>>) semaphore(%arg8 : memref<!tpu.dma_semaphore, #tpu.memory_space<semaphore_mem>>) {add = true}
    %dma_start3A_567 = arith.constant 1 : i32
    %dma_start3A_568 = arith.constant 15 : i32
    %dma_start3A_569 = arith.constant 1 : i32
    %dma_start3A_570 = arith.constant 0 : i32
    %dma_start3A_571 = arith.constant 0 : i32
    %dma_start3A_572 = tpu.memref_slice %arg6[%dma_start3A_569, %dma_start3A_570, %dma_start3A_571] : memref<4x128x128xf32, #tpu.memory_space<vmem>> -> memref<1x128x128xf32, #tpu.memory_space<vmem>>
    %dma_start3A_573 = tpu.memref_squeeze %dma_start3A_572 : memref<1x128x128xf32, #tpu.memory_space<vmem>> -> memref<128x128xf32, #tpu.memory_space<vmem>>
    %dma_start3A_574 = arith.constant 0 : i32
    %dma_start3A_575 = tpu.memref_slice %arg5[%dma_start3A_567, %dma_start3A_568, %dma_start3A_574] : memref<4x20x128xi32, #tpu.memory_space<vmem>> -> memref<1x1x128xi32, #tpu.memory_space<vmem>>
    %dma_start3A_576 = tpu.memref_squeeze %dma_start3A_575 : memref<1x1x128xi32, #tpu.memory_space<vmem>> -> memref<128xi32, #tpu.memory_space<vmem>>
    %dma_start3A_577 = arith.constant 0 : i32
    %dma_start3A_578 = arith.constant 0 : i32
    %dma_start3A_579 = tpu.memref_slice %arg3[%dma_start3A_577, %dma_start3A_578] : memref<1000000x128xf32, #tpu.memory_space<hbm>> -> memref<1000000x128xf32, #tpu.memory_space<hbm>>
    tpu.enqueue_indirect_dma source(%dma_start3A_579 : memref<1000000x128xf32, #tpu.memory_space<hbm>>) target(%dma_start3A_573 : memref<128x128xf32, #tpu.memory_space<vmem>>) offsets(%dma_start3A_576 : memref<128xi32, #tpu.memory_space<vmem>>) semaphore(%arg8 : memref<!tpu.dma_semaphore, #tpu.memory_space<semaphore_mem>>) {add = true}
    %dma_start3A_580 = arith.constant 1 : i32
    %dma_start3A_581 = arith.constant 16 : i32
    %dma_start3A_582 = arith.constant 1 : i32
    %dma_start3A_583 = arith.constant 0 : i32
    %dma_start3A_584 = arith.constant 0 : i32
    %dma_start3A_585 = tpu.memref_slice %arg6[%dma_start3A_582, %dma_start3A_583, %dma_start3A_584] : memref<4x128x128xf32, #tpu.memory_space<vmem>> -> memref<1x128x128xf32, #tpu.memory_space<vmem>>
    %dma_start3A_586 = tpu.memref_squeeze %dma_start3A_585 : memref<1x128x128xf32, #tpu.memory_space<vmem>> -> memref<128x128xf32, #tpu.memory_space<vmem>>
    %dma_start3A_587 = arith.constant 0 : i32
    %dma_start3A_588 = tpu.memref_slice %arg5[%dma_start3A_580, %dma_start3A_581, %dma_start3A_587] : memref<4x20x128xi32, #tpu.memory_space<vmem>> -> memref<1x1x128xi32, #tpu.memory_space<vmem>>
    %dma_start3A_589 = tpu.memref_squeeze %dma_start3A_588 : memref<1x1x128xi32, #tpu.memory_space<vmem>> -> memref<128xi32, #tpu.memory_space<vmem>>
    %dma_start3A_590 = arith.constant 0 : i32
    %dma_start3A_591 = arith.constant 0 : i32
    %dma_start3A_592 = tpu.memref_slice %arg3[%dma_start3A_590, %dma_start3A_591] : memref<1000000x128xf32, #tpu.memory_space<hbm>> -> memref<1000000x128xf32, #tpu.memory_space<hbm>>
    tpu.enqueue_indirect_dma source(%dma_start3A_592 : memref<1000000x128xf32, #tpu.memory_space<hbm>>) target(%dma_start3A_586 : memref<128x128xf32, #tpu.memory_space<vmem>>) offsets(%dma_start3A_589 : memref<128xi32, #tpu.memory_space<vmem>>) semaphore(%arg8 : memref<!tpu.dma_semaphore, #tpu.memory_space<semaphore_mem>>) {add = true}
    %dma_start3A_593 = arith.constant 1 : i32
    %dma_start3A_594 = arith.constant 17 : i32
    %dma_start3A_595 = arith.constant 1 : i32
    %dma_start3A_596 = arith.constant 0 : i32
    %dma_start3A_597 = arith.constant 0 : i32
    %dma_start3A_598 = tpu.memref_slice %arg6[%dma_start3A_595, %dma_start3A_596, %dma_start3A_597] : memref<4x128x128xf32, #tpu.memory_space<vmem>> -> memref<1x128x128xf32, #tpu.memory_space<vmem>>
    %dma_start3A_599 = tpu.memref_squeeze %dma_start3A_598 : memref<1x128x128xf32, #tpu.memory_space<vmem>> -> memref<128x128xf32, #tpu.memory_space<vmem>>
    %dma_start3A_600 = arith.constant 0 : i32
    %dma_start3A_601 = tpu.memref_slice %arg5[%dma_start3A_593, %dma_start3A_594, %dma_start3A_600] : memref<4x20x128xi32, #tpu.memory_space<vmem>> -> memref<1x1x128xi32, #tpu.memory_space<vmem>>
    %dma_start3A_602 = tpu.memref_squeeze %dma_start3A_601 : memref<1x1x128xi32, #tpu.memory_space<vmem>> -> memref<128xi32, #tpu.memory_space<vmem>>
    %dma_start3A_603 = arith.constant 0 : i32
    %dma_start3A_604 = arith.constant 0 : i32
    %dma_start3A_605 = tpu.memref_slice %arg3[%dma_start3A_603, %dma_start3A_604] : memref<1000000x128xf32, #tpu.memory_space<hbm>> -> memref<1000000x128xf32, #tpu.memory_space<hbm>>
    tpu.enqueue_indirect_dma source(%dma_start3A_605 : memref<1000000x128xf32, #tpu.memory_space<hbm>>) target(%dma_start3A_599 : memref<128x128xf32, #tpu.memory_space<vmem>>) offsets(%dma_start3A_602 : memref<128xi32, #tpu.memory_space<vmem>>) semaphore(%arg8 : memref<!tpu.dma_semaphore, #tpu.memory_space<semaphore_mem>>) {add = true}
    %dma_start3A_606 = arith.constant 1 : i32
    %dma_start3A_607 = arith.constant 18 : i32
    %dma_start3A_608 = arith.constant 1 : i32
    %dma_start3A_609 = arith.constant 0 : i32
    %dma_start3A_610 = arith.constant 0 : i32
    %dma_start3A_611 = tpu.memref_slice %arg6[%dma_start3A_608, %dma_start3A_609, %dma_start3A_610] : memref<4x128x128xf32, #tpu.memory_space<vmem>> -> memref<1x128x128xf32, #tpu.memory_space<vmem>>
    %dma_start3A_612 = tpu.memref_squeeze %dma_start3A_611 : memref<1x128x128xf32, #tpu.memory_space<vmem>> -> memref<128x128xf32, #tpu.memory_space<vmem>>
    %dma_start3A_613 = arith.constant 0 : i32
    %dma_start3A_614 = tpu.memref_slice %arg5[%dma_start3A_606, %dma_start3A_607, %dma_start3A_613] : memref<4x20x128xi32, #tpu.memory_space<vmem>> -> memref<1x1x128xi32, #tpu.memory_space<vmem>>
    %dma_start3A_615 = tpu.memref_squeeze %dma_start3A_614 : memref<1x1x128xi32, #tpu.memory_space<vmem>> -> memref<128xi32, #tpu.memory_space<vmem>>
    %dma_start3A_616 = arith.constant 0 : i32
    %dma_start3A_617 = arith.constant 0 : i32
    %dma_start3A_618 = tpu.memref_slice %arg3[%dma_start3A_616, %dma_start3A_617] : memref<1000000x128xf32, #tpu.memory_space<hbm>> -> memref<1000000x128xf32, #tpu.memory_space<hbm>>
    tpu.enqueue_indirect_dma source(%dma_start3A_618 : memref<1000000x128xf32, #tpu.memory_space<hbm>>) target(%dma_start3A_612 : memref<128x128xf32, #tpu.memory_space<vmem>>) offsets(%dma_start3A_615 : memref<128xi32, #tpu.memory_space<vmem>>) semaphore(%arg8 : memref<!tpu.dma_semaphore, #tpu.memory_space<semaphore_mem>>) {add = true}
    %dma_start3A_619 = arith.constant 1 : i32
    %dma_start3A_620 = arith.constant 19 : i32
    %dma_start3A_621 = arith.constant 1 : i32
    %dma_start3A_622 = arith.constant 0 : i32
    %dma_start3A_623 = arith.constant 0 : i32
    %dma_start3A_624 = tpu.memref_slice %arg6[%dma_start3A_621, %dma_start3A_622, %dma_start3A_623] : memref<4x128x128xf32, #tpu.memory_space<vmem>> -> memref<1x128x128xf32, #tpu.memory_space<vmem>>
    %dma_start3A_625 = tpu.memref_squeeze %dma_start3A_624 : memref<1x128x128xf32, #tpu.memory_space<vmem>> -> memref<128x128xf32, #tpu.memory_space<vmem>>
    %dma_start3A_626 = arith.constant 0 : i32
    %dma_start3A_627 = tpu.memref_slice %arg5[%dma_start3A_619, %dma_start3A_620, %dma_start3A_626] : memref<4x20x128xi32, #tpu.memory_space<vmem>> -> memref<1x1x128xi32, #tpu.memory_space<vmem>>
    %dma_start3A_628 = tpu.memref_squeeze %dma_start3A_627 : memref<1x1x128xi32, #tpu.memory_space<vmem>> -> memref<128xi32, #tpu.memory_space<vmem>>
    %dma_start3A_629 = arith.constant 0 : i32
    %dma_start3A_630 = arith.constant 0 : i32
    %dma_start3A_631 = tpu.memref_slice %arg3[%dma_start3A_629, %dma_start3A_630] : memref<1000000x128xf32, #tpu.memory_space<hbm>> -> memref<1000000x128xf32, #tpu.memory_space<hbm>>
    tpu.enqueue_indirect_dma source(%dma_start3A_631 : memref<1000000x128xf32, #tpu.memory_space<hbm>>) target(%dma_start3A_625 : memref<128x128xf32, #tpu.memory_space<vmem>>) offsets(%dma_start3A_628 : memref<128xi32, #tpu.memory_space<vmem>>) semaphore(%arg8 : memref<!tpu.dma_semaphore, #tpu.memory_space<semaphore_mem>>) {add = true}
    %scan3A_632 = arith.constant 0 : i32
    %scan3A_633 = arith.constant 0 : i32
    %scan3A_634 = arith.constant 128 : i32
    %scan3A_635 = arith.addi %scan3A_633, %scan3A_634 : i32
    %scan3A_636 = arith.constant 1 : i32
    scf.for %scan3A_2382 = %scan3A_633 to %scan3A_635 step %scan3A_636  : i32 {
      %broadcast_in_dim3A = arith.constant 0.000000e+00 : f32
      %broadcast_in_dim3A_2383 = vector.broadcast %broadcast_in_dim3A : f32 to vector<16xf32>
      %swap3A = arith.constant 2 : i32
      %swap3A_2384 = arith.index_cast %swap3A : i32 to index
      %swap3A_2385 = arith.index_cast %scan3A_2382 : i32 to index
      %swap3A_2386 = arith.constant 0 : index
      %swap3A_2387 = tpu.vector_load %arg6[%swap3A_2384, %swap3A_2385, %swap3A_2386] {strides = array<i32>} : memref<4x128x128xf32, #tpu.memory_space<vmem>>, vector<1x1x16xf32>,
      %swap3A_2388 = vector.shape_cast %swap3A_2387 : vector<1x1x16xf32> to vector<16xf32>
      %swap3A_2389 = vector.shape_cast %broadcast_in_dim3A_2383 : vector<16xf32> to vector<1x1x16xf32>
      tpu.vector_store %arg6[%swap3A_2384, %swap3A_2385, %swap3A_2386], %swap3A_2389 {strides = array<i32>} : memref<4x128x128xf32, #tpu.memory_space<vmem>>, vector<1x1x16xf32>,
      %broadcast_in_dim3A_2390 = arith.constant 0.000000e+00 : f32
      %broadcast_in_dim3A_2391 = vector.broadcast %broadcast_in_dim3A_2390 : f32 to vector<16xf32>
      %swap3A_2392 = arith.constant 2 : i32
      %swap3A_2393 = arith.index_cast %swap3A_2392 : i32 to index
      %swap3A_2394 = arith.index_cast %scan3A_2382 : i32 to index
      %swap3A_2395 = arith.constant 16 : index
      %swap3A_2396 = tpu.vector_load %arg6[%swap3A_2393, %swap3A_2394, %swap3A_2395] {strides = array<i32>} : memref<4x128x128xf32, #tpu.memory_space<vmem>>, vector<1x1x16xf32>,
      %swap3A_2397 = vector.shape_cast %swap3A_2396 : vector<1x1x16xf32> to vector<16xf32>
      %swap3A_2398 = vector.shape_cast %broadcast_in_dim3A_2391 : vector<16xf32> to vector<1x1x16xf32>
      tpu.vector_store %arg6[%swap3A_2393, %swap3A_2394, %swap3A_2395], %swap3A_2398 {strides = array<i32>} : memref<4x128x128xf32, #tpu.memory_space<vmem>>, vector<1x1x16xf32>,
      %broadcast_in_dim3A_2399 = arith.constant 0.000000e+00 : f32
      %broadcast_in_dim3A_2400 = vector.broadcast %broadcast_in_dim3A_2399 : f32 to vector<16xf32>
      %swap3A_2401 = arith.constant 2 : i32
      %swap3A_2402 = arith.index_cast %swap3A_2401 : i32 to index
      %swap3A_2403 = arith.index_cast %scan3A_2382 : i32 to index
      %swap3A_2404 = arith.constant 32 : index
      %swap3A_2405 = tpu.vector_load %arg6[%swap3A_2402, %swap3A_2403, %swap3A_2404] {strides = array<i32>} : memref<4x128x128xf32, #tpu.memory_space<vmem>>, vector<1x1x16xf32>,
      %swap3A_2406 = vector.shape_cast %swap3A_2405 : vector<1x1x16xf32> to vector<16xf32>
      %swap3A_2407 = vector.shape_cast %broadcast_in_dim3A_2400 : vector<16xf32> to vector<1x1x16xf32>
      tpu.vector_store %arg6[%swap3A_2402, %swap3A_2403, %swap3A_2404], %swap3A_2407 {strides = array<i32>} : memref<4x128x128xf32, #tpu.memory_space<vmem>>, vector<1x1x16xf32>,
      %broadcast_in_dim3A_2408 = arith.constant 0.000000e+00 : f32
      %broadcast_in_dim3A_2409 = vector.broadcast %broadcast_in_dim3A_2408 : f32 to vector<16xf32>
      %swap3A_2410 = arith.constant 2 : i32
      %swap3A_2411 = arith.index_cast %swap3A_2410 : i32 to index
      %swap3A_2412 = arith.index_cast %scan3A_2382 : i32 to index
      %swap3A_2413 = arith.constant 48 : index
      %swap3A_2414 = tpu.vector_load %arg6[%swap3A_2411, %swap3A_2412, %swap3A_2413] {strides = array<i32>} : memref<4x128x128xf32, #tpu.memory_space<vmem>>, vector<1x1x16xf32>,
      %swap3A_2415 = vector.shape_cast %swap3A_2414 : vector<1x1x16xf32> to vector<16xf32>
      %swap3A_2416 = vector.shape_cast %broadcast_in_dim3A_2409 : vector<16xf32> to vector<1x1x16xf32>
      tpu.vector_store %arg6[%swap3A_2411, %swap3A_2412, %swap3A_2413], %swap3A_2416 {strides = array<i32>} : memref<4x128x128xf32, #tpu.memory_space<vmem>>, vector<1x1x16xf32>,
      %broadcast_in_dim3A_2417 = arith.constant 0.000000e+00 : f32
      %broadcast_in_dim3A_2418 = vector.broadcast %broadcast_in_dim3A_2417 : f32 to vector<16xf32>
      %swap3A_2419 = arith.constant 2 : i32
      %swap3A_2420 = arith.index_cast %swap3A_2419 : i32 to index
      %swap3A_2421 = arith.index_cast %scan3A_2382 : i32 to index
      %swap3A_2422 = arith.constant 64 : index
      %swap3A_2423 = tpu.vector_load %arg6[%swap3A_2420, %swap3A_2421, %swap3A_2422] {strides = array<i32>} : memref<4x128x128xf32, #tpu.memory_space<vmem>>, vector<1x1x16xf32>,
      %swap3A_2424 = vector.shape_cast %swap3A_2423 : vector<1x1x16xf32> to vector<16xf32>
      %swap3A_2425 = vector.shape_cast %broadcast_in_dim3A_2418 : vector<16xf32> to vector<1x1x16xf32>
      tpu.vector_store %arg6[%swap3A_2420, %swap3A_2421, %swap3A_2422], %swap3A_2425 {strides = array<i32>} : memref<4x128x128xf32, #tpu.memory_space<vmem>>, vector<1x1x16xf32>,
      %broadcast_in_dim3A_2426 = arith.constant 0.000000e+00 : f32
      %broadcast_in_dim3A_2427 = vector.broadcast %broadcast_in_dim3A_2426 : f32 to vector<16xf32>
      %swap3A_2428 = arith.constant 2 : i32
      %swap3A_2429 = arith.index_cast %swap3A_2428 : i32 to index
      %swap3A_2430 = arith.index_cast %scan3A_2382 : i32 to index
      %swap3A_2431 = arith.constant 80 : index
      %swap3A_2432 = tpu.vector_load %arg6[%swap3A_2429, %swap3A_2430, %swap3A_2431] {strides = array<i32>} : memref<4x128x128xf32, #tpu.memory_space<vmem>>, vector<1x1x16xf32>,
      %swap3A_2433 = vector.shape_cast %swap3A_2432 : vector<1x1x16xf32> to vector<16xf32>
      %swap3A_2434 = vector.shape_cast %broadcast_in_dim3A_2427 : vector<16xf32> to vector<1x1x16xf32>
      tpu.vector_store %arg6[%swap3A_2429, %swap3A_2430, %swap3A_2431], %swap3A_2434 {strides = array<i32>} : memref<4x128x128xf32, #tpu.memory_space<vmem>>, vector<1x1x16xf32>,
      %broadcast_in_dim3A_2435 = arith.constant 0.000000e+00 : f32
      %broadcast_in_dim3A_2436 = vector.broadcast %broadcast_in_dim3A_2435 : f32 to vector<16xf32>
      %swap3A_2437 = arith.constant 2 : i32
      %swap3A_2438 = arith.index_cast %swap3A_2437 : i32 to index
      %swap3A_2439 = arith.index_cast %scan3A_2382 : i32 to index
      %swap3A_2440 = arith.constant 96 : index
      %swap3A_2441 = tpu.vector_load %arg6[%swap3A_2438, %swap3A_2439, %swap3A_2440] {strides = array<i32>} : memref<4x128x128xf32, #tpu.memory_space<vmem>>, vector<1x1x16xf32>,
      %swap3A_2442 = vector.shape_cast %swap3A_2441 : vector<1x1x16xf32> to vector<16xf32>
      %swap3A_2443 = vector.shape_cast %broadcast_in_dim3A_2436 : vector<16xf32> to vector<1x1x16xf32>
      tpu.vector_store %arg6[%swap3A_2438, %swap3A_2439, %swap3A_2440], %swap3A_2443 {strides = array<i32>} : memref<4x128x128xf32, #tpu.memory_space<vmem>>, vector<1x1x16xf32>,
      %broadcast_in_dim3A_2444 = arith.constant 0.000000e+00 : f32
      %broadcast_in_dim3A_2445 = vector.broadcast %broadcast_in_dim3A_2444 : f32 to vector<16xf32>
      %swap3A_2446 = arith.constant 2 : i32
      %swap3A_2447 = arith.index_cast %swap3A_2446 : i32 to index
      %swap3A_2448 = arith.index_cast %scan3A_2382 : i32 to index
      %swap3A_2449 = arith.constant 112 : index
      %swap3A_2450 = tpu.vector_load %arg6[%swap3A_2447, %swap3A_2448, %swap3A_2449] {strides = array<i32>} : memref<4x128x128xf32, #tpu.memory_space<vmem>>, vector<1x1x16xf32>,
      %swap3A_2451 = vector.shape_cast %swap3A_2450 : vector<1x1x16xf32> to vector<16xf32>
      %swap3A_2452 = vector.shape_cast %broadcast_in_dim3A_2445 : vector<16xf32> to vector<1x1x16xf32>
      tpu.vector_store %arg6[%swap3A_2447, %swap3A_2448, %swap3A_2449], %swap3A_2452 {strides = array<i32>} : memref<4x128x128xf32, #tpu.memory_space<vmem>>, vector<1x1x16xf32>,
    }
    %scan3A_637 = arith.constant 128 : i32
    %dma_wait3A_638 = arith.constant 2 : i32
    %dma_wait3A_639 = arith.constant 0 : i32
    %dma_wait3A_640 = arith.constant 0 : i32
    %dma_wait3A_641 = tpu.memref_slice %arg5[%dma_wait3A_638, %dma_wait3A_639, %dma_wait3A_640] : memref<4x20x128xi32, #tpu.memory_space<vmem>> -> memref<1x20x128xi32, #tpu.memory_space<vmem>>
    %dma_wait3A_642 = tpu.memref_squeeze %dma_wait3A_641 : memref<1x20x128xi32, #tpu.memory_space<vmem>> -> memref<20x128xi32, #tpu.memory_space<vmem>>
    %dma_wait3A_643 = arith.constant 0 : i32
    %dma_wait3A_644 = tpu.memref_slice %arg2[%dma_wait3A_643, %mul3A_43] : memref<20x16384xi32, #tpu.memory_space<hbm>> -> memref<20x128xi32, #tpu.memory_space<hbm>>
    %dma_wait3A_645 = arith.constant 0 : i32
    %dma_wait3A_646 = arith.constant 0 : i32
    %dma_wait3A_647 = tpu.memref_slice %arg5[%dma_wait3A_638, %dma_wait3A_645, %dma_wait3A_646] : memref<4x20x128xi32, #tpu.memory_space<vmem>> -> memref<1x20x128xi32, #tpu.memory_space<vmem>>
    %dma_wait3A_648 = tpu.memref_squeeze %dma_wait3A_647 : memref<1x20x128xi32, #tpu.memory_space<vmem>> -> memref<20x128xi32, #tpu.memory_space<vmem>>
    %dma_wait3A_649 = arith.constant 0 : i32
    %dma_wait3A_650 = tpu.memref_slice %arg2[%dma_wait3A_649, %mul3A_43] : memref<20x16384xi32, #tpu.memory_space<hbm>> -> memref<20x128xi32, #tpu.memory_space<hbm>>
    tpu.wait_dma2 semaphore(%arg9 : memref<!tpu.dma_semaphore, #tpu.memory_space<semaphore_mem>>) src(%dma_wait3A_650 : memref<20x128xi32, #tpu.memory_space<hbm>>) dst(%dma_wait3A_648 : memref<20x128xi32, #tpu.memory_space<vmem>>)
    %dma_start3A_651 = arith.constant 2 : i32
    %dma_start3A_652 = arith.constant 0 : i32
    %dma_start3A_653 = arith.constant 2 : i32
    %dma_start3A_654 = arith.constant 0 : i32
    %dma_start3A_655 = arith.constant 0 : i32
    %dma_start3A_656 = tpu.memref_slice %arg6[%dma_start3A_653, %dma_start3A_654, %dma_start3A_655] : memref<4x128x128xf32, #tpu.memory_space<vmem>> -> memref<1x128x128xf32, #tpu.memory_space<vmem>>
    %dma_start3A_657 = tpu.memref_squeeze %dma_start3A_656 : memref<1x128x128xf32, #tpu.memory_space<vmem>> -> memref<128x128xf32, #tpu.memory_space<vmem>>
    %dma_start3A_658 = arith.constant 0 : i32
    %dma_start3A_659 = tpu.memref_slice %arg5[%dma_start3A_651, %dma_start3A_652, %dma_start3A_658] : memref<4x20x128xi32, #tpu.memory_space<vmem>> -> memref<1x1x128xi32, #tpu.memory_space<vmem>>
    %dma_start3A_660 = tpu.memref_squeeze %dma_start3A_659 : memref<1x1x128xi32, #tpu.memory_space<vmem>> -> memref<128xi32, #tpu.memory_space<vmem>>
    %dma_start3A_661 = arith.constant 0 : i32
    %dma_start3A_662 = arith.constant 0 : i32
    %dma_start3A_663 = tpu.memref_slice %arg3[%dma_start3A_661, %dma_start3A_662] : memref<1000000x128xf32, #tpu.memory_space<hbm>> -> memref<1000000x128xf32, #tpu.memory_space<hbm>>
    tpu.enqueue_indirect_dma source(%dma_start3A_663 : memref<1000000x128xf32, #tpu.memory_space<hbm>>) target(%dma_start3A_657 : memref<128x128xf32, #tpu.memory_space<vmem>>) offsets(%dma_start3A_660 : memref<128xi32, #tpu.memory_space<vmem>>) semaphore(%arg9 : memref<!tpu.dma_semaphore, #tpu.memory_space<semaphore_mem>>) {add = true}
    %dma_start3A_664 = arith.constant 2 : i32
    %dma_start3A_665 = arith.constant 1 : i32
    %dma_start3A_666 = arith.constant 2 : i32
    %dma_start3A_667 = arith.constant 0 : i32
    %dma_start3A_668 = arith.constant 0 : i32
    %dma_start3A_669 = tpu.memref_slice %arg6[%dma_start3A_666, %dma_start3A_667, %dma_start3A_668] : memref<4x128x128xf32, #tpu.memory_space<vmem>> -> memref<1x128x128xf32, #tpu.memory_space<vmem>>
    %dma_start3A_670 = tpu.memref_squeeze %dma_start3A_669 : memref<1x128x128xf32, #tpu.memory_space<vmem>> -> memref<128x128xf32, #tpu.memory_space<vmem>>
    %dma_start3A_671 = arith.constant 0 : i32
    %dma_start3A_672 = tpu.memref_slice %arg5[%dma_start3A_664, %dma_start3A_665, %dma_start3A_671] : memref<4x20x128xi32, #tpu.memory_space<vmem>> -> memref<1x1x128xi32, #tpu.memory_space<vmem>>
    %dma_start3A_673 = tpu.memref_squeeze %dma_start3A_672 : memref<1x1x128xi32, #tpu.memory_space<vmem>> -> memref<128xi32, #tpu.memory_space<vmem>>
    %dma_start3A_674 = arith.constant 0 : i32
    %dma_start3A_675 = arith.constant 0 : i32
    %dma_start3A_676 = tpu.memref_slice %arg3[%dma_start3A_674, %dma_start3A_675] : memref<1000000x128xf32, #tpu.memory_space<hbm>> -> memref<1000000x128xf32, #tpu.memory_space<hbm>>
    tpu.enqueue_indirect_dma source(%dma_start3A_676 : memref<1000000x128xf32, #tpu.memory_space<hbm>>) target(%dma_start3A_670 : memref<128x128xf32, #tpu.memory_space<vmem>>) offsets(%dma_start3A_673 : memref<128xi32, #tpu.memory_space<vmem>>) semaphore(%arg9 : memref<!tpu.dma_semaphore, #tpu.memory_space<semaphore_mem>>) {add = true}
    %dma_start3A_677 = arith.constant 2 : i32
    %dma_start3A_678 = arith.constant 2 : i32
    %dma_start3A_679 = arith.constant 2 : i32
    %dma_start3A_680 = arith.constant 0 : i32
    %dma_start3A_681 = arith.constant 0 : i32
    %dma_start3A_682 = tpu.memref_slice %arg6[%dma_start3A_679, %dma_start3A_680, %dma_start3A_681] : memref<4x128x128xf32, #tpu.memory_space<vmem>> -> memref<1x128x128xf32, #tpu.memory_space<vmem>>
    %dma_start3A_683 = tpu.memref_squeeze %dma_start3A_682 : memref<1x128x128xf32, #tpu.memory_space<vmem>> -> memref<128x128xf32, #tpu.memory_space<vmem>>
    %dma_start3A_684 = arith.constant 0 : i32
    %dma_start3A_685 = tpu.memref_slice %arg5[%dma_start3A_677, %dma_start3A_678, %dma_start3A_684] : memref<4x20x128xi32, #tpu.memory_space<vmem>> -> memref<1x1x128xi32, #tpu.memory_space<vmem>>
    %dma_start3A_686 = tpu.memref_squeeze %dma_start3A_685 : memref<1x1x128xi32, #tpu.memory_space<vmem>> -> memref<128xi32, #tpu.memory_space<vmem>>
    %dma_start3A_687 = arith.constant 0 : i32
    %dma_start3A_688 = arith.constant 0 : i32
    %dma_start3A_689 = tpu.memref_slice %arg3[%dma_start3A_687, %dma_start3A_688] : memref<1000000x128xf32, #tpu.memory_space<hbm>> -> memref<1000000x128xf32, #tpu.memory_space<hbm>>
    tpu.enqueue_indirect_dma source(%dma_start3A_689 : memref<1000000x128xf32, #tpu.memory_space<hbm>>) target(%dma_start3A_683 : memref<128x128xf32, #tpu.memory_space<vmem>>) offsets(%dma_start3A_686 : memref<128xi32, #tpu.memory_space<vmem>>) semaphore(%arg9 : memref<!tpu.dma_semaphore, #tpu.memory_space<semaphore_mem>>) {add = true}
    %dma_start3A_690 = arith.constant 2 : i32
    %dma_start3A_691 = arith.constant 3 : i32
    %dma_start3A_692 = arith.constant 2 : i32
    %dma_start3A_693 = arith.constant 0 : i32
    %dma_start3A_694 = arith.constant 0 : i32
    %dma_start3A_695 = tpu.memref_slice %arg6[%dma_start3A_692, %dma_start3A_693, %dma_start3A_694] : memref<4x128x128xf32, #tpu.memory_space<vmem>> -> memref<1x128x128xf32, #tpu.memory_space<vmem>>
    %dma_start3A_696 = tpu.memref_squeeze %dma_start3A_695 : memref<1x128x128xf32, #tpu.memory_space<vmem>> -> memref<128x128xf32, #tpu.memory_space<vmem>>
    %dma_start3A_697 = arith.constant 0 : i32
    %dma_start3A_698 = tpu.memref_slice %arg5[%dma_start3A_690, %dma_start3A_691, %dma_start3A_697] : memref<4x20x128xi32, #tpu.memory_space<vmem>> -> memref<1x1x128xi32, #tpu.memory_space<vmem>>
    %dma_start3A_699 = tpu.memref_squeeze %dma_start3A_698 : memref<1x1x128xi32, #tpu.memory_space<vmem>> -> memref<128xi32, #tpu.memory_space<vmem>>
    %dma_start3A_700 = arith.constant 0 : i32
    %dma_start3A_701 = arith.constant 0 : i32
    %dma_start3A_702 = tpu.memref_slice %arg3[%dma_start3A_700, %dma_start3A_701] : memref<1000000x128xf32, #tpu.memory_space<hbm>> -> memref<1000000x128xf32, #tpu.memory_space<hbm>>
    tpu.enqueue_indirect_dma source(%dma_start3A_702 : memref<1000000x128xf32, #tpu.memory_space<hbm>>) target(%dma_start3A_696 : memref<128x128xf32, #tpu.memory_space<vmem>>) offsets(%dma_start3A_699 : memref<128xi32, #tpu.memory_space<vmem>>) semaphore(%arg9 : memref<!tpu.dma_semaphore, #tpu.memory_space<semaphore_mem>>) {add = true}
    %dma_start3A_703 = arith.constant 2 : i32
    %dma_start3A_704 = arith.constant 4 : i32
    %dma_start3A_705 = arith.constant 2 : i32
    %dma_start3A_706 = arith.constant 0 : i32
    %dma_start3A_707 = arith.constant 0 : i32
    %dma_start3A_708 = tpu.memref_slice %arg6[%dma_start3A_705, %dma_start3A_706, %dma_start3A_707] : memref<4x128x128xf32, #tpu.memory_space<vmem>> -> memref<1x128x128xf32, #tpu.memory_space<vmem>>
    %dma_start3A_709 = tpu.memref_squeeze %dma_start3A_708 : memref<1x128x128xf32, #tpu.memory_space<vmem>> -> memref<128x128xf32, #tpu.memory_space<vmem>>
    %dma_start3A_710 = arith.constant 0 : i32
    %dma_start3A_711 = tpu.memref_slice %arg5[%dma_start3A_703, %dma_start3A_704, %dma_start3A_710] : memref<4x20x128xi32, #tpu.memory_space<vmem>> -> memref<1x1x128xi32, #tpu.memory_space<vmem>>
    %dma_start3A_712 = tpu.memref_squeeze %dma_start3A_711 : memref<1x1x128xi32, #tpu.memory_space<vmem>> -> memref<128xi32, #tpu.memory_space<vmem>>
    %dma_start3A_713 = arith.constant 0 : i32
    %dma_start3A_714 = arith.constant 0 : i32
    %dma_start3A_715 = tpu.memref_slice %arg3[%dma_start3A_713, %dma_start3A_714] : memref<1000000x128xf32, #tpu.memory_space<hbm>> -> memref<1000000x128xf32, #tpu.memory_space<hbm>>
    tpu.enqueue_indirect_dma source(%dma_start3A_715 : memref<1000000x128xf32, #tpu.memory_space<hbm>>) target(%dma_start3A_709 : memref<128x128xf32, #tpu.memory_space<vmem>>) offsets(%dma_start3A_712 : memref<128xi32, #tpu.memory_space<vmem>>) semaphore(%arg9 : memref<!tpu.dma_semaphore, #tpu.memory_space<semaphore_mem>>) {add = true}
    %dma_start3A_716 = arith.constant 2 : i32
    %dma_start3A_717 = arith.constant 5 : i32
    %dma_start3A_718 = arith.constant 2 : i32
    %dma_start3A_719 = arith.constant 0 : i32
    %dma_start3A_720 = arith.constant 0 : i32
    %dma_start3A_721 = tpu.memref_slice %arg6[%dma_start3A_718, %dma_start3A_719, %dma_start3A_720] : memref<4x128x128xf32, #tpu.memory_space<vmem>> -> memref<1x128x128xf32, #tpu.memory_space<vmem>>
    %dma_start3A_722 = tpu.memref_squeeze %dma_start3A_721 : memref<1x128x128xf32, #tpu.memory_space<vmem>> -> memref<128x128xf32, #tpu.memory_space<vmem>>
    %dma_start3A_723 = arith.constant 0 : i32
    %dma_start3A_724 = tpu.memref_slice %arg5[%dma_start3A_716, %dma_start3A_717, %dma_start3A_723] : memref<4x20x128xi32, #tpu.memory_space<vmem>> -> memref<1x1x128xi32, #tpu.memory_space<vmem>>
    %dma_start3A_725 = tpu.memref_squeeze %dma_start3A_724 : memref<1x1x128xi32, #tpu.memory_space<vmem>> -> memref<128xi32, #tpu.memory_space<vmem>>
    %dma_start3A_726 = arith.constant 0 : i32
    %dma_start3A_727 = arith.constant 0 : i32
    %dma_start3A_728 = tpu.memref_slice %arg3[%dma_start3A_726, %dma_start3A_727] : memref<1000000x128xf32, #tpu.memory_space<hbm>> -> memref<1000000x128xf32, #tpu.memory_space<hbm>>
    tpu.enqueue_indirect_dma source(%dma_start3A_728 : memref<1000000x128xf32, #tpu.memory_space<hbm>>) target(%dma_start3A_722 : memref<128x128xf32, #tpu.memory_space<vmem>>) offsets(%dma_start3A_725 : memref<128xi32, #tpu.memory_space<vmem>>) semaphore(%arg9 : memref<!tpu.dma_semaphore, #tpu.memory_space<semaphore_mem>>) {add = true}
    %dma_start3A_729 = arith.constant 2 : i32
    %dma_start3A_730 = arith.constant 6 : i32
    %dma_start3A_731 = arith.constant 2 : i32
    %dma_start3A_732 = arith.constant 0 : i32
    %dma_start3A_733 = arith.constant 0 : i32
    %dma_start3A_734 = tpu.memref_slice %arg6[%dma_start3A_731, %dma_start3A_732, %dma_start3A_733] : memref<4x128x128xf32, #tpu.memory_space<vmem>> -> memref<1x128x128xf32, #tpu.memory_space<vmem>>
    %dma_start3A_735 = tpu.memref_squeeze %dma_start3A_734 : memref<1x128x128xf32, #tpu.memory_space<vmem>> -> memref<128x128xf32, #tpu.memory_space<vmem>>
    %dma_start3A_736 = arith.constant 0 : i32
    %dma_start3A_737 = tpu.memref_slice %arg5[%dma_start3A_729, %dma_start3A_730, %dma_start3A_736] : memref<4x20x128xi32, #tpu.memory_space<vmem>> -> memref<1x1x128xi32, #tpu.memory_space<vmem>>
    %dma_start3A_738 = tpu.memref_squeeze %dma_start3A_737 : memref<1x1x128xi32, #tpu.memory_space<vmem>> -> memref<128xi32, #tpu.memory_space<vmem>>
    %dma_start3A_739 = arith.constant 0 : i32
    %dma_start3A_740 = arith.constant 0 : i32
    %dma_start3A_741 = tpu.memref_slice %arg3[%dma_start3A_739, %dma_start3A_740] : memref<1000000x128xf32, #tpu.memory_space<hbm>> -> memref<1000000x128xf32, #tpu.memory_space<hbm>>
    tpu.enqueue_indirect_dma source(%dma_start3A_741 : memref<1000000x128xf32, #tpu.memory_space<hbm>>) target(%dma_start3A_735 : memref<128x128xf32, #tpu.memory_space<vmem>>) offsets(%dma_start3A_738 : memref<128xi32, #tpu.memory_space<vmem>>) semaphore(%arg9 : memref<!tpu.dma_semaphore, #tpu.memory_space<semaphore_mem>>) {add = true}
    %dma_start3A_742 = arith.constant 2 : i32
    %dma_start3A_743 = arith.constant 7 : i32
    %dma_start3A_744 = arith.constant 2 : i32
    %dma_start3A_745 = arith.constant 0 : i32
    %dma_start3A_746 = arith.constant 0 : i32
    %dma_start3A_747 = tpu.memref_slice %arg6[%dma_start3A_744, %dma_start3A_745, %dma_start3A_746] : memref<4x128x128xf32, #tpu.memory_space<vmem>> -> memref<1x128x128xf32, #tpu.memory_space<vmem>>
    %dma_start3A_748 = tpu.memref_squeeze %dma_start3A_747 : memref<1x128x128xf32, #tpu.memory_space<vmem>> -> memref<128x128xf32, #tpu.memory_space<vmem>>
    %dma_start3A_749 = arith.constant 0 : i32
    %dma_start3A_750 = tpu.memref_slice %arg5[%dma_start3A_742, %dma_start3A_743, %dma_start3A_749] : memref<4x20x128xi32, #tpu.memory_space<vmem>> -> memref<1x1x128xi32, #tpu.memory_space<vmem>>
    %dma_start3A_751 = tpu.memref_squeeze %dma_start3A_750 : memref<1x1x128xi32, #tpu.memory_space<vmem>> -> memref<128xi32, #tpu.memory_space<vmem>>
    %dma_start3A_752 = arith.constant 0 : i32
    %dma_start3A_753 = arith.constant 0 : i32
    %dma_start3A_754 = tpu.memref_slice %arg3[%dma_start3A_752, %dma_start3A_753] : memref<1000000x128xf32, #tpu.memory_space<hbm>> -> memref<1000000x128xf32, #tpu.memory_space<hbm>>
    tpu.enqueue_indirect_dma source(%dma_start3A_754 : memref<1000000x128xf32, #tpu.memory_space<hbm>>) target(%dma_start3A_748 : memref<128x128xf32, #tpu.memory_space<vmem>>) offsets(%dma_start3A_751 : memref<128xi32, #tpu.memory_space<vmem>>) semaphore(%arg9 : memref<!tpu.dma_semaphore, #tpu.memory_space<semaphore_mem>>) {add = true}
    %dma_start3A_755 = arith.constant 2 : i32
    %dma_start3A_756 = arith.constant 8 : i32
    %dma_start3A_757 = arith.constant 2 : i32
    %dma_start3A_758 = arith.constant 0 : i32
    %dma_start3A_759 = arith.constant 0 : i32
    %dma_start3A_760 = tpu.memref_slice %arg6[%dma_start3A_757, %dma_start3A_758, %dma_start3A_759] : memref<4x128x128xf32, #tpu.memory_space<vmem>> -> memref<1x128x128xf32, #tpu.memory_space<vmem>>
    %dma_start3A_761 = tpu.memref_squeeze %dma_start3A_760 : memref<1x128x128xf32, #tpu.memory_space<vmem>> -> memref<128x128xf32, #tpu.memory_space<vmem>>
    %dma_start3A_762 = arith.constant 0 : i32
    %dma_start3A_763 = tpu.memref_slice %arg5[%dma_start3A_755, %dma_start3A_756, %dma_start3A_762] : memref<4x20x128xi32, #tpu.memory_space<vmem>> -> memref<1x1x128xi32, #tpu.memory_space<vmem>>
    %dma_start3A_764 = tpu.memref_squeeze %dma_start3A_763 : memref<1x1x128xi32, #tpu.memory_space<vmem>> -> memref<128xi32, #tpu.memory_space<vmem>>
    %dma_start3A_765 = arith.constant 0 : i32
    %dma_start3A_766 = arith.constant 0 : i32
    %dma_start3A_767 = tpu.memref_slice %arg3[%dma_start3A_765, %dma_start3A_766] : memref<1000000x128xf32, #tpu.memory_space<hbm>> -> memref<1000000x128xf32, #tpu.memory_space<hbm>>
    tpu.enqueue_indirect_dma source(%dma_start3A_767 : memref<1000000x128xf32, #tpu.memory_space<hbm>>) target(%dma_start3A_761 : memref<128x128xf32, #tpu.memory_space<vmem>>) offsets(%dma_start3A_764 : memref<128xi32, #tpu.memory_space<vmem>>) semaphore(%arg9 : memref<!tpu.dma_semaphore, #tpu.memory_space<semaphore_mem>>) {add = true}
    %dma_start3A_768 = arith.constant 2 : i32
    %dma_start3A_769 = arith.constant 9 : i32
    %dma_start3A_770 = arith.constant 2 : i32
    %dma_start3A_771 = arith.constant 0 : i32
    %dma_start3A_772 = arith.constant 0 : i32
    %dma_start3A_773 = tpu.memref_slice %arg6[%dma_start3A_770, %dma_start3A_771, %dma_start3A_772] : memref<4x128x128xf32, #tpu.memory_space<vmem>> -> memref<1x128x128xf32, #tpu.memory_space<vmem>>
    %dma_start3A_774 = tpu.memref_squeeze %dma_start3A_773 : memref<1x128x128xf32, #tpu.memory_space<vmem>> -> memref<128x128xf32, #tpu.memory_space<vmem>>
    %dma_start3A_775 = arith.constant 0 : i32
    %dma_start3A_776 = tpu.memref_slice %arg5[%dma_start3A_768, %dma_start3A_769, %dma_start3A_775] : memref<4x20x128xi32, #tpu.memory_space<vmem>> -> memref<1x1x128xi32, #tpu.memory_space<vmem>>
    %dma_start3A_777 = tpu.memref_squeeze %dma_start3A_776 : memref<1x1x128xi32, #tpu.memory_space<vmem>> -> memref<128xi32, #tpu.memory_space<vmem>>
    %dma_start3A_778 = arith.constant 0 : i32
    %dma_start3A_779 = arith.constant 0 : i32
    %dma_start3A_780 = tpu.memref_slice %arg3[%dma_start3A_778, %dma_start3A_779] : memref<1000000x128xf32, #tpu.memory_space<hbm>> -> memref<1000000x128xf32, #tpu.memory_space<hbm>>
    tpu.enqueue_indirect_dma source(%dma_start3A_780 : memref<1000000x128xf32, #tpu.memory_space<hbm>>) target(%dma_start3A_774 : memref<128x128xf32, #tpu.memory_space<vmem>>) offsets(%dma_start3A_777 : memref<128xi32, #tpu.memory_space<vmem>>) semaphore(%arg9 : memref<!tpu.dma_semaphore, #tpu.memory_space<semaphore_mem>>) {add = true}
    %dma_start3A_781 = arith.constant 2 : i32
    %dma_start3A_782 = arith.constant 10 : i32
    %dma_start3A_783 = arith.constant 2 : i32
    %dma_start3A_784 = arith.constant 0 : i32
    %dma_start3A_785 = arith.constant 0 : i32
    %dma_start3A_786 = tpu.memref_slice %arg6[%dma_start3A_783, %dma_start3A_784, %dma_start3A_785] : memref<4x128x128xf32, #tpu.memory_space<vmem>> -> memref<1x128x128xf32, #tpu.memory_space<vmem>>
    %dma_start3A_787 = tpu.memref_squeeze %dma_start3A_786 : memref<1x128x128xf32, #tpu.memory_space<vmem>> -> memref<128x128xf32, #tpu.memory_space<vmem>>
    %dma_start3A_788 = arith.constant 0 : i32
    %dma_start3A_789 = tpu.memref_slice %arg5[%dma_start3A_781, %dma_start3A_782, %dma_start3A_788] : memref<4x20x128xi32, #tpu.memory_space<vmem>> -> memref<1x1x128xi32, #tpu.memory_space<vmem>>
    %dma_start3A_790 = tpu.memref_squeeze %dma_start3A_789 : memref<1x1x128xi32, #tpu.memory_space<vmem>> -> memref<128xi32, #tpu.memory_space<vmem>>
    %dma_start3A_791 = arith.constant 0 : i32
    %dma_start3A_792 = arith.constant 0 : i32
    %dma_start3A_793 = tpu.memref_slice %arg3[%dma_start3A_791, %dma_start3A_792] : memref<1000000x128xf32, #tpu.memory_space<hbm>> -> memref<1000000x128xf32, #tpu.memory_space<hbm>>
    tpu.enqueue_indirect_dma source(%dma_start3A_793 : memref<1000000x128xf32, #tpu.memory_space<hbm>>) target(%dma_start3A_787 : memref<128x128xf32, #tpu.memory_space<vmem>>) offsets(%dma_start3A_790 : memref<128xi32, #tpu.memory_space<vmem>>) semaphore(%arg9 : memref<!tpu.dma_semaphore, #tpu.memory_space<semaphore_mem>>) {add = true}
    %dma_start3A_794 = arith.constant 2 : i32
    %dma_start3A_795 = arith.constant 11 : i32
    %dma_start3A_796 = arith.constant 2 : i32
    %dma_start3A_797 = arith.constant 0 : i32
    %dma_start3A_798 = arith.constant 0 : i32
    %dma_start3A_799 = tpu.memref_slice %arg6[%dma_start3A_796, %dma_start3A_797, %dma_start3A_798] : memref<4x128x128xf32, #tpu.memory_space<vmem>> -> memref<1x128x128xf32, #tpu.memory_space<vmem>>
    %dma_start3A_800 = tpu.memref_squeeze %dma_start3A_799 : memref<1x128x128xf32, #tpu.memory_space<vmem>> -> memref<128x128xf32, #tpu.memory_space<vmem>>
    %dma_start3A_801 = arith.constant 0 : i32
    %dma_start3A_802 = tpu.memref_slice %arg5[%dma_start3A_794, %dma_start3A_795, %dma_start3A_801] : memref<4x20x128xi32, #tpu.memory_space<vmem>> -> memref<1x1x128xi32, #tpu.memory_space<vmem>>
    %dma_start3A_803 = tpu.memref_squeeze %dma_start3A_802 : memref<1x1x128xi32, #tpu.memory_space<vmem>> -> memref<128xi32, #tpu.memory_space<vmem>>
    %dma_start3A_804 = arith.constant 0 : i32
    %dma_start3A_805 = arith.constant 0 : i32
    %dma_start3A_806 = tpu.memref_slice %arg3[%dma_start3A_804, %dma_start3A_805] : memref<1000000x128xf32, #tpu.memory_space<hbm>> -> memref<1000000x128xf32, #tpu.memory_space<hbm>>
    tpu.enqueue_indirect_dma source(%dma_start3A_806 : memref<1000000x128xf32, #tpu.memory_space<hbm>>) target(%dma_start3A_800 : memref<128x128xf32, #tpu.memory_space<vmem>>) offsets(%dma_start3A_803 : memref<128xi32, #tpu.memory_space<vmem>>) semaphore(%arg9 : memref<!tpu.dma_semaphore, #tpu.memory_space<semaphore_mem>>) {add = true}
    %dma_start3A_807 = arith.constant 2 : i32
    %dma_start3A_808 = arith.constant 12 : i32
    %dma_start3A_809 = arith.constant 2 : i32
    %dma_start3A_810 = arith.constant 0 : i32
    %dma_start3A_811 = arith.constant 0 : i32
    %dma_start3A_812 = tpu.memref_slice %arg6[%dma_start3A_809, %dma_start3A_810, %dma_start3A_811] : memref<4x128x128xf32, #tpu.memory_space<vmem>> -> memref<1x128x128xf32, #tpu.memory_space<vmem>>
    %dma_start3A_813 = tpu.memref_squeeze %dma_start3A_812 : memref<1x128x128xf32, #tpu.memory_space<vmem>> -> memref<128x128xf32, #tpu.memory_space<vmem>>
    %dma_start3A_814 = arith.constant 0 : i32
    %dma_start3A_815 = tpu.memref_slice %arg5[%dma_start3A_807, %dma_start3A_808, %dma_start3A_814] : memref<4x20x128xi32, #tpu.memory_space<vmem>> -> memref<1x1x128xi32, #tpu.memory_space<vmem>>
    %dma_start3A_816 = tpu.memref_squeeze %dma_start3A_815 : memref<1x1x128xi32, #tpu.memory_space<vmem>> -> memref<128xi32, #tpu.memory_space<vmem>>
    %dma_start3A_817 = arith.constant 0 : i32
    %dma_start3A_818 = arith.constant 0 : i32
    %dma_start3A_819 = tpu.memref_slice %arg3[%dma_start3A_817, %dma_start3A_818] : memref<1000000x128xf32, #tpu.memory_space<hbm>> -> memref<1000000x128xf32, #tpu.memory_space<hbm>>
    tpu.enqueue_indirect_dma source(%dma_start3A_819 : memref<1000000x128xf32, #tpu.memory_space<hbm>>) target(%dma_start3A_813 : memref<128x128xf32, #tpu.memory_space<vmem>>) offsets(%dma_start3A_816 : memref<128xi32, #tpu.memory_space<vmem>>) semaphore(%arg9 : memref<!tpu.dma_semaphore, #tpu.memory_space<semaphore_mem>>) {add = true}
    %dma_start3A_820 = arith.constant 2 : i32
    %dma_start3A_821 = arith.constant 13 : i32
    %dma_start3A_822 = arith.constant 2 : i32
    %dma_start3A_823 = arith.constant 0 : i32
    %dma_start3A_824 = arith.constant 0 : i32
    %dma_start3A_825 = tpu.memref_slice %arg6[%dma_start3A_822, %dma_start3A_823, %dma_start3A_824] : memref<4x128x128xf32, #tpu.memory_space<vmem>> -> memref<1x128x128xf32, #tpu.memory_space<vmem>>
    %dma_start3A_826 = tpu.memref_squeeze %dma_start3A_825 : memref<1x128x128xf32, #tpu.memory_space<vmem>> -> memref<128x128xf32, #tpu.memory_space<vmem>>
    %dma_start3A_827 = arith.constant 0 : i32
    %dma_start3A_828 = tpu.memref_slice %arg5[%dma_start3A_820, %dma_start3A_821, %dma_start3A_827] : memref<4x20x128xi32, #tpu.memory_space<vmem>> -> memref<1x1x128xi32, #tpu.memory_space<vmem>>
    %dma_start3A_829 = tpu.memref_squeeze %dma_start3A_828 : memref<1x1x128xi32, #tpu.memory_space<vmem>> -> memref<128xi32, #tpu.memory_space<vmem>>
    %dma_start3A_830 = arith.constant 0 : i32
    %dma_start3A_831 = arith.constant 0 : i32
    %dma_start3A_832 = tpu.memref_slice %arg3[%dma_start3A_830, %dma_start3A_831] : memref<1000000x128xf32, #tpu.memory_space<hbm>> -> memref<1000000x128xf32, #tpu.memory_space<hbm>>
    tpu.enqueue_indirect_dma source(%dma_start3A_832 : memref<1000000x128xf32, #tpu.memory_space<hbm>>) target(%dma_start3A_826 : memref<128x128xf32, #tpu.memory_space<vmem>>) offsets(%dma_start3A_829 : memref<128xi32, #tpu.memory_space<vmem>>) semaphore(%arg9 : memref<!tpu.dma_semaphore, #tpu.memory_space<semaphore_mem>>) {add = true}
    %dma_start3A_833 = arith.constant 2 : i32
    %dma_start3A_834 = arith.constant 14 : i32
    %dma_start3A_835 = arith.constant 2 : i32
    %dma_start3A_836 = arith.constant 0 : i32
    %dma_start3A_837 = arith.constant 0 : i32
    %dma_start3A_838 = tpu.memref_slice %arg6[%dma_start3A_835, %dma_start3A_836, %dma_start3A_837] : memref<4x128x128xf32, #tpu.memory_space<vmem>> -> memref<1x128x128xf32, #tpu.memory_space<vmem>>
    %dma_start3A_839 = tpu.memref_squeeze %dma_start3A_838 : memref<1x128x128xf32, #tpu.memory_space<vmem>> -> memref<128x128xf32, #tpu.memory_space<vmem>>
    %dma_start3A_840 = arith.constant 0 : i32
    %dma_start3A_841 = tpu.memref_slice %arg5[%dma_start3A_833, %dma_start3A_834, %dma_start3A_840] : memref<4x20x128xi32, #tpu.memory_space<vmem>> -> memref<1x1x128xi32, #tpu.memory_space<vmem>>
    %dma_start3A_842 = tpu.memref_squeeze %dma_start3A_841 : memref<1x1x128xi32, #tpu.memory_space<vmem>> -> memref<128xi32, #tpu.memory_space<vmem>>
    %dma_start3A_843 = arith.constant 0 : i32
    %dma_start3A_844 = arith.constant 0 : i32
    %dma_start3A_845 = tpu.memref_slice %arg3[%dma_start3A_843, %dma_start3A_844] : memref<1000000x128xf32, #tpu.memory_space<hbm>> -> memref<1000000x128xf32, #tpu.memory_space<hbm>>
    tpu.enqueue_indirect_dma source(%dma_start3A_845 : memref<1000000x128xf32, #tpu.memory_space<hbm>>) target(%dma_start3A_839 : memref<128x128xf32, #tpu.memory_space<vmem>>) offsets(%dma_start3A_842 : memref<128xi32, #tpu.memory_space<vmem>>) semaphore(%arg9 : memref<!tpu.dma_semaphore, #tpu.memory_space<semaphore_mem>>) {add = true}
    %dma_start3A_846 = arith.constant 2 : i32
    %dma_start3A_847 = arith.constant 15 : i32
    %dma_start3A_848 = arith.constant 2 : i32
    %dma_start3A_849 = arith.constant 0 : i32
    %dma_start3A_850 = arith.constant 0 : i32
    %dma_start3A_851 = tpu.memref_slice %arg6[%dma_start3A_848, %dma_start3A_849, %dma_start3A_850] : memref<4x128x128xf32, #tpu.memory_space<vmem>> -> memref<1x128x128xf32, #tpu.memory_space<vmem>>
    %dma_start3A_852 = tpu.memref_squeeze %dma_start3A_851 : memref<1x128x128xf32, #tpu.memory_space<vmem>> -> memref<128x128xf32, #tpu.memory_space<vmem>>
    %dma_start3A_853 = arith.constant 0 : i32
    %dma_start3A_854 = tpu.memref_slice %arg5[%dma_start3A_846, %dma_start3A_847, %dma_start3A_853] : memref<4x20x128xi32, #tpu.memory_space<vmem>> -> memref<1x1x128xi32, #tpu.memory_space<vmem>>
    %dma_start3A_855 = tpu.memref_squeeze %dma_start3A_854 : memref<1x1x128xi32, #tpu.memory_space<vmem>> -> memref<128xi32, #tpu.memory_space<vmem>>
    %dma_start3A_856 = arith.constant 0 : i32
    %dma_start3A_857 = arith.constant 0 : i32
    %dma_start3A_858 = tpu.memref_slice %arg3[%dma_start3A_856, %dma_start3A_857] : memref<1000000x128xf32, #tpu.memory_space<hbm>> -> memref<1000000x128xf32, #tpu.memory_space<hbm>>
    tpu.enqueue_indirect_dma source(%dma_start3A_858 : memref<1000000x128xf32, #tpu.memory_space<hbm>>) target(%dma_start3A_852 : memref<128x128xf32, #tpu.memory_space<vmem>>) offsets(%dma_start3A_855 : memref<128xi32, #tpu.memory_space<vmem>>) semaphore(%arg9 : memref<!tpu.dma_semaphore, #tpu.memory_space<semaphore_mem>>) {add = true}
    %dma_start3A_859 = arith.constant 2 : i32
    %dma_start3A_860 = arith.constant 16 : i32
    %dma_start3A_861 = arith.constant 2 : i32
    %dma_start3A_862 = arith.constant 0 : i32
    %dma_start3A_863 = arith.constant 0 : i32
    %dma_start3A_864 = tpu.memref_slice %arg6[%dma_start3A_861, %dma_start3A_862, %dma_start3A_863] : memref<4x128x128xf32, #tpu.memory_space<vmem>> -> memref<1x128x128xf32, #tpu.memory_space<vmem>>
    %dma_start3A_865 = tpu.memref_squeeze %dma_start3A_864 : memref<1x128x128xf32, #tpu.memory_space<vmem>> -> memref<128x128xf32, #tpu.memory_space<vmem>>
    %dma_start3A_866 = arith.constant 0 : i32
    %dma_start3A_867 = tpu.memref_slice %arg5[%dma_start3A_859, %dma_start3A_860, %dma_start3A_866] : memref<4x20x128xi32, #tpu.memory_space<vmem>> -> memref<1x1x128xi32, #tpu.memory_space<vmem>>
    %dma_start3A_868 = tpu.memref_squeeze %dma_start3A_867 : memref<1x1x128xi32, #tpu.memory_space<vmem>> -> memref<128xi32, #tpu.memory_space<vmem>>
    %dma_start3A_869 = arith.constant 0 : i32
    %dma_start3A_870 = arith.constant 0 : i32
    %dma_start3A_871 = tpu.memref_slice %arg3[%dma_start3A_869, %dma_start3A_870] : memref<1000000x128xf32, #tpu.memory_space<hbm>> -> memref<1000000x128xf32, #tpu.memory_space<hbm>>
    tpu.enqueue_indirect_dma source(%dma_start3A_871 : memref<1000000x128xf32, #tpu.memory_space<hbm>>) target(%dma_start3A_865 : memref<128x128xf32, #tpu.memory_space<vmem>>) offsets(%dma_start3A_868 : memref<128xi32, #tpu.memory_space<vmem>>) semaphore(%arg9 : memref<!tpu.dma_semaphore, #tpu.memory_space<semaphore_mem>>) {add = true}
    %dma_start3A_872 = arith.constant 2 : i32
    %dma_start3A_873 = arith.constant 17 : i32
    %dma_start3A_874 = arith.constant 2 : i32
    %dma_start3A_875 = arith.constant 0 : i32
    %dma_start3A_876 = arith.constant 0 : i32
    %dma_start3A_877 = tpu.memref_slice %arg6[%dma_start3A_874, %dma_start3A_875, %dma_start3A_876] : memref<4x128x128xf32, #tpu.memory_space<vmem>> -> memref<1x128x128xf32, #tpu.memory_space<vmem>>
    %dma_start3A_878 = tpu.memref_squeeze %dma_start3A_877 : memref<1x128x128xf32, #tpu.memory_space<vmem>> -> memref<128x128xf32, #tpu.memory_space<vmem>>
    %dma_start3A_879 = arith.constant 0 : i32
    %dma_start3A_880 = tpu.memref_slice %arg5[%dma_start3A_872, %dma_start3A_873, %dma_start3A_879] : memref<4x20x128xi32, #tpu.memory_space<vmem>> -> memref<1x1x128xi32, #tpu.memory_space<vmem>>
    %dma_start3A_881 = tpu.memref_squeeze %dma_start3A_880 : memref<1x1x128xi32, #tpu.memory_space<vmem>> -> memref<128xi32, #tpu.memory_space<vmem>>
    %dma_start3A_882 = arith.constant 0 : i32
    %dma_start3A_883 = arith.constant 0 : i32
    %dma_start3A_884 = tpu.memref_slice %arg3[%dma_start3A_882, %dma_start3A_883] : memref<1000000x128xf32, #tpu.memory_space<hbm>> -> memref<1000000x128xf32, #tpu.memory_space<hbm>>
    tpu.enqueue_indirect_dma source(%dma_start3A_884 : memref<1000000x128xf32, #tpu.memory_space<hbm>>) target(%dma_start3A_878 : memref<128x128xf32, #tpu.memory_space<vmem>>) offsets(%dma_start3A_881 : memref<128xi32, #tpu.memory_space<vmem>>) semaphore(%arg9 : memref<!tpu.dma_semaphore, #tpu.memory_space<semaphore_mem>>) {add = true}
    %dma_start3A_885 = arith.constant 2 : i32
    %dma_start3A_886 = arith.constant 18 : i32
    %dma_start3A_887 = arith.constant 2 : i32
    %dma_start3A_888 = arith.constant 0 : i32
    %dma_start3A_889 = arith.constant 0 : i32
    %dma_start3A_890 = tpu.memref_slice %arg6[%dma_start3A_887, %dma_start3A_888, %dma_start3A_889] : memref<4x128x128xf32, #tpu.memory_space<vmem>> -> memref<1x128x128xf32, #tpu.memory_space<vmem>>
    %dma_start3A_891 = tpu.memref_squeeze %dma_start3A_890 : memref<1x128x128xf32, #tpu.memory_space<vmem>> -> memref<128x128xf32, #tpu.memory_space<vmem>>
    %dma_start3A_892 = arith.constant 0 : i32
    %dma_start3A_893 = tpu.memref_slice %arg5[%dma_start3A_885, %dma_start3A_886, %dma_start3A_892] : memref<4x20x128xi32, #tpu.memory_space<vmem>> -> memref<1x1x128xi32, #tpu.memory_space<vmem>>
    %dma_start3A_894 = tpu.memref_squeeze %dma_start3A_893 : memref<1x1x128xi32, #tpu.memory_space<vmem>> -> memref<128xi32, #tpu.memory_space<vmem>>
    %dma_start3A_895 = arith.constant 0 : i32
    %dma_start3A_896 = arith.constant 0 : i32
    %dma_start3A_897 = tpu.memref_slice %arg3[%dma_start3A_895, %dma_start3A_896] : memref<1000000x128xf32, #tpu.memory_space<hbm>> -> memref<1000000x128xf32, #tpu.memory_space<hbm>>
    tpu.enqueue_indirect_dma source(%dma_start3A_897 : memref<1000000x128xf32, #tpu.memory_space<hbm>>) target(%dma_start3A_891 : memref<128x128xf32, #tpu.memory_space<vmem>>) offsets(%dma_start3A_894 : memref<128xi32, #tpu.memory_space<vmem>>) semaphore(%arg9 : memref<!tpu.dma_semaphore, #tpu.memory_space<semaphore_mem>>) {add = true}
    %dma_start3A_898 = arith.constant 2 : i32
    %dma_start3A_899 = arith.constant 19 : i32
    %dma_start3A_900 = arith.constant 2 : i32
    %dma_start3A_901 = arith.constant 0 : i32
    %dma_start3A_902 = arith.constant 0 : i32
    %dma_start3A_903 = tpu.memref_slice %arg6[%dma_start3A_900, %dma_start3A_901, %dma_start3A_902] : memref<4x128x128xf32, #tpu.memory_space<vmem>> -> memref<1x128x128xf32, #tpu.memory_space<vmem>>
    %dma_start3A_904 = tpu.memref_squeeze %dma_start3A_903 : memref<1x128x128xf32, #tpu.memory_space<vmem>> -> memref<128x128xf32, #tpu.memory_space<vmem>>
    %dma_start3A_905 = arith.constant 0 : i32
    %dma_start3A_906 = tpu.memref_slice %arg5[%dma_start3A_898, %dma_start3A_899, %dma_start3A_905] : memref<4x20x128xi32, #tpu.memory_space<vmem>> -> memref<1x1x128xi32, #tpu.memory_space<vmem>>
    %dma_start3A_907 = tpu.memref_squeeze %dma_start3A_906 : memref<1x1x128xi32, #tpu.memory_space<vmem>> -> memref<128xi32, #tpu.memory_space<vmem>>
    %dma_start3A_908 = arith.constant 0 : i32
    %dma_start3A_909 = arith.constant 0 : i32
    %dma_start3A_910 = tpu.memref_slice %arg3[%dma_start3A_908, %dma_start3A_909] : memref<1000000x128xf32, #tpu.memory_space<hbm>> -> memref<1000000x128xf32, #tpu.memory_space<hbm>>
    tpu.enqueue_indirect_dma source(%dma_start3A_910 : memref<1000000x128xf32, #tpu.memory_space<hbm>>) target(%dma_start3A_904 : memref<128x128xf32, #tpu.memory_space<vmem>>) offsets(%dma_start3A_907 : memref<128xi32, #tpu.memory_space<vmem>>) semaphore(%arg9 : memref<!tpu.dma_semaphore, #tpu.memory_space<semaphore_mem>>) {add = true}
    %scan3A_911 = arith.constant 0 : i32
    %scan3A_912 = arith.constant 0 : i32
    %scan3A_913 = arith.constant 128 : i32
    %scan3A_914 = arith.addi %scan3A_912, %scan3A_913 : i32
    %scan3A_915 = arith.constant 1 : i32
    scf.for %scan3A_2382 = %scan3A_912 to %scan3A_914 step %scan3A_915  : i32 {
      %broadcast_in_dim3A = arith.constant 0.000000e+00 : f32
      %broadcast_in_dim3A_2383 = vector.broadcast %broadcast_in_dim3A : f32 to vector<16xf32>
      %swap3A = arith.constant 3 : i32
      %swap3A_2384 = arith.index_cast %swap3A : i32 to index
      %swap3A_2385 = arith.index_cast %scan3A_2382 : i32 to index
      %swap3A_2386 = arith.constant 0 : index
      %swap3A_2387 = tpu.vector_load %arg6[%swap3A_2384, %swap3A_2385, %swap3A_2386] {strides = array<i32>} : memref<4x128x128xf32, #tpu.memory_space<vmem>>, vector<1x1x16xf32>,
      %swap3A_2388 = vector.shape_cast %swap3A_2387 : vector<1x1x16xf32> to vector<16xf32>
      %swap3A_2389 = vector.shape_cast %broadcast_in_dim3A_2383 : vector<16xf32> to vector<1x1x16xf32>
      tpu.vector_store %arg6[%swap3A_2384, %swap3A_2385, %swap3A_2386], %swap3A_2389 {strides = array<i32>} : memref<4x128x128xf32, #tpu.memory_space<vmem>>, vector<1x1x16xf32>,
      %broadcast_in_dim3A_2390 = arith.constant 0.000000e+00 : f32
      %broadcast_in_dim3A_2391 = vector.broadcast %broadcast_in_dim3A_2390 : f32 to vector<16xf32>
      %swap3A_2392 = arith.constant 3 : i32
      %swap3A_2393 = arith.index_cast %swap3A_2392 : i32 to index
      %swap3A_2394 = arith.index_cast %scan3A_2382 : i32 to index
      %swap3A_2395 = arith.constant 16 : index
      %swap3A_2396 = tpu.vector_load %arg6[%swap3A_2393, %swap3A_2394, %swap3A_2395] {strides = array<i32>} : memref<4x128x128xf32, #tpu.memory_space<vmem>>, vector<1x1x16xf32>,
      %swap3A_2397 = vector.shape_cast %swap3A_2396 : vector<1x1x16xf32> to vector<16xf32>
      %swap3A_2398 = vector.shape_cast %broadcast_in_dim3A_2391 : vector<16xf32> to vector<1x1x16xf32>
      tpu.vector_store %arg6[%swap3A_2393, %swap3A_2394, %swap3A_2395], %swap3A_2398 {strides = array<i32>} : memref<4x128x128xf32, #tpu.memory_space<vmem>>, vector<1x1x16xf32>,
      %broadcast_in_dim3A_2399 = arith.constant 0.000000e+00 : f32
      %broadcast_in_dim3A_2400 = vector.broadcast %broadcast_in_dim3A_2399 : f32 to vector<16xf32>
      %swap3A_2401 = arith.constant 3 : i32
      %swap3A_2402 = arith.index_cast %swap3A_2401 : i32 to index
      %swap3A_2403 = arith.index_cast %scan3A_2382 : i32 to index
      %swap3A_2404 = arith.constant 32 : index
      %swap3A_2405 = tpu.vector_load %arg6[%swap3A_2402, %swap3A_2403, %swap3A_2404] {strides = array<i32>} : memref<4x128x128xf32, #tpu.memory_space<vmem>>, vector<1x1x16xf32>,
      %swap3A_2406 = vector.shape_cast %swap3A_2405 : vector<1x1x16xf32> to vector<16xf32>
      %swap3A_2407 = vector.shape_cast %broadcast_in_dim3A_2400 : vector<16xf32> to vector<1x1x16xf32>
      tpu.vector_store %arg6[%swap3A_2402, %swap3A_2403, %swap3A_2404], %swap3A_2407 {strides = array<i32>} : memref<4x128x128xf32, #tpu.memory_space<vmem>>, vector<1x1x16xf32>,
      %broadcast_in_dim3A_2408 = arith.constant 0.000000e+00 : f32
      %broadcast_in_dim3A_2409 = vector.broadcast %broadcast_in_dim3A_2408 : f32 to vector<16xf32>
      %swap3A_2410 = arith.constant 3 : i32
      %swap3A_2411 = arith.index_cast %swap3A_2410 : i32 to index
      %swap3A_2412 = arith.index_cast %scan3A_2382 : i32 to index
      %swap3A_2413 = arith.constant 48 : index
      %swap3A_2414 = tpu.vector_load %arg6[%swap3A_2411, %swap3A_2412, %swap3A_2413] {strides = array<i32>} : memref<4x128x128xf32, #tpu.memory_space<vmem>>, vector<1x1x16xf32>,
      %swap3A_2415 = vector.shape_cast %swap3A_2414 : vector<1x1x16xf32> to vector<16xf32>
      %swap3A_2416 = vector.shape_cast %broadcast_in_dim3A_2409 : vector<16xf32> to vector<1x1x16xf32>
      tpu.vector_store %arg6[%swap3A_2411, %swap3A_2412, %swap3A_2413], %swap3A_2416 {strides = array<i32>} : memref<4x128x128xf32, #tpu.memory_space<vmem>>, vector<1x1x16xf32>,
      %broadcast_in_dim3A_2417 = arith.constant 0.000000e+00 : f32
      %broadcast_in_dim3A_2418 = vector.broadcast %broadcast_in_dim3A_2417 : f32 to vector<16xf32>
      %swap3A_2419 = arith.constant 3 : i32
      %swap3A_2420 = arith.index_cast %swap3A_2419 : i32 to index
      %swap3A_2421 = arith.index_cast %scan3A_2382 : i32 to index
      %swap3A_2422 = arith.constant 64 : index
      %swap3A_2423 = tpu.vector_load %arg6[%swap3A_2420, %swap3A_2421, %swap3A_2422] {strides = array<i32>} : memref<4x128x128xf32, #tpu.memory_space<vmem>>, vector<1x1x16xf32>,
      %swap3A_2424 = vector.shape_cast %swap3A_2423 : vector<1x1x16xf32> to vector<16xf32>
      %swap3A_2425 = vector.shape_cast %broadcast_in_dim3A_2418 : vector<16xf32> to vector<1x1x16xf32>
      tpu.vector_store %arg6[%swap3A_2420, %swap3A_2421, %swap3A_2422], %swap3A_2425 {strides = array<i32>} : memref<4x128x128xf32, #tpu.memory_space<vmem>>, vector<1x1x16xf32>,
      %broadcast_in_dim3A_2426 = arith.constant 0.000000e+00 : f32
      %broadcast_in_dim3A_2427 = vector.broadcast %broadcast_in_dim3A_2426 : f32 to vector<16xf32>
      %swap3A_2428 = arith.constant 3 : i32
      %swap3A_2429 = arith.index_cast %swap3A_2428 : i32 to index
      %swap3A_2430 = arith.index_cast %scan3A_2382 : i32 to index
      %swap3A_2431 = arith.constant 80 : index
      %swap3A_2432 = tpu.vector_load %arg6[%swap3A_2429, %swap3A_2430, %swap3A_2431] {strides = array<i32>} : memref<4x128x128xf32, #tpu.memory_space<vmem>>, vector<1x1x16xf32>,
      %swap3A_2433 = vector.shape_cast %swap3A_2432 : vector<1x1x16xf32> to vector<16xf32>
      %swap3A_2434 = vector.shape_cast %broadcast_in_dim3A_2427 : vector<16xf32> to vector<1x1x16xf32>
      tpu.vector_store %arg6[%swap3A_2429, %swap3A_2430, %swap3A_2431], %swap3A_2434 {strides = array<i32>} : memref<4x128x128xf32, #tpu.memory_space<vmem>>, vector<1x1x16xf32>,
      %broadcast_in_dim3A_2435 = arith.constant 0.000000e+00 : f32
      %broadcast_in_dim3A_2436 = vector.broadcast %broadcast_in_dim3A_2435 : f32 to vector<16xf32>
      %swap3A_2437 = arith.constant 3 : i32
      %swap3A_2438 = arith.index_cast %swap3A_2437 : i32 to index
      %swap3A_2439 = arith.index_cast %scan3A_2382 : i32 to index
      %swap3A_2440 = arith.constant 96 : index
      %swap3A_2441 = tpu.vector_load %arg6[%swap3A_2438, %swap3A_2439, %swap3A_2440] {strides = array<i32>} : memref<4x128x128xf32, #tpu.memory_space<vmem>>, vector<1x1x16xf32>,
      %swap3A_2442 = vector.shape_cast %swap3A_2441 : vector<1x1x16xf32> to vector<16xf32>
      %swap3A_2443 = vector.shape_cast %broadcast_in_dim3A_2436 : vector<16xf32> to vector<1x1x16xf32>
      tpu.vector_store %arg6[%swap3A_2438, %swap3A_2439, %swap3A_2440], %swap3A_2443 {strides = array<i32>} : memref<4x128x128xf32, #tpu.memory_space<vmem>>, vector<1x1x16xf32>,
      %broadcast_in_dim3A_2444 = arith.constant 0.000000e+00 : f32
      %broadcast_in_dim3A_2445 = vector.broadcast %broadcast_in_dim3A_2444 : f32 to vector<16xf32>
      %swap3A_2446 = arith.constant 3 : i32
      %swap3A_2447 = arith.index_cast %swap3A_2446 : i32 to index
      %swap3A_2448 = arith.index_cast %scan3A_2382 : i32 to index
      %swap3A_2449 = arith.constant 112 : index
      %swap3A_2450 = tpu.vector_load %arg6[%swap3A_2447, %swap3A_2448, %swap3A_2449] {strides = array<i32>} : memref<4x128x128xf32, #tpu.memory_space<vmem>>, vector<1x1x16xf32>,
      %swap3A_2451 = vector.shape_cast %swap3A_2450 : vector<1x1x16xf32> to vector<16xf32>
      %swap3A_2452 = vector.shape_cast %broadcast_in_dim3A_2445 : vector<16xf32> to vector<1x1x16xf32>
      tpu.vector_store %arg6[%swap3A_2447, %swap3A_2448, %swap3A_2449], %swap3A_2452 {strides = array<i32>} : memref<4x128x128xf32, #tpu.memory_space<vmem>>, vector<1x1x16xf32>,
    }
    %scan3A_916 = arith.constant 128 : i32
    %dma_wait3A_917 = arith.constant 3 : i32
    %dma_wait3A_918 = arith.constant 0 : i32
    %dma_wait3A_919 = arith.constant 0 : i32
    %dma_wait3A_920 = tpu.memref_slice %arg5[%dma_wait3A_917, %dma_wait3A_918, %dma_wait3A_919] : memref<4x20x128xi32, #tpu.memory_space<vmem>> -> memref<1x20x128xi32, #tpu.memory_space<vmem>>
    %dma_wait3A_921 = tpu.memref_squeeze %dma_wait3A_920 : memref<1x20x128xi32, #tpu.memory_space<vmem>> -> memref<20x128xi32, #tpu.memory_space<vmem>>
    %dma_wait3A_922 = arith.constant 0 : i32
    %dma_wait3A_923 = tpu.memref_slice %arg2[%dma_wait3A_922, %mul3A_62] : memref<20x16384xi32, #tpu.memory_space<hbm>> -> memref<20x128xi32, #tpu.memory_space<hbm>>
    %dma_wait3A_924 = arith.constant 0 : i32
    %dma_wait3A_925 = arith.constant 0 : i32
    %dma_wait3A_926 = tpu.memref_slice %arg5[%dma_wait3A_917, %dma_wait3A_924, %dma_wait3A_925] : memref<4x20x128xi32, #tpu.memory_space<vmem>> -> memref<1x20x128xi32, #tpu.memory_space<vmem>>
    %dma_wait3A_927 = tpu.memref_squeeze %dma_wait3A_926 : memref<1x20x128xi32, #tpu.memory_space<vmem>> -> memref<20x128xi32, #tpu.memory_space<vmem>>
    %dma_wait3A_928 = arith.constant 0 : i32
    %dma_wait3A_929 = tpu.memref_slice %arg2[%dma_wait3A_928, %mul3A_62] : memref<20x16384xi32, #tpu.memory_space<hbm>> -> memref<20x128xi32, #tpu.memory_space<hbm>>
    tpu.wait_dma2 semaphore(%arg10 : memref<!tpu.dma_semaphore, #tpu.memory_space<semaphore_mem>>) src(%dma_wait3A_929 : memref<20x128xi32, #tpu.memory_space<hbm>>) dst(%dma_wait3A_927 : memref<20x128xi32, #tpu.memory_space<vmem>>)
    %dma_start3A_930 = arith.constant 3 : i32
    %dma_start3A_931 = arith.constant 0 : i32
    %dma_start3A_932 = arith.constant 3 : i32
    %dma_start3A_933 = arith.constant 0 : i32
    %dma_start3A_934 = arith.constant 0 : i32
    %dma_start3A_935 = tpu.memref_slice %arg6[%dma_start3A_932, %dma_start3A_933, %dma_start3A_934] : memref<4x128x128xf32, #tpu.memory_space<vmem>> -> memref<1x128x128xf32, #tpu.memory_space<vmem>>
    %dma_start3A_936 = tpu.memref_squeeze %dma_start3A_935 : memref<1x128x128xf32, #tpu.memory_space<vmem>> -> memref<128x128xf32, #tpu.memory_space<vmem>>
    %dma_start3A_937 = arith.constant 0 : i32
    %dma_start3A_938 = tpu.memref_slice %arg5[%dma_start3A_930, %dma_start3A_931, %dma_start3A_937] : memref<4x20x128xi32, #tpu.memory_space<vmem>> -> memref<1x1x128xi32, #tpu.memory_space<vmem>>
    %dma_start3A_939 = tpu.memref_squeeze %dma_start3A_938 : memref<1x1x128xi32, #tpu.memory_space<vmem>> -> memref<128xi32, #tpu.memory_space<vmem>>
    %dma_start3A_940 = arith.constant 0 : i32
    %dma_start3A_941 = arith.constant 0 : i32
    %dma_start3A_942 = tpu.memref_slice %arg3[%dma_start3A_940, %dma_start3A_941] : memref<1000000x128xf32, #tpu.memory_space<hbm>> -> memref<1000000x128xf32, #tpu.memory_space<hbm>>
    tpu.enqueue_indirect_dma source(%dma_start3A_942 : memref<1000000x128xf32, #tpu.memory_space<hbm>>) target(%dma_start3A_936 : memref<128x128xf32, #tpu.memory_space<vmem>>) offsets(%dma_start3A_939 : memref<128xi32, #tpu.memory_space<vmem>>) semaphore(%arg10 : memref<!tpu.dma_semaphore, #tpu.memory_space<semaphore_mem>>) {add = true}
    %dma_start3A_943 = arith.constant 3 : i32
    %dma_start3A_944 = arith.constant 1 : i32
    %dma_start3A_945 = arith.constant 3 : i32
    %dma_start3A_946 = arith.constant 0 : i32
    %dma_start3A_947 = arith.constant 0 : i32
    %dma_start3A_948 = tpu.memref_slice %arg6[%dma_start3A_945, %dma_start3A_946, %dma_start3A_947] : memref<4x128x128xf32, #tpu.memory_space<vmem>> -> memref<1x128x128xf32, #tpu.memory_space<vmem>>
    %dma_start3A_949 = tpu.memref_squeeze %dma_start3A_948 : memref<1x128x128xf32, #tpu.memory_space<vmem>> -> memref<128x128xf32, #tpu.memory_space<vmem>>
    %dma_start3A_950 = arith.constant 0 : i32
    %dma_start3A_951 = tpu.memref_slice %arg5[%dma_start3A_943, %dma_start3A_944, %dma_start3A_950] : memref<4x20x128xi32, #tpu.memory_space<vmem>> -> memref<1x1x128xi32, #tpu.memory_space<vmem>>
    %dma_start3A_952 = tpu.memref_squeeze %dma_start3A_951 : memref<1x1x128xi32, #tpu.memory_space<vmem>> -> memref<128xi32, #tpu.memory_space<vmem>>
    %dma_start3A_953 = arith.constant 0 : i32
    %dma_start3A_954 = arith.constant 0 : i32
    %dma_start3A_955 = tpu.memref_slice %arg3[%dma_start3A_953, %dma_start3A_954] : memref<1000000x128xf32, #tpu.memory_space<hbm>> -> memref<1000000x128xf32, #tpu.memory_space<hbm>>
    tpu.enqueue_indirect_dma source(%dma_start3A_955 : memref<1000000x128xf32, #tpu.memory_space<hbm>>) target(%dma_start3A_949 : memref<128x128xf32, #tpu.memory_space<vmem>>) offsets(%dma_start3A_952 : memref<128xi32, #tpu.memory_space<vmem>>) semaphore(%arg10 : memref<!tpu.dma_semaphore, #tpu.memory_space<semaphore_mem>>) {add = true}
    %dma_start3A_956 = arith.constant 3 : i32
    %dma_start3A_957 = arith.constant 2 : i32
    %dma_start3A_958 = arith.constant 3 : i32
    %dma_start3A_959 = arith.constant 0 : i32
    %dma_start3A_960 = arith.constant 0 : i32
    %dma_start3A_961 = tpu.memref_slice %arg6[%dma_start3A_958, %dma_start3A_959, %dma_start3A_960] : memref<4x128x128xf32, #tpu.memory_space<vmem>> -> memref<1x128x128xf32, #tpu.memory_space<vmem>>
    %dma_start3A_962 = tpu.memref_squeeze %dma_start3A_961 : memref<1x128x128xf32, #tpu.memory_space<vmem>> -> memref<128x128xf32, #tpu.memory_space<vmem>>
    %dma_start3A_963 = arith.constant 0 : i32
    %dma_start3A_964 = tpu.memref_slice %arg5[%dma_start3A_956, %dma_start3A_957, %dma_start3A_963] : memref<4x20x128xi32, #tpu.memory_space<vmem>> -> memref<1x1x128xi32, #tpu.memory_space<vmem>>
    %dma_start3A_965 = tpu.memref_squeeze %dma_start3A_964 : memref<1x1x128xi32, #tpu.memory_space<vmem>> -> memref<128xi32, #tpu.memory_space<vmem>>
    %dma_start3A_966 = arith.constant 0 : i32
    %dma_start3A_967 = arith.constant 0 : i32
    %dma_start3A_968 = tpu.memref_slice %arg3[%dma_start3A_966, %dma_start3A_967] : memref<1000000x128xf32, #tpu.memory_space<hbm>> -> memref<1000000x128xf32, #tpu.memory_space<hbm>>
    tpu.enqueue_indirect_dma source(%dma_start3A_968 : memref<1000000x128xf32, #tpu.memory_space<hbm>>) target(%dma_start3A_962 : memref<128x128xf32, #tpu.memory_space<vmem>>) offsets(%dma_start3A_965 : memref<128xi32, #tpu.memory_space<vmem>>) semaphore(%arg10 : memref<!tpu.dma_semaphore, #tpu.memory_space<semaphore_mem>>) {add = true}
    %dma_start3A_969 = arith.constant 3 : i32
    %dma_start3A_970 = arith.constant 3 : i32
    %dma_start3A_971 = arith.constant 3 : i32
    %dma_start3A_972 = arith.constant 0 : i32
    %dma_start3A_973 = arith.constant 0 : i32
    %dma_start3A_974 = tpu.memref_slice %arg6[%dma_start3A_971, %dma_start3A_972, %dma_start3A_973] : memref<4x128x128xf32, #tpu.memory_space<vmem>> -> memref<1x128x128xf32, #tpu.memory_space<vmem>>
    %dma_start3A_975 = tpu.memref_squeeze %dma_start3A_974 : memref<1x128x128xf32, #tpu.memory_space<vmem>> -> memref<128x128xf32, #tpu.memory_space<vmem>>
    %dma_start3A_976 = arith.constant 0 : i32
    %dma_start3A_977 = tpu.memref_slice %arg5[%dma_start3A_969, %dma_start3A_970, %dma_start3A_976] : memref<4x20x128xi32, #tpu.memory_space<vmem>> -> memref<1x1x128xi32, #tpu.memory_space<vmem>>
    %dma_start3A_978 = tpu.memref_squeeze %dma_start3A_977 : memref<1x1x128xi32, #tpu.memory_space<vmem>> -> memref<128xi32, #tpu.memory_space<vmem>>
    %dma_start3A_979 = arith.constant 0 : i32
    %dma_start3A_980 = arith.constant 0 : i32
    %dma_start3A_981 = tpu.memref_slice %arg3[%dma_start3A_979, %dma_start3A_980] : memref<1000000x128xf32, #tpu.memory_space<hbm>> -> memref<1000000x128xf32, #tpu.memory_space<hbm>>
    tpu.enqueue_indirect_dma source(%dma_start3A_981 : memref<1000000x128xf32, #tpu.memory_space<hbm>>) target(%dma_start3A_975 : memref<128x128xf32, #tpu.memory_space<vmem>>) offsets(%dma_start3A_978 : memref<128xi32, #tpu.memory_space<vmem>>) semaphore(%arg10 : memref<!tpu.dma_semaphore, #tpu.memory_space<semaphore_mem>>) {add = true}
    %dma_start3A_982 = arith.constant 3 : i32
    %dma_start3A_983 = arith.constant 4 : i32
    %dma_start3A_984 = arith.constant 3 : i32
    %dma_start3A_985 = arith.constant 0 : i32
    %dma_start3A_986 = arith.constant 0 : i32
    %dma_start3A_987 = tpu.memref_slice %arg6[%dma_start3A_984, %dma_start3A_985, %dma_start3A_986] : memref<4x128x128xf32, #tpu.memory_space<vmem>> -> memref<1x128x128xf32, #tpu.memory_space<vmem>>
    %dma_start3A_988 = tpu.memref_squeeze %dma_start3A_987 : memref<1x128x128xf32, #tpu.memory_space<vmem>> -> memref<128x128xf32, #tpu.memory_space<vmem>>
    %dma_start3A_989 = arith.constant 0 : i32
    %dma_start3A_990 = tpu.memref_slice %arg5[%dma_start3A_982, %dma_start3A_983, %dma_start3A_989] : memref<4x20x128xi32, #tpu.memory_space<vmem>> -> memref<1x1x128xi32, #tpu.memory_space<vmem>>
    %dma_start3A_991 = tpu.memref_squeeze %dma_start3A_990 : memref<1x1x128xi32, #tpu.memory_space<vmem>> -> memref<128xi32, #tpu.memory_space<vmem>>
    %dma_start3A_992 = arith.constant 0 : i32
    %dma_start3A_993 = arith.constant 0 : i32
    %dma_start3A_994 = tpu.memref_slice %arg3[%dma_start3A_992, %dma_start3A_993] : memref<1000000x128xf32, #tpu.memory_space<hbm>> -> memref<1000000x128xf32, #tpu.memory_space<hbm>>
    tpu.enqueue_indirect_dma source(%dma_start3A_994 : memref<1000000x128xf32, #tpu.memory_space<hbm>>) target(%dma_start3A_988 : memref<128x128xf32, #tpu.memory_space<vmem>>) offsets(%dma_start3A_991 : memref<128xi32, #tpu.memory_space<vmem>>) semaphore(%arg10 : memref<!tpu.dma_semaphore, #tpu.memory_space<semaphore_mem>>) {add = true}
    %dma_start3A_995 = arith.constant 3 : i32
    %dma_start3A_996 = arith.constant 5 : i32
    %dma_start3A_997 = arith.constant 3 : i32
    %dma_start3A_998 = arith.constant 0 : i32
    %dma_start3A_999 = arith.constant 0 : i32
    %dma_start3A_1000 = tpu.memref_slice %arg6[%dma_start3A_997, %dma_start3A_998, %dma_start3A_999] : memref<4x128x128xf32, #tpu.memory_space<vmem>> -> memref<1x128x128xf32, #tpu.memory_space<vmem>>
    %dma_start3A_1001 = tpu.memref_squeeze %dma_start3A_1000 : memref<1x128x128xf32, #tpu.memory_space<vmem>> -> memref<128x128xf32, #tpu.memory_space<vmem>>
    %dma_start3A_1002 = arith.constant 0 : i32
    %dma_start3A_1003 = tpu.memref_slice %arg5[%dma_start3A_995, %dma_start3A_996, %dma_start3A_1002] : memref<4x20x128xi32, #tpu.memory_space<vmem>> -> memref<1x1x128xi32, #tpu.memory_space<vmem>>
    %dma_start3A_1004 = tpu.memref_squeeze %dma_start3A_1003 : memref<1x1x128xi32, #tpu.memory_space<vmem>> -> memref<128xi32, #tpu.memory_space<vmem>>
    %dma_start3A_1005 = arith.constant 0 : i32
    %dma_start3A_1006 = arith.constant 0 : i32
    %dma_start3A_1007 = tpu.memref_slice %arg3[%dma_start3A_1005, %dma_start3A_1006] : memref<1000000x128xf32, #tpu.memory_space<hbm>> -> memref<1000000x128xf32, #tpu.memory_space<hbm>>
    tpu.enqueue_indirect_dma source(%dma_start3A_1007 : memref<1000000x128xf32, #tpu.memory_space<hbm>>) target(%dma_start3A_1001 : memref<128x128xf32, #tpu.memory_space<vmem>>) offsets(%dma_start3A_1004 : memref<128xi32, #tpu.memory_space<vmem>>) semaphore(%arg10 : memref<!tpu.dma_semaphore, #tpu.memory_space<semaphore_mem>>) {add = true}
    %dma_start3A_1008 = arith.constant 3 : i32
    %dma_start3A_1009 = arith.constant 6 : i32
    %dma_start3A_1010 = arith.constant 3 : i32
    %dma_start3A_1011 = arith.constant 0 : i32
    %dma_start3A_1012 = arith.constant 0 : i32
    %dma_start3A_1013 = tpu.memref_slice %arg6[%dma_start3A_1010, %dma_start3A_1011, %dma_start3A_1012] : memref<4x128x128xf32, #tpu.memory_space<vmem>> -> memref<1x128x128xf32, #tpu.memory_space<vmem>>
    %dma_start3A_1014 = tpu.memref_squeeze %dma_start3A_1013 : memref<1x128x128xf32, #tpu.memory_space<vmem>> -> memref<128x128xf32, #tpu.memory_space<vmem>>
    %dma_start3A_1015 = arith.constant 0 : i32
    %dma_start3A_1016 = tpu.memref_slice %arg5[%dma_start3A_1008, %dma_start3A_1009, %dma_start3A_1015] : memref<4x20x128xi32, #tpu.memory_space<vmem>> -> memref<1x1x128xi32, #tpu.memory_space<vmem>>
    %dma_start3A_1017 = tpu.memref_squeeze %dma_start3A_1016 : memref<1x1x128xi32, #tpu.memory_space<vmem>> -> memref<128xi32, #tpu.memory_space<vmem>>
    %dma_start3A_1018 = arith.constant 0 : i32
    %dma_start3A_1019 = arith.constant 0 : i32
    %dma_start3A_1020 = tpu.memref_slice %arg3[%dma_start3A_1018, %dma_start3A_1019] : memref<1000000x128xf32, #tpu.memory_space<hbm>> -> memref<1000000x128xf32, #tpu.memory_space<hbm>>
    tpu.enqueue_indirect_dma source(%dma_start3A_1020 : memref<1000000x128xf32, #tpu.memory_space<hbm>>) target(%dma_start3A_1014 : memref<128x128xf32, #tpu.memory_space<vmem>>) offsets(%dma_start3A_1017 : memref<128xi32, #tpu.memory_space<vmem>>) semaphore(%arg10 : memref<!tpu.dma_semaphore, #tpu.memory_space<semaphore_mem>>) {add = true}
    %dma_start3A_1021 = arith.constant 3 : i32
    %dma_start3A_1022 = arith.constant 7 : i32
    %dma_start3A_1023 = arith.constant 3 : i32
    %dma_start3A_1024 = arith.constant 0 : i32
    %dma_start3A_1025 = arith.constant 0 : i32
    %dma_start3A_1026 = tpu.memref_slice %arg6[%dma_start3A_1023, %dma_start3A_1024, %dma_start3A_1025] : memref<4x128x128xf32, #tpu.memory_space<vmem>> -> memref<1x128x128xf32, #tpu.memory_space<vmem>>
    %dma_start3A_1027 = tpu.memref_squeeze %dma_start3A_1026 : memref<1x128x128xf32, #tpu.memory_space<vmem>> -> memref<128x128xf32, #tpu.memory_space<vmem>>
    %dma_start3A_1028 = arith.constant 0 : i32
    %dma_start3A_1029 = tpu.memref_slice %arg5[%dma_start3A_1021, %dma_start3A_1022, %dma_start3A_1028] : memref<4x20x128xi32, #tpu.memory_space<vmem>> -> memref<1x1x128xi32, #tpu.memory_space<vmem>>
    %dma_start3A_1030 = tpu.memref_squeeze %dma_start3A_1029 : memref<1x1x128xi32, #tpu.memory_space<vmem>> -> memref<128xi32, #tpu.memory_space<vmem>>
    %dma_start3A_1031 = arith.constant 0 : i32
    %dma_start3A_1032 = arith.constant 0 : i32
    %dma_start3A_1033 = tpu.memref_slice %arg3[%dma_start3A_1031, %dma_start3A_1032] : memref<1000000x128xf32, #tpu.memory_space<hbm>> -> memref<1000000x128xf32, #tpu.memory_space<hbm>>
    tpu.enqueue_indirect_dma source(%dma_start3A_1033 : memref<1000000x128xf32, #tpu.memory_space<hbm>>) target(%dma_start3A_1027 : memref<128x128xf32, #tpu.memory_space<vmem>>) offsets(%dma_start3A_1030 : memref<128xi32, #tpu.memory_space<vmem>>) semaphore(%arg10 : memref<!tpu.dma_semaphore, #tpu.memory_space<semaphore_mem>>) {add = true}
    %dma_start3A_1034 = arith.constant 3 : i32
    %dma_start3A_1035 = arith.constant 8 : i32
    %dma_start3A_1036 = arith.constant 3 : i32
    %dma_start3A_1037 = arith.constant 0 : i32
    %dma_start3A_1038 = arith.constant 0 : i32
    %dma_start3A_1039 = tpu.memref_slice %arg6[%dma_start3A_1036, %dma_start3A_1037, %dma_start3A_1038] : memref<4x128x128xf32, #tpu.memory_space<vmem>> -> memref<1x128x128xf32, #tpu.memory_space<vmem>>
    %dma_start3A_1040 = tpu.memref_squeeze %dma_start3A_1039 : memref<1x128x128xf32, #tpu.memory_space<vmem>> -> memref<128x128xf32, #tpu.memory_space<vmem>>
    %dma_start3A_1041 = arith.constant 0 : i32
    %dma_start3A_1042 = tpu.memref_slice %arg5[%dma_start3A_1034, %dma_start3A_1035, %dma_start3A_1041] : memref<4x20x128xi32, #tpu.memory_space<vmem>> -> memref<1x1x128xi32, #tpu.memory_space<vmem>>
    %dma_start3A_1043 = tpu.memref_squeeze %dma_start3A_1042 : memref<1x1x128xi32, #tpu.memory_space<vmem>> -> memref<128xi32, #tpu.memory_space<vmem>>
    %dma_start3A_1044 = arith.constant 0 : i32
    %dma_start3A_1045 = arith.constant 0 : i32
    %dma_start3A_1046 = tpu.memref_slice %arg3[%dma_start3A_1044, %dma_start3A_1045] : memref<1000000x128xf32, #tpu.memory_space<hbm>> -> memref<1000000x128xf32, #tpu.memory_space<hbm>>
    tpu.enqueue_indirect_dma source(%dma_start3A_1046 : memref<1000000x128xf32, #tpu.memory_space<hbm>>) target(%dma_start3A_1040 : memref<128x128xf32, #tpu.memory_space<vmem>>) offsets(%dma_start3A_1043 : memref<128xi32, #tpu.memory_space<vmem>>) semaphore(%arg10 : memref<!tpu.dma_semaphore, #tpu.memory_space<semaphore_mem>>) {add = true}
    %dma_start3A_1047 = arith.constant 3 : i32
    %dma_start3A_1048 = arith.constant 9 : i32
    %dma_start3A_1049 = arith.constant 3 : i32
    %dma_start3A_1050 = arith.constant 0 : i32
    %dma_start3A_1051 = arith.constant 0 : i32
    %dma_start3A_1052 = tpu.memref_slice %arg6[%dma_start3A_1049, %dma_start3A_1050, %dma_start3A_1051] : memref<4x128x128xf32, #tpu.memory_space<vmem>> -> memref<1x128x128xf32, #tpu.memory_space<vmem>>
    %dma_start3A_1053 = tpu.memref_squeeze %dma_start3A_1052 : memref<1x128x128xf32, #tpu.memory_space<vmem>> -> memref<128x128xf32, #tpu.memory_space<vmem>>
    %dma_start3A_1054 = arith.constant 0 : i32
    %dma_start3A_1055 = tpu.memref_slice %arg5[%dma_start3A_1047, %dma_start3A_1048, %dma_start3A_1054] : memref<4x20x128xi32, #tpu.memory_space<vmem>> -> memref<1x1x128xi32, #tpu.memory_space<vmem>>
    %dma_start3A_1056 = tpu.memref_squeeze %dma_start3A_1055 : memref<1x1x128xi32, #tpu.memory_space<vmem>> -> memref<128xi32, #tpu.memory_space<vmem>>
    %dma_start3A_1057 = arith.constant 0 : i32
    %dma_start3A_1058 = arith.constant 0 : i32
    %dma_start3A_1059 = tpu.memref_slice %arg3[%dma_start3A_1057, %dma_start3A_1058] : memref<1000000x128xf32, #tpu.memory_space<hbm>> -> memref<1000000x128xf32, #tpu.memory_space<hbm>>
    tpu.enqueue_indirect_dma source(%dma_start3A_1059 : memref<1000000x128xf32, #tpu.memory_space<hbm>>) target(%dma_start3A_1053 : memref<128x128xf32, #tpu.memory_space<vmem>>) offsets(%dma_start3A_1056 : memref<128xi32, #tpu.memory_space<vmem>>) semaphore(%arg10 : memref<!tpu.dma_semaphore, #tpu.memory_space<semaphore_mem>>) {add = true}
    %dma_start3A_1060 = arith.constant 3 : i32
    %dma_start3A_1061 = arith.constant 10 : i32
    %dma_start3A_1062 = arith.constant 3 : i32
    %dma_start3A_1063 = arith.constant 0 : i32
    %dma_start3A_1064 = arith.constant 0 : i32
    %dma_start3A_1065 = tpu.memref_slice %arg6[%dma_start3A_1062, %dma_start3A_1063, %dma_start3A_1064] : memref<4x128x128xf32, #tpu.memory_space<vmem>> -> memref<1x128x128xf32, #tpu.memory_space<vmem>>
    %dma_start3A_1066 = tpu.memref_squeeze %dma_start3A_1065 : memref<1x128x128xf32, #tpu.memory_space<vmem>> -> memref<128x128xf32, #tpu.memory_space<vmem>>
    %dma_start3A_1067 = arith.constant 0 : i32
    %dma_start3A_1068 = tpu.memref_slice %arg5[%dma_start3A_1060, %dma_start3A_1061, %dma_start3A_1067] : memref<4x20x128xi32, #tpu.memory_space<vmem>> -> memref<1x1x128xi32, #tpu.memory_space<vmem>>
    %dma_start3A_1069 = tpu.memref_squeeze %dma_start3A_1068 : memref<1x1x128xi32, #tpu.memory_space<vmem>> -> memref<128xi32, #tpu.memory_space<vmem>>
    %dma_start3A_1070 = arith.constant 0 : i32
    %dma_start3A_1071 = arith.constant 0 : i32
    %dma_start3A_1072 = tpu.memref_slice %arg3[%dma_start3A_1070, %dma_start3A_1071] : memref<1000000x128xf32, #tpu.memory_space<hbm>> -> memref<1000000x128xf32, #tpu.memory_space<hbm>>
    tpu.enqueue_indirect_dma source(%dma_start3A_1072 : memref<1000000x128xf32, #tpu.memory_space<hbm>>) target(%dma_start3A_1066 : memref<128x128xf32, #tpu.memory_space<vmem>>) offsets(%dma_start3A_1069 : memref<128xi32, #tpu.memory_space<vmem>>) semaphore(%arg10 : memref<!tpu.dma_semaphore, #tpu.memory_space<semaphore_mem>>) {add = true}
    %dma_start3A_1073 = arith.constant 3 : i32
    %dma_start3A_1074 = arith.constant 11 : i32
    %dma_start3A_1075 = arith.constant 3 : i32
    %dma_start3A_1076 = arith.constant 0 : i32
    %dma_start3A_1077 = arith.constant 0 : i32
    %dma_start3A_1078 = tpu.memref_slice %arg6[%dma_start3A_1075, %dma_start3A_1076, %dma_start3A_1077] : memref<4x128x128xf32, #tpu.memory_space<vmem>> -> memref<1x128x128xf32, #tpu.memory_space<vmem>>
    %dma_start3A_1079 = tpu.memref_squeeze %dma_start3A_1078 : memref<1x128x128xf32, #tpu.memory_space<vmem>> -> memref<128x128xf32, #tpu.memory_space<vmem>>
    %dma_start3A_1080 = arith.constant 0 : i32
    %dma_start3A_1081 = tpu.memref_slice %arg5[%dma_start3A_1073, %dma_start3A_1074, %dma_start3A_1080] : memref<4x20x128xi32, #tpu.memory_space<vmem>> -> memref<1x1x128xi32, #tpu.memory_space<vmem>>
    %dma_start3A_1082 = tpu.memref_squeeze %dma_start3A_1081 : memref<1x1x128xi32, #tpu.memory_space<vmem>> -> memref<128xi32, #tpu.memory_space<vmem>>
    %dma_start3A_1083 = arith.constant 0 : i32
    %dma_start3A_1084 = arith.constant 0 : i32
    %dma_start3A_1085 = tpu.memref_slice %arg3[%dma_start3A_1083, %dma_start3A_1084] : memref<1000000x128xf32, #tpu.memory_space<hbm>> -> memref<1000000x128xf32, #tpu.memory_space<hbm>>
    tpu.enqueue_indirect_dma source(%dma_start3A_1085 : memref<1000000x128xf32, #tpu.memory_space<hbm>>) target(%dma_start3A_1079 : memref<128x128xf32, #tpu.memory_space<vmem>>) offsets(%dma_start3A_1082 : memref<128xi32, #tpu.memory_space<vmem>>) semaphore(%arg10 : memref<!tpu.dma_semaphore, #tpu.memory_space<semaphore_mem>>) {add = true}
    %dma_start3A_1086 = arith.constant 3 : i32
    %dma_start3A_1087 = arith.constant 12 : i32
    %dma_start3A_1088 = arith.constant 3 : i32
    %dma_start3A_1089 = arith.constant 0 : i32
    %dma_start3A_1090 = arith.constant 0 : i32
    %dma_start3A_1091 = tpu.memref_slice %arg6[%dma_start3A_1088, %dma_start3A_1089, %dma_start3A_1090] : memref<4x128x128xf32, #tpu.memory_space<vmem>> -> memref<1x128x128xf32, #tpu.memory_space<vmem>>
    %dma_start3A_1092 = tpu.memref_squeeze %dma_start3A_1091 : memref<1x128x128xf32, #tpu.memory_space<vmem>> -> memref<128x128xf32, #tpu.memory_space<vmem>>
    %dma_start3A_1093 = arith.constant 0 : i32
    %dma_start3A_1094 = tpu.memref_slice %arg5[%dma_start3A_1086, %dma_start3A_1087, %dma_start3A_1093] : memref<4x20x128xi32, #tpu.memory_space<vmem>> -> memref<1x1x128xi32, #tpu.memory_space<vmem>>
    %dma_start3A_1095 = tpu.memref_squeeze %dma_start3A_1094 : memref<1x1x128xi32, #tpu.memory_space<vmem>> -> memref<128xi32, #tpu.memory_space<vmem>>
    %dma_start3A_1096 = arith.constant 0 : i32
    %dma_start3A_1097 = arith.constant 0 : i32
    %dma_start3A_1098 = tpu.memref_slice %arg3[%dma_start3A_1096, %dma_start3A_1097] : memref<1000000x128xf32, #tpu.memory_space<hbm>> -> memref<1000000x128xf32, #tpu.memory_space<hbm>>
    tpu.enqueue_indirect_dma source(%dma_start3A_1098 : memref<1000000x128xf32, #tpu.memory_space<hbm>>) target(%dma_start3A_1092 : memref<128x128xf32, #tpu.memory_space<vmem>>) offsets(%dma_start3A_1095 : memref<128xi32, #tpu.memory_space<vmem>>) semaphore(%arg10 : memref<!tpu.dma_semaphore, #tpu.memory_space<semaphore_mem>>) {add = true}
    %dma_start3A_1099 = arith.constant 3 : i32
    %dma_start3A_1100 = arith.constant 13 : i32
    %dma_start3A_1101 = arith.constant 3 : i32
    %dma_start3A_1102 = arith.constant 0 : i32
    %dma_start3A_1103 = arith.constant 0 : i32
    %dma_start3A_1104 = tpu.memref_slice %arg6[%dma_start3A_1101, %dma_start3A_1102, %dma_start3A_1103] : memref<4x128x128xf32, #tpu.memory_space<vmem>> -> memref<1x128x128xf32, #tpu.memory_space<vmem>>
    %dma_start3A_1105 = tpu.memref_squeeze %dma_start3A_1104 : memref<1x128x128xf32, #tpu.memory_space<vmem>> -> memref<128x128xf32, #tpu.memory_space<vmem>>
    %dma_start3A_1106 = arith.constant 0 : i32
    %dma_start3A_1107 = tpu.memref_slice %arg5[%dma_start3A_1099, %dma_start3A_1100, %dma_start3A_1106] : memref<4x20x128xi32, #tpu.memory_space<vmem>> -> memref<1x1x128xi32, #tpu.memory_space<vmem>>
    %dma_start3A_1108 = tpu.memref_squeeze %dma_start3A_1107 : memref<1x1x128xi32, #tpu.memory_space<vmem>> -> memref<128xi32, #tpu.memory_space<vmem>>
    %dma_start3A_1109 = arith.constant 0 : i32
    %dma_start3A_1110 = arith.constant 0 : i32
    %dma_start3A_1111 = tpu.memref_slice %arg3[%dma_start3A_1109, %dma_start3A_1110] : memref<1000000x128xf32, #tpu.memory_space<hbm>> -> memref<1000000x128xf32, #tpu.memory_space<hbm>>
    tpu.enqueue_indirect_dma source(%dma_start3A_1111 : memref<1000000x128xf32, #tpu.memory_space<hbm>>) target(%dma_start3A_1105 : memref<128x128xf32, #tpu.memory_space<vmem>>) offsets(%dma_start3A_1108 : memref<128xi32, #tpu.memory_space<vmem>>) semaphore(%arg10 : memref<!tpu.dma_semaphore, #tpu.memory_space<semaphore_mem>>) {add = true}
    %dma_start3A_1112 = arith.constant 3 : i32
    %dma_start3A_1113 = arith.constant 14 : i32
    %dma_start3A_1114 = arith.constant 3 : i32
    %dma_start3A_1115 = arith.constant 0 : i32
    %dma_start3A_1116 = arith.constant 0 : i32
    %dma_start3A_1117 = tpu.memref_slice %arg6[%dma_start3A_1114, %dma_start3A_1115, %dma_start3A_1116] : memref<4x128x128xf32, #tpu.memory_space<vmem>> -> memref<1x128x128xf32, #tpu.memory_space<vmem>>
    %dma_start3A_1118 = tpu.memref_squeeze %dma_start3A_1117 : memref<1x128x128xf32, #tpu.memory_space<vmem>> -> memref<128x128xf32, #tpu.memory_space<vmem>>
    %dma_start3A_1119 = arith.constant 0 : i32
    %dma_start3A_1120 = tpu.memref_slice %arg5[%dma_start3A_1112, %dma_start3A_1113, %dma_start3A_1119] : memref<4x20x128xi32, #tpu.memory_space<vmem>> -> memref<1x1x128xi32, #tpu.memory_space<vmem>>
    %dma_start3A_1121 = tpu.memref_squeeze %dma_start3A_1120 : memref<1x1x128xi32, #tpu.memory_space<vmem>> -> memref<128xi32, #tpu.memory_space<vmem>>
    %dma_start3A_1122 = arith.constant 0 : i32
    %dma_start3A_1123 = arith.constant 0 : i32
    %dma_start3A_1124 = tpu.memref_slice %arg3[%dma_start3A_1122, %dma_start3A_1123] : memref<1000000x128xf32, #tpu.memory_space<hbm>> -> memref<1000000x128xf32, #tpu.memory_space<hbm>>
    tpu.enqueue_indirect_dma source(%dma_start3A_1124 : memref<1000000x128xf32, #tpu.memory_space<hbm>>) target(%dma_start3A_1118 : memref<128x128xf32, #tpu.memory_space<vmem>>) offsets(%dma_start3A_1121 : memref<128xi32, #tpu.memory_space<vmem>>) semaphore(%arg10 : memref<!tpu.dma_semaphore, #tpu.memory_space<semaphore_mem>>) {add = true}
    %dma_start3A_1125 = arith.constant 3 : i32
    %dma_start3A_1126 = arith.constant 15 : i32
    %dma_start3A_1127 = arith.constant 3 : i32
    %dma_start3A_1128 = arith.constant 0 : i32
    %dma_start3A_1129 = arith.constant 0 : i32
    %dma_start3A_1130 = tpu.memref_slice %arg6[%dma_start3A_1127, %dma_start3A_1128, %dma_start3A_1129] : memref<4x128x128xf32, #tpu.memory_space<vmem>> -> memref<1x128x128xf32, #tpu.memory_space<vmem>>
    %dma_start3A_1131 = tpu.memref_squeeze %dma_start3A_1130 : memref<1x128x128xf32, #tpu.memory_space<vmem>> -> memref<128x128xf32, #tpu.memory_space<vmem>>
    %dma_start3A_1132 = arith.constant 0 : i32
    %dma_start3A_1133 = tpu.memref_slice %arg5[%dma_start3A_1125, %dma_start3A_1126, %dma_start3A_1132] : memref<4x20x128xi32, #tpu.memory_space<vmem>> -> memref<1x1x128xi32, #tpu.memory_space<vmem>>
    %dma_start3A_1134 = tpu.memref_squeeze %dma_start3A_1133 : memref<1x1x128xi32, #tpu.memory_space<vmem>> -> memref<128xi32, #tpu.memory_space<vmem>>
    %dma_start3A_1135 = arith.constant 0 : i32
    %dma_start3A_1136 = arith.constant 0 : i32
    %dma_start3A_1137 = tpu.memref_slice %arg3[%dma_start3A_1135, %dma_start3A_1136] : memref<1000000x128xf32, #tpu.memory_space<hbm>> -> memref<1000000x128xf32, #tpu.memory_space<hbm>>
    tpu.enqueue_indirect_dma source(%dma_start3A_1137 : memref<1000000x128xf32, #tpu.memory_space<hbm>>) target(%dma_start3A_1131 : memref<128x128xf32, #tpu.memory_space<vmem>>) offsets(%dma_start3A_1134 : memref<128xi32, #tpu.memory_space<vmem>>) semaphore(%arg10 : memref<!tpu.dma_semaphore, #tpu.memory_space<semaphore_mem>>) {add = true}
    %dma_start3A_1138 = arith.constant 3 : i32
    %dma_start3A_1139 = arith.constant 16 : i32
    %dma_start3A_1140 = arith.constant 3 : i32
    %dma_start3A_1141 = arith.constant 0 : i32
    %dma_start3A_1142 = arith.constant 0 : i32
    %dma_start3A_1143 = tpu.memref_slice %arg6[%dma_start3A_1140, %dma_start3A_1141, %dma_start3A_1142] : memref<4x128x128xf32, #tpu.memory_space<vmem>> -> memref<1x128x128xf32, #tpu.memory_space<vmem>>
    %dma_start3A_1144 = tpu.memref_squeeze %dma_start3A_1143 : memref<1x128x128xf32, #tpu.memory_space<vmem>> -> memref<128x128xf32, #tpu.memory_space<vmem>>
    %dma_start3A_1145 = arith.constant 0 : i32
    %dma_start3A_1146 = tpu.memref_slice %arg5[%dma_start3A_1138, %dma_start3A_1139, %dma_start3A_1145] : memref<4x20x128xi32, #tpu.memory_space<vmem>> -> memref<1x1x128xi32, #tpu.memory_space<vmem>>
    %dma_start3A_1147 = tpu.memref_squeeze %dma_start3A_1146 : memref<1x1x128xi32, #tpu.memory_space<vmem>> -> memref<128xi32, #tpu.memory_space<vmem>>
    %dma_start3A_1148 = arith.constant 0 : i32
    %dma_start3A_1149 = arith.constant 0 : i32
    %dma_start3A_1150 = tpu.memref_slice %arg3[%dma_start3A_1148, %dma_start3A_1149] : memref<1000000x128xf32, #tpu.memory_space<hbm>> -> memref<1000000x128xf32, #tpu.memory_space<hbm>>
    tpu.enqueue_indirect_dma source(%dma_start3A_1150 : memref<1000000x128xf32, #tpu.memory_space<hbm>>) target(%dma_start3A_1144 : memref<128x128xf32, #tpu.memory_space<vmem>>) offsets(%dma_start3A_1147 : memref<128xi32, #tpu.memory_space<vmem>>) semaphore(%arg10 : memref<!tpu.dma_semaphore, #tpu.memory_space<semaphore_mem>>) {add = true}
    %dma_start3A_1151 = arith.constant 3 : i32
    %dma_start3A_1152 = arith.constant 17 : i32
    %dma_start3A_1153 = arith.constant 3 : i32
    %dma_start3A_1154 = arith.constant 0 : i32
    %dma_start3A_1155 = arith.constant 0 : i32
    %dma_start3A_1156 = tpu.memref_slice %arg6[%dma_start3A_1153, %dma_start3A_1154, %dma_start3A_1155] : memref<4x128x128xf32, #tpu.memory_space<vmem>> -> memref<1x128x128xf32, #tpu.memory_space<vmem>>
    %dma_start3A_1157 = tpu.memref_squeeze %dma_start3A_1156 : memref<1x128x128xf32, #tpu.memory_space<vmem>> -> memref<128x128xf32, #tpu.memory_space<vmem>>
    %dma_start3A_1158 = arith.constant 0 : i32
    %dma_start3A_1159 = tpu.memref_slice %arg5[%dma_start3A_1151, %dma_start3A_1152, %dma_start3A_1158] : memref<4x20x128xi32, #tpu.memory_space<vmem>> -> memref<1x1x128xi32, #tpu.memory_space<vmem>>
    %dma_start3A_1160 = tpu.memref_squeeze %dma_start3A_1159 : memref<1x1x128xi32, #tpu.memory_space<vmem>> -> memref<128xi32, #tpu.memory_space<vmem>>
    %dma_start3A_1161 = arith.constant 0 : i32
    %dma_start3A_1162 = arith.constant 0 : i32
    %dma_start3A_1163 = tpu.memref_slice %arg3[%dma_start3A_1161, %dma_start3A_1162] : memref<1000000x128xf32, #tpu.memory_space<hbm>> -> memref<1000000x128xf32, #tpu.memory_space<hbm>>
    tpu.enqueue_indirect_dma source(%dma_start3A_1163 : memref<1000000x128xf32, #tpu.memory_space<hbm>>) target(%dma_start3A_1157 : memref<128x128xf32, #tpu.memory_space<vmem>>) offsets(%dma_start3A_1160 : memref<128xi32, #tpu.memory_space<vmem>>) semaphore(%arg10 : memref<!tpu.dma_semaphore, #tpu.memory_space<semaphore_mem>>) {add = true}
    %dma_start3A_1164 = arith.constant 3 : i32
    %dma_start3A_1165 = arith.constant 18 : i32
    %dma_start3A_1166 = arith.constant 3 : i32
    %dma_start3A_1167 = arith.constant 0 : i32
    %dma_start3A_1168 = arith.constant 0 : i32
    %dma_start3A_1169 = tpu.memref_slice %arg6[%dma_start3A_1166, %dma_start3A_1167, %dma_start3A_1168] : memref<4x128x128xf32, #tpu.memory_space<vmem>> -> memref<1x128x128xf32, #tpu.memory_space<vmem>>
    %dma_start3A_1170 = tpu.memref_squeeze %dma_start3A_1169 : memref<1x128x128xf32, #tpu.memory_space<vmem>> -> memref<128x128xf32, #tpu.memory_space<vmem>>
    %dma_start3A_1171 = arith.constant 0 : i32
    %dma_start3A_1172 = tpu.memref_slice %arg5[%dma_start3A_1164, %dma_start3A_1165, %dma_start3A_1171] : memref<4x20x128xi32, #tpu.memory_space<vmem>> -> memref<1x1x128xi32, #tpu.memory_space<vmem>>
    %dma_start3A_1173 = tpu.memref_squeeze %dma_start3A_1172 : memref<1x1x128xi32, #tpu.memory_space<vmem>> -> memref<128xi32, #tpu.memory_space<vmem>>
    %dma_start3A_1174 = arith.constant 0 : i32
    %dma_start3A_1175 = arith.constant 0 : i32
    %dma_start3A_1176 = tpu.memref_slice %arg3[%dma_start3A_1174, %dma_start3A_1175] : memref<1000000x128xf32, #tpu.memory_space<hbm>> -> memref<1000000x128xf32, #tpu.memory_space<hbm>>
    tpu.enqueue_indirect_dma source(%dma_start3A_1176 : memref<1000000x128xf32, #tpu.memory_space<hbm>>) target(%dma_start3A_1170 : memref<128x128xf32, #tpu.memory_space<vmem>>) offsets(%dma_start3A_1173 : memref<128xi32, #tpu.memory_space<vmem>>) semaphore(%arg10 : memref<!tpu.dma_semaphore, #tpu.memory_space<semaphore_mem>>) {add = true}
    %dma_start3A_1177 = arith.constant 3 : i32
    %dma_start3A_1178 = arith.constant 19 : i32
    %dma_start3A_1179 = arith.constant 3 : i32
    %dma_start3A_1180 = arith.constant 0 : i32
    %dma_start3A_1181 = arith.constant 0 : i32
    %dma_start3A_1182 = tpu.memref_slice %arg6[%dma_start3A_1179, %dma_start3A_1180, %dma_start3A_1181] : memref<4x128x128xf32, #tpu.memory_space<vmem>> -> memref<1x128x128xf32, #tpu.memory_space<vmem>>
    %dma_start3A_1183 = tpu.memref_squeeze %dma_start3A_1182 : memref<1x128x128xf32, #tpu.memory_space<vmem>> -> memref<128x128xf32, #tpu.memory_space<vmem>>
    %dma_start3A_1184 = arith.constant 0 : i32
    %dma_start3A_1185 = tpu.memref_slice %arg5[%dma_start3A_1177, %dma_start3A_1178, %dma_start3A_1184] : memref<4x20x128xi32, #tpu.memory_space<vmem>> -> memref<1x1x128xi32, #tpu.memory_space<vmem>>
    %dma_start3A_1186 = tpu.memref_squeeze %dma_start3A_1185 : memref<1x1x128xi32, #tpu.memory_space<vmem>> -> memref<128xi32, #tpu.memory_space<vmem>>
    %dma_start3A_1187 = arith.constant 0 : i32
    %dma_start3A_1188 = arith.constant 0 : i32
    %dma_start3A_1189 = tpu.memref_slice %arg3[%dma_start3A_1187, %dma_start3A_1188] : memref<1000000x128xf32, #tpu.memory_space<hbm>> -> memref<1000000x128xf32, #tpu.memory_space<hbm>>
    tpu.enqueue_indirect_dma source(%dma_start3A_1189 : memref<1000000x128xf32, #tpu.memory_space<hbm>>) target(%dma_start3A_1183 : memref<128x128xf32, #tpu.memory_space<vmem>>) offsets(%dma_start3A_1186 : memref<128xi32, #tpu.memory_space<vmem>>) semaphore(%arg10 : memref<!tpu.dma_semaphore, #tpu.memory_space<semaphore_mem>>) {add = true}
    %dma_wait3A_1190 = arith.constant 0 : i32
    %dma_wait3A_1191 = arith.constant 0 : i32
    %dma_wait3A_1192 = arith.constant 0 : i32
    %dma_wait3A_1193 = arith.constant 0 : i32
    %dma_wait3A_1194 = arith.constant 0 : i32
    %dma_wait3A_1195 = tpu.memref_slice %arg6[%dma_wait3A_1192, %dma_wait3A_1193, %dma_wait3A_1194] : memref<4x128x128xf32, #tpu.memory_space<vmem>> -> memref<1x128x128xf32, #tpu.memory_space<vmem>>
    %dma_wait3A_1196 = tpu.memref_squeeze %dma_wait3A_1195 : memref<1x128x128xf32, #tpu.memory_space<vmem>> -> memref<128x128xf32, #tpu.memory_space<vmem>>
    %dma_wait3A_1197 = arith.constant 0 : i32
    %dma_wait3A_1198 = tpu.memref_slice %arg5[%dma_wait3A_1190, %dma_wait3A_1191, %dma_wait3A_1197] : memref<4x20x128xi32, #tpu.memory_space<vmem>> -> memref<1x1x128xi32, #tpu.memory_space<vmem>>
    %dma_wait3A_1199 = tpu.memref_squeeze %dma_wait3A_1198 : memref<1x1x128xi32, #tpu.memory_space<vmem>> -> memref<128xi32, #tpu.memory_space<vmem>>
    %dma_wait3A_1200 = arith.constant 0 : i32
    %dma_wait3A_1201 = arith.constant 0 : i32
    %dma_wait3A_1202 = tpu.memref_slice %arg3[%dma_wait3A_1200, %dma_wait3A_1201] : memref<1000000x128xf32, #tpu.memory_space<hbm>> -> memref<1000000x128xf32, #tpu.memory_space<hbm>>
    tpu.wait_indirect_dma semaphore(%arg7 : memref<!tpu.dma_semaphore, #tpu.memory_space<semaphore_mem>>) src(%dma_wait3A_1202 : memref<1000000x128xf32, #tpu.memory_space<hbm>>) dst(%dma_wait3A_1196 : memref<128x128xf32, #tpu.memory_space<vmem>>)
    %dma_wait3A_1203 = arith.constant 0 : i32
    %dma_wait3A_1204 = arith.constant 1 : i32
    %dma_wait3A_1205 = arith.constant 0 : i32
    %dma_wait3A_1206 = arith.constant 0 : i32
    %dma_wait3A_1207 = arith.constant 0 : i32
    %dma_wait3A_1208 = tpu.memref_slice %arg6[%dma_wait3A_1205, %dma_wait3A_1206, %dma_wait3A_1207] : memref<4x128x128xf32, #tpu.memory_space<vmem>> -> memref<1x128x128xf32, #tpu.memory_space<vmem>>
    %dma_wait3A_1209 = tpu.memref_squeeze %dma_wait3A_1208 : memref<1x128x128xf32, #tpu.memory_space<vmem>> -> memref<128x128xf32, #tpu.memory_space<vmem>>
    %dma_wait3A_1210 = arith.constant 0 : i32
    %dma_wait3A_1211 = tpu.memref_slice %arg5[%dma_wait3A_1203, %dma_wait3A_1204, %dma_wait3A_1210] : memref<4x20x128xi32, #tpu.memory_space<vmem>> -> memref<1x1x128xi32, #tpu.memory_space<vmem>>
    %dma_wait3A_1212 = tpu.memref_squeeze %dma_wait3A_1211 : memref<1x1x128xi32, #tpu.memory_space<vmem>> -> memref<128xi32, #tpu.memory_space<vmem>>
    %dma_wait3A_1213 = arith.constant 0 : i32
    %dma_wait3A_1214 = arith.constant 0 : i32
    %dma_wait3A_1215 = tpu.memref_slice %arg3[%dma_wait3A_1213, %dma_wait3A_1214] : memref<1000000x128xf32, #tpu.memory_space<hbm>> -> memref<1000000x128xf32, #tpu.memory_space<hbm>>
    tpu.wait_indirect_dma semaphore(%arg7 : memref<!tpu.dma_semaphore, #tpu.memory_space<semaphore_mem>>) src(%dma_wait3A_1215 : memref<1000000x128xf32, #tpu.memory_space<hbm>>) dst(%dma_wait3A_1209 : memref<128x128xf32, #tpu.memory_space<vmem>>)
    %dma_wait3A_1216 = arith.constant 0 : i32
    %dma_wait3A_1217 = arith.constant 2 : i32
    %dma_wait3A_1218 = arith.constant 0 : i32
    %dma_wait3A_1219 = arith.constant 0 : i32
    %dma_wait3A_1220 = arith.constant 0 : i32
    %dma_wait3A_1221 = tpu.memref_slice %arg6[%dma_wait3A_1218, %dma_wait3A_1219, %dma_wait3A_1220] : memref<4x128x128xf32, #tpu.memory_space<vmem>> -> memref<1x128x128xf32, #tpu.memory_space<vmem>>
    %dma_wait3A_1222 = tpu.memref_squeeze %dma_wait3A_1221 : memref<1x128x128xf32, #tpu.memory_space<vmem>> -> memref<128x128xf32, #tpu.memory_space<vmem>>
    %dma_wait3A_1223 = arith.constant 0 : i32
    %dma_wait3A_1224 = tpu.memref_slice %arg5[%dma_wait3A_1216, %dma_wait3A_1217, %dma_wait3A_1223] : memref<4x20x128xi32, #tpu.memory_space<vmem>> -> memref<1x1x128xi32, #tpu.memory_space<vmem>>
    %dma_wait3A_1225 = tpu.memref_squeeze %dma_wait3A_1224 : memref<1x1x128xi32, #tpu.memory_space<vmem>> -> memref<128xi32, #tpu.memory_space<vmem>>
    %dma_wait3A_1226 = arith.constant 0 : i32
    %dma_wait3A_1227 = arith.constant 0 : i32
    %dma_wait3A_1228 = tpu.memref_slice %arg3[%dma_wait3A_1226, %dma_wait3A_1227] : memref<1000000x128xf32, #tpu.memory_space<hbm>> -> memref<1000000x128xf32, #tpu.memory_space<hbm>>
    tpu.wait_indirect_dma semaphore(%arg7 : memref<!tpu.dma_semaphore, #tpu.memory_space<semaphore_mem>>) src(%dma_wait3A_1228 : memref<1000000x128xf32, #tpu.memory_space<hbm>>) dst(%dma_wait3A_1222 : memref<128x128xf32, #tpu.memory_space<vmem>>)
    %dma_wait3A_1229 = arith.constant 0 : i32
    %dma_wait3A_1230 = arith.constant 3 : i32
    %dma_wait3A_1231 = arith.constant 0 : i32
    %dma_wait3A_1232 = arith.constant 0 : i32
    %dma_wait3A_1233 = arith.constant 0 : i32
    %dma_wait3A_1234 = tpu.memref_slice %arg6[%dma_wait3A_1231, %dma_wait3A_1232, %dma_wait3A_1233] : memref<4x128x128xf32, #tpu.memory_space<vmem>> -> memref<1x128x128xf32, #tpu.memory_space<vmem>>
    %dma_wait3A_1235 = tpu.memref_squeeze %dma_wait3A_1234 : memref<1x128x128xf32, #tpu.memory_space<vmem>> -> memref<128x128xf32, #tpu.memory_space<vmem>>
    %dma_wait3A_1236 = arith.constant 0 : i32
    %dma_wait3A_1237 = tpu.memref_slice %arg5[%dma_wait3A_1229, %dma_wait3A_1230, %dma_wait3A_1236] : memref<4x20x128xi32, #tpu.memory_space<vmem>> -> memref<1x1x128xi32, #tpu.memory_space<vmem>>
    %dma_wait3A_1238 = tpu.memref_squeeze %dma_wait3A_1237 : memref<1x1x128xi32, #tpu.memory_space<vmem>> -> memref<128xi32, #tpu.memory_space<vmem>>
    %dma_wait3A_1239 = arith.constant 0 : i32
    %dma_wait3A_1240 = arith.constant 0 : i32
    %dma_wait3A_1241 = tpu.memref_slice %arg3[%dma_wait3A_1239, %dma_wait3A_1240] : memref<1000000x128xf32, #tpu.memory_space<hbm>> -> memref<1000000x128xf32, #tpu.memory_space<hbm>>
    tpu.wait_indirect_dma semaphore(%arg7 : memref<!tpu.dma_semaphore, #tpu.memory_space<semaphore_mem>>) src(%dma_wait3A_1241 : memref<1000000x128xf32, #tpu.memory_space<hbm>>) dst(%dma_wait3A_1235 : memref<128x128xf32, #tpu.memory_space<vmem>>)
    %dma_wait3A_1242 = arith.constant 0 : i32
    %dma_wait3A_1243 = arith.constant 4 : i32
    %dma_wait3A_1244 = arith.constant 0 : i32
    %dma_wait3A_1245 = arith.constant 0 : i32
    %dma_wait3A_1246 = arith.constant 0 : i32
    %dma_wait3A_1247 = tpu.memref_slice %arg6[%dma_wait3A_1244, %dma_wait3A_1245, %dma_wait3A_1246] : memref<4x128x128xf32, #tpu.memory_space<vmem>> -> memref<1x128x128xf32, #tpu.memory_space<vmem>>
    %dma_wait3A_1248 = tpu.memref_squeeze %dma_wait3A_1247 : memref<1x128x128xf32, #tpu.memory_space<vmem>> -> memref<128x128xf32, #tpu.memory_space<vmem>>
    %dma_wait3A_1249 = arith.constant 0 : i32
    %dma_wait3A_1250 = tpu.memref_slice %arg5[%dma_wait3A_1242, %dma_wait3A_1243, %dma_wait3A_1249] : memref<4x20x128xi32, #tpu.memory_space<vmem>> -> memref<1x1x128xi32, #tpu.memory_space<vmem>>
    %dma_wait3A_1251 = tpu.memref_squeeze %dma_wait3A_1250 : memref<1x1x128xi32, #tpu.memory_space<vmem>> -> memref<128xi32, #tpu.memory_space<vmem>>
    %dma_wait3A_1252 = arith.constant 0 : i32
    %dma_wait3A_1253 = arith.constant 0 : i32
    %dma_wait3A_1254 = tpu.memref_slice %arg3[%dma_wait3A_1252, %dma_wait3A_1253] : memref<1000000x128xf32, #tpu.memory_space<hbm>> -> memref<1000000x128xf32, #tpu.memory_space<hbm>>
    tpu.wait_indirect_dma semaphore(%arg7 : memref<!tpu.dma_semaphore, #tpu.memory_space<semaphore_mem>>) src(%dma_wait3A_1254 : memref<1000000x128xf32, #tpu.memory_space<hbm>>) dst(%dma_wait3A_1248 : memref<128x128xf32, #tpu.memory_space<vmem>>)
    %dma_wait3A_1255 = arith.constant 0 : i32
    %dma_wait3A_1256 = arith.constant 5 : i32
    %dma_wait3A_1257 = arith.constant 0 : i32
    %dma_wait3A_1258 = arith.constant 0 : i32
    %dma_wait3A_1259 = arith.constant 0 : i32
    %dma_wait3A_1260 = tpu.memref_slice %arg6[%dma_wait3A_1257, %dma_wait3A_1258, %dma_wait3A_1259] : memref<4x128x128xf32, #tpu.memory_space<vmem>> -> memref<1x128x128xf32, #tpu.memory_space<vmem>>
    %dma_wait3A_1261 = tpu.memref_squeeze %dma_wait3A_1260 : memref<1x128x128xf32, #tpu.memory_space<vmem>> -> memref<128x128xf32, #tpu.memory_space<vmem>>
    %dma_wait3A_1262 = arith.constant 0 : i32
    %dma_wait3A_1263 = tpu.memref_slice %arg5[%dma_wait3A_1255, %dma_wait3A_1256, %dma_wait3A_1262] : memref<4x20x128xi32, #tpu.memory_space<vmem>> -> memref<1x1x128xi32, #tpu.memory_space<vmem>>
    %dma_wait3A_1264 = tpu.memref_squeeze %dma_wait3A_1263 : memref<1x1x128xi32, #tpu.memory_space<vmem>> -> memref<128xi32, #tpu.memory_space<vmem>>
    %dma_wait3A_1265 = arith.constant 0 : i32
    %dma_wait3A_1266 = arith.constant 0 : i32
    %dma_wait3A_1267 = tpu.memref_slice %arg3[%dma_wait3A_1265, %dma_wait3A_1266] : memref<1000000x128xf32, #tpu.memory_space<hbm>> -> memref<1000000x128xf32, #tpu.memory_space<hbm>>
    tpu.wait_indirect_dma semaphore(%arg7 : memref<!tpu.dma_semaphore, #tpu.memory_space<semaphore_mem>>) src(%dma_wait3A_1267 : memref<1000000x128xf32, #tpu.memory_space<hbm>>) dst(%dma_wait3A_1261 : memref<128x128xf32, #tpu.memory_space<vmem>>)
    %dma_wait3A_1268 = arith.constant 0 : i32
    %dma_wait3A_1269 = arith.constant 6 : i32
    %dma_wait3A_1270 = arith.constant 0 : i32
    %dma_wait3A_1271 = arith.constant 0 : i32
    %dma_wait3A_1272 = arith.constant 0 : i32
    %dma_wait3A_1273 = tpu.memref_slice %arg6[%dma_wait3A_1270, %dma_wait3A_1271, %dma_wait3A_1272] : memref<4x128x128xf32, #tpu.memory_space<vmem>> -> memref<1x128x128xf32, #tpu.memory_space<vmem>>
    %dma_wait3A_1274 = tpu.memref_squeeze %dma_wait3A_1273 : memref<1x128x128xf32, #tpu.memory_space<vmem>> -> memref<128x128xf32, #tpu.memory_space<vmem>>
    %dma_wait3A_1275 = arith.constant 0 : i32
    %dma_wait3A_1276 = tpu.memref_slice %arg5[%dma_wait3A_1268, %dma_wait3A_1269, %dma_wait3A_1275] : memref<4x20x128xi32, #tpu.memory_space<vmem>> -> memref<1x1x128xi32, #tpu.memory_space<vmem>>
    %dma_wait3A_1277 = tpu.memref_squeeze %dma_wait3A_1276 : memref<1x1x128xi32, #tpu.memory_space<vmem>> -> memref<128xi32, #tpu.memory_space<vmem>>
    %dma_wait3A_1278 = arith.constant 0 : i32
    %dma_wait3A_1279 = arith.constant 0 : i32
    %dma_wait3A_1280 = tpu.memref_slice %arg3[%dma_wait3A_1278, %dma_wait3A_1279] : memref<1000000x128xf32, #tpu.memory_space<hbm>> -> memref<1000000x128xf32, #tpu.memory_space<hbm>>
    tpu.wait_indirect_dma semaphore(%arg7 : memref<!tpu.dma_semaphore, #tpu.memory_space<semaphore_mem>>) src(%dma_wait3A_1280 : memref<1000000x128xf32, #tpu.memory_space<hbm>>) dst(%dma_wait3A_1274 : memref<128x128xf32, #tpu.memory_space<vmem>>)
    %dma_wait3A_1281 = arith.constant 0 : i32
    %dma_wait3A_1282 = arith.constant 7 : i32
    %dma_wait3A_1283 = arith.constant 0 : i32
    %dma_wait3A_1284 = arith.constant 0 : i32
    %dma_wait3A_1285 = arith.constant 0 : i32
    %dma_wait3A_1286 = tpu.memref_slice %arg6[%dma_wait3A_1283, %dma_wait3A_1284, %dma_wait3A_1285] : memref<4x128x128xf32, #tpu.memory_space<vmem>> -> memref<1x128x128xf32, #tpu.memory_space<vmem>>
    %dma_wait3A_1287 = tpu.memref_squeeze %dma_wait3A_1286 : memref<1x128x128xf32, #tpu.memory_space<vmem>> -> memref<128x128xf32, #tpu.memory_space<vmem>>
    %dma_wait3A_1288 = arith.constant 0 : i32
    %dma_wait3A_1289 = tpu.memref_slice %arg5[%dma_wait3A_1281, %dma_wait3A_1282, %dma_wait3A_1288] : memref<4x20x128xi32, #tpu.memory_space<vmem>> -> memref<1x1x128xi32, #tpu.memory_space<vmem>>
    %dma_wait3A_1290 = tpu.memref_squeeze %dma_wait3A_1289 : memref<1x1x128xi32, #tpu.memory_space<vmem>> -> memref<128xi32, #tpu.memory_space<vmem>>
    %dma_wait3A_1291 = arith.constant 0 : i32
    %dma_wait3A_1292 = arith.constant 0 : i32
    %dma_wait3A_1293 = tpu.memref_slice %arg3[%dma_wait3A_1291, %dma_wait3A_1292] : memref<1000000x128xf32, #tpu.memory_space<hbm>> -> memref<1000000x128xf32, #tpu.memory_space<hbm>>
    tpu.wait_indirect_dma semaphore(%arg7 : memref<!tpu.dma_semaphore, #tpu.memory_space<semaphore_mem>>) src(%dma_wait3A_1293 : memref<1000000x128xf32, #tpu.memory_space<hbm>>) dst(%dma_wait3A_1287 : memref<128x128xf32, #tpu.memory_space<vmem>>)
    %dma_wait3A_1294 = arith.constant 0 : i32
    %dma_wait3A_1295 = arith.constant 8 : i32
    %dma_wait3A_1296 = arith.constant 0 : i32
    %dma_wait3A_1297 = arith.constant 0 : i32
    %dma_wait3A_1298 = arith.constant 0 : i32
    %dma_wait3A_1299 = tpu.memref_slice %arg6[%dma_wait3A_1296, %dma_wait3A_1297, %dma_wait3A_1298] : memref<4x128x128xf32, #tpu.memory_space<vmem>> -> memref<1x128x128xf32, #tpu.memory_space<vmem>>
    %dma_wait3A_1300 = tpu.memref_squeeze %dma_wait3A_1299 : memref<1x128x128xf32, #tpu.memory_space<vmem>> -> memref<128x128xf32, #tpu.memory_space<vmem>>
    %dma_wait3A_1301 = arith.constant 0 : i32
    %dma_wait3A_1302 = tpu.memref_slice %arg5[%dma_wait3A_1294, %dma_wait3A_1295, %dma_wait3A_1301] : memref<4x20x128xi32, #tpu.memory_space<vmem>> -> memref<1x1x128xi32, #tpu.memory_space<vmem>>
    %dma_wait3A_1303 = tpu.memref_squeeze %dma_wait3A_1302 : memref<1x1x128xi32, #tpu.memory_space<vmem>> -> memref<128xi32, #tpu.memory_space<vmem>>
    %dma_wait3A_1304 = arith.constant 0 : i32
    %dma_wait3A_1305 = arith.constant 0 : i32
    %dma_wait3A_1306 = tpu.memref_slice %arg3[%dma_wait3A_1304, %dma_wait3A_1305] : memref<1000000x128xf32, #tpu.memory_space<hbm>> -> memref<1000000x128xf32, #tpu.memory_space<hbm>>
    tpu.wait_indirect_dma semaphore(%arg7 : memref<!tpu.dma_semaphore, #tpu.memory_space<semaphore_mem>>) src(%dma_wait3A_1306 : memref<1000000x128xf32, #tpu.memory_space<hbm>>) dst(%dma_wait3A_1300 : memref<128x128xf32, #tpu.memory_space<vmem>>)
    %dma_wait3A_1307 = arith.constant 0 : i32
    %dma_wait3A_1308 = arith.constant 9 : i32
    %dma_wait3A_1309 = arith.constant 0 : i32
    %dma_wait3A_1310 = arith.constant 0 : i32
    %dma_wait3A_1311 = arith.constant 0 : i32
    %dma_wait3A_1312 = tpu.memref_slice %arg6[%dma_wait3A_1309, %dma_wait3A_1310, %dma_wait3A_1311] : memref<4x128x128xf32, #tpu.memory_space<vmem>> -> memref<1x128x128xf32, #tpu.memory_space<vmem>>
    %dma_wait3A_1313 = tpu.memref_squeeze %dma_wait3A_1312 : memref<1x128x128xf32, #tpu.memory_space<vmem>> -> memref<128x128xf32, #tpu.memory_space<vmem>>
    %dma_wait3A_1314 = arith.constant 0 : i32
    %dma_wait3A_1315 = tpu.memref_slice %arg5[%dma_wait3A_1307, %dma_wait3A_1308, %dma_wait3A_1314] : memref<4x20x128xi32, #tpu.memory_space<vmem>> -> memref<1x1x128xi32, #tpu.memory_space<vmem>>
    %dma_wait3A_1316 = tpu.memref_squeeze %dma_wait3A_1315 : memref<1x1x128xi32, #tpu.memory_space<vmem>> -> memref<128xi32, #tpu.memory_space<vmem>>
    %dma_wait3A_1317 = arith.constant 0 : i32
    %dma_wait3A_1318 = arith.constant 0 : i32
    %dma_wait3A_1319 = tpu.memref_slice %arg3[%dma_wait3A_1317, %dma_wait3A_1318] : memref<1000000x128xf32, #tpu.memory_space<hbm>> -> memref<1000000x128xf32, #tpu.memory_space<hbm>>
    tpu.wait_indirect_dma semaphore(%arg7 : memref<!tpu.dma_semaphore, #tpu.memory_space<semaphore_mem>>) src(%dma_wait3A_1319 : memref<1000000x128xf32, #tpu.memory_space<hbm>>) dst(%dma_wait3A_1313 : memref<128x128xf32, #tpu.memory_space<vmem>>)
    %dma_wait3A_1320 = arith.constant 0 : i32
    %dma_wait3A_1321 = arith.constant 10 : i32
    %dma_wait3A_1322 = arith.constant 0 : i32
    %dma_wait3A_1323 = arith.constant 0 : i32
    %dma_wait3A_1324 = arith.constant 0 : i32
    %dma_wait3A_1325 = tpu.memref_slice %arg6[%dma_wait3A_1322, %dma_wait3A_1323, %dma_wait3A_1324] : memref<4x128x128xf32, #tpu.memory_space<vmem>> -> memref<1x128x128xf32, #tpu.memory_space<vmem>>
    %dma_wait3A_1326 = tpu.memref_squeeze %dma_wait3A_1325 : memref<1x128x128xf32, #tpu.memory_space<vmem>> -> memref<128x128xf32, #tpu.memory_space<vmem>>
    %dma_wait3A_1327 = arith.constant 0 : i32
    %dma_wait3A_1328 = tpu.memref_slice %arg5[%dma_wait3A_1320, %dma_wait3A_1321, %dma_wait3A_1327] : memref<4x20x128xi32, #tpu.memory_space<vmem>> -> memref<1x1x128xi32, #tpu.memory_space<vmem>>
    %dma_wait3A_1329 = tpu.memref_squeeze %dma_wait3A_1328 : memref<1x1x128xi32, #tpu.memory_space<vmem>> -> memref<128xi32, #tpu.memory_space<vmem>>
    %dma_wait3A_1330 = arith.constant 0 : i32
    %dma_wait3A_1331 = arith.constant 0 : i32
    %dma_wait3A_1332 = tpu.memref_slice %arg3[%dma_wait3A_1330, %dma_wait3A_1331] : memref<1000000x128xf32, #tpu.memory_space<hbm>> -> memref<1000000x128xf32, #tpu.memory_space<hbm>>
    tpu.wait_indirect_dma semaphore(%arg7 : memref<!tpu.dma_semaphore, #tpu.memory_space<semaphore_mem>>) src(%dma_wait3A_1332 : memref<1000000x128xf32, #tpu.memory_space<hbm>>) dst(%dma_wait3A_1326 : memref<128x128xf32, #tpu.memory_space<vmem>>)
    %dma_wait3A_1333 = arith.constant 0 : i32
    %dma_wait3A_1334 = arith.constant 11 : i32
    %dma_wait3A_1335 = arith.constant 0 : i32
    %dma_wait3A_1336 = arith.constant 0 : i32
    %dma_wait3A_1337 = arith.constant 0 : i32
    %dma_wait3A_1338 = tpu.memref_slice %arg6[%dma_wait3A_1335, %dma_wait3A_1336, %dma_wait3A_1337] : memref<4x128x128xf32, #tpu.memory_space<vmem>> -> memref<1x128x128xf32, #tpu.memory_space<vmem>>
    %dma_wait3A_1339 = tpu.memref_squeeze %dma_wait3A_1338 : memref<1x128x128xf32, #tpu.memory_space<vmem>> -> memref<128x128xf32, #tpu.memory_space<vmem>>
    %dma_wait3A_1340 = arith.constant 0 : i32
    %dma_wait3A_1341 = tpu.memref_slice %arg5[%dma_wait3A_1333, %dma_wait3A_1334, %dma_wait3A_1340] : memref<4x20x128xi32, #tpu.memory_space<vmem>> -> memref<1x1x128xi32, #tpu.memory_space<vmem>>
    %dma_wait3A_1342 = tpu.memref_squeeze %dma_wait3A_1341 : memref<1x1x128xi32, #tpu.memory_space<vmem>> -> memref<128xi32, #tpu.memory_space<vmem>>
    %dma_wait3A_1343 = arith.constant 0 : i32
    %dma_wait3A_1344 = arith.constant 0 : i32
    %dma_wait3A_1345 = tpu.memref_slice %arg3[%dma_wait3A_1343, %dma_wait3A_1344] : memref<1000000x128xf32, #tpu.memory_space<hbm>> -> memref<1000000x128xf32, #tpu.memory_space<hbm>>
    tpu.wait_indirect_dma semaphore(%arg7 : memref<!tpu.dma_semaphore, #tpu.memory_space<semaphore_mem>>) src(%dma_wait3A_1345 : memref<1000000x128xf32, #tpu.memory_space<hbm>>) dst(%dma_wait3A_1339 : memref<128x128xf32, #tpu.memory_space<vmem>>)
    %dma_wait3A_1346 = arith.constant 0 : i32
    %dma_wait3A_1347 = arith.constant 12 : i32
    %dma_wait3A_1348 = arith.constant 0 : i32
    %dma_wait3A_1349 = arith.constant 0 : i32
    %dma_wait3A_1350 = arith.constant 0 : i32
    %dma_wait3A_1351 = tpu.memref_slice %arg6[%dma_wait3A_1348, %dma_wait3A_1349, %dma_wait3A_1350] : memref<4x128x128xf32, #tpu.memory_space<vmem>> -> memref<1x128x128xf32, #tpu.memory_space<vmem>>
    %dma_wait3A_1352 = tpu.memref_squeeze %dma_wait3A_1351 : memref<1x128x128xf32, #tpu.memory_space<vmem>> -> memref<128x128xf32, #tpu.memory_space<vmem>>
    %dma_wait3A_1353 = arith.constant 0 : i32
    %dma_wait3A_1354 = tpu.memref_slice %arg5[%dma_wait3A_1346, %dma_wait3A_1347, %dma_wait3A_1353] : memref<4x20x128xi32, #tpu.memory_space<vmem>> -> memref<1x1x128xi32, #tpu.memory_space<vmem>>
    %dma_wait3A_1355 = tpu.memref_squeeze %dma_wait3A_1354 : memref<1x1x128xi32, #tpu.memory_space<vmem>> -> memref<128xi32, #tpu.memory_space<vmem>>
    %dma_wait3A_1356 = arith.constant 0 : i32
    %dma_wait3A_1357 = arith.constant 0 : i32
    %dma_wait3A_1358 = tpu.memref_slice %arg3[%dma_wait3A_1356, %dma_wait3A_1357] : memref<1000000x128xf32, #tpu.memory_space<hbm>> -> memref<1000000x128xf32, #tpu.memory_space<hbm>>
    tpu.wait_indirect_dma semaphore(%arg7 : memref<!tpu.dma_semaphore, #tpu.memory_space<semaphore_mem>>) src(%dma_wait3A_1358 : memref<1000000x128xf32, #tpu.memory_space<hbm>>) dst(%dma_wait3A_1352 : memref<128x128xf32, #tpu.memory_space<vmem>>)
    %dma_wait3A_1359 = arith.constant 0 : i32
    %dma_wait3A_1360 = arith.constant 13 : i32
    %dma_wait3A_1361 = arith.constant 0 : i32
    %dma_wait3A_1362 = arith.constant 0 : i32
    %dma_wait3A_1363 = arith.constant 0 : i32
    %dma_wait3A_1364 = tpu.memref_slice %arg6[%dma_wait3A_1361, %dma_wait3A_1362, %dma_wait3A_1363] : memref<4x128x128xf32, #tpu.memory_space<vmem>> -> memref<1x128x128xf32, #tpu.memory_space<vmem>>
    %dma_wait3A_1365 = tpu.memref_squeeze %dma_wait3A_1364 : memref<1x128x128xf32, #tpu.memory_space<vmem>> -> memref<128x128xf32, #tpu.memory_space<vmem>>
    %dma_wait3A_1366 = arith.constant 0 : i32
    %dma_wait3A_1367 = tpu.memref_slice %arg5[%dma_wait3A_1359, %dma_wait3A_1360, %dma_wait3A_1366] : memref<4x20x128xi32, #tpu.memory_space<vmem>> -> memref<1x1x128xi32, #tpu.memory_space<vmem>>
    %dma_wait3A_1368 = tpu.memref_squeeze %dma_wait3A_1367 : memref<1x1x128xi32, #tpu.memory_space<vmem>> -> memref<128xi32, #tpu.memory_space<vmem>>
    %dma_wait3A_1369 = arith.constant 0 : i32
    %dma_wait3A_1370 = arith.constant 0 : i32
    %dma_wait3A_1371 = tpu.memref_slice %arg3[%dma_wait3A_1369, %dma_wait3A_1370] : memref<1000000x128xf32, #tpu.memory_space<hbm>> -> memref<1000000x128xf32, #tpu.memory_space<hbm>>
    tpu.wait_indirect_dma semaphore(%arg7 : memref<!tpu.dma_semaphore, #tpu.memory_space<semaphore_mem>>) src(%dma_wait3A_1371 : memref<1000000x128xf32, #tpu.memory_space<hbm>>) dst(%dma_wait3A_1365 : memref<128x128xf32, #tpu.memory_space<vmem>>)
    %dma_wait3A_1372 = arith.constant 0 : i32
    %dma_wait3A_1373 = arith.constant 14 : i32
    %dma_wait3A_1374 = arith.constant 0 : i32
    %dma_wait3A_1375 = arith.constant 0 : i32
    %dma_wait3A_1376 = arith.constant 0 : i32
    %dma_wait3A_1377 = tpu.memref_slice %arg6[%dma_wait3A_1374, %dma_wait3A_1375, %dma_wait3A_1376] : memref<4x128x128xf32, #tpu.memory_space<vmem>> -> memref<1x128x128xf32, #tpu.memory_space<vmem>>
    %dma_wait3A_1378 = tpu.memref_squeeze %dma_wait3A_1377 : memref<1x128x128xf32, #tpu.memory_space<vmem>> -> memref<128x128xf32, #tpu.memory_space<vmem>>
    %dma_wait3A_1379 = arith.constant 0 : i32
    %dma_wait3A_1380 = tpu.memref_slice %arg5[%dma_wait3A_1372, %dma_wait3A_1373, %dma_wait3A_1379] : memref<4x20x128xi32, #tpu.memory_space<vmem>> -> memref<1x1x128xi32, #tpu.memory_space<vmem>>
    %dma_wait3A_1381 = tpu.memref_squeeze %dma_wait3A_1380 : memref<1x1x128xi32, #tpu.memory_space<vmem>> -> memref<128xi32, #tpu.memory_space<vmem>>
    %dma_wait3A_1382 = arith.constant 0 : i32
    %dma_wait3A_1383 = arith.constant 0 : i32
    %dma_wait3A_1384 = tpu.memref_slice %arg3[%dma_wait3A_1382, %dma_wait3A_1383] : memref<1000000x128xf32, #tpu.memory_space<hbm>> -> memref<1000000x128xf32, #tpu.memory_space<hbm>>
    tpu.wait_indirect_dma semaphore(%arg7 : memref<!tpu.dma_semaphore, #tpu.memory_space<semaphore_mem>>) src(%dma_wait3A_1384 : memref<1000000x128xf32, #tpu.memory_space<hbm>>) dst(%dma_wait3A_1378 : memref<128x128xf32, #tpu.memory_space<vmem>>)
    %dma_wait3A_1385 = arith.constant 0 : i32
    %dma_wait3A_1386 = arith.constant 15 : i32
    %dma_wait3A_1387 = arith.constant 0 : i32
    %dma_wait3A_1388 = arith.constant 0 : i32
    %dma_wait3A_1389 = arith.constant 0 : i32
    %dma_wait3A_1390 = tpu.memref_slice %arg6[%dma_wait3A_1387, %dma_wait3A_1388, %dma_wait3A_1389] : memref<4x128x128xf32, #tpu.memory_space<vmem>> -> memref<1x128x128xf32, #tpu.memory_space<vmem>>
    %dma_wait3A_1391 = tpu.memref_squeeze %dma_wait3A_1390 : memref<1x128x128xf32, #tpu.memory_space<vmem>> -> memref<128x128xf32, #tpu.memory_space<vmem>>
    %dma_wait3A_1392 = arith.constant 0 : i32
    %dma_wait3A_1393 = tpu.memref_slice %arg5[%dma_wait3A_1385, %dma_wait3A_1386, %dma_wait3A_1392] : memref<4x20x128xi32, #tpu.memory_space<vmem>> -> memref<1x1x128xi32, #tpu.memory_space<vmem>>
    %dma_wait3A_1394 = tpu.memref_squeeze %dma_wait3A_1393 : memref<1x1x128xi32, #tpu.memory_space<vmem>> -> memref<128xi32, #tpu.memory_space<vmem>>
    %dma_wait3A_1395 = arith.constant 0 : i32
    %dma_wait3A_1396 = arith.constant 0 : i32
    %dma_wait3A_1397 = tpu.memref_slice %arg3[%dma_wait3A_1395, %dma_wait3A_1396] : memref<1000000x128xf32, #tpu.memory_space<hbm>> -> memref<1000000x128xf32, #tpu.memory_space<hbm>>
    tpu.wait_indirect_dma semaphore(%arg7 : memref<!tpu.dma_semaphore, #tpu.memory_space<semaphore_mem>>) src(%dma_wait3A_1397 : memref<1000000x128xf32, #tpu.memory_space<hbm>>) dst(%dma_wait3A_1391 : memref<128x128xf32, #tpu.memory_space<vmem>>)
    %dma_wait3A_1398 = arith.constant 0 : i32
    %dma_wait3A_1399 = arith.constant 16 : i32
    %dma_wait3A_1400 = arith.constant 0 : i32
    %dma_wait3A_1401 = arith.constant 0 : i32
    %dma_wait3A_1402 = arith.constant 0 : i32
    %dma_wait3A_1403 = tpu.memref_slice %arg6[%dma_wait3A_1400, %dma_wait3A_1401, %dma_wait3A_1402] : memref<4x128x128xf32, #tpu.memory_space<vmem>> -> memref<1x128x128xf32, #tpu.memory_space<vmem>>
    %dma_wait3A_1404 = tpu.memref_squeeze %dma_wait3A_1403 : memref<1x128x128xf32, #tpu.memory_space<vmem>> -> memref<128x128xf32, #tpu.memory_space<vmem>>
    %dma_wait3A_1405 = arith.constant 0 : i32
    %dma_wait3A_1406 = tpu.memref_slice %arg5[%dma_wait3A_1398, %dma_wait3A_1399, %dma_wait3A_1405] : memref<4x20x128xi32, #tpu.memory_space<vmem>> -> memref<1x1x128xi32, #tpu.memory_space<vmem>>
    %dma_wait3A_1407 = tpu.memref_squeeze %dma_wait3A_1406 : memref<1x1x128xi32, #tpu.memory_space<vmem>> -> memref<128xi32, #tpu.memory_space<vmem>>
    %dma_wait3A_1408 = arith.constant 0 : i32
    %dma_wait3A_1409 = arith.constant 0 : i32
    %dma_wait3A_1410 = tpu.memref_slice %arg3[%dma_wait3A_1408, %dma_wait3A_1409] : memref<1000000x128xf32, #tpu.memory_space<hbm>> -> memref<1000000x128xf32, #tpu.memory_space<hbm>>
    tpu.wait_indirect_dma semaphore(%arg7 : memref<!tpu.dma_semaphore, #tpu.memory_space<semaphore_mem>>) src(%dma_wait3A_1410 : memref<1000000x128xf32, #tpu.memory_space<hbm>>) dst(%dma_wait3A_1404 : memref<128x128xf32, #tpu.memory_space<vmem>>)
    %dma_wait3A_1411 = arith.constant 0 : i32
    %dma_wait3A_1412 = arith.constant 17 : i32
    %dma_wait3A_1413 = arith.constant 0 : i32
    %dma_wait3A_1414 = arith.constant 0 : i32
    %dma_wait3A_1415 = arith.constant 0 : i32
    %dma_wait3A_1416 = tpu.memref_slice %arg6[%dma_wait3A_1413, %dma_wait3A_1414, %dma_wait3A_1415] : memref<4x128x128xf32, #tpu.memory_space<vmem>> -> memref<1x128x128xf32, #tpu.memory_space<vmem>>
    %dma_wait3A_1417 = tpu.memref_squeeze %dma_wait3A_1416 : memref<1x128x128xf32, #tpu.memory_space<vmem>> -> memref<128x128xf32, #tpu.memory_space<vmem>>
    %dma_wait3A_1418 = arith.constant 0 : i32
    %dma_wait3A_1419 = tpu.memref_slice %arg5[%dma_wait3A_1411, %dma_wait3A_1412, %dma_wait3A_1418] : memref<4x20x128xi32, #tpu.memory_space<vmem>> -> memref<1x1x128xi32, #tpu.memory_space<vmem>>
    %dma_wait3A_1420 = tpu.memref_squeeze %dma_wait3A_1419 : memref<1x1x128xi32, #tpu.memory_space<vmem>> -> memref<128xi32, #tpu.memory_space<vmem>>
    %dma_wait3A_1421 = arith.constant 0 : i32
    %dma_wait3A_1422 = arith.constant 0 : i32
    %dma_wait3A_1423 = tpu.memref_slice %arg3[%dma_wait3A_1421, %dma_wait3A_1422] : memref<1000000x128xf32, #tpu.memory_space<hbm>> -> memref<1000000x128xf32, #tpu.memory_space<hbm>>
    tpu.wait_indirect_dma semaphore(%arg7 : memref<!tpu.dma_semaphore, #tpu.memory_space<semaphore_mem>>) src(%dma_wait3A_1423 : memref<1000000x128xf32, #tpu.memory_space<hbm>>) dst(%dma_wait3A_1417 : memref<128x128xf32, #tpu.memory_space<vmem>>)
    %dma_wait3A_1424 = arith.constant 0 : i32
    %dma_wait3A_1425 = arith.constant 18 : i32
    %dma_wait3A_1426 = arith.constant 0 : i32
    %dma_wait3A_1427 = arith.constant 0 : i32
    %dma_wait3A_1428 = arith.constant 0 : i32
    %dma_wait3A_1429 = tpu.memref_slice %arg6[%dma_wait3A_1426, %dma_wait3A_1427, %dma_wait3A_1428] : memref<4x128x128xf32, #tpu.memory_space<vmem>> -> memref<1x128x128xf32, #tpu.memory_space<vmem>>
    %dma_wait3A_1430 = tpu.memref_squeeze %dma_wait3A_1429 : memref<1x128x128xf32, #tpu.memory_space<vmem>> -> memref<128x128xf32, #tpu.memory_space<vmem>>
    %dma_wait3A_1431 = arith.constant 0 : i32
    %dma_wait3A_1432 = tpu.memref_slice %arg5[%dma_wait3A_1424, %dma_wait3A_1425, %dma_wait3A_1431] : memref<4x20x128xi32, #tpu.memory_space<vmem>> -> memref<1x1x128xi32, #tpu.memory_space<vmem>>
    %dma_wait3A_1433 = tpu.memref_squeeze %dma_wait3A_1432 : memref<1x1x128xi32, #tpu.memory_space<vmem>> -> memref<128xi32, #tpu.memory_space<vmem>>
    %dma_wait3A_1434 = arith.constant 0 : i32
    %dma_wait3A_1435 = arith.constant 0 : i32
    %dma_wait3A_1436 = tpu.memref_slice %arg3[%dma_wait3A_1434, %dma_wait3A_1435] : memref<1000000x128xf32, #tpu.memory_space<hbm>> -> memref<1000000x128xf32, #tpu.memory_space<hbm>>
    tpu.wait_indirect_dma semaphore(%arg7 : memref<!tpu.dma_semaphore, #tpu.memory_space<semaphore_mem>>) src(%dma_wait3A_1436 : memref<1000000x128xf32, #tpu.memory_space<hbm>>) dst(%dma_wait3A_1430 : memref<128x128xf32, #tpu.memory_space<vmem>>)
    %dma_wait3A_1437 = arith.constant 0 : i32
    %dma_wait3A_1438 = arith.constant 19 : i32
    %dma_wait3A_1439 = arith.constant 0 : i32
    %dma_wait3A_1440 = arith.constant 0 : i32
    %dma_wait3A_1441 = arith.constant 0 : i32
    %dma_wait3A_1442 = tpu.memref_slice %arg6[%dma_wait3A_1439, %dma_wait3A_1440, %dma_wait3A_1441] : memref<4x128x128xf32, #tpu.memory_space<vmem>> -> memref<1x128x128xf32, #tpu.memory_space<vmem>>
    %dma_wait3A_1443 = tpu.memref_squeeze %dma_wait3A_1442 : memref<1x128x128xf32, #tpu.memory_space<vmem>> -> memref<128x128xf32, #tpu.memory_space<vmem>>
    %dma_wait3A_1444 = arith.constant 0 : i32
    %dma_wait3A_1445 = tpu.memref_slice %arg5[%dma_wait3A_1437, %dma_wait3A_1438, %dma_wait3A_1444] : memref<4x20x128xi32, #tpu.memory_space<vmem>> -> memref<1x1x128xi32, #tpu.memory_space<vmem>>
    %dma_wait3A_1446 = tpu.memref_squeeze %dma_wait3A_1445 : memref<1x1x128xi32, #tpu.memory_space<vmem>> -> memref<128xi32, #tpu.memory_space<vmem>>
    %dma_wait3A_1447 = arith.constant 0 : i32
    %dma_wait3A_1448 = arith.constant 0 : i32
    %dma_wait3A_1449 = tpu.memref_slice %arg3[%dma_wait3A_1447, %dma_wait3A_1448] : memref<1000000x128xf32, #tpu.memory_space<hbm>> -> memref<1000000x128xf32, #tpu.memory_space<hbm>>
    tpu.wait_indirect_dma semaphore(%arg7 : memref<!tpu.dma_semaphore, #tpu.memory_space<semaphore_mem>>) src(%dma_wait3A_1449 : memref<1000000x128xf32, #tpu.memory_space<hbm>>) dst(%dma_wait3A_1443 : memref<128x128xf32, #tpu.memory_space<vmem>>)
    %scan3A_1450 = arith.constant 0 : i32
    %scan3A_1451 = arith.constant 0 : i32
    %scan3A_1452 = arith.constant 128 : i32
    %scan3A_1453 = arith.addi %scan3A_1451, %scan3A_1452 : i32
    %scan3A_1454 = arith.constant 1 : i32
    scf.for %scan3A_2382 = %scan3A_1451 to %scan3A_1453 step %scan3A_1454  : i32 {
      %get3A = arith.constant 0 : i32
      %get3A_2383 = arith.index_cast %get3A : i32 to index
      %get3A_2384 = arith.index_cast %scan3A_2382 : i32 to index
      %get3A_2385 = arith.constant 0 : index
      %get3A_2386 = tpu.vector_load %arg6[%get3A_2383, %get3A_2384, %get3A_2385] {strides = array<i32>} : memref<4x128x128xf32, #tpu.memory_space<vmem>>, vector<1x1x16xf32>,
      %get3A_2387 = vector.shape_cast %get3A_2386 : vector<1x1x16xf32> to vector<16xf32>
      %mul3A_2388 = arith.constant 5.000000e-02 : f32
      %mul3A_2389 = vector.broadcast %mul3A_2388 : f32 to vector<16xf32>
      %mul3A_2390 = arith.mulf %get3A_2387, %mul3A_2389 : vector<16xf32>
      %swap3A = arith.constant 0 : i32
      %swap3A_2391 = arith.index_cast %swap3A : i32 to index
      %swap3A_2392 = arith.index_cast %scan3A_2382 : i32 to index
      %swap3A_2393 = arith.constant 0 : index
      %swap3A_2394 = tpu.vector_load %arg6[%swap3A_2391, %swap3A_2392, %swap3A_2393] {strides = array<i32>} : memref<4x128x128xf32, #tpu.memory_space<vmem>>, vector<1x1x16xf32>,
      %swap3A_2395 = vector.shape_cast %swap3A_2394 : vector<1x1x16xf32> to vector<16xf32>
      %swap3A_2396 = vector.shape_cast %mul3A_2390 : vector<16xf32> to vector<1x1x16xf32>
      tpu.vector_store %arg6[%swap3A_2391, %swap3A_2392, %swap3A_2393], %swap3A_2396 {strides = array<i32>} : memref<4x128x128xf32, #tpu.memory_space<vmem>>, vector<1x1x16xf32>,
      %get3A_2397 = arith.constant 0 : i32
      %get3A_2398 = arith.index_cast %get3A_2397 : i32 to index
      %get3A_2399 = arith.index_cast %scan3A_2382 : i32 to index
      %get3A_2400 = arith.constant 16 : index
      %get3A_2401 = tpu.vector_load %arg6[%get3A_2398, %get3A_2399, %get3A_2400] {strides = array<i32>} : memref<4x128x128xf32, #tpu.memory_space<vmem>>, vector<1x1x16xf32>,
      %get3A_2402 = vector.shape_cast %get3A_2401 : vector<1x1x16xf32> to vector<16xf32>
      %mul3A_2403 = arith.constant 5.000000e-02 : f32
      %mul3A_2404 = vector.broadcast %mul3A_2403 : f32 to vector<16xf32>
      %mul3A_2405 = arith.mulf %get3A_2402, %mul3A_2404 : vector<16xf32>
      %swap3A_2406 = arith.constant 0 : i32
      %swap3A_2407 = arith.index_cast %swap3A_2406 : i32 to index
      %swap3A_2408 = arith.index_cast %scan3A_2382 : i32 to index
      %swap3A_2409 = arith.constant 16 : index
      %swap3A_2410 = tpu.vector_load %arg6[%swap3A_2407, %swap3A_2408, %swap3A_2409] {strides = array<i32>} : memref<4x128x128xf32, #tpu.memory_space<vmem>>, vector<1x1x16xf32>,
      %swap3A_2411 = vector.shape_cast %swap3A_2410 : vector<1x1x16xf32> to vector<16xf32>
      %swap3A_2412 = vector.shape_cast %mul3A_2405 : vector<16xf32> to vector<1x1x16xf32>
      tpu.vector_store %arg6[%swap3A_2407, %swap3A_2408, %swap3A_2409], %swap3A_2412 {strides = array<i32>} : memref<4x128x128xf32, #tpu.memory_space<vmem>>, vector<1x1x16xf32>,
      %get3A_2413 = arith.constant 0 : i32
      %get3A_2414 = arith.index_cast %get3A_2413 : i32 to index
      %get3A_2415 = arith.index_cast %scan3A_2382 : i32 to index
      %get3A_2416 = arith.constant 32 : index
      %get3A_2417 = tpu.vector_load %arg6[%get3A_2414, %get3A_2415, %get3A_2416] {strides = array<i32>} : memref<4x128x128xf32, #tpu.memory_space<vmem>>, vector<1x1x16xf32>,
      %get3A_2418 = vector.shape_cast %get3A_2417 : vector<1x1x16xf32> to vector<16xf32>
      %mul3A_2419 = arith.constant 5.000000e-02 : f32
      %mul3A_2420 = vector.broadcast %mul3A_2419 : f32 to vector<16xf32>
      %mul3A_2421 = arith.mulf %get3A_2418, %mul3A_2420 : vector<16xf32>
      %swap3A_2422 = arith.constant 0 : i32
      %swap3A_2423 = arith.index_cast %swap3A_2422 : i32 to index
      %swap3A_2424 = arith.index_cast %scan3A_2382 : i32 to index
      %swap3A_2425 = arith.constant 32 : index
      %swap3A_2426 = tpu.vector_load %arg6[%swap3A_2423, %swap3A_2424, %swap3A_2425] {strides = array<i32>} : memref<4x128x128xf32, #tpu.memory_space<vmem>>, vector<1x1x16xf32>,
      %swap3A_2427 = vector.shape_cast %swap3A_2426 : vector<1x1x16xf32> to vector<16xf32>
      %swap3A_2428 = vector.shape_cast %mul3A_2421 : vector<16xf32> to vector<1x1x16xf32>
      tpu.vector_store %arg6[%swap3A_2423, %swap3A_2424, %swap3A_2425], %swap3A_2428 {strides = array<i32>} : memref<4x128x128xf32, #tpu.memory_space<vmem>>, vector<1x1x16xf32>,
      %get3A_2429 = arith.constant 0 : i32
      %get3A_2430 = arith.index_cast %get3A_2429 : i32 to index
      %get3A_2431 = arith.index_cast %scan3A_2382 : i32 to index
      %get3A_2432 = arith.constant 48 : index
      %get3A_2433 = tpu.vector_load %arg6[%get3A_2430, %get3A_2431, %get3A_2432] {strides = array<i32>} : memref<4x128x128xf32, #tpu.memory_space<vmem>>, vector<1x1x16xf32>,
      %get3A_2434 = vector.shape_cast %get3A_2433 : vector<1x1x16xf32> to vector<16xf32>
      %mul3A_2435 = arith.constant 5.000000e-02 : f32
      %mul3A_2436 = vector.broadcast %mul3A_2435 : f32 to vector<16xf32>
      %mul3A_2437 = arith.mulf %get3A_2434, %mul3A_2436 : vector<16xf32>
      %swap3A_2438 = arith.constant 0 : i32
      %swap3A_2439 = arith.index_cast %swap3A_2438 : i32 to index
      %swap3A_2440 = arith.index_cast %scan3A_2382 : i32 to index
      %swap3A_2441 = arith.constant 48 : index
      %swap3A_2442 = tpu.vector_load %arg6[%swap3A_2439, %swap3A_2440, %swap3A_2441] {strides = array<i32>} : memref<4x128x128xf32, #tpu.memory_space<vmem>>, vector<1x1x16xf32>,
      %swap3A_2443 = vector.shape_cast %swap3A_2442 : vector<1x1x16xf32> to vector<16xf32>
      %swap3A_2444 = vector.shape_cast %mul3A_2437 : vector<16xf32> to vector<1x1x16xf32>
      tpu.vector_store %arg6[%swap3A_2439, %swap3A_2440, %swap3A_2441], %swap3A_2444 {strides = array<i32>} : memref<4x128x128xf32, #tpu.memory_space<vmem>>, vector<1x1x16xf32>,
      %get3A_2445 = arith.constant 0 : i32
      %get3A_2446 = arith.index_cast %get3A_2445 : i32 to index
      %get3A_2447 = arith.index_cast %scan3A_2382 : i32 to index
      %get3A_2448 = arith.constant 64 : index
      %get3A_2449 = tpu.vector_load %arg6[%get3A_2446, %get3A_2447, %get3A_2448] {strides = array<i32>} : memref<4x128x128xf32, #tpu.memory_space<vmem>>, vector<1x1x16xf32>,
      %get3A_2450 = vector.shape_cast %get3A_2449 : vector<1x1x16xf32> to vector<16xf32>
      %mul3A_2451 = arith.constant 5.000000e-02 : f32
      %mul3A_2452 = vector.broadcast %mul3A_2451 : f32 to vector<16xf32>
      %mul3A_2453 = arith.mulf %get3A_2450, %mul3A_2452 : vector<16xf32>
      %swap3A_2454 = arith.constant 0 : i32
      %swap3A_2455 = arith.index_cast %swap3A_2454 : i32 to index
      %swap3A_2456 = arith.index_cast %scan3A_2382 : i32 to index
      %swap3A_2457 = arith.constant 64 : index
      %swap3A_2458 = tpu.vector_load %arg6[%swap3A_2455, %swap3A_2456, %swap3A_2457] {strides = array<i32>} : memref<4x128x128xf32, #tpu.memory_space<vmem>>, vector<1x1x16xf32>,
      %swap3A_2459 = vector.shape_cast %swap3A_2458 : vector<1x1x16xf32> to vector<16xf32>
      %swap3A_2460 = vector.shape_cast %mul3A_2453 : vector<16xf32> to vector<1x1x16xf32>
      tpu.vector_store %arg6[%swap3A_2455, %swap3A_2456, %swap3A_2457], %swap3A_2460 {strides = array<i32>} : memref<4x128x128xf32, #tpu.memory_space<vmem>>, vector<1x1x16xf32>,
      %get3A_2461 = arith.constant 0 : i32
      %get3A_2462 = arith.index_cast %get3A_2461 : i32 to index
      %get3A_2463 = arith.index_cast %scan3A_2382 : i32 to index
      %get3A_2464 = arith.constant 80 : index
      %get3A_2465 = tpu.vector_load %arg6[%get3A_2462, %get3A_2463, %get3A_2464] {strides = array<i32>} : memref<4x128x128xf32, #tpu.memory_space<vmem>>, vector<1x1x16xf32>,
      %get3A_2466 = vector.shape_cast %get3A_2465 : vector<1x1x16xf32> to vector<16xf32>
      %mul3A_2467 = arith.constant 5.000000e-02 : f32
      %mul3A_2468 = vector.broadcast %mul3A_2467 : f32 to vector<16xf32>
      %mul3A_2469 = arith.mulf %get3A_2466, %mul3A_2468 : vector<16xf32>
      %swap3A_2470 = arith.constant 0 : i32
      %swap3A_2471 = arith.index_cast %swap3A_2470 : i32 to index
      %swap3A_2472 = arith.index_cast %scan3A_2382 : i32 to index
      %swap3A_2473 = arith.constant 80 : index
      %swap3A_2474 = tpu.vector_load %arg6[%swap3A_2471, %swap3A_2472, %swap3A_2473] {strides = array<i32>} : memref<4x128x128xf32, #tpu.memory_space<vmem>>, vector<1x1x16xf32>,
      %swap3A_2475 = vector.shape_cast %swap3A_2474 : vector<1x1x16xf32> to vector<16xf32>
      %swap3A_2476 = vector.shape_cast %mul3A_2469 : vector<16xf32> to vector<1x1x16xf32>
      tpu.vector_store %arg6[%swap3A_2471, %swap3A_2472, %swap3A_2473], %swap3A_2476 {strides = array<i32>} : memref<4x128x128xf32, #tpu.memory_space<vmem>>, vector<1x1x16xf32>,
      %get3A_2477 = arith.constant 0 : i32
      %get3A_2478 = arith.index_cast %get3A_2477 : i32 to index
      %get3A_2479 = arith.index_cast %scan3A_2382 : i32 to index
      %get3A_2480 = arith.constant 96 : index
      %get3A_2481 = tpu.vector_load %arg6[%get3A_2478, %get3A_2479, %get3A_2480] {strides = array<i32>} : memref<4x128x128xf32, #tpu.memory_space<vmem>>, vector<1x1x16xf32>,
      %get3A_2482 = vector.shape_cast %get3A_2481 : vector<1x1x16xf32> to vector<16xf32>
      %mul3A_2483 = arith.constant 5.000000e-02 : f32
      %mul3A_2484 = vector.broadcast %mul3A_2483 : f32 to vector<16xf32>
      %mul3A_2485 = arith.mulf %get3A_2482, %mul3A_2484 : vector<16xf32>
      %swap3A_2486 = arith.constant 0 : i32
      %swap3A_2487 = arith.index_cast %swap3A_2486 : i32 to index
      %swap3A_2488 = arith.index_cast %scan3A_2382 : i32 to index
      %swap3A_2489 = arith.constant 96 : index
      %swap3A_2490 = tpu.vector_load %arg6[%swap3A_2487, %swap3A_2488, %swap3A_2489] {strides = array<i32>} : memref<4x128x128xf32, #tpu.memory_space<vmem>>, vector<1x1x16xf32>,
      %swap3A_2491 = vector.shape_cast %swap3A_2490 : vector<1x1x16xf32> to vector<16xf32>
      %swap3A_2492 = vector.shape_cast %mul3A_2485 : vector<16xf32> to vector<1x1x16xf32>
      tpu.vector_store %arg6[%swap3A_2487, %swap3A_2488, %swap3A_2489], %swap3A_2492 {strides = array<i32>} : memref<4x128x128xf32, #tpu.memory_space<vmem>>, vector<1x1x16xf32>,
      %get3A_2493 = arith.constant 0 : i32
      %get3A_2494 = arith.index_cast %get3A_2493 : i32 to index
      %get3A_2495 = arith.index_cast %scan3A_2382 : i32 to index
      %get3A_2496 = arith.constant 112 : index
      %get3A_2497 = tpu.vector_load %arg6[%get3A_2494, %get3A_2495, %get3A_2496] {strides = array<i32>} : memref<4x128x128xf32, #tpu.memory_space<vmem>>, vector<1x1x16xf32>,
      %get3A_2498 = vector.shape_cast %get3A_2497 : vector<1x1x16xf32> to vector<16xf32>
      %mul3A_2499 = arith.constant 5.000000e-02 : f32
      %mul3A_2500 = vector.broadcast %mul3A_2499 : f32 to vector<16xf32>
      %mul3A_2501 = arith.mulf %get3A_2498, %mul3A_2500 : vector<16xf32>
      %swap3A_2502 = arith.constant 0 : i32
      %swap3A_2503 = arith.index_cast %swap3A_2502 : i32 to index
      %swap3A_2504 = arith.index_cast %scan3A_2382 : i32 to index
      %swap3A_2505 = arith.constant 112 : index
      %swap3A_2506 = tpu.vector_load %arg6[%swap3A_2503, %swap3A_2504, %swap3A_2505] {strides = array<i32>} : memref<4x128x128xf32, #tpu.memory_space<vmem>>, vector<1x1x16xf32>,
      %swap3A_2507 = vector.shape_cast %swap3A_2506 : vector<1x1x16xf32> to vector<16xf32>
      %swap3A_2508 = vector.shape_cast %mul3A_2501 : vector<16xf32> to vector<1x1x16xf32>
      tpu.vector_store %arg6[%swap3A_2503, %swap3A_2504, %swap3A_2505], %swap3A_2508 {strides = array<i32>} : memref<4x128x128xf32, #tpu.memory_space<vmem>>, vector<1x1x16xf32>,
    }
    %scan3A_1455 = arith.constant 128 : i32
    %mul3A_1456 = arith.constant 4 : i32
    %mul3A_1457 = arith.muli %add3A, %mul3A_1456 : i32
    %add3A_1458 = arith.constant 0 : i32
    %add3A_1459 = arith.addi %mul3A_1457, %add3A_1458 : i32
    %mul3A_1460 = arith.constant 128 : i32
    %mul3A_1461 = arith.muli %add3A_1459, %mul3A_1460 : i32
    %dma_start3A_1462 = arith.constant 0 : i32
    %dma_start3A_1463 = arith.constant 0 : i32
    %dma_start3A_1464 = arith.constant 0 : i32
    %dma_start3A_1465 = tpu.memref_slice %arg6[%dma_start3A_1462, %dma_start3A_1463, %dma_start3A_1464] : memref<4x128x128xf32, #tpu.memory_space<vmem>> -> memref<1x128x128xf32, #tpu.memory_space<vmem>>
    %dma_start3A_1466 = tpu.memref_squeeze %dma_start3A_1465 : memref<1x128x128xf32, #tpu.memory_space<vmem>> -> memref<128x128xf32, #tpu.memory_space<vmem>>
    %dma_start3A_1467 = arith.constant 0 : i32
    %dma_start3A_1468 = tpu.memref_slice %arg4[%mul3A_1461, %dma_start3A_1467] : memref<16384x128xf32, #tpu.memory_space<hbm>> -> memref<128x128xf32, #tpu.memory_space<hbm>>
    %dma_start3A_1469 = arith.constant 0 : i32
    %dma_start3A_1470 = tpu.memref_slice %arg4[%mul3A_1461, %dma_start3A_1469] : memref<16384x128xf32, #tpu.memory_space<hbm>> -> memref<128x128xf32, #tpu.memory_space<hbm>>
    %dma_start3A_1471 = arith.constant 0 : i32
    %dma_start3A_1472 = arith.constant 0 : i32
    %dma_start3A_1473 = tpu.memref_slice %arg6[%dma_start3A_1462, %dma_start3A_1471, %dma_start3A_1472] : memref<4x128x128xf32, #tpu.memory_space<vmem>> -> memref<1x128x128xf32, #tpu.memory_space<vmem>>
    %dma_start3A_1474 = tpu.memref_squeeze %dma_start3A_1473 : memref<1x128x128xf32, #tpu.memory_space<vmem>> -> memref<128x128xf32, #tpu.memory_space<vmem>>
    tpu.enqueue_dma source(%dma_start3A_1474 : memref<128x128xf32, #tpu.memory_space<vmem>>) target(%dma_start3A_1470 : memref<128x128xf32, #tpu.memory_space<hbm>>) target_semaphore(%arg11 : memref<!tpu.dma_semaphore, #tpu.memory_space<semaphore_mem>>)
    %dma_wait3A_1475 = arith.constant 1 : i32
    %dma_wait3A_1476 = arith.constant 0 : i32
    %dma_wait3A_1477 = arith.constant 1 : i32
    %dma_wait3A_1478 = arith.constant 0 : i32
    %dma_wait3A_1479 = arith.constant 0 : i32
    %dma_wait3A_1480 = tpu.memref_slice %arg6[%dma_wait3A_1477, %dma_wait3A_1478, %dma_wait3A_1479] : memref<4x128x128xf32, #tpu.memory_space<vmem>> -> memref<1x128x128xf32, #tpu.memory_space<vmem>>
    %dma_wait3A_1481 = tpu.memref_squeeze %dma_wait3A_1480 : memref<1x128x128xf32, #tpu.memory_space<vmem>> -> memref<128x128xf32, #tpu.memory_space<vmem>>
    %dma_wait3A_1482 = arith.constant 0 : i32
    %dma_wait3A_1483 = tpu.memref_slice %arg5[%dma_wait3A_1475, %dma_wait3A_1476, %dma_wait3A_1482] : memref<4x20x128xi32, #tpu.memory_space<vmem>> -> memref<1x1x128xi32, #tpu.memory_space<vmem>>
    %dma_wait3A_1484 = tpu.memref_squeeze %dma_wait3A_1483 : memref<1x1x128xi32, #tpu.memory_space<vmem>> -> memref<128xi32, #tpu.memory_space<vmem>>
    %dma_wait3A_1485 = arith.constant 0 : i32
    %dma_wait3A_1486 = arith.constant 0 : i32
    %dma_wait3A_1487 = tpu.memref_slice %arg3[%dma_wait3A_1485, %dma_wait3A_1486] : memref<1000000x128xf32, #tpu.memory_space<hbm>> -> memref<1000000x128xf32, #tpu.memory_space<hbm>>
    tpu.wait_indirect_dma semaphore(%arg8 : memref<!tpu.dma_semaphore, #tpu.memory_space<semaphore_mem>>) src(%dma_wait3A_1487 : memref<1000000x128xf32, #tpu.memory_space<hbm>>) dst(%dma_wait3A_1481 : memref<128x128xf32, #tpu.memory_space<vmem>>)
    %dma_wait3A_1488 = arith.constant 1 : i32
    %dma_wait3A_1489 = arith.constant 1 : i32
    %dma_wait3A_1490 = arith.constant 1 : i32
    %dma_wait3A_1491 = arith.constant 0 : i32
    %dma_wait3A_1492 = arith.constant 0 : i32
    %dma_wait3A_1493 = tpu.memref_slice %arg6[%dma_wait3A_1490, %dma_wait3A_1491, %dma_wait3A_1492] : memref<4x128x128xf32, #tpu.memory_space<vmem>> -> memref<1x128x128xf32, #tpu.memory_space<vmem>>
    %dma_wait3A_1494 = tpu.memref_squeeze %dma_wait3A_1493 : memref<1x128x128xf32, #tpu.memory_space<vmem>> -> memref<128x128xf32, #tpu.memory_space<vmem>>
    %dma_wait3A_1495 = arith.constant 0 : i32
    %dma_wait3A_1496 = tpu.memref_slice %arg5[%dma_wait3A_1488, %dma_wait3A_1489, %dma_wait3A_1495] : memref<4x20x128xi32, #tpu.memory_space<vmem>> -> memref<1x1x128xi32, #tpu.memory_space<vmem>>
    %dma_wait3A_1497 = tpu.memref_squeeze %dma_wait3A_1496 : memref<1x1x128xi32, #tpu.memory_space<vmem>> -> memref<128xi32, #tpu.memory_space<vmem>>
    %dma_wait3A_1498 = arith.constant 0 : i32
    %dma_wait3A_1499 = arith.constant 0 : i32
    %dma_wait3A_1500 = tpu.memref_slice %arg3[%dma_wait3A_1498, %dma_wait3A_1499] : memref<1000000x128xf32, #tpu.memory_space<hbm>> -> memref<1000000x128xf32, #tpu.memory_space<hbm>>
    tpu.wait_indirect_dma semaphore(%arg8 : memref<!tpu.dma_semaphore, #tpu.memory_space<semaphore_mem>>) src(%dma_wait3A_1500 : memref<1000000x128xf32, #tpu.memory_space<hbm>>) dst(%dma_wait3A_1494 : memref<128x128xf32, #tpu.memory_space<vmem>>)
    %dma_wait3A_1501 = arith.constant 1 : i32
    %dma_wait3A_1502 = arith.constant 2 : i32
    %dma_wait3A_1503 = arith.constant 1 : i32
    %dma_wait3A_1504 = arith.constant 0 : i32
    %dma_wait3A_1505 = arith.constant 0 : i32
    %dma_wait3A_1506 = tpu.memref_slice %arg6[%dma_wait3A_1503, %dma_wait3A_1504, %dma_wait3A_1505] : memref<4x128x128xf32, #tpu.memory_space<vmem>> -> memref<1x128x128xf32, #tpu.memory_space<vmem>>
    %dma_wait3A_1507 = tpu.memref_squeeze %dma_wait3A_1506 : memref<1x128x128xf32, #tpu.memory_space<vmem>> -> memref<128x128xf32, #tpu.memory_space<vmem>>
    %dma_wait3A_1508 = arith.constant 0 : i32
    %dma_wait3A_1509 = tpu.memref_slice %arg5[%dma_wait3A_1501, %dma_wait3A_1502, %dma_wait3A_1508] : memref<4x20x128xi32, #tpu.memory_space<vmem>> -> memref<1x1x128xi32, #tpu.memory_space<vmem>>
    %dma_wait3A_1510 = tpu.memref_squeeze %dma_wait3A_1509 : memref<1x1x128xi32, #tpu.memory_space<vmem>> -> memref<128xi32, #tpu.memory_space<vmem>>
    %dma_wait3A_1511 = arith.constant 0 : i32
    %dma_wait3A_1512 = arith.constant 0 : i32
    %dma_wait3A_1513 = tpu.memref_slice %arg3[%dma_wait3A_1511, %dma_wait3A_1512] : memref<1000000x128xf32, #tpu.memory_space<hbm>> -> memref<1000000x128xf32, #tpu.memory_space<hbm>>
    tpu.wait_indirect_dma semaphore(%arg8 : memref<!tpu.dma_semaphore, #tpu.memory_space<semaphore_mem>>) src(%dma_wait3A_1513 : memref<1000000x128xf32, #tpu.memory_space<hbm>>) dst(%dma_wait3A_1507 : memref<128x128xf32, #tpu.memory_space<vmem>>)
    %dma_wait3A_1514 = arith.constant 1 : i32
    %dma_wait3A_1515 = arith.constant 3 : i32
    %dma_wait3A_1516 = arith.constant 1 : i32
    %dma_wait3A_1517 = arith.constant 0 : i32
    %dma_wait3A_1518 = arith.constant 0 : i32
    %dma_wait3A_1519 = tpu.memref_slice %arg6[%dma_wait3A_1516, %dma_wait3A_1517, %dma_wait3A_1518] : memref<4x128x128xf32, #tpu.memory_space<vmem>> -> memref<1x128x128xf32, #tpu.memory_space<vmem>>
    %dma_wait3A_1520 = tpu.memref_squeeze %dma_wait3A_1519 : memref<1x128x128xf32, #tpu.memory_space<vmem>> -> memref<128x128xf32, #tpu.memory_space<vmem>>
    %dma_wait3A_1521 = arith.constant 0 : i32
    %dma_wait3A_1522 = tpu.memref_slice %arg5[%dma_wait3A_1514, %dma_wait3A_1515, %dma_wait3A_1521] : memref<4x20x128xi32, #tpu.memory_space<vmem>> -> memref<1x1x128xi32, #tpu.memory_space<vmem>>
    %dma_wait3A_1523 = tpu.memref_squeeze %dma_wait3A_1522 : memref<1x1x128xi32, #tpu.memory_space<vmem>> -> memref<128xi32, #tpu.memory_space<vmem>>
    %dma_wait3A_1524 = arith.constant 0 : i32
    %dma_wait3A_1525 = arith.constant 0 : i32
    %dma_wait3A_1526 = tpu.memref_slice %arg3[%dma_wait3A_1524, %dma_wait3A_1525] : memref<1000000x128xf32, #tpu.memory_space<hbm>> -> memref<1000000x128xf32, #tpu.memory_space<hbm>>
    tpu.wait_indirect_dma semaphore(%arg8 : memref<!tpu.dma_semaphore, #tpu.memory_space<semaphore_mem>>) src(%dma_wait3A_1526 : memref<1000000x128xf32, #tpu.memory_space<hbm>>) dst(%dma_wait3A_1520 : memref<128x128xf32, #tpu.memory_space<vmem>>)
    %dma_wait3A_1527 = arith.constant 1 : i32
    %dma_wait3A_1528 = arith.constant 4 : i32
    %dma_wait3A_1529 = arith.constant 1 : i32
    %dma_wait3A_1530 = arith.constant 0 : i32
    %dma_wait3A_1531 = arith.constant 0 : i32
    %dma_wait3A_1532 = tpu.memref_slice %arg6[%dma_wait3A_1529, %dma_wait3A_1530, %dma_wait3A_1531] : memref<4x128x128xf32, #tpu.memory_space<vmem>> -> memref<1x128x128xf32, #tpu.memory_space<vmem>>
    %dma_wait3A_1533 = tpu.memref_squeeze %dma_wait3A_1532 : memref<1x128x128xf32, #tpu.memory_space<vmem>> -> memref<128x128xf32, #tpu.memory_space<vmem>>
    %dma_wait3A_1534 = arith.constant 0 : i32
    %dma_wait3A_1535 = tpu.memref_slice %arg5[%dma_wait3A_1527, %dma_wait3A_1528, %dma_wait3A_1534] : memref<4x20x128xi32, #tpu.memory_space<vmem>> -> memref<1x1x128xi32, #tpu.memory_space<vmem>>
    %dma_wait3A_1536 = tpu.memref_squeeze %dma_wait3A_1535 : memref<1x1x128xi32, #tpu.memory_space<vmem>> -> memref<128xi32, #tpu.memory_space<vmem>>
    %dma_wait3A_1537 = arith.constant 0 : i32
    %dma_wait3A_1538 = arith.constant 0 : i32
    %dma_wait3A_1539 = tpu.memref_slice %arg3[%dma_wait3A_1537, %dma_wait3A_1538] : memref<1000000x128xf32, #tpu.memory_space<hbm>> -> memref<1000000x128xf32, #tpu.memory_space<hbm>>
    tpu.wait_indirect_dma semaphore(%arg8 : memref<!tpu.dma_semaphore, #tpu.memory_space<semaphore_mem>>) src(%dma_wait3A_1539 : memref<1000000x128xf32, #tpu.memory_space<hbm>>) dst(%dma_wait3A_1533 : memref<128x128xf32, #tpu.memory_space<vmem>>)
    %dma_wait3A_1540 = arith.constant 1 : i32
    %dma_wait3A_1541 = arith.constant 5 : i32
    %dma_wait3A_1542 = arith.constant 1 : i32
    %dma_wait3A_1543 = arith.constant 0 : i32
    %dma_wait3A_1544 = arith.constant 0 : i32
    %dma_wait3A_1545 = tpu.memref_slice %arg6[%dma_wait3A_1542, %dma_wait3A_1543, %dma_wait3A_1544] : memref<4x128x128xf32, #tpu.memory_space<vmem>> -> memref<1x128x128xf32, #tpu.memory_space<vmem>>
    %dma_wait3A_1546 = tpu.memref_squeeze %dma_wait3A_1545 : memref<1x128x128xf32, #tpu.memory_space<vmem>> -> memref<128x128xf32, #tpu.memory_space<vmem>>
    %dma_wait3A_1547 = arith.constant 0 : i32
    %dma_wait3A_1548 = tpu.memref_slice %arg5[%dma_wait3A_1540, %dma_wait3A_1541, %dma_wait3A_1547] : memref<4x20x128xi32, #tpu.memory_space<vmem>> -> memref<1x1x128xi32, #tpu.memory_space<vmem>>
    %dma_wait3A_1549 = tpu.memref_squeeze %dma_wait3A_1548 : memref<1x1x128xi32, #tpu.memory_space<vmem>> -> memref<128xi32, #tpu.memory_space<vmem>>
    %dma_wait3A_1550 = arith.constant 0 : i32
    %dma_wait3A_1551 = arith.constant 0 : i32
    %dma_wait3A_1552 = tpu.memref_slice %arg3[%dma_wait3A_1550, %dma_wait3A_1551] : memref<1000000x128xf32, #tpu.memory_space<hbm>> -> memref<1000000x128xf32, #tpu.memory_space<hbm>>
    tpu.wait_indirect_dma semaphore(%arg8 : memref<!tpu.dma_semaphore, #tpu.memory_space<semaphore_mem>>) src(%dma_wait3A_1552 : memref<1000000x128xf32, #tpu.memory_space<hbm>>) dst(%dma_wait3A_1546 : memref<128x128xf32, #tpu.memory_space<vmem>>)
    %dma_wait3A_1553 = arith.constant 1 : i32
    %dma_wait3A_1554 = arith.constant 6 : i32
    %dma_wait3A_1555 = arith.constant 1 : i32
    %dma_wait3A_1556 = arith.constant 0 : i32
    %dma_wait3A_1557 = arith.constant 0 : i32
    %dma_wait3A_1558 = tpu.memref_slice %arg6[%dma_wait3A_1555, %dma_wait3A_1556, %dma_wait3A_1557] : memref<4x128x128xf32, #tpu.memory_space<vmem>> -> memref<1x128x128xf32, #tpu.memory_space<vmem>>
    %dma_wait3A_1559 = tpu.memref_squeeze %dma_wait3A_1558 : memref<1x128x128xf32, #tpu.memory_space<vmem>> -> memref<128x128xf32, #tpu.memory_space<vmem>>
    %dma_wait3A_1560 = arith.constant 0 : i32
    %dma_wait3A_1561 = tpu.memref_slice %arg5[%dma_wait3A_1553, %dma_wait3A_1554, %dma_wait3A_1560] : memref<4x20x128xi32, #tpu.memory_space<vmem>> -> memref<1x1x128xi32, #tpu.memory_space<vmem>>
    %dma_wait3A_1562 = tpu.memref_squeeze %dma_wait3A_1561 : memref<1x1x128xi32, #tpu.memory_space<vmem>> -> memref<128xi32, #tpu.memory_space<vmem>>
    %dma_wait3A_1563 = arith.constant 0 : i32
    %dma_wait3A_1564 = arith.constant 0 : i32
    %dma_wait3A_1565 = tpu.memref_slice %arg3[%dma_wait3A_1563, %dma_wait3A_1564] : memref<1000000x128xf32, #tpu.memory_space<hbm>> -> memref<1000000x128xf32, #tpu.memory_space<hbm>>
    tpu.wait_indirect_dma semaphore(%arg8 : memref<!tpu.dma_semaphore, #tpu.memory_space<semaphore_mem>>) src(%dma_wait3A_1565 : memref<1000000x128xf32, #tpu.memory_space<hbm>>) dst(%dma_wait3A_1559 : memref<128x128xf32, #tpu.memory_space<vmem>>)
    %dma_wait3A_1566 = arith.constant 1 : i32
    %dma_wait3A_1567 = arith.constant 7 : i32
    %dma_wait3A_1568 = arith.constant 1 : i32
    %dma_wait3A_1569 = arith.constant 0 : i32
    %dma_wait3A_1570 = arith.constant 0 : i32
    %dma_wait3A_1571 = tpu.memref_slice %arg6[%dma_wait3A_1568, %dma_wait3A_1569, %dma_wait3A_1570] : memref<4x128x128xf32, #tpu.memory_space<vmem>> -> memref<1x128x128xf32, #tpu.memory_space<vmem>>
    %dma_wait3A_1572 = tpu.memref_squeeze %dma_wait3A_1571 : memref<1x128x128xf32, #tpu.memory_space<vmem>> -> memref<128x128xf32, #tpu.memory_space<vmem>>
    %dma_wait3A_1573 = arith.constant 0 : i32
    %dma_wait3A_1574 = tpu.memref_slice %arg5[%dma_wait3A_1566, %dma_wait3A_1567, %dma_wait3A_1573] : memref<4x20x128xi32, #tpu.memory_space<vmem>> -> memref<1x1x128xi32, #tpu.memory_space<vmem>>
    %dma_wait3A_1575 = tpu.memref_squeeze %dma_wait3A_1574 : memref<1x1x128xi32, #tpu.memory_space<vmem>> -> memref<128xi32, #tpu.memory_space<vmem>>
    %dma_wait3A_1576 = arith.constant 0 : i32
    %dma_wait3A_1577 = arith.constant 0 : i32
    %dma_wait3A_1578 = tpu.memref_slice %arg3[%dma_wait3A_1576, %dma_wait3A_1577] : memref<1000000x128xf32, #tpu.memory_space<hbm>> -> memref<1000000x128xf32, #tpu.memory_space<hbm>>
    tpu.wait_indirect_dma semaphore(%arg8 : memref<!tpu.dma_semaphore, #tpu.memory_space<semaphore_mem>>) src(%dma_wait3A_1578 : memref<1000000x128xf32, #tpu.memory_space<hbm>>) dst(%dma_wait3A_1572 : memref<128x128xf32, #tpu.memory_space<vmem>>)
    %dma_wait3A_1579 = arith.constant 1 : i32
    %dma_wait3A_1580 = arith.constant 8 : i32
    %dma_wait3A_1581 = arith.constant 1 : i32
    %dma_wait3A_1582 = arith.constant 0 : i32
    %dma_wait3A_1583 = arith.constant 0 : i32
    %dma_wait3A_1584 = tpu.memref_slice %arg6[%dma_wait3A_1581, %dma_wait3A_1582, %dma_wait3A_1583] : memref<4x128x128xf32, #tpu.memory_space<vmem>> -> memref<1x128x128xf32, #tpu.memory_space<vmem>>
    %dma_wait3A_1585 = tpu.memref_squeeze %dma_wait3A_1584 : memref<1x128x128xf32, #tpu.memory_space<vmem>> -> memref<128x128xf32, #tpu.memory_space<vmem>>
    %dma_wait3A_1586 = arith.constant 0 : i32
    %dma_wait3A_1587 = tpu.memref_slice %arg5[%dma_wait3A_1579, %dma_wait3A_1580, %dma_wait3A_1586] : memref<4x20x128xi32, #tpu.memory_space<vmem>> -> memref<1x1x128xi32, #tpu.memory_space<vmem>>
    %dma_wait3A_1588 = tpu.memref_squeeze %dma_wait3A_1587 : memref<1x1x128xi32, #tpu.memory_space<vmem>> -> memref<128xi32, #tpu.memory_space<vmem>>
    %dma_wait3A_1589 = arith.constant 0 : i32
    %dma_wait3A_1590 = arith.constant 0 : i32
    %dma_wait3A_1591 = tpu.memref_slice %arg3[%dma_wait3A_1589, %dma_wait3A_1590] : memref<1000000x128xf32, #tpu.memory_space<hbm>> -> memref<1000000x128xf32, #tpu.memory_space<hbm>>
    tpu.wait_indirect_dma semaphore(%arg8 : memref<!tpu.dma_semaphore, #tpu.memory_space<semaphore_mem>>) src(%dma_wait3A_1591 : memref<1000000x128xf32, #tpu.memory_space<hbm>>) dst(%dma_wait3A_1585 : memref<128x128xf32, #tpu.memory_space<vmem>>)
    %dma_wait3A_1592 = arith.constant 1 : i32
    %dma_wait3A_1593 = arith.constant 9 : i32
    %dma_wait3A_1594 = arith.constant 1 : i32
    %dma_wait3A_1595 = arith.constant 0 : i32
    %dma_wait3A_1596 = arith.constant 0 : i32
    %dma_wait3A_1597 = tpu.memref_slice %arg6[%dma_wait3A_1594, %dma_wait3A_1595, %dma_wait3A_1596] : memref<4x128x128xf32, #tpu.memory_space<vmem>> -> memref<1x128x128xf32, #tpu.memory_space<vmem>>
    %dma_wait3A_1598 = tpu.memref_squeeze %dma_wait3A_1597 : memref<1x128x128xf32, #tpu.memory_space<vmem>> -> memref<128x128xf32, #tpu.memory_space<vmem>>
    %dma_wait3A_1599 = arith.constant 0 : i32
    %dma_wait3A_1600 = tpu.memref_slice %arg5[%dma_wait3A_1592, %dma_wait3A_1593, %dma_wait3A_1599] : memref<4x20x128xi32, #tpu.memory_space<vmem>> -> memref<1x1x128xi32, #tpu.memory_space<vmem>>
    %dma_wait3A_1601 = tpu.memref_squeeze %dma_wait3A_1600 : memref<1x1x128xi32, #tpu.memory_space<vmem>> -> memref<128xi32, #tpu.memory_space<vmem>>
    %dma_wait3A_1602 = arith.constant 0 : i32
    %dma_wait3A_1603 = arith.constant 0 : i32
    %dma_wait3A_1604 = tpu.memref_slice %arg3[%dma_wait3A_1602, %dma_wait3A_1603] : memref<1000000x128xf32, #tpu.memory_space<hbm>> -> memref<1000000x128xf32, #tpu.memory_space<hbm>>
    tpu.wait_indirect_dma semaphore(%arg8 : memref<!tpu.dma_semaphore, #tpu.memory_space<semaphore_mem>>) src(%dma_wait3A_1604 : memref<1000000x128xf32, #tpu.memory_space<hbm>>) dst(%dma_wait3A_1598 : memref<128x128xf32, #tpu.memory_space<vmem>>)
    %dma_wait3A_1605 = arith.constant 1 : i32
    %dma_wait3A_1606 = arith.constant 10 : i32
    %dma_wait3A_1607 = arith.constant 1 : i32
    %dma_wait3A_1608 = arith.constant 0 : i32
    %dma_wait3A_1609 = arith.constant 0 : i32
    %dma_wait3A_1610 = tpu.memref_slice %arg6[%dma_wait3A_1607, %dma_wait3A_1608, %dma_wait3A_1609] : memref<4x128x128xf32, #tpu.memory_space<vmem>> -> memref<1x128x128xf32, #tpu.memory_space<vmem>>
    %dma_wait3A_1611 = tpu.memref_squeeze %dma_wait3A_1610 : memref<1x128x128xf32, #tpu.memory_space<vmem>> -> memref<128x128xf32, #tpu.memory_space<vmem>>
    %dma_wait3A_1612 = arith.constant 0 : i32
    %dma_wait3A_1613 = tpu.memref_slice %arg5[%dma_wait3A_1605, %dma_wait3A_1606, %dma_wait3A_1612] : memref<4x20x128xi32, #tpu.memory_space<vmem>> -> memref<1x1x128xi32, #tpu.memory_space<vmem>>
    %dma_wait3A_1614 = tpu.memref_squeeze %dma_wait3A_1613 : memref<1x1x128xi32, #tpu.memory_space<vmem>> -> memref<128xi32, #tpu.memory_space<vmem>>
    %dma_wait3A_1615 = arith.constant 0 : i32
    %dma_wait3A_1616 = arith.constant 0 : i32
    %dma_wait3A_1617 = tpu.memref_slice %arg3[%dma_wait3A_1615, %dma_wait3A_1616] : memref<1000000x128xf32, #tpu.memory_space<hbm>> -> memref<1000000x128xf32, #tpu.memory_space<hbm>>
    tpu.wait_indirect_dma semaphore(%arg8 : memref<!tpu.dma_semaphore, #tpu.memory_space<semaphore_mem>>) src(%dma_wait3A_1617 : memref<1000000x128xf32, #tpu.memory_space<hbm>>) dst(%dma_wait3A_1611 : memref<128x128xf32, #tpu.memory_space<vmem>>)
    %dma_wait3A_1618 = arith.constant 1 : i32
    %dma_wait3A_1619 = arith.constant 11 : i32
    %dma_wait3A_1620 = arith.constant 1 : i32
    %dma_wait3A_1621 = arith.constant 0 : i32
    %dma_wait3A_1622 = arith.constant 0 : i32
    %dma_wait3A_1623 = tpu.memref_slice %arg6[%dma_wait3A_1620, %dma_wait3A_1621, %dma_wait3A_1622] : memref<4x128x128xf32, #tpu.memory_space<vmem>> -> memref<1x128x128xf32, #tpu.memory_space<vmem>>
    %dma_wait3A_1624 = tpu.memref_squeeze %dma_wait3A_1623 : memref<1x128x128xf32, #tpu.memory_space<vmem>> -> memref<128x128xf32, #tpu.memory_space<vmem>>
    %dma_wait3A_1625 = arith.constant 0 : i32
    %dma_wait3A_1626 = tpu.memref_slice %arg5[%dma_wait3A_1618, %dma_wait3A_1619, %dma_wait3A_1625] : memref<4x20x128xi32, #tpu.memory_space<vmem>> -> memref<1x1x128xi32, #tpu.memory_space<vmem>>
    %dma_wait3A_1627 = tpu.memref_squeeze %dma_wait3A_1626 : memref<1x1x128xi32, #tpu.memory_space<vmem>> -> memref<128xi32, #tpu.memory_space<vmem>>
    %dma_wait3A_1628 = arith.constant 0 : i32
    %dma_wait3A_1629 = arith.constant 0 : i32
    %dma_wait3A_1630 = tpu.memref_slice %arg3[%dma_wait3A_1628, %dma_wait3A_1629] : memref<1000000x128xf32, #tpu.memory_space<hbm>> -> memref<1000000x128xf32, #tpu.memory_space<hbm>>
    tpu.wait_indirect_dma semaphore(%arg8 : memref<!tpu.dma_semaphore, #tpu.memory_space<semaphore_mem>>) src(%dma_wait3A_1630 : memref<1000000x128xf32, #tpu.memory_space<hbm>>) dst(%dma_wait3A_1624 : memref<128x128xf32, #tpu.memory_space<vmem>>)
    %dma_wait3A_1631 = arith.constant 1 : i32
    %dma_wait3A_1632 = arith.constant 12 : i32
    %dma_wait3A_1633 = arith.constant 1 : i32
    %dma_wait3A_1634 = arith.constant 0 : i32
    %dma_wait3A_1635 = arith.constant 0 : i32
    %dma_wait3A_1636 = tpu.memref_slice %arg6[%dma_wait3A_1633, %dma_wait3A_1634, %dma_wait3A_1635] : memref<4x128x128xf32, #tpu.memory_space<vmem>> -> memref<1x128x128xf32, #tpu.memory_space<vmem>>
    %dma_wait3A_1637 = tpu.memref_squeeze %dma_wait3A_1636 : memref<1x128x128xf32, #tpu.memory_space<vmem>> -> memref<128x128xf32, #tpu.memory_space<vmem>>
    %dma_wait3A_1638 = arith.constant 0 : i32
    %dma_wait3A_1639 = tpu.memref_slice %arg5[%dma_wait3A_1631, %dma_wait3A_1632, %dma_wait3A_1638] : memref<4x20x128xi32, #tpu.memory_space<vmem>> -> memref<1x1x128xi32, #tpu.memory_space<vmem>>
    %dma_wait3A_1640 = tpu.memref_squeeze %dma_wait3A_1639 : memref<1x1x128xi32, #tpu.memory_space<vmem>> -> memref<128xi32, #tpu.memory_space<vmem>>
    %dma_wait3A_1641 = arith.constant 0 : i32
    %dma_wait3A_1642 = arith.constant 0 : i32
    %dma_wait3A_1643 = tpu.memref_slice %arg3[%dma_wait3A_1641, %dma_wait3A_1642] : memref<1000000x128xf32, #tpu.memory_space<hbm>> -> memref<1000000x128xf32, #tpu.memory_space<hbm>>
    tpu.wait_indirect_dma semaphore(%arg8 : memref<!tpu.dma_semaphore, #tpu.memory_space<semaphore_mem>>) src(%dma_wait3A_1643 : memref<1000000x128xf32, #tpu.memory_space<hbm>>) dst(%dma_wait3A_1637 : memref<128x128xf32, #tpu.memory_space<vmem>>)
    %dma_wait3A_1644 = arith.constant 1 : i32
    %dma_wait3A_1645 = arith.constant 13 : i32
    %dma_wait3A_1646 = arith.constant 1 : i32
    %dma_wait3A_1647 = arith.constant 0 : i32
    %dma_wait3A_1648 = arith.constant 0 : i32
    %dma_wait3A_1649 = tpu.memref_slice %arg6[%dma_wait3A_1646, %dma_wait3A_1647, %dma_wait3A_1648] : memref<4x128x128xf32, #tpu.memory_space<vmem>> -> memref<1x128x128xf32, #tpu.memory_space<vmem>>
    %dma_wait3A_1650 = tpu.memref_squeeze %dma_wait3A_1649 : memref<1x128x128xf32, #tpu.memory_space<vmem>> -> memref<128x128xf32, #tpu.memory_space<vmem>>
    %dma_wait3A_1651 = arith.constant 0 : i32
    %dma_wait3A_1652 = tpu.memref_slice %arg5[%dma_wait3A_1644, %dma_wait3A_1645, %dma_wait3A_1651] : memref<4x20x128xi32, #tpu.memory_space<vmem>> -> memref<1x1x128xi32, #tpu.memory_space<vmem>>
    %dma_wait3A_1653 = tpu.memref_squeeze %dma_wait3A_1652 : memref<1x1x128xi32, #tpu.memory_space<vmem>> -> memref<128xi32, #tpu.memory_space<vmem>>
    %dma_wait3A_1654 = arith.constant 0 : i32
    %dma_wait3A_1655 = arith.constant 0 : i32
    %dma_wait3A_1656 = tpu.memref_slice %arg3[%dma_wait3A_1654, %dma_wait3A_1655] : memref<1000000x128xf32, #tpu.memory_space<hbm>> -> memref<1000000x128xf32, #tpu.memory_space<hbm>>
    tpu.wait_indirect_dma semaphore(%arg8 : memref<!tpu.dma_semaphore, #tpu.memory_space<semaphore_mem>>) src(%dma_wait3A_1656 : memref<1000000x128xf32, #tpu.memory_space<hbm>>) dst(%dma_wait3A_1650 : memref<128x128xf32, #tpu.memory_space<vmem>>)
    %dma_wait3A_1657 = arith.constant 1 : i32
    %dma_wait3A_1658 = arith.constant 14 : i32
    %dma_wait3A_1659 = arith.constant 1 : i32
    %dma_wait3A_1660 = arith.constant 0 : i32
    %dma_wait3A_1661 = arith.constant 0 : i32
    %dma_wait3A_1662 = tpu.memref_slice %arg6[%dma_wait3A_1659, %dma_wait3A_1660, %dma_wait3A_1661] : memref<4x128x128xf32, #tpu.memory_space<vmem>> -> memref<1x128x128xf32, #tpu.memory_space<vmem>>
    %dma_wait3A_1663 = tpu.memref_squeeze %dma_wait3A_1662 : memref<1x128x128xf32, #tpu.memory_space<vmem>> -> memref<128x128xf32, #tpu.memory_space<vmem>>
    %dma_wait3A_1664 = arith.constant 0 : i32
    %dma_wait3A_1665 = tpu.memref_slice %arg5[%dma_wait3A_1657, %dma_wait3A_1658, %dma_wait3A_1664] : memref<4x20x128xi32, #tpu.memory_space<vmem>> -> memref<1x1x128xi32, #tpu.memory_space<vmem>>
    %dma_wait3A_1666 = tpu.memref_squeeze %dma_wait3A_1665 : memref<1x1x128xi32, #tpu.memory_space<vmem>> -> memref<128xi32, #tpu.memory_space<vmem>>
    %dma_wait3A_1667 = arith.constant 0 : i32
    %dma_wait3A_1668 = arith.constant 0 : i32
    %dma_wait3A_1669 = tpu.memref_slice %arg3[%dma_wait3A_1667, %dma_wait3A_1668] : memref<1000000x128xf32, #tpu.memory_space<hbm>> -> memref<1000000x128xf32, #tpu.memory_space<hbm>>
    tpu.wait_indirect_dma semaphore(%arg8 : memref<!tpu.dma_semaphore, #tpu.memory_space<semaphore_mem>>) src(%dma_wait3A_1669 : memref<1000000x128xf32, #tpu.memory_space<hbm>>) dst(%dma_wait3A_1663 : memref<128x128xf32, #tpu.memory_space<vmem>>)
    %dma_wait3A_1670 = arith.constant 1 : i32
    %dma_wait3A_1671 = arith.constant 15 : i32
    %dma_wait3A_1672 = arith.constant 1 : i32
    %dma_wait3A_1673 = arith.constant 0 : i32
    %dma_wait3A_1674 = arith.constant 0 : i32
    %dma_wait3A_1675 = tpu.memref_slice %arg6[%dma_wait3A_1672, %dma_wait3A_1673, %dma_wait3A_1674] : memref<4x128x128xf32, #tpu.memory_space<vmem>> -> memref<1x128x128xf32, #tpu.memory_space<vmem>>
    %dma_wait3A_1676 = tpu.memref_squeeze %dma_wait3A_1675 : memref<1x128x128xf32, #tpu.memory_space<vmem>> -> memref<128x128xf32, #tpu.memory_space<vmem>>
    %dma_wait3A_1677 = arith.constant 0 : i32
    %dma_wait3A_1678 = tpu.memref_slice %arg5[%dma_wait3A_1670, %dma_wait3A_1671, %dma_wait3A_1677] : memref<4x20x128xi32, #tpu.memory_space<vmem>> -> memref<1x1x128xi32, #tpu.memory_space<vmem>>
    %dma_wait3A_1679 = tpu.memref_squeeze %dma_wait3A_1678 : memref<1x1x128xi32, #tpu.memory_space<vmem>> -> memref<128xi32, #tpu.memory_space<vmem>>
    %dma_wait3A_1680 = arith.constant 0 : i32
    %dma_wait3A_1681 = arith.constant 0 : i32
    %dma_wait3A_1682 = tpu.memref_slice %arg3[%dma_wait3A_1680, %dma_wait3A_1681] : memref<1000000x128xf32, #tpu.memory_space<hbm>> -> memref<1000000x128xf32, #tpu.memory_space<hbm>>
    tpu.wait_indirect_dma semaphore(%arg8 : memref<!tpu.dma_semaphore, #tpu.memory_space<semaphore_mem>>) src(%dma_wait3A_1682 : memref<1000000x128xf32, #tpu.memory_space<hbm>>) dst(%dma_wait3A_1676 : memref<128x128xf32, #tpu.memory_space<vmem>>)
    %dma_wait3A_1683 = arith.constant 1 : i32
    %dma_wait3A_1684 = arith.constant 16 : i32
    %dma_wait3A_1685 = arith.constant 1 : i32
    %dma_wait3A_1686 = arith.constant 0 : i32
    %dma_wait3A_1687 = arith.constant 0 : i32
    %dma_wait3A_1688 = tpu.memref_slice %arg6[%dma_wait3A_1685, %dma_wait3A_1686, %dma_wait3A_1687] : memref<4x128x128xf32, #tpu.memory_space<vmem>> -> memref<1x128x128xf32, #tpu.memory_space<vmem>>
    %dma_wait3A_1689 = tpu.memref_squeeze %dma_wait3A_1688 : memref<1x128x128xf32, #tpu.memory_space<vmem>> -> memref<128x128xf32, #tpu.memory_space<vmem>>
    %dma_wait3A_1690 = arith.constant 0 : i32
    %dma_wait3A_1691 = tpu.memref_slice %arg5[%dma_wait3A_1683, %dma_wait3A_1684, %dma_wait3A_1690] : memref<4x20x128xi32, #tpu.memory_space<vmem>> -> memref<1x1x128xi32, #tpu.memory_space<vmem>>
    %dma_wait3A_1692 = tpu.memref_squeeze %dma_wait3A_1691 : memref<1x1x128xi32, #tpu.memory_space<vmem>> -> memref<128xi32, #tpu.memory_space<vmem>>
    %dma_wait3A_1693 = arith.constant 0 : i32
    %dma_wait3A_1694 = arith.constant 0 : i32
    %dma_wait3A_1695 = tpu.memref_slice %arg3[%dma_wait3A_1693, %dma_wait3A_1694] : memref<1000000x128xf32, #tpu.memory_space<hbm>> -> memref<1000000x128xf32, #tpu.memory_space<hbm>>
    tpu.wait_indirect_dma semaphore(%arg8 : memref<!tpu.dma_semaphore, #tpu.memory_space<semaphore_mem>>) src(%dma_wait3A_1695 : memref<1000000x128xf32, #tpu.memory_space<hbm>>) dst(%dma_wait3A_1689 : memref<128x128xf32, #tpu.memory_space<vmem>>)
    %dma_wait3A_1696 = arith.constant 1 : i32
    %dma_wait3A_1697 = arith.constant 17 : i32
    %dma_wait3A_1698 = arith.constant 1 : i32
    %dma_wait3A_1699 = arith.constant 0 : i32
    %dma_wait3A_1700 = arith.constant 0 : i32
    %dma_wait3A_1701 = tpu.memref_slice %arg6[%dma_wait3A_1698, %dma_wait3A_1699, %dma_wait3A_1700] : memref<4x128x128xf32, #tpu.memory_space<vmem>> -> memref<1x128x128xf32, #tpu.memory_space<vmem>>
    %dma_wait3A_1702 = tpu.memref_squeeze %dma_wait3A_1701 : memref<1x128x128xf32, #tpu.memory_space<vmem>> -> memref<128x128xf32, #tpu.memory_space<vmem>>
    %dma_wait3A_1703 = arith.constant 0 : i32
    %dma_wait3A_1704 = tpu.memref_slice %arg5[%dma_wait3A_1696, %dma_wait3A_1697, %dma_wait3A_1703] : memref<4x20x128xi32, #tpu.memory_space<vmem>> -> memref<1x1x128xi32, #tpu.memory_space<vmem>>
    %dma_wait3A_1705 = tpu.memref_squeeze %dma_wait3A_1704 : memref<1x1x128xi32, #tpu.memory_space<vmem>> -> memref<128xi32, #tpu.memory_space<vmem>>
    %dma_wait3A_1706 = arith.constant 0 : i32
    %dma_wait3A_1707 = arith.constant 0 : i32
    %dma_wait3A_1708 = tpu.memref_slice %arg3[%dma_wait3A_1706, %dma_wait3A_1707] : memref<1000000x128xf32, #tpu.memory_space<hbm>> -> memref<1000000x128xf32, #tpu.memory_space<hbm>>
    tpu.wait_indirect_dma semaphore(%arg8 : memref<!tpu.dma_semaphore, #tpu.memory_space<semaphore_mem>>) src(%dma_wait3A_1708 : memref<1000000x128xf32, #tpu.memory_space<hbm>>) dst(%dma_wait3A_1702 : memref<128x128xf32, #tpu.memory_space<vmem>>)
    %dma_wait3A_1709 = arith.constant 1 : i32
    %dma_wait3A_1710 = arith.constant 18 : i32
    %dma_wait3A_1711 = arith.constant 1 : i32
    %dma_wait3A_1712 = arith.constant 0 : i32
    %dma_wait3A_1713 = arith.constant 0 : i32
    %dma_wait3A_1714 = tpu.memref_slice %arg6[%dma_wait3A_1711, %dma_wait3A_1712, %dma_wait3A_1713] : memref<4x128x128xf32, #tpu.memory_space<vmem>> -> memref<1x128x128xf32, #tpu.memory_space<vmem>>
    %dma_wait3A_1715 = tpu.memref_squeeze %dma_wait3A_1714 : memref<1x128x128xf32, #tpu.memory_space<vmem>> -> memref<128x128xf32, #tpu.memory_space<vmem>>
    %dma_wait3A_1716 = arith.constant 0 : i32
    %dma_wait3A_1717 = tpu.memref_slice %arg5[%dma_wait3A_1709, %dma_wait3A_1710, %dma_wait3A_1716] : memref<4x20x128xi32, #tpu.memory_space<vmem>> -> memref<1x1x128xi32, #tpu.memory_space<vmem>>
    %dma_wait3A_1718 = tpu.memref_squeeze %dma_wait3A_1717 : memref<1x1x128xi32, #tpu.memory_space<vmem>> -> memref<128xi32, #tpu.memory_space<vmem>>
    %dma_wait3A_1719 = arith.constant 0 : i32
    %dma_wait3A_1720 = arith.constant 0 : i32
    %dma_wait3A_1721 = tpu.memref_slice %arg3[%dma_wait3A_1719, %dma_wait3A_1720] : memref<1000000x128xf32, #tpu.memory_space<hbm>> -> memref<1000000x128xf32, #tpu.memory_space<hbm>>
    tpu.wait_indirect_dma semaphore(%arg8 : memref<!tpu.dma_semaphore, #tpu.memory_space<semaphore_mem>>) src(%dma_wait3A_1721 : memref<1000000x128xf32, #tpu.memory_space<hbm>>) dst(%dma_wait3A_1715 : memref<128x128xf32, #tpu.memory_space<vmem>>)
    %dma_wait3A_1722 = arith.constant 1 : i32
    %dma_wait3A_1723 = arith.constant 19 : i32
    %dma_wait3A_1724 = arith.constant 1 : i32
    %dma_wait3A_1725 = arith.constant 0 : i32
    %dma_wait3A_1726 = arith.constant 0 : i32
    %dma_wait3A_1727 = tpu.memref_slice %arg6[%dma_wait3A_1724, %dma_wait3A_1725, %dma_wait3A_1726] : memref<4x128x128xf32, #tpu.memory_space<vmem>> -> memref<1x128x128xf32, #tpu.memory_space<vmem>>
    %dma_wait3A_1728 = tpu.memref_squeeze %dma_wait3A_1727 : memref<1x128x128xf32, #tpu.memory_space<vmem>> -> memref<128x128xf32, #tpu.memory_space<vmem>>
    %dma_wait3A_1729 = arith.constant 0 : i32
    %dma_wait3A_1730 = tpu.memref_slice %arg5[%dma_wait3A_1722, %dma_wait3A_1723, %dma_wait3A_1729] : memref<4x20x128xi32, #tpu.memory_space<vmem>> -> memref<1x1x128xi32, #tpu.memory_space<vmem>>
    %dma_wait3A_1731 = tpu.memref_squeeze %dma_wait3A_1730 : memref<1x1x128xi32, #tpu.memory_space<vmem>> -> memref<128xi32, #tpu.memory_space<vmem>>
    %dma_wait3A_1732 = arith.constant 0 : i32
    %dma_wait3A_1733 = arith.constant 0 : i32
    %dma_wait3A_1734 = tpu.memref_slice %arg3[%dma_wait3A_1732, %dma_wait3A_1733] : memref<1000000x128xf32, #tpu.memory_space<hbm>> -> memref<1000000x128xf32, #tpu.memory_space<hbm>>
    tpu.wait_indirect_dma semaphore(%arg8 : memref<!tpu.dma_semaphore, #tpu.memory_space<semaphore_mem>>) src(%dma_wait3A_1734 : memref<1000000x128xf32, #tpu.memory_space<hbm>>) dst(%dma_wait3A_1728 : memref<128x128xf32, #tpu.memory_space<vmem>>)
    %scan3A_1735 = arith.constant 0 : i32
    %scan3A_1736 = arith.constant 0 : i32
    %scan3A_1737 = arith.constant 128 : i32
    %scan3A_1738 = arith.addi %scan3A_1736, %scan3A_1737 : i32
    %scan3A_1739 = arith.constant 1 : i32
    scf.for %scan3A_2382 = %scan3A_1736 to %scan3A_1738 step %scan3A_1739  : i32 {
      %get3A = arith.constant 1 : i32
      %get3A_2383 = arith.index_cast %get3A : i32 to index
      %get3A_2384 = arith.index_cast %scan3A_2382 : i32 to index
      %get3A_2385 = arith.constant 0 : index
      %get3A_2386 = tpu.vector_load %arg6[%get3A_2383, %get3A_2384, %get3A_2385] {strides = array<i32>} : memref<4x128x128xf32, #tpu.memory_space<vmem>>, vector<1x1x16xf32>,
      %get3A_2387 = vector.shape_cast %get3A_2386 : vector<1x1x16xf32> to vector<16xf32>
      %mul3A_2388 = arith.constant 5.000000e-02 : f32
      %mul3A_2389 = vector.broadcast %mul3A_2388 : f32 to vector<16xf32>
      %mul3A_2390 = arith.mulf %get3A_2387, %mul3A_2389 : vector<16xf32>
      %swap3A = arith.constant 1 : i32
      %swap3A_2391 = arith.index_cast %swap3A : i32 to index
      %swap3A_2392 = arith.index_cast %scan3A_2382 : i32 to index
      %swap3A_2393 = arith.constant 0 : index
      %swap3A_2394 = tpu.vector_load %arg6[%swap3A_2391, %swap3A_2392, %swap3A_2393] {strides = array<i32>} : memref<4x128x128xf32, #tpu.memory_space<vmem>>, vector<1x1x16xf32>,
      %swap3A_2395 = vector.shape_cast %swap3A_2394 : vector<1x1x16xf32> to vector<16xf32>
      %swap3A_2396 = vector.shape_cast %mul3A_2390 : vector<16xf32> to vector<1x1x16xf32>
      tpu.vector_store %arg6[%swap3A_2391, %swap3A_2392, %swap3A_2393], %swap3A_2396 {strides = array<i32>} : memref<4x128x128xf32, #tpu.memory_space<vmem>>, vector<1x1x16xf32>,
      %get3A_2397 = arith.constant 1 : i32
      %get3A_2398 = arith.index_cast %get3A_2397 : i32 to index
      %get3A_2399 = arith.index_cast %scan3A_2382 : i32 to index
      %get3A_2400 = arith.constant 16 : index
      %get3A_2401 = tpu.vector_load %arg6[%get3A_2398, %get3A_2399, %get3A_2400] {strides = array<i32>} : memref<4x128x128xf32, #tpu.memory_space<vmem>>, vector<1x1x16xf32>,
      %get3A_2402 = vector.shape_cast %get3A_2401 : vector<1x1x16xf32> to vector<16xf32>
      %mul3A_2403 = arith.constant 5.000000e-02 : f32
      %mul3A_2404 = vector.broadcast %mul3A_2403 : f32 to vector<16xf32>
      %mul3A_2405 = arith.mulf %get3A_2402, %mul3A_2404 : vector<16xf32>
      %swap3A_2406 = arith.constant 1 : i32
      %swap3A_2407 = arith.index_cast %swap3A_2406 : i32 to index
      %swap3A_2408 = arith.index_cast %scan3A_2382 : i32 to index
      %swap3A_2409 = arith.constant 16 : index
      %swap3A_2410 = tpu.vector_load %arg6[%swap3A_2407, %swap3A_2408, %swap3A_2409] {strides = array<i32>} : memref<4x128x128xf32, #tpu.memory_space<vmem>>, vector<1x1x16xf32>,
      %swap3A_2411 = vector.shape_cast %swap3A_2410 : vector<1x1x16xf32> to vector<16xf32>
      %swap3A_2412 = vector.shape_cast %mul3A_2405 : vector<16xf32> to vector<1x1x16xf32>
      tpu.vector_store %arg6[%swap3A_2407, %swap3A_2408, %swap3A_2409], %swap3A_2412 {strides = array<i32>} : memref<4x128x128xf32, #tpu.memory_space<vmem>>, vector<1x1x16xf32>,
      %get3A_2413 = arith.constant 1 : i32
      %get3A_2414 = arith.index_cast %get3A_2413 : i32 to index
      %get3A_2415 = arith.index_cast %scan3A_2382 : i32 to index
      %get3A_2416 = arith.constant 32 : index
      %get3A_2417 = tpu.vector_load %arg6[%get3A_2414, %get3A_2415, %get3A_2416] {strides = array<i32>} : memref<4x128x128xf32, #tpu.memory_space<vmem>>, vector<1x1x16xf32>,
      %get3A_2418 = vector.shape_cast %get3A_2417 : vector<1x1x16xf32> to vector<16xf32>
      %mul3A_2419 = arith.constant 5.000000e-02 : f32
      %mul3A_2420 = vector.broadcast %mul3A_2419 : f32 to vector<16xf32>
      %mul3A_2421 = arith.mulf %get3A_2418, %mul3A_2420 : vector<16xf32>
      %swap3A_2422 = arith.constant 1 : i32
      %swap3A_2423 = arith.index_cast %swap3A_2422 : i32 to index
      %swap3A_2424 = arith.index_cast %scan3A_2382 : i32 to index
      %swap3A_2425 = arith.constant 32 : index
      %swap3A_2426 = tpu.vector_load %arg6[%swap3A_2423, %swap3A_2424, %swap3A_2425] {strides = array<i32>} : memref<4x128x128xf32, #tpu.memory_space<vmem>>, vector<1x1x16xf32>,
      %swap3A_2427 = vector.shape_cast %swap3A_2426 : vector<1x1x16xf32> to vector<16xf32>
      %swap3A_2428 = vector.shape_cast %mul3A_2421 : vector<16xf32> to vector<1x1x16xf32>
      tpu.vector_store %arg6[%swap3A_2423, %swap3A_2424, %swap3A_2425], %swap3A_2428 {strides = array<i32>} : memref<4x128x128xf32, #tpu.memory_space<vmem>>, vector<1x1x16xf32>,
      %get3A_2429 = arith.constant 1 : i32
      %get3A_2430 = arith.index_cast %get3A_2429 : i32 to index
      %get3A_2431 = arith.index_cast %scan3A_2382 : i32 to index
      %get3A_2432 = arith.constant 48 : index
      %get3A_2433 = tpu.vector_load %arg6[%get3A_2430, %get3A_2431, %get3A_2432] {strides = array<i32>} : memref<4x128x128xf32, #tpu.memory_space<vmem>>, vector<1x1x16xf32>,
      %get3A_2434 = vector.shape_cast %get3A_2433 : vector<1x1x16xf32> to vector<16xf32>
      %mul3A_2435 = arith.constant 5.000000e-02 : f32
      %mul3A_2436 = vector.broadcast %mul3A_2435 : f32 to vector<16xf32>
      %mul3A_2437 = arith.mulf %get3A_2434, %mul3A_2436 : vector<16xf32>
      %swap3A_2438 = arith.constant 1 : i32
      %swap3A_2439 = arith.index_cast %swap3A_2438 : i32 to index
      %swap3A_2440 = arith.index_cast %scan3A_2382 : i32 to index
      %swap3A_2441 = arith.constant 48 : index
      %swap3A_2442 = tpu.vector_load %arg6[%swap3A_2439, %swap3A_2440, %swap3A_2441] {strides = array<i32>} : memref<4x128x128xf32, #tpu.memory_space<vmem>>, vector<1x1x16xf32>,
      %swap3A_2443 = vector.shape_cast %swap3A_2442 : vector<1x1x16xf32> to vector<16xf32>
      %swap3A_2444 = vector.shape_cast %mul3A_2437 : vector<16xf32> to vector<1x1x16xf32>
      tpu.vector_store %arg6[%swap3A_2439, %swap3A_2440, %swap3A_2441], %swap3A_2444 {strides = array<i32>} : memref<4x128x128xf32, #tpu.memory_space<vmem>>, vector<1x1x16xf32>,
      %get3A_2445 = arith.constant 1 : i32
      %get3A_2446 = arith.index_cast %get3A_2445 : i32 to index
      %get3A_2447 = arith.index_cast %scan3A_2382 : i32 to index
      %get3A_2448 = arith.constant 64 : index
      %get3A_2449 = tpu.vector_load %arg6[%get3A_2446, %get3A_2447, %get3A_2448] {strides = array<i32>} : memref<4x128x128xf32, #tpu.memory_space<vmem>>, vector<1x1x16xf32>,
      %get3A_2450 = vector.shape_cast %get3A_2449 : vector<1x1x16xf32> to vector<16xf32>
      %mul3A_2451 = arith.constant 5.000000e-02 : f32
      %mul3A_2452 = vector.broadcast %mul3A_2451 : f32 to vector<16xf32>
      %mul3A_2453 = arith.mulf %get3A_2450, %mul3A_2452 : vector<16xf32>
      %swap3A_2454 = arith.constant 1 : i32
      %swap3A_2455 = arith.index_cast %swap3A_2454 : i32 to index
      %swap3A_2456 = arith.index_cast %scan3A_2382 : i32 to index
      %swap3A_2457 = arith.constant 64 : index
      %swap3A_2458 = tpu.vector_load %arg6[%swap3A_2455, %swap3A_2456, %swap3A_2457] {strides = array<i32>} : memref<4x128x128xf32, #tpu.memory_space<vmem>>, vector<1x1x16xf32>,
      %swap3A_2459 = vector.shape_cast %swap3A_2458 : vector<1x1x16xf32> to vector<16xf32>
      %swap3A_2460 = vector.shape_cast %mul3A_2453 : vector<16xf32> to vector<1x1x16xf32>
      tpu.vector_store %arg6[%swap3A_2455, %swap3A_2456, %swap3A_2457], %swap3A_2460 {strides = array<i32>} : memref<4x128x128xf32, #tpu.memory_space<vmem>>, vector<1x1x16xf32>,
      %get3A_2461 = arith.constant 1 : i32
      %get3A_2462 = arith.index_cast %get3A_2461 : i32 to index
      %get3A_2463 = arith.index_cast %scan3A_2382 : i32 to index
      %get3A_2464 = arith.constant 80 : index
      %get3A_2465 = tpu.vector_load %arg6[%get3A_2462, %get3A_2463, %get3A_2464] {strides = array<i32>} : memref<4x128x128xf32, #tpu.memory_space<vmem>>, vector<1x1x16xf32>,
      %get3A_2466 = vector.shape_cast %get3A_2465 : vector<1x1x16xf32> to vector<16xf32>
      %mul3A_2467 = arith.constant 5.000000e-02 : f32
      %mul3A_2468 = vector.broadcast %mul3A_2467 : f32 to vector<16xf32>
      %mul3A_2469 = arith.mulf %get3A_2466, %mul3A_2468 : vector<16xf32>
      %swap3A_2470 = arith.constant 1 : i32
      %swap3A_2471 = arith.index_cast %swap3A_2470 : i32 to index
      %swap3A_2472 = arith.index_cast %scan3A_2382 : i32 to index
      %swap3A_2473 = arith.constant 80 : index
      %swap3A_2474 = tpu.vector_load %arg6[%swap3A_2471, %swap3A_2472, %swap3A_2473] {strides = array<i32>} : memref<4x128x128xf32, #tpu.memory_space<vmem>>, vector<1x1x16xf32>,
      %swap3A_2475 = vector.shape_cast %swap3A_2474 : vector<1x1x16xf32> to vector<16xf32>
      %swap3A_2476 = vector.shape_cast %mul3A_2469 : vector<16xf32> to vector<1x1x16xf32>
      tpu.vector_store %arg6[%swap3A_2471, %swap3A_2472, %swap3A_2473], %swap3A_2476 {strides = array<i32>} : memref<4x128x128xf32, #tpu.memory_space<vmem>>, vector<1x1x16xf32>,
      %get3A_2477 = arith.constant 1 : i32
      %get3A_2478 = arith.index_cast %get3A_2477 : i32 to index
      %get3A_2479 = arith.index_cast %scan3A_2382 : i32 to index
      %get3A_2480 = arith.constant 96 : index
      %get3A_2481 = tpu.vector_load %arg6[%get3A_2478, %get3A_2479, %get3A_2480] {strides = array<i32>} : memref<4x128x128xf32, #tpu.memory_space<vmem>>, vector<1x1x16xf32>,
      %get3A_2482 = vector.shape_cast %get3A_2481 : vector<1x1x16xf32> to vector<16xf32>
      %mul3A_2483 = arith.constant 5.000000e-02 : f32
      %mul3A_2484 = vector.broadcast %mul3A_2483 : f32 to vector<16xf32>
      %mul3A_2485 = arith.mulf %get3A_2482, %mul3A_2484 : vector<16xf32>
      %swap3A_2486 = arith.constant 1 : i32
      %swap3A_2487 = arith.index_cast %swap3A_2486 : i32 to index
      %swap3A_2488 = arith.index_cast %scan3A_2382 : i32 to index
      %swap3A_2489 = arith.constant 96 : index
      %swap3A_2490 = tpu.vector_load %arg6[%swap3A_2487, %swap3A_2488, %swap3A_2489] {strides = array<i32>} : memref<4x128x128xf32, #tpu.memory_space<vmem>>, vector<1x1x16xf32>,
      %swap3A_2491 = vector.shape_cast %swap3A_2490 : vector<1x1x16xf32> to vector<16xf32>
      %swap3A_2492 = vector.shape_cast %mul3A_2485 : vector<16xf32> to vector<1x1x16xf32>
      tpu.vector_store %arg6[%swap3A_2487, %swap3A_2488, %swap3A_2489], %swap3A_2492 {strides = array<i32>} : memref<4x128x128xf32, #tpu.memory_space<vmem>>, vector<1x1x16xf32>,
      %get3A_2493 = arith.constant 1 : i32
      %get3A_2494 = arith.index_cast %get3A_2493 : i32 to index
      %get3A_2495 = arith.index_cast %scan3A_2382 : i32 to index
      %get3A_2496 = arith.constant 112 : index
      %get3A_2497 = tpu.vector_load %arg6[%get3A_2494, %get3A_2495, %get3A_2496] {strides = array<i32>} : memref<4x128x128xf32, #tpu.memory_space<vmem>>, vector<1x1x16xf32>,
      %get3A_2498 = vector.shape_cast %get3A_2497 : vector<1x1x16xf32> to vector<16xf32>
      %mul3A_2499 = arith.constant 5.000000e-02 : f32
      %mul3A_2500 = vector.broadcast %mul3A_2499 : f32 to vector<16xf32>
      %mul3A_2501 = arith.mulf %get3A_2498, %mul3A_2500 : vector<16xf32>
      %swap3A_2502 = arith.constant 1 : i32
      %swap3A_2503 = arith.index_cast %swap3A_2502 : i32 to index
      %swap3A_2504 = arith.index_cast %scan3A_2382 : i32 to index
      %swap3A_2505 = arith.constant 112 : index
      %swap3A_2506 = tpu.vector_load %arg6[%swap3A_2503, %swap3A_2504, %swap3A_2505] {strides = array<i32>} : memref<4x128x128xf32, #tpu.memory_space<vmem>>, vector<1x1x16xf32>,
      %swap3A_2507 = vector.shape_cast %swap3A_2506 : vector<1x1x16xf32> to vector<16xf32>
      %swap3A_2508 = vector.shape_cast %mul3A_2501 : vector<16xf32> to vector<1x1x16xf32>
      tpu.vector_store %arg6[%swap3A_2503, %swap3A_2504, %swap3A_2505], %swap3A_2508 {strides = array<i32>} : memref<4x128x128xf32, #tpu.memory_space<vmem>>, vector<1x1x16xf32>,
    }
    %scan3A_1740 = arith.constant 128 : i32
    %mul3A_1741 = arith.constant 4 : i32
    %mul3A_1742 = arith.muli %add3A, %mul3A_1741 : i32
    %add3A_1743 = arith.constant 1 : i32
    %add3A_1744 = arith.addi %mul3A_1742, %add3A_1743 : i32
    %mul3A_1745 = arith.constant 128 : i32
    %mul3A_1746 = arith.muli %add3A_1744, %mul3A_1745 : i32
    %dma_start3A_1747 = arith.constant 1 : i32
    %dma_start3A_1748 = arith.constant 0 : i32
    %dma_start3A_1749 = arith.constant 0 : i32
    %dma_start3A_1750 = tpu.memref_slice %arg6[%dma_start3A_1747, %dma_start3A_1748, %dma_start3A_1749] : memref<4x128x128xf32, #tpu.memory_space<vmem>> -> memref<1x128x128xf32, #tpu.memory_space<vmem>>
    %dma_start3A_1751 = tpu.memref_squeeze %dma_start3A_1750 : memref<1x128x128xf32, #tpu.memory_space<vmem>> -> memref<128x128xf32, #tpu.memory_space<vmem>>
    %dma_start3A_1752 = arith.constant 0 : i32
    %dma_start3A_1753 = tpu.memref_slice %arg4[%mul3A_1746, %dma_start3A_1752] : memref<16384x128xf32, #tpu.memory_space<hbm>> -> memref<128x128xf32, #tpu.memory_space<hbm>>
    %dma_start3A_1754 = arith.constant 0 : i32
    %dma_start3A_1755 = tpu.memref_slice %arg4[%mul3A_1746, %dma_start3A_1754] : memref<16384x128xf32, #tpu.memory_space<hbm>> -> memref<128x128xf32, #tpu.memory_space<hbm>>
    %dma_start3A_1756 = arith.constant 0 : i32
    %dma_start3A_1757 = arith.constant 0 : i32
    %dma_start3A_1758 = tpu.memref_slice %arg6[%dma_start3A_1747, %dma_start3A_1756, %dma_start3A_1757] : memref<4x128x128xf32, #tpu.memory_space<vmem>> -> memref<1x128x128xf32, #tpu.memory_space<vmem>>
    %dma_start3A_1759 = tpu.memref_squeeze %dma_start3A_1758 : memref<1x128x128xf32, #tpu.memory_space<vmem>> -> memref<128x128xf32, #tpu.memory_space<vmem>>
    tpu.enqueue_dma source(%dma_start3A_1759 : memref<128x128xf32, #tpu.memory_space<vmem>>) target(%dma_start3A_1755 : memref<128x128xf32, #tpu.memory_space<hbm>>) target_semaphore(%arg11 : memref<!tpu.dma_semaphore, #tpu.memory_space<semaphore_mem>>)
    %dma_wait3A_1760 = arith.constant 2 : i32
    %dma_wait3A_1761 = arith.constant 0 : i32
    %dma_wait3A_1762 = arith.constant 2 : i32
    %dma_wait3A_1763 = arith.constant 0 : i32
    %dma_wait3A_1764 = arith.constant 0 : i32
    %dma_wait3A_1765 = tpu.memref_slice %arg6[%dma_wait3A_1762, %dma_wait3A_1763, %dma_wait3A_1764] : memref<4x128x128xf32, #tpu.memory_space<vmem>> -> memref<1x128x128xf32, #tpu.memory_space<vmem>>
    %dma_wait3A_1766 = tpu.memref_squeeze %dma_wait3A_1765 : memref<1x128x128xf32, #tpu.memory_space<vmem>> -> memref<128x128xf32, #tpu.memory_space<vmem>>
    %dma_wait3A_1767 = arith.constant 0 : i32
    %dma_wait3A_1768 = tpu.memref_slice %arg5[%dma_wait3A_1760, %dma_wait3A_1761, %dma_wait3A_1767] : memref<4x20x128xi32, #tpu.memory_space<vmem>> -> memref<1x1x128xi32, #tpu.memory_space<vmem>>
    %dma_wait3A_1769 = tpu.memref_squeeze %dma_wait3A_1768 : memref<1x1x128xi32, #tpu.memory_space<vmem>> -> memref<128xi32, #tpu.memory_space<vmem>>
    %dma_wait3A_1770 = arith.constant 0 : i32
    %dma_wait3A_1771 = arith.constant 0 : i32
    %dma_wait3A_1772 = tpu.memref_slice %arg3[%dma_wait3A_1770, %dma_wait3A_1771] : memref<1000000x128xf32, #tpu.memory_space<hbm>> -> memref<1000000x128xf32, #tpu.memory_space<hbm>>
    tpu.wait_indirect_dma semaphore(%arg9 : memref<!tpu.dma_semaphore, #tpu.memory_space<semaphore_mem>>) src(%dma_wait3A_1772 : memref<1000000x128xf32, #tpu.memory_space<hbm>>) dst(%dma_wait3A_1766 : memref<128x128xf32, #tpu.memory_space<vmem>>)
    %dma_wait3A_1773 = arith.constant 2 : i32
    %dma_wait3A_1774 = arith.constant 1 : i32
    %dma_wait3A_1775 = arith.constant 2 : i32
    %dma_wait3A_1776 = arith.constant 0 : i32
    %dma_wait3A_1777 = arith.constant 0 : i32
    %dma_wait3A_1778 = tpu.memref_slice %arg6[%dma_wait3A_1775, %dma_wait3A_1776, %dma_wait3A_1777] : memref<4x128x128xf32, #tpu.memory_space<vmem>> -> memref<1x128x128xf32, #tpu.memory_space<vmem>>
    %dma_wait3A_1779 = tpu.memref_squeeze %dma_wait3A_1778 : memref<1x128x128xf32, #tpu.memory_space<vmem>> -> memref<128x128xf32, #tpu.memory_space<vmem>>
    %dma_wait3A_1780 = arith.constant 0 : i32
    %dma_wait3A_1781 = tpu.memref_slice %arg5[%dma_wait3A_1773, %dma_wait3A_1774, %dma_wait3A_1780] : memref<4x20x128xi32, #tpu.memory_space<vmem>> -> memref<1x1x128xi32, #tpu.memory_space<vmem>>
    %dma_wait3A_1782 = tpu.memref_squeeze %dma_wait3A_1781 : memref<1x1x128xi32, #tpu.memory_space<vmem>> -> memref<128xi32, #tpu.memory_space<vmem>>
    %dma_wait3A_1783 = arith.constant 0 : i32
    %dma_wait3A_1784 = arith.constant 0 : i32
    %dma_wait3A_1785 = tpu.memref_slice %arg3[%dma_wait3A_1783, %dma_wait3A_1784] : memref<1000000x128xf32, #tpu.memory_space<hbm>> -> memref<1000000x128xf32, #tpu.memory_space<hbm>>
    tpu.wait_indirect_dma semaphore(%arg9 : memref<!tpu.dma_semaphore, #tpu.memory_space<semaphore_mem>>) src(%dma_wait3A_1785 : memref<1000000x128xf32, #tpu.memory_space<hbm>>) dst(%dma_wait3A_1779 : memref<128x128xf32, #tpu.memory_space<vmem>>)
    %dma_wait3A_1786 = arith.constant 2 : i32
    %dma_wait3A_1787 = arith.constant 2 : i32
    %dma_wait3A_1788 = arith.constant 2 : i32
    %dma_wait3A_1789 = arith.constant 0 : i32
    %dma_wait3A_1790 = arith.constant 0 : i32
    %dma_wait3A_1791 = tpu.memref_slice %arg6[%dma_wait3A_1788, %dma_wait3A_1789, %dma_wait3A_1790] : memref<4x128x128xf32, #tpu.memory_space<vmem>> -> memref<1x128x128xf32, #tpu.memory_space<vmem>>
    %dma_wait3A_1792 = tpu.memref_squeeze %dma_wait3A_1791 : memref<1x128x128xf32, #tpu.memory_space<vmem>> -> memref<128x128xf32, #tpu.memory_space<vmem>>
    %dma_wait3A_1793 = arith.constant 0 : i32
    %dma_wait3A_1794 = tpu.memref_slice %arg5[%dma_wait3A_1786, %dma_wait3A_1787, %dma_wait3A_1793] : memref<4x20x128xi32, #tpu.memory_space<vmem>> -> memref<1x1x128xi32, #tpu.memory_space<vmem>>
    %dma_wait3A_1795 = tpu.memref_squeeze %dma_wait3A_1794 : memref<1x1x128xi32, #tpu.memory_space<vmem>> -> memref<128xi32, #tpu.memory_space<vmem>>
    %dma_wait3A_1796 = arith.constant 0 : i32
    %dma_wait3A_1797 = arith.constant 0 : i32
    %dma_wait3A_1798 = tpu.memref_slice %arg3[%dma_wait3A_1796, %dma_wait3A_1797] : memref<1000000x128xf32, #tpu.memory_space<hbm>> -> memref<1000000x128xf32, #tpu.memory_space<hbm>>
    tpu.wait_indirect_dma semaphore(%arg9 : memref<!tpu.dma_semaphore, #tpu.memory_space<semaphore_mem>>) src(%dma_wait3A_1798 : memref<1000000x128xf32, #tpu.memory_space<hbm>>) dst(%dma_wait3A_1792 : memref<128x128xf32, #tpu.memory_space<vmem>>)
    %dma_wait3A_1799 = arith.constant 2 : i32
    %dma_wait3A_1800 = arith.constant 3 : i32
    %dma_wait3A_1801 = arith.constant 2 : i32
    %dma_wait3A_1802 = arith.constant 0 : i32
    %dma_wait3A_1803 = arith.constant 0 : i32
    %dma_wait3A_1804 = tpu.memref_slice %arg6[%dma_wait3A_1801, %dma_wait3A_1802, %dma_wait3A_1803] : memref<4x128x128xf32, #tpu.memory_space<vmem>> -> memref<1x128x128xf32, #tpu.memory_space<vmem>>
    %dma_wait3A_1805 = tpu.memref_squeeze %dma_wait3A_1804 : memref<1x128x128xf32, #tpu.memory_space<vmem>> -> memref<128x128xf32, #tpu.memory_space<vmem>>
    %dma_wait3A_1806 = arith.constant 0 : i32
    %dma_wait3A_1807 = tpu.memref_slice %arg5[%dma_wait3A_1799, %dma_wait3A_1800, %dma_wait3A_1806] : memref<4x20x128xi32, #tpu.memory_space<vmem>> -> memref<1x1x128xi32, #tpu.memory_space<vmem>>
    %dma_wait3A_1808 = tpu.memref_squeeze %dma_wait3A_1807 : memref<1x1x128xi32, #tpu.memory_space<vmem>> -> memref<128xi32, #tpu.memory_space<vmem>>
    %dma_wait3A_1809 = arith.constant 0 : i32
    %dma_wait3A_1810 = arith.constant 0 : i32
    %dma_wait3A_1811 = tpu.memref_slice %arg3[%dma_wait3A_1809, %dma_wait3A_1810] : memref<1000000x128xf32, #tpu.memory_space<hbm>> -> memref<1000000x128xf32, #tpu.memory_space<hbm>>
    tpu.wait_indirect_dma semaphore(%arg9 : memref<!tpu.dma_semaphore, #tpu.memory_space<semaphore_mem>>) src(%dma_wait3A_1811 : memref<1000000x128xf32, #tpu.memory_space<hbm>>) dst(%dma_wait3A_1805 : memref<128x128xf32, #tpu.memory_space<vmem>>)
    %dma_wait3A_1812 = arith.constant 2 : i32
    %dma_wait3A_1813 = arith.constant 4 : i32
    %dma_wait3A_1814 = arith.constant 2 : i32
    %dma_wait3A_1815 = arith.constant 0 : i32
    %dma_wait3A_1816 = arith.constant 0 : i32
    %dma_wait3A_1817 = tpu.memref_slice %arg6[%dma_wait3A_1814, %dma_wait3A_1815, %dma_wait3A_1816] : memref<4x128x128xf32, #tpu.memory_space<vmem>> -> memref<1x128x128xf32, #tpu.memory_space<vmem>>
    %dma_wait3A_1818 = tpu.memref_squeeze %dma_wait3A_1817 : memref<1x128x128xf32, #tpu.memory_space<vmem>> -> memref<128x128xf32, #tpu.memory_space<vmem>>
    %dma_wait3A_1819 = arith.constant 0 : i32
    %dma_wait3A_1820 = tpu.memref_slice %arg5[%dma_wait3A_1812, %dma_wait3A_1813, %dma_wait3A_1819] : memref<4x20x128xi32, #tpu.memory_space<vmem>> -> memref<1x1x128xi32, #tpu.memory_space<vmem>>
    %dma_wait3A_1821 = tpu.memref_squeeze %dma_wait3A_1820 : memref<1x1x128xi32, #tpu.memory_space<vmem>> -> memref<128xi32, #tpu.memory_space<vmem>>
    %dma_wait3A_1822 = arith.constant 0 : i32
    %dma_wait3A_1823 = arith.constant 0 : i32
    %dma_wait3A_1824 = tpu.memref_slice %arg3[%dma_wait3A_1822, %dma_wait3A_1823] : memref<1000000x128xf32, #tpu.memory_space<hbm>> -> memref<1000000x128xf32, #tpu.memory_space<hbm>>
    tpu.wait_indirect_dma semaphore(%arg9 : memref<!tpu.dma_semaphore, #tpu.memory_space<semaphore_mem>>) src(%dma_wait3A_1824 : memref<1000000x128xf32, #tpu.memory_space<hbm>>) dst(%dma_wait3A_1818 : memref<128x128xf32, #tpu.memory_space<vmem>>)
    %dma_wait3A_1825 = arith.constant 2 : i32
    %dma_wait3A_1826 = arith.constant 5 : i32
    %dma_wait3A_1827 = arith.constant 2 : i32
    %dma_wait3A_1828 = arith.constant 0 : i32
    %dma_wait3A_1829 = arith.constant 0 : i32
    %dma_wait3A_1830 = tpu.memref_slice %arg6[%dma_wait3A_1827, %dma_wait3A_1828, %dma_wait3A_1829] : memref<4x128x128xf32, #tpu.memory_space<vmem>> -> memref<1x128x128xf32, #tpu.memory_space<vmem>>
    %dma_wait3A_1831 = tpu.memref_squeeze %dma_wait3A_1830 : memref<1x128x128xf32, #tpu.memory_space<vmem>> -> memref<128x128xf32, #tpu.memory_space<vmem>>
    %dma_wait3A_1832 = arith.constant 0 : i32
    %dma_wait3A_1833 = tpu.memref_slice %arg5[%dma_wait3A_1825, %dma_wait3A_1826, %dma_wait3A_1832] : memref<4x20x128xi32, #tpu.memory_space<vmem>> -> memref<1x1x128xi32, #tpu.memory_space<vmem>>
    %dma_wait3A_1834 = tpu.memref_squeeze %dma_wait3A_1833 : memref<1x1x128xi32, #tpu.memory_space<vmem>> -> memref<128xi32, #tpu.memory_space<vmem>>
    %dma_wait3A_1835 = arith.constant 0 : i32
    %dma_wait3A_1836 = arith.constant 0 : i32
    %dma_wait3A_1837 = tpu.memref_slice %arg3[%dma_wait3A_1835, %dma_wait3A_1836] : memref<1000000x128xf32, #tpu.memory_space<hbm>> -> memref<1000000x128xf32, #tpu.memory_space<hbm>>
    tpu.wait_indirect_dma semaphore(%arg9 : memref<!tpu.dma_semaphore, #tpu.memory_space<semaphore_mem>>) src(%dma_wait3A_1837 : memref<1000000x128xf32, #tpu.memory_space<hbm>>) dst(%dma_wait3A_1831 : memref<128x128xf32, #tpu.memory_space<vmem>>)
    %dma_wait3A_1838 = arith.constant 2 : i32
    %dma_wait3A_1839 = arith.constant 6 : i32
    %dma_wait3A_1840 = arith.constant 2 : i32
    %dma_wait3A_1841 = arith.constant 0 : i32
    %dma_wait3A_1842 = arith.constant 0 : i32
    %dma_wait3A_1843 = tpu.memref_slice %arg6[%dma_wait3A_1840, %dma_wait3A_1841, %dma_wait3A_1842] : memref<4x128x128xf32, #tpu.memory_space<vmem>> -> memref<1x128x128xf32, #tpu.memory_space<vmem>>
    %dma_wait3A_1844 = tpu.memref_squeeze %dma_wait3A_1843 : memref<1x128x128xf32, #tpu.memory_space<vmem>> -> memref<128x128xf32, #tpu.memory_space<vmem>>
    %dma_wait3A_1845 = arith.constant 0 : i32
    %dma_wait3A_1846 = tpu.memref_slice %arg5[%dma_wait3A_1838, %dma_wait3A_1839, %dma_wait3A_1845] : memref<4x20x128xi32, #tpu.memory_space<vmem>> -> memref<1x1x128xi32, #tpu.memory_space<vmem>>
    %dma_wait3A_1847 = tpu.memref_squeeze %dma_wait3A_1846 : memref<1x1x128xi32, #tpu.memory_space<vmem>> -> memref<128xi32, #tpu.memory_space<vmem>>
    %dma_wait3A_1848 = arith.constant 0 : i32
    %dma_wait3A_1849 = arith.constant 0 : i32
    %dma_wait3A_1850 = tpu.memref_slice %arg3[%dma_wait3A_1848, %dma_wait3A_1849] : memref<1000000x128xf32, #tpu.memory_space<hbm>> -> memref<1000000x128xf32, #tpu.memory_space<hbm>>
    tpu.wait_indirect_dma semaphore(%arg9 : memref<!tpu.dma_semaphore, #tpu.memory_space<semaphore_mem>>) src(%dma_wait3A_1850 : memref<1000000x128xf32, #tpu.memory_space<hbm>>) dst(%dma_wait3A_1844 : memref<128x128xf32, #tpu.memory_space<vmem>>)
    %dma_wait3A_1851 = arith.constant 2 : i32
    %dma_wait3A_1852 = arith.constant 7 : i32
    %dma_wait3A_1853 = arith.constant 2 : i32
    %dma_wait3A_1854 = arith.constant 0 : i32
    %dma_wait3A_1855 = arith.constant 0 : i32
    %dma_wait3A_1856 = tpu.memref_slice %arg6[%dma_wait3A_1853, %dma_wait3A_1854, %dma_wait3A_1855] : memref<4x128x128xf32, #tpu.memory_space<vmem>> -> memref<1x128x128xf32, #tpu.memory_space<vmem>>
    %dma_wait3A_1857 = tpu.memref_squeeze %dma_wait3A_1856 : memref<1x128x128xf32, #tpu.memory_space<vmem>> -> memref<128x128xf32, #tpu.memory_space<vmem>>
    %dma_wait3A_1858 = arith.constant 0 : i32
    %dma_wait3A_1859 = tpu.memref_slice %arg5[%dma_wait3A_1851, %dma_wait3A_1852, %dma_wait3A_1858] : memref<4x20x128xi32, #tpu.memory_space<vmem>> -> memref<1x1x128xi32, #tpu.memory_space<vmem>>
    %dma_wait3A_1860 = tpu.memref_squeeze %dma_wait3A_1859 : memref<1x1x128xi32, #tpu.memory_space<vmem>> -> memref<128xi32, #tpu.memory_space<vmem>>
    %dma_wait3A_1861 = arith.constant 0 : i32
    %dma_wait3A_1862 = arith.constant 0 : i32
    %dma_wait3A_1863 = tpu.memref_slice %arg3[%dma_wait3A_1861, %dma_wait3A_1862] : memref<1000000x128xf32, #tpu.memory_space<hbm>> -> memref<1000000x128xf32, #tpu.memory_space<hbm>>
    tpu.wait_indirect_dma semaphore(%arg9 : memref<!tpu.dma_semaphore, #tpu.memory_space<semaphore_mem>>) src(%dma_wait3A_1863 : memref<1000000x128xf32, #tpu.memory_space<hbm>>) dst(%dma_wait3A_1857 : memref<128x128xf32, #tpu.memory_space<vmem>>)
    %dma_wait3A_1864 = arith.constant 2 : i32
    %dma_wait3A_1865 = arith.constant 8 : i32
    %dma_wait3A_1866 = arith.constant 2 : i32
    %dma_wait3A_1867 = arith.constant 0 : i32
    %dma_wait3A_1868 = arith.constant 0 : i32
    %dma_wait3A_1869 = tpu.memref_slice %arg6[%dma_wait3A_1866, %dma_wait3A_1867, %dma_wait3A_1868] : memref<4x128x128xf32, #tpu.memory_space<vmem>> -> memref<1x128x128xf32, #tpu.memory_space<vmem>>
    %dma_wait3A_1870 = tpu.memref_squeeze %dma_wait3A_1869 : memref<1x128x128xf32, #tpu.memory_space<vmem>> -> memref<128x128xf32, #tpu.memory_space<vmem>>
    %dma_wait3A_1871 = arith.constant 0 : i32
    %dma_wait3A_1872 = tpu.memref_slice %arg5[%dma_wait3A_1864, %dma_wait3A_1865, %dma_wait3A_1871] : memref<4x20x128xi32, #tpu.memory_space<vmem>> -> memref<1x1x128xi32, #tpu.memory_space<vmem>>
    %dma_wait3A_1873 = tpu.memref_squeeze %dma_wait3A_1872 : memref<1x1x128xi32, #tpu.memory_space<vmem>> -> memref<128xi32, #tpu.memory_space<vmem>>
    %dma_wait3A_1874 = arith.constant 0 : i32
    %dma_wait3A_1875 = arith.constant 0 : i32
    %dma_wait3A_1876 = tpu.memref_slice %arg3[%dma_wait3A_1874, %dma_wait3A_1875] : memref<1000000x128xf32, #tpu.memory_space<hbm>> -> memref<1000000x128xf32, #tpu.memory_space<hbm>>
    tpu.wait_indirect_dma semaphore(%arg9 : memref<!tpu.dma_semaphore, #tpu.memory_space<semaphore_mem>>) src(%dma_wait3A_1876 : memref<1000000x128xf32, #tpu.memory_space<hbm>>) dst(%dma_wait3A_1870 : memref<128x128xf32, #tpu.memory_space<vmem>>)
    %dma_wait3A_1877 = arith.constant 2 : i32
    %dma_wait3A_1878 = arith.constant 9 : i32
    %dma_wait3A_1879 = arith.constant 2 : i32
    %dma_wait3A_1880 = arith.constant 0 : i32
    %dma_wait3A_1881 = arith.constant 0 : i32
    %dma_wait3A_1882 = tpu.memref_slice %arg6[%dma_wait3A_1879, %dma_wait3A_1880, %dma_wait3A_1881] : memref<4x128x128xf32, #tpu.memory_space<vmem>> -> memref<1x128x128xf32, #tpu.memory_space<vmem>>
    %dma_wait3A_1883 = tpu.memref_squeeze %dma_wait3A_1882 : memref<1x128x128xf32, #tpu.memory_space<vmem>> -> memref<128x128xf32, #tpu.memory_space<vmem>>
    %dma_wait3A_1884 = arith.constant 0 : i32
    %dma_wait3A_1885 = tpu.memref_slice %arg5[%dma_wait3A_1877, %dma_wait3A_1878, %dma_wait3A_1884] : memref<4x20x128xi32, #tpu.memory_space<vmem>> -> memref<1x1x128xi32, #tpu.memory_space<vmem>>
    %dma_wait3A_1886 = tpu.memref_squeeze %dma_wait3A_1885 : memref<1x1x128xi32, #tpu.memory_space<vmem>> -> memref<128xi32, #tpu.memory_space<vmem>>
    %dma_wait3A_1887 = arith.constant 0 : i32
    %dma_wait3A_1888 = arith.constant 0 : i32
    %dma_wait3A_1889 = tpu.memref_slice %arg3[%dma_wait3A_1887, %dma_wait3A_1888] : memref<1000000x128xf32, #tpu.memory_space<hbm>> -> memref<1000000x128xf32, #tpu.memory_space<hbm>>
    tpu.wait_indirect_dma semaphore(%arg9 : memref<!tpu.dma_semaphore, #tpu.memory_space<semaphore_mem>>) src(%dma_wait3A_1889 : memref<1000000x128xf32, #tpu.memory_space<hbm>>) dst(%dma_wait3A_1883 : memref<128x128xf32, #tpu.memory_space<vmem>>)
    %dma_wait3A_1890 = arith.constant 2 : i32
    %dma_wait3A_1891 = arith.constant 10 : i32
    %dma_wait3A_1892 = arith.constant 2 : i32
    %dma_wait3A_1893 = arith.constant 0 : i32
    %dma_wait3A_1894 = arith.constant 0 : i32
    %dma_wait3A_1895 = tpu.memref_slice %arg6[%dma_wait3A_1892, %dma_wait3A_1893, %dma_wait3A_1894] : memref<4x128x128xf32, #tpu.memory_space<vmem>> -> memref<1x128x128xf32, #tpu.memory_space<vmem>>
    %dma_wait3A_1896 = tpu.memref_squeeze %dma_wait3A_1895 : memref<1x128x128xf32, #tpu.memory_space<vmem>> -> memref<128x128xf32, #tpu.memory_space<vmem>>
    %dma_wait3A_1897 = arith.constant 0 : i32
    %dma_wait3A_1898 = tpu.memref_slice %arg5[%dma_wait3A_1890, %dma_wait3A_1891, %dma_wait3A_1897] : memref<4x20x128xi32, #tpu.memory_space<vmem>> -> memref<1x1x128xi32, #tpu.memory_space<vmem>>
    %dma_wait3A_1899 = tpu.memref_squeeze %dma_wait3A_1898 : memref<1x1x128xi32, #tpu.memory_space<vmem>> -> memref<128xi32, #tpu.memory_space<vmem>>
    %dma_wait3A_1900 = arith.constant 0 : i32
    %dma_wait3A_1901 = arith.constant 0 : i32
    %dma_wait3A_1902 = tpu.memref_slice %arg3[%dma_wait3A_1900, %dma_wait3A_1901] : memref<1000000x128xf32, #tpu.memory_space<hbm>> -> memref<1000000x128xf32, #tpu.memory_space<hbm>>
    tpu.wait_indirect_dma semaphore(%arg9 : memref<!tpu.dma_semaphore, #tpu.memory_space<semaphore_mem>>) src(%dma_wait3A_1902 : memref<1000000x128xf32, #tpu.memory_space<hbm>>) dst(%dma_wait3A_1896 : memref<128x128xf32, #tpu.memory_space<vmem>>)
    %dma_wait3A_1903 = arith.constant 2 : i32
    %dma_wait3A_1904 = arith.constant 11 : i32
    %dma_wait3A_1905 = arith.constant 2 : i32
    %dma_wait3A_1906 = arith.constant 0 : i32
    %dma_wait3A_1907 = arith.constant 0 : i32
    %dma_wait3A_1908 = tpu.memref_slice %arg6[%dma_wait3A_1905, %dma_wait3A_1906, %dma_wait3A_1907] : memref<4x128x128xf32, #tpu.memory_space<vmem>> -> memref<1x128x128xf32, #tpu.memory_space<vmem>>
    %dma_wait3A_1909 = tpu.memref_squeeze %dma_wait3A_1908 : memref<1x128x128xf32, #tpu.memory_space<vmem>> -> memref<128x128xf32, #tpu.memory_space<vmem>>
    %dma_wait3A_1910 = arith.constant 0 : i32
    %dma_wait3A_1911 = tpu.memref_slice %arg5[%dma_wait3A_1903, %dma_wait3A_1904, %dma_wait3A_1910] : memref<4x20x128xi32, #tpu.memory_space<vmem>> -> memref<1x1x128xi32, #tpu.memory_space<vmem>>
    %dma_wait3A_1912 = tpu.memref_squeeze %dma_wait3A_1911 : memref<1x1x128xi32, #tpu.memory_space<vmem>> -> memref<128xi32, #tpu.memory_space<vmem>>
    %dma_wait3A_1913 = arith.constant 0 : i32
    %dma_wait3A_1914 = arith.constant 0 : i32
    %dma_wait3A_1915 = tpu.memref_slice %arg3[%dma_wait3A_1913, %dma_wait3A_1914] : memref<1000000x128xf32, #tpu.memory_space<hbm>> -> memref<1000000x128xf32, #tpu.memory_space<hbm>>
    tpu.wait_indirect_dma semaphore(%arg9 : memref<!tpu.dma_semaphore, #tpu.memory_space<semaphore_mem>>) src(%dma_wait3A_1915 : memref<1000000x128xf32, #tpu.memory_space<hbm>>) dst(%dma_wait3A_1909 : memref<128x128xf32, #tpu.memory_space<vmem>>)
    %dma_wait3A_1916 = arith.constant 2 : i32
    %dma_wait3A_1917 = arith.constant 12 : i32
    %dma_wait3A_1918 = arith.constant 2 : i32
    %dma_wait3A_1919 = arith.constant 0 : i32
    %dma_wait3A_1920 = arith.constant 0 : i32
    %dma_wait3A_1921 = tpu.memref_slice %arg6[%dma_wait3A_1918, %dma_wait3A_1919, %dma_wait3A_1920] : memref<4x128x128xf32, #tpu.memory_space<vmem>> -> memref<1x128x128xf32, #tpu.memory_space<vmem>>
    %dma_wait3A_1922 = tpu.memref_squeeze %dma_wait3A_1921 : memref<1x128x128xf32, #tpu.memory_space<vmem>> -> memref<128x128xf32, #tpu.memory_space<vmem>>
    %dma_wait3A_1923 = arith.constant 0 : i32
    %dma_wait3A_1924 = tpu.memref_slice %arg5[%dma_wait3A_1916, %dma_wait3A_1917, %dma_wait3A_1923] : memref<4x20x128xi32, #tpu.memory_space<vmem>> -> memref<1x1x128xi32, #tpu.memory_space<vmem>>
    %dma_wait3A_1925 = tpu.memref_squeeze %dma_wait3A_1924 : memref<1x1x128xi32, #tpu.memory_space<vmem>> -> memref<128xi32, #tpu.memory_space<vmem>>
    %dma_wait3A_1926 = arith.constant 0 : i32
    %dma_wait3A_1927 = arith.constant 0 : i32
    %dma_wait3A_1928 = tpu.memref_slice %arg3[%dma_wait3A_1926, %dma_wait3A_1927] : memref<1000000x128xf32, #tpu.memory_space<hbm>> -> memref<1000000x128xf32, #tpu.memory_space<hbm>>
    tpu.wait_indirect_dma semaphore(%arg9 : memref<!tpu.dma_semaphore, #tpu.memory_space<semaphore_mem>>) src(%dma_wait3A_1928 : memref<1000000x128xf32, #tpu.memory_space<hbm>>) dst(%dma_wait3A_1922 : memref<128x128xf32, #tpu.memory_space<vmem>>)
    %dma_wait3A_1929 = arith.constant 2 : i32
    %dma_wait3A_1930 = arith.constant 13 : i32
    %dma_wait3A_1931 = arith.constant 2 : i32
    %dma_wait3A_1932 = arith.constant 0 : i32
    %dma_wait3A_1933 = arith.constant 0 : i32
    %dma_wait3A_1934 = tpu.memref_slice %arg6[%dma_wait3A_1931, %dma_wait3A_1932, %dma_wait3A_1933] : memref<4x128x128xf32, #tpu.memory_space<vmem>> -> memref<1x128x128xf32, #tpu.memory_space<vmem>>
    %dma_wait3A_1935 = tpu.memref_squeeze %dma_wait3A_1934 : memref<1x128x128xf32, #tpu.memory_space<vmem>> -> memref<128x128xf32, #tpu.memory_space<vmem>>
    %dma_wait3A_1936 = arith.constant 0 : i32
    %dma_wait3A_1937 = tpu.memref_slice %arg5[%dma_wait3A_1929, %dma_wait3A_1930, %dma_wait3A_1936] : memref<4x20x128xi32, #tpu.memory_space<vmem>> -> memref<1x1x128xi32, #tpu.memory_space<vmem>>
    %dma_wait3A_1938 = tpu.memref_squeeze %dma_wait3A_1937 : memref<1x1x128xi32, #tpu.memory_space<vmem>> -> memref<128xi32, #tpu.memory_space<vmem>>
    %dma_wait3A_1939 = arith.constant 0 : i32
    %dma_wait3A_1940 = arith.constant 0 : i32
    %dma_wait3A_1941 = tpu.memref_slice %arg3[%dma_wait3A_1939, %dma_wait3A_1940] : memref<1000000x128xf32, #tpu.memory_space<hbm>> -> memref<1000000x128xf32, #tpu.memory_space<hbm>>
    tpu.wait_indirect_dma semaphore(%arg9 : memref<!tpu.dma_semaphore, #tpu.memory_space<semaphore_mem>>) src(%dma_wait3A_1941 : memref<1000000x128xf32, #tpu.memory_space<hbm>>) dst(%dma_wait3A_1935 : memref<128x128xf32, #tpu.memory_space<vmem>>)
    %dma_wait3A_1942 = arith.constant 2 : i32
    %dma_wait3A_1943 = arith.constant 14 : i32
    %dma_wait3A_1944 = arith.constant 2 : i32
    %dma_wait3A_1945 = arith.constant 0 : i32
    %dma_wait3A_1946 = arith.constant 0 : i32
    %dma_wait3A_1947 = tpu.memref_slice %arg6[%dma_wait3A_1944, %dma_wait3A_1945, %dma_wait3A_1946] : memref<4x128x128xf32, #tpu.memory_space<vmem>> -> memref<1x128x128xf32, #tpu.memory_space<vmem>>
    %dma_wait3A_1948 = tpu.memref_squeeze %dma_wait3A_1947 : memref<1x128x128xf32, #tpu.memory_space<vmem>> -> memref<128x128xf32, #tpu.memory_space<vmem>>
    %dma_wait3A_1949 = arith.constant 0 : i32
    %dma_wait3A_1950 = tpu.memref_slice %arg5[%dma_wait3A_1942, %dma_wait3A_1943, %dma_wait3A_1949] : memref<4x20x128xi32, #tpu.memory_space<vmem>> -> memref<1x1x128xi32, #tpu.memory_space<vmem>>
    %dma_wait3A_1951 = tpu.memref_squeeze %dma_wait3A_1950 : memref<1x1x128xi32, #tpu.memory_space<vmem>> -> memref<128xi32, #tpu.memory_space<vmem>>
    %dma_wait3A_1952 = arith.constant 0 : i32
    %dma_wait3A_1953 = arith.constant 0 : i32
    %dma_wait3A_1954 = tpu.memref_slice %arg3[%dma_wait3A_1952, %dma_wait3A_1953] : memref<1000000x128xf32, #tpu.memory_space<hbm>> -> memref<1000000x128xf32, #tpu.memory_space<hbm>>
    tpu.wait_indirect_dma semaphore(%arg9 : memref<!tpu.dma_semaphore, #tpu.memory_space<semaphore_mem>>) src(%dma_wait3A_1954 : memref<1000000x128xf32, #tpu.memory_space<hbm>>) dst(%dma_wait3A_1948 : memref<128x128xf32, #tpu.memory_space<vmem>>)
    %dma_wait3A_1955 = arith.constant 2 : i32
    %dma_wait3A_1956 = arith.constant 15 : i32
    %dma_wait3A_1957 = arith.constant 2 : i32
    %dma_wait3A_1958 = arith.constant 0 : i32
    %dma_wait3A_1959 = arith.constant 0 : i32
    %dma_wait3A_1960 = tpu.memref_slice %arg6[%dma_wait3A_1957, %dma_wait3A_1958, %dma_wait3A_1959] : memref<4x128x128xf32, #tpu.memory_space<vmem>> -> memref<1x128x128xf32, #tpu.memory_space<vmem>>
    %dma_wait3A_1961 = tpu.memref_squeeze %dma_wait3A_1960 : memref<1x128x128xf32, #tpu.memory_space<vmem>> -> memref<128x128xf32, #tpu.memory_space<vmem>>
    %dma_wait3A_1962 = arith.constant 0 : i32
    %dma_wait3A_1963 = tpu.memref_slice %arg5[%dma_wait3A_1955, %dma_wait3A_1956, %dma_wait3A_1962] : memref<4x20x128xi32, #tpu.memory_space<vmem>> -> memref<1x1x128xi32, #tpu.memory_space<vmem>>
    %dma_wait3A_1964 = tpu.memref_squeeze %dma_wait3A_1963 : memref<1x1x128xi32, #tpu.memory_space<vmem>> -> memref<128xi32, #tpu.memory_space<vmem>>
    %dma_wait3A_1965 = arith.constant 0 : i32
    %dma_wait3A_1966 = arith.constant 0 : i32
    %dma_wait3A_1967 = tpu.memref_slice %arg3[%dma_wait3A_1965, %dma_wait3A_1966] : memref<1000000x128xf32, #tpu.memory_space<hbm>> -> memref<1000000x128xf32, #tpu.memory_space<hbm>>
    tpu.wait_indirect_dma semaphore(%arg9 : memref<!tpu.dma_semaphore, #tpu.memory_space<semaphore_mem>>) src(%dma_wait3A_1967 : memref<1000000x128xf32, #tpu.memory_space<hbm>>) dst(%dma_wait3A_1961 : memref<128x128xf32, #tpu.memory_space<vmem>>)
    %dma_wait3A_1968 = arith.constant 2 : i32
    %dma_wait3A_1969 = arith.constant 16 : i32
    %dma_wait3A_1970 = arith.constant 2 : i32
    %dma_wait3A_1971 = arith.constant 0 : i32
    %dma_wait3A_1972 = arith.constant 0 : i32
    %dma_wait3A_1973 = tpu.memref_slice %arg6[%dma_wait3A_1970, %dma_wait3A_1971, %dma_wait3A_1972] : memref<4x128x128xf32, #tpu.memory_space<vmem>> -> memref<1x128x128xf32, #tpu.memory_space<vmem>>
    %dma_wait3A_1974 = tpu.memref_squeeze %dma_wait3A_1973 : memref<1x128x128xf32, #tpu.memory_space<vmem>> -> memref<128x128xf32, #tpu.memory_space<vmem>>
    %dma_wait3A_1975 = arith.constant 0 : i32
    %dma_wait3A_1976 = tpu.memref_slice %arg5[%dma_wait3A_1968, %dma_wait3A_1969, %dma_wait3A_1975] : memref<4x20x128xi32, #tpu.memory_space<vmem>> -> memref<1x1x128xi32, #tpu.memory_space<vmem>>
    %dma_wait3A_1977 = tpu.memref_squeeze %dma_wait3A_1976 : memref<1x1x128xi32, #tpu.memory_space<vmem>> -> memref<128xi32, #tpu.memory_space<vmem>>
    %dma_wait3A_1978 = arith.constant 0 : i32
    %dma_wait3A_1979 = arith.constant 0 : i32
    %dma_wait3A_1980 = tpu.memref_slice %arg3[%dma_wait3A_1978, %dma_wait3A_1979] : memref<1000000x128xf32, #tpu.memory_space<hbm>> -> memref<1000000x128xf32, #tpu.memory_space<hbm>>
    tpu.wait_indirect_dma semaphore(%arg9 : memref<!tpu.dma_semaphore, #tpu.memory_space<semaphore_mem>>) src(%dma_wait3A_1980 : memref<1000000x128xf32, #tpu.memory_space<hbm>>) dst(%dma_wait3A_1974 : memref<128x128xf32, #tpu.memory_space<vmem>>)
    %dma_wait3A_1981 = arith.constant 2 : i32
    %dma_wait3A_1982 = arith.constant 17 : i32
    %dma_wait3A_1983 = arith.constant 2 : i32
    %dma_wait3A_1984 = arith.constant 0 : i32
    %dma_wait3A_1985 = arith.constant 0 : i32
    %dma_wait3A_1986 = tpu.memref_slice %arg6[%dma_wait3A_1983, %dma_wait3A_1984, %dma_wait3A_1985] : memref<4x128x128xf32, #tpu.memory_space<vmem>> -> memref<1x128x128xf32, #tpu.memory_space<vmem>>
    %dma_wait3A_1987 = tpu.memref_squeeze %dma_wait3A_1986 : memref<1x128x128xf32, #tpu.memory_space<vmem>> -> memref<128x128xf32, #tpu.memory_space<vmem>>
    %dma_wait3A_1988 = arith.constant 0 : i32
    %dma_wait3A_1989 = tpu.memref_slice %arg5[%dma_wait3A_1981, %dma_wait3A_1982, %dma_wait3A_1988] : memref<4x20x128xi32, #tpu.memory_space<vmem>> -> memref<1x1x128xi32, #tpu.memory_space<vmem>>
    %dma_wait3A_1990 = tpu.memref_squeeze %dma_wait3A_1989 : memref<1x1x128xi32, #tpu.memory_space<vmem>> -> memref<128xi32, #tpu.memory_space<vmem>>
    %dma_wait3A_1991 = arith.constant 0 : i32
    %dma_wait3A_1992 = arith.constant 0 : i32
    %dma_wait3A_1993 = tpu.memref_slice %arg3[%dma_wait3A_1991, %dma_wait3A_1992] : memref<1000000x128xf32, #tpu.memory_space<hbm>> -> memref<1000000x128xf32, #tpu.memory_space<hbm>>
    tpu.wait_indirect_dma semaphore(%arg9 : memref<!tpu.dma_semaphore, #tpu.memory_space<semaphore_mem>>) src(%dma_wait3A_1993 : memref<1000000x128xf32, #tpu.memory_space<hbm>>) dst(%dma_wait3A_1987 : memref<128x128xf32, #tpu.memory_space<vmem>>)
    %dma_wait3A_1994 = arith.constant 2 : i32
    %dma_wait3A_1995 = arith.constant 18 : i32
    %dma_wait3A_1996 = arith.constant 2 : i32
    %dma_wait3A_1997 = arith.constant 0 : i32
    %dma_wait3A_1998 = arith.constant 0 : i32
    %dma_wait3A_1999 = tpu.memref_slice %arg6[%dma_wait3A_1996, %dma_wait3A_1997, %dma_wait3A_1998] : memref<4x128x128xf32, #tpu.memory_space<vmem>> -> memref<1x128x128xf32, #tpu.memory_space<vmem>>
    %dma_wait3A_2000 = tpu.memref_squeeze %dma_wait3A_1999 : memref<1x128x128xf32, #tpu.memory_space<vmem>> -> memref<128x128xf32, #tpu.memory_space<vmem>>
    %dma_wait3A_2001 = arith.constant 0 : i32
    %dma_wait3A_2002 = tpu.memref_slice %arg5[%dma_wait3A_1994, %dma_wait3A_1995, %dma_wait3A_2001] : memref<4x20x128xi32, #tpu.memory_space<vmem>> -> memref<1x1x128xi32, #tpu.memory_space<vmem>>
    %dma_wait3A_2003 = tpu.memref_squeeze %dma_wait3A_2002 : memref<1x1x128xi32, #tpu.memory_space<vmem>> -> memref<128xi32, #tpu.memory_space<vmem>>
    %dma_wait3A_2004 = arith.constant 0 : i32
    %dma_wait3A_2005 = arith.constant 0 : i32
    %dma_wait3A_2006 = tpu.memref_slice %arg3[%dma_wait3A_2004, %dma_wait3A_2005] : memref<1000000x128xf32, #tpu.memory_space<hbm>> -> memref<1000000x128xf32, #tpu.memory_space<hbm>>
    tpu.wait_indirect_dma semaphore(%arg9 : memref<!tpu.dma_semaphore, #tpu.memory_space<semaphore_mem>>) src(%dma_wait3A_2006 : memref<1000000x128xf32, #tpu.memory_space<hbm>>) dst(%dma_wait3A_2000 : memref<128x128xf32, #tpu.memory_space<vmem>>)
    %dma_wait3A_2007 = arith.constant 2 : i32
    %dma_wait3A_2008 = arith.constant 19 : i32
    %dma_wait3A_2009 = arith.constant 2 : i32
    %dma_wait3A_2010 = arith.constant 0 : i32
    %dma_wait3A_2011 = arith.constant 0 : i32
    %dma_wait3A_2012 = tpu.memref_slice %arg6[%dma_wait3A_2009, %dma_wait3A_2010, %dma_wait3A_2011] : memref<4x128x128xf32, #tpu.memory_space<vmem>> -> memref<1x128x128xf32, #tpu.memory_space<vmem>>
    %dma_wait3A_2013 = tpu.memref_squeeze %dma_wait3A_2012 : memref<1x128x128xf32, #tpu.memory_space<vmem>> -> memref<128x128xf32, #tpu.memory_space<vmem>>
    %dma_wait3A_2014 = arith.constant 0 : i32
    %dma_wait3A_2015 = tpu.memref_slice %arg5[%dma_wait3A_2007, %dma_wait3A_2008, %dma_wait3A_2014] : memref<4x20x128xi32, #tpu.memory_space<vmem>> -> memref<1x1x128xi32, #tpu.memory_space<vmem>>
    %dma_wait3A_2016 = tpu.memref_squeeze %dma_wait3A_2015 : memref<1x1x128xi32, #tpu.memory_space<vmem>> -> memref<128xi32, #tpu.memory_space<vmem>>
    %dma_wait3A_2017 = arith.constant 0 : i32
    %dma_wait3A_2018 = arith.constant 0 : i32
    %dma_wait3A_2019 = tpu.memref_slice %arg3[%dma_wait3A_2017, %dma_wait3A_2018] : memref<1000000x128xf32, #tpu.memory_space<hbm>> -> memref<1000000x128xf32, #tpu.memory_space<hbm>>
    tpu.wait_indirect_dma semaphore(%arg9 : memref<!tpu.dma_semaphore, #tpu.memory_space<semaphore_mem>>) src(%dma_wait3A_2019 : memref<1000000x128xf32, #tpu.memory_space<hbm>>) dst(%dma_wait3A_2013 : memref<128x128xf32, #tpu.memory_space<vmem>>)
    %scan3A_2020 = arith.constant 0 : i32
    %scan3A_2021 = arith.constant 0 : i32
    %scan3A_2022 = arith.constant 128 : i32
    %scan3A_2023 = arith.addi %scan3A_2021, %scan3A_2022 : i32
    %scan3A_2024 = arith.constant 1 : i32
    scf.for %scan3A_2382 = %scan3A_2021 to %scan3A_2023 step %scan3A_2024  : i32 {
      %get3A = arith.constant 2 : i32
      %get3A_2383 = arith.index_cast %get3A : i32 to index
      %get3A_2384 = arith.index_cast %scan3A_2382 : i32 to index
      %get3A_2385 = arith.constant 0 : index
      %get3A_2386 = tpu.vector_load %arg6[%get3A_2383, %get3A_2384, %get3A_2385] {strides = array<i32>} : memref<4x128x128xf32, #tpu.memory_space<vmem>>, vector<1x1x16xf32>,
      %get3A_2387 = vector.shape_cast %get3A_2386 : vector<1x1x16xf32> to vector<16xf32>
      %mul3A_2388 = arith.constant 5.000000e-02 : f32
      %mul3A_2389 = vector.broadcast %mul3A_2388 : f32 to vector<16xf32>
      %mul3A_2390 = arith.mulf %get3A_2387, %mul3A_2389 : vector<16xf32>
      %swap3A = arith.constant 2 : i32
      %swap3A_2391 = arith.index_cast %swap3A : i32 to index
      %swap3A_2392 = arith.index_cast %scan3A_2382 : i32 to index
      %swap3A_2393 = arith.constant 0 : index
      %swap3A_2394 = tpu.vector_load %arg6[%swap3A_2391, %swap3A_2392, %swap3A_2393] {strides = array<i32>} : memref<4x128x128xf32, #tpu.memory_space<vmem>>, vector<1x1x16xf32>,
      %swap3A_2395 = vector.shape_cast %swap3A_2394 : vector<1x1x16xf32> to vector<16xf32>
      %swap3A_2396 = vector.shape_cast %mul3A_2390 : vector<16xf32> to vector<1x1x16xf32>
      tpu.vector_store %arg6[%swap3A_2391, %swap3A_2392, %swap3A_2393], %swap3A_2396 {strides = array<i32>} : memref<4x128x128xf32, #tpu.memory_space<vmem>>, vector<1x1x16xf32>,
      %get3A_2397 = arith.constant 2 : i32
      %get3A_2398 = arith.index_cast %get3A_2397 : i32 to index
      %get3A_2399 = arith.index_cast %scan3A_2382 : i32 to index
      %get3A_2400 = arith.constant 16 : index
      %get3A_2401 = tpu.vector_load %arg6[%get3A_2398, %get3A_2399, %get3A_2400] {strides = array<i32>} : memref<4x128x128xf32, #tpu.memory_space<vmem>>, vector<1x1x16xf32>,
      %get3A_2402 = vector.shape_cast %get3A_2401 : vector<1x1x16xf32> to vector<16xf32>
      %mul3A_2403 = arith.constant 5.000000e-02 : f32
      %mul3A_2404 = vector.broadcast %mul3A_2403 : f32 to vector<16xf32>
      %mul3A_2405 = arith.mulf %get3A_2402, %mul3A_2404 : vector<16xf32>
      %swap3A_2406 = arith.constant 2 : i32
      %swap3A_2407 = arith.index_cast %swap3A_2406 : i32 to index
      %swap3A_2408 = arith.index_cast %scan3A_2382 : i32 to index
      %swap3A_2409 = arith.constant 16 : index
      %swap3A_2410 = tpu.vector_load %arg6[%swap3A_2407, %swap3A_2408, %swap3A_2409] {strides = array<i32>} : memref<4x128x128xf32, #tpu.memory_space<vmem>>, vector<1x1x16xf32>,
      %swap3A_2411 = vector.shape_cast %swap3A_2410 : vector<1x1x16xf32> to vector<16xf32>
      %swap3A_2412 = vector.shape_cast %mul3A_2405 : vector<16xf32> to vector<1x1x16xf32>
      tpu.vector_store %arg6[%swap3A_2407, %swap3A_2408, %swap3A_2409], %swap3A_2412 {strides = array<i32>} : memref<4x128x128xf32, #tpu.memory_space<vmem>>, vector<1x1x16xf32>,
      %get3A_2413 = arith.constant 2 : i32
      %get3A_2414 = arith.index_cast %get3A_2413 : i32 to index
      %get3A_2415 = arith.index_cast %scan3A_2382 : i32 to index
      %get3A_2416 = arith.constant 32 : index
      %get3A_2417 = tpu.vector_load %arg6[%get3A_2414, %get3A_2415, %get3A_2416] {strides = array<i32>} : memref<4x128x128xf32, #tpu.memory_space<vmem>>, vector<1x1x16xf32>,
      %get3A_2418 = vector.shape_cast %get3A_2417 : vector<1x1x16xf32> to vector<16xf32>
      %mul3A_2419 = arith.constant 5.000000e-02 : f32
      %mul3A_2420 = vector.broadcast %mul3A_2419 : f32 to vector<16xf32>
      %mul3A_2421 = arith.mulf %get3A_2418, %mul3A_2420 : vector<16xf32>
      %swap3A_2422 = arith.constant 2 : i32
      %swap3A_2423 = arith.index_cast %swap3A_2422 : i32 to index
      %swap3A_2424 = arith.index_cast %scan3A_2382 : i32 to index
      %swap3A_2425 = arith.constant 32 : index
      %swap3A_2426 = tpu.vector_load %arg6[%swap3A_2423, %swap3A_2424, %swap3A_2425] {strides = array<i32>} : memref<4x128x128xf32, #tpu.memory_space<vmem>>, vector<1x1x16xf32>,
      %swap3A_2427 = vector.shape_cast %swap3A_2426 : vector<1x1x16xf32> to vector<16xf32>
      %swap3A_2428 = vector.shape_cast %mul3A_2421 : vector<16xf32> to vector<1x1x16xf32>
      tpu.vector_store %arg6[%swap3A_2423, %swap3A_2424, %swap3A_2425], %swap3A_2428 {strides = array<i32>} : memref<4x128x128xf32, #tpu.memory_space<vmem>>, vector<1x1x16xf32>,
      %get3A_2429 = arith.constant 2 : i32
      %get3A_2430 = arith.index_cast %get3A_2429 : i32 to index
      %get3A_2431 = arith.index_cast %scan3A_2382 : i32 to index
      %get3A_2432 = arith.constant 48 : index
      %get3A_2433 = tpu.vector_load %arg6[%get3A_2430, %get3A_2431, %get3A_2432] {strides = array<i32>} : memref<4x128x128xf32, #tpu.memory_space<vmem>>, vector<1x1x16xf32>,
      %get3A_2434 = vector.shape_cast %get3A_2433 : vector<1x1x16xf32> to vector<16xf32>
      %mul3A_2435 = arith.constant 5.000000e-02 : f32
      %mul3A_2436 = vector.broadcast %mul3A_2435 : f32 to vector<16xf32>
      %mul3A_2437 = arith.mulf %get3A_2434, %mul3A_2436 : vector<16xf32>
      %swap3A_2438 = arith.constant 2 : i32
      %swap3A_2439 = arith.index_cast %swap3A_2438 : i32 to index
      %swap3A_2440 = arith.index_cast %scan3A_2382 : i32 to index
      %swap3A_2441 = arith.constant 48 : index
      %swap3A_2442 = tpu.vector_load %arg6[%swap3A_2439, %swap3A_2440, %swap3A_2441] {strides = array<i32>} : memref<4x128x128xf32, #tpu.memory_space<vmem>>, vector<1x1x16xf32>,
      %swap3A_2443 = vector.shape_cast %swap3A_2442 : vector<1x1x16xf32> to vector<16xf32>
      %swap3A_2444 = vector.shape_cast %mul3A_2437 : vector<16xf32> to vector<1x1x16xf32>
      tpu.vector_store %arg6[%swap3A_2439, %swap3A_2440, %swap3A_2441], %swap3A_2444 {strides = array<i32>} : memref<4x128x128xf32, #tpu.memory_space<vmem>>, vector<1x1x16xf32>,
      %get3A_2445 = arith.constant 2 : i32
      %get3A_2446 = arith.index_cast %get3A_2445 : i32 to index
      %get3A_2447 = arith.index_cast %scan3A_2382 : i32 to index
      %get3A_2448 = arith.constant 64 : index
      %get3A_2449 = tpu.vector_load %arg6[%get3A_2446, %get3A_2447, %get3A_2448] {strides = array<i32>} : memref<4x128x128xf32, #tpu.memory_space<vmem>>, vector<1x1x16xf32>,
      %get3A_2450 = vector.shape_cast %get3A_2449 : vector<1x1x16xf32> to vector<16xf32>
      %mul3A_2451 = arith.constant 5.000000e-02 : f32
      %mul3A_2452 = vector.broadcast %mul3A_2451 : f32 to vector<16xf32>
      %mul3A_2453 = arith.mulf %get3A_2450, %mul3A_2452 : vector<16xf32>
      %swap3A_2454 = arith.constant 2 : i32
      %swap3A_2455 = arith.index_cast %swap3A_2454 : i32 to index
      %swap3A_2456 = arith.index_cast %scan3A_2382 : i32 to index
      %swap3A_2457 = arith.constant 64 : index
      %swap3A_2458 = tpu.vector_load %arg6[%swap3A_2455, %swap3A_2456, %swap3A_2457] {strides = array<i32>} : memref<4x128x128xf32, #tpu.memory_space<vmem>>, vector<1x1x16xf32>,
      %swap3A_2459 = vector.shape_cast %swap3A_2458 : vector<1x1x16xf32> to vector<16xf32>
      %swap3A_2460 = vector.shape_cast %mul3A_2453 : vector<16xf32> to vector<1x1x16xf32>
      tpu.vector_store %arg6[%swap3A_2455, %swap3A_2456, %swap3A_2457], %swap3A_2460 {strides = array<i32>} : memref<4x128x128xf32, #tpu.memory_space<vmem>>, vector<1x1x16xf32>,
      %get3A_2461 = arith.constant 2 : i32
      %get3A_2462 = arith.index_cast %get3A_2461 : i32 to index
      %get3A_2463 = arith.index_cast %scan3A_2382 : i32 to index
      %get3A_2464 = arith.constant 80 : index
      %get3A_2465 = tpu.vector_load %arg6[%get3A_2462, %get3A_2463, %get3A_2464] {strides = array<i32>} : memref<4x128x128xf32, #tpu.memory_space<vmem>>, vector<1x1x16xf32>,
      %get3A_2466 = vector.shape_cast %get3A_2465 : vector<1x1x16xf32> to vector<16xf32>
      %mul3A_2467 = arith.constant 5.000000e-02 : f32
      %mul3A_2468 = vector.broadcast %mul3A_2467 : f32 to vector<16xf32>
      %mul3A_2469 = arith.mulf %get3A_2466, %mul3A_2468 : vector<16xf32>
      %swap3A_2470 = arith.constant 2 : i32
      %swap3A_2471 = arith.index_cast %swap3A_2470 : i32 to index
      %swap3A_2472 = arith.index_cast %scan3A_2382 : i32 to index
      %swap3A_2473 = arith.constant 80 : index
      %swap3A_2474 = tpu.vector_load %arg6[%swap3A_2471, %swap3A_2472, %swap3A_2473] {strides = array<i32>} : memref<4x128x128xf32, #tpu.memory_space<vmem>>, vector<1x1x16xf32>,
      %swap3A_2475 = vector.shape_cast %swap3A_2474 : vector<1x1x16xf32> to vector<16xf32>
      %swap3A_2476 = vector.shape_cast %mul3A_2469 : vector<16xf32> to vector<1x1x16xf32>
      tpu.vector_store %arg6[%swap3A_2471, %swap3A_2472, %swap3A_2473], %swap3A_2476 {strides = array<i32>} : memref<4x128x128xf32, #tpu.memory_space<vmem>>, vector<1x1x16xf32>,
      %get3A_2477 = arith.constant 2 : i32
      %get3A_2478 = arith.index_cast %get3A_2477 : i32 to index
      %get3A_2479 = arith.index_cast %scan3A_2382 : i32 to index
      %get3A_2480 = arith.constant 96 : index
      %get3A_2481 = tpu.vector_load %arg6[%get3A_2478, %get3A_2479, %get3A_2480] {strides = array<i32>} : memref<4x128x128xf32, #tpu.memory_space<vmem>>, vector<1x1x16xf32>,
      %get3A_2482 = vector.shape_cast %get3A_2481 : vector<1x1x16xf32> to vector<16xf32>
      %mul3A_2483 = arith.constant 5.000000e-02 : f32
      %mul3A_2484 = vector.broadcast %mul3A_2483 : f32 to vector<16xf32>
      %mul3A_2485 = arith.mulf %get3A_2482, %mul3A_2484 : vector<16xf32>
      %swap3A_2486 = arith.constant 2 : i32
      %swap3A_2487 = arith.index_cast %swap3A_2486 : i32 to index
      %swap3A_2488 = arith.index_cast %scan3A_2382 : i32 to index
      %swap3A_2489 = arith.constant 96 : index
      %swap3A_2490 = tpu.vector_load %arg6[%swap3A_2487, %swap3A_2488, %swap3A_2489] {strides = array<i32>} : memref<4x128x128xf32, #tpu.memory_space<vmem>>, vector<1x1x16xf32>,
      %swap3A_2491 = vector.shape_cast %swap3A_2490 : vector<1x1x16xf32> to vector<16xf32>
      %swap3A_2492 = vector.shape_cast %mul3A_2485 : vector<16xf32> to vector<1x1x16xf32>
      tpu.vector_store %arg6[%swap3A_2487, %swap3A_2488, %swap3A_2489], %swap3A_2492 {strides = array<i32>} : memref<4x128x128xf32, #tpu.memory_space<vmem>>, vector<1x1x16xf32>,
      %get3A_2493 = arith.constant 2 : i32
      %get3A_2494 = arith.index_cast %get3A_2493 : i32 to index
      %get3A_2495 = arith.index_cast %scan3A_2382 : i32 to index
      %get3A_2496 = arith.constant 112 : index
      %get3A_2497 = tpu.vector_load %arg6[%get3A_2494, %get3A_2495, %get3A_2496] {strides = array<i32>} : memref<4x128x128xf32, #tpu.memory_space<vmem>>, vector<1x1x16xf32>,
      %get3A_2498 = vector.shape_cast %get3A_2497 : vector<1x1x16xf32> to vector<16xf32>
      %mul3A_2499 = arith.constant 5.000000e-02 : f32
      %mul3A_2500 = vector.broadcast %mul3A_2499 : f32 to vector<16xf32>
      %mul3A_2501 = arith.mulf %get3A_2498, %mul3A_2500 : vector<16xf32>
      %swap3A_2502 = arith.constant 2 : i32
      %swap3A_2503 = arith.index_cast %swap3A_2502 : i32 to index
      %swap3A_2504 = arith.index_cast %scan3A_2382 : i32 to index
      %swap3A_2505 = arith.constant 112 : index
      %swap3A_2506 = tpu.vector_load %arg6[%swap3A_2503, %swap3A_2504, %swap3A_2505] {strides = array<i32>} : memref<4x128x128xf32, #tpu.memory_space<vmem>>, vector<1x1x16xf32>,
      %swap3A_2507 = vector.shape_cast %swap3A_2506 : vector<1x1x16xf32> to vector<16xf32>
      %swap3A_2508 = vector.shape_cast %mul3A_2501 : vector<16xf32> to vector<1x1x16xf32>
      tpu.vector_store %arg6[%swap3A_2503, %swap3A_2504, %swap3A_2505], %swap3A_2508 {strides = array<i32>} : memref<4x128x128xf32, #tpu.memory_space<vmem>>, vector<1x1x16xf32>,
    }
    %scan3A_2025 = arith.constant 128 : i32
    %mul3A_2026 = arith.constant 4 : i32
    %mul3A_2027 = arith.muli %add3A, %mul3A_2026 : i32
    %add3A_2028 = arith.constant 2 : i32
    %add3A_2029 = arith.addi %mul3A_2027, %add3A_2028 : i32
    %mul3A_2030 = arith.constant 128 : i32
    %mul3A_2031 = arith.muli %add3A_2029, %mul3A_2030 : i32
    %dma_start3A_2032 = arith.constant 2 : i32
    %dma_start3A_2033 = arith.constant 0 : i32
    %dma_start3A_2034 = arith.constant 0 : i32
    %dma_start3A_2035 = tpu.memref_slice %arg6[%dma_start3A_2032, %dma_start3A_2033, %dma_start3A_2034] : memref<4x128x128xf32, #tpu.memory_space<vmem>> -> memref<1x128x128xf32, #tpu.memory_space<vmem>>
    %dma_start3A_2036 = tpu.memref_squeeze %dma_start3A_2035 : memref<1x128x128xf32, #tpu.memory_space<vmem>> -> memref<128x128xf32, #tpu.memory_space<vmem>>
    %dma_start3A_2037 = arith.constant 0 : i32
    %dma_start3A_2038 = tpu.memref_slice %arg4[%mul3A_2031, %dma_start3A_2037] : memref<16384x128xf32, #tpu.memory_space<hbm>> -> memref<128x128xf32, #tpu.memory_space<hbm>>
    %dma_start3A_2039 = arith.constant 0 : i32
    %dma_start3A_2040 = tpu.memref_slice %arg4[%mul3A_2031, %dma_start3A_2039] : memref<16384x128xf32, #tpu.memory_space<hbm>> -> memref<128x128xf32, #tpu.memory_space<hbm>>
    %dma_start3A_2041 = arith.constant 0 : i32
    %dma_start3A_2042 = arith.constant 0 : i32
    %dma_start3A_2043 = tpu.memref_slice %arg6[%dma_start3A_2032, %dma_start3A_2041, %dma_start3A_2042] : memref<4x128x128xf32, #tpu.memory_space<vmem>> -> memref<1x128x128xf32, #tpu.memory_space<vmem>>
    %dma_start3A_2044 = tpu.memref_squeeze %dma_start3A_2043 : memref<1x128x128xf32, #tpu.memory_space<vmem>> -> memref<128x128xf32, #tpu.memory_space<vmem>>
    tpu.enqueue_dma source(%dma_start3A_2044 : memref<128x128xf32, #tpu.memory_space<vmem>>) target(%dma_start3A_2040 : memref<128x128xf32, #tpu.memory_space<hbm>>) target_semaphore(%arg11 : memref<!tpu.dma_semaphore, #tpu.memory_space<semaphore_mem>>)
    %dma_wait3A_2045 = arith.constant 3 : i32
    %dma_wait3A_2046 = arith.constant 0 : i32
    %dma_wait3A_2047 = arith.constant 3 : i32
    %dma_wait3A_2048 = arith.constant 0 : i32
    %dma_wait3A_2049 = arith.constant 0 : i32
    %dma_wait3A_2050 = tpu.memref_slice %arg6[%dma_wait3A_2047, %dma_wait3A_2048, %dma_wait3A_2049] : memref<4x128x128xf32, #tpu.memory_space<vmem>> -> memref<1x128x128xf32, #tpu.memory_space<vmem>>
    %dma_wait3A_2051 = tpu.memref_squeeze %dma_wait3A_2050 : memref<1x128x128xf32, #tpu.memory_space<vmem>> -> memref<128x128xf32, #tpu.memory_space<vmem>>
    %dma_wait3A_2052 = arith.constant 0 : i32
    %dma_wait3A_2053 = tpu.memref_slice %arg5[%dma_wait3A_2045, %dma_wait3A_2046, %dma_wait3A_2052] : memref<4x20x128xi32, #tpu.memory_space<vmem>> -> memref<1x1x128xi32, #tpu.memory_space<vmem>>
    %dma_wait3A_2054 = tpu.memref_squeeze %dma_wait3A_2053 : memref<1x1x128xi32, #tpu.memory_space<vmem>> -> memref<128xi32, #tpu.memory_space<vmem>>
    %dma_wait3A_2055 = arith.constant 0 : i32
    %dma_wait3A_2056 = arith.constant 0 : i32
    %dma_wait3A_2057 = tpu.memref_slice %arg3[%dma_wait3A_2055, %dma_wait3A_2056] : memref<1000000x128xf32, #tpu.memory_space<hbm>> -> memref<1000000x128xf32, #tpu.memory_space<hbm>>
    tpu.wait_indirect_dma semaphore(%arg10 : memref<!tpu.dma_semaphore, #tpu.memory_space<semaphore_mem>>) src(%dma_wait3A_2057 : memref<1000000x128xf32, #tpu.memory_space<hbm>>) dst(%dma_wait3A_2051 : memref<128x128xf32, #tpu.memory_space<vmem>>)
    %dma_wait3A_2058 = arith.constant 3 : i32
    %dma_wait3A_2059 = arith.constant 1 : i32
    %dma_wait3A_2060 = arith.constant 3 : i32
    %dma_wait3A_2061 = arith.constant 0 : i32
    %dma_wait3A_2062 = arith.constant 0 : i32
    %dma_wait3A_2063 = tpu.memref_slice %arg6[%dma_wait3A_2060, %dma_wait3A_2061, %dma_wait3A_2062] : memref<4x128x128xf32, #tpu.memory_space<vmem>> -> memref<1x128x128xf32, #tpu.memory_space<vmem>>
    %dma_wait3A_2064 = tpu.memref_squeeze %dma_wait3A_2063 : memref<1x128x128xf32, #tpu.memory_space<vmem>> -> memref<128x128xf32, #tpu.memory_space<vmem>>
    %dma_wait3A_2065 = arith.constant 0 : i32
    %dma_wait3A_2066 = tpu.memref_slice %arg5[%dma_wait3A_2058, %dma_wait3A_2059, %dma_wait3A_2065] : memref<4x20x128xi32, #tpu.memory_space<vmem>> -> memref<1x1x128xi32, #tpu.memory_space<vmem>>
    %dma_wait3A_2067 = tpu.memref_squeeze %dma_wait3A_2066 : memref<1x1x128xi32, #tpu.memory_space<vmem>> -> memref<128xi32, #tpu.memory_space<vmem>>
    %dma_wait3A_2068 = arith.constant 0 : i32
    %dma_wait3A_2069 = arith.constant 0 : i32
    %dma_wait3A_2070 = tpu.memref_slice %arg3[%dma_wait3A_2068, %dma_wait3A_2069] : memref<1000000x128xf32, #tpu.memory_space<hbm>> -> memref<1000000x128xf32, #tpu.memory_space<hbm>>
    tpu.wait_indirect_dma semaphore(%arg10 : memref<!tpu.dma_semaphore, #tpu.memory_space<semaphore_mem>>) src(%dma_wait3A_2070 : memref<1000000x128xf32, #tpu.memory_space<hbm>>) dst(%dma_wait3A_2064 : memref<128x128xf32, #tpu.memory_space<vmem>>)
    %dma_wait3A_2071 = arith.constant 3 : i32
    %dma_wait3A_2072 = arith.constant 2 : i32
    %dma_wait3A_2073 = arith.constant 3 : i32
    %dma_wait3A_2074 = arith.constant 0 : i32
    %dma_wait3A_2075 = arith.constant 0 : i32
    %dma_wait3A_2076 = tpu.memref_slice %arg6[%dma_wait3A_2073, %dma_wait3A_2074, %dma_wait3A_2075] : memref<4x128x128xf32, #tpu.memory_space<vmem>> -> memref<1x128x128xf32, #tpu.memory_space<vmem>>
    %dma_wait3A_2077 = tpu.memref_squeeze %dma_wait3A_2076 : memref<1x128x128xf32, #tpu.memory_space<vmem>> -> memref<128x128xf32, #tpu.memory_space<vmem>>
    %dma_wait3A_2078 = arith.constant 0 : i32
    %dma_wait3A_2079 = tpu.memref_slice %arg5[%dma_wait3A_2071, %dma_wait3A_2072, %dma_wait3A_2078] : memref<4x20x128xi32, #tpu.memory_space<vmem>> -> memref<1x1x128xi32, #tpu.memory_space<vmem>>
    %dma_wait3A_2080 = tpu.memref_squeeze %dma_wait3A_2079 : memref<1x1x128xi32, #tpu.memory_space<vmem>> -> memref<128xi32, #tpu.memory_space<vmem>>
    %dma_wait3A_2081 = arith.constant 0 : i32
    %dma_wait3A_2082 = arith.constant 0 : i32
    %dma_wait3A_2083 = tpu.memref_slice %arg3[%dma_wait3A_2081, %dma_wait3A_2082] : memref<1000000x128xf32, #tpu.memory_space<hbm>> -> memref<1000000x128xf32, #tpu.memory_space<hbm>>
    tpu.wait_indirect_dma semaphore(%arg10 : memref<!tpu.dma_semaphore, #tpu.memory_space<semaphore_mem>>) src(%dma_wait3A_2083 : memref<1000000x128xf32, #tpu.memory_space<hbm>>) dst(%dma_wait3A_2077 : memref<128x128xf32, #tpu.memory_space<vmem>>)
    %dma_wait3A_2084 = arith.constant 3 : i32
    %dma_wait3A_2085 = arith.constant 3 : i32
    %dma_wait3A_2086 = arith.constant 3 : i32
    %dma_wait3A_2087 = arith.constant 0 : i32
    %dma_wait3A_2088 = arith.constant 0 : i32
    %dma_wait3A_2089 = tpu.memref_slice %arg6[%dma_wait3A_2086, %dma_wait3A_2087, %dma_wait3A_2088] : memref<4x128x128xf32, #tpu.memory_space<vmem>> -> memref<1x128x128xf32, #tpu.memory_space<vmem>>
    %dma_wait3A_2090 = tpu.memref_squeeze %dma_wait3A_2089 : memref<1x128x128xf32, #tpu.memory_space<vmem>> -> memref<128x128xf32, #tpu.memory_space<vmem>>
    %dma_wait3A_2091 = arith.constant 0 : i32
    %dma_wait3A_2092 = tpu.memref_slice %arg5[%dma_wait3A_2084, %dma_wait3A_2085, %dma_wait3A_2091] : memref<4x20x128xi32, #tpu.memory_space<vmem>> -> memref<1x1x128xi32, #tpu.memory_space<vmem>>
    %dma_wait3A_2093 = tpu.memref_squeeze %dma_wait3A_2092 : memref<1x1x128xi32, #tpu.memory_space<vmem>> -> memref<128xi32, #tpu.memory_space<vmem>>
    %dma_wait3A_2094 = arith.constant 0 : i32
    %dma_wait3A_2095 = arith.constant 0 : i32
    %dma_wait3A_2096 = tpu.memref_slice %arg3[%dma_wait3A_2094, %dma_wait3A_2095] : memref<1000000x128xf32, #tpu.memory_space<hbm>> -> memref<1000000x128xf32, #tpu.memory_space<hbm>>
    tpu.wait_indirect_dma semaphore(%arg10 : memref<!tpu.dma_semaphore, #tpu.memory_space<semaphore_mem>>) src(%dma_wait3A_2096 : memref<1000000x128xf32, #tpu.memory_space<hbm>>) dst(%dma_wait3A_2090 : memref<128x128xf32, #tpu.memory_space<vmem>>)
    %dma_wait3A_2097 = arith.constant 3 : i32
    %dma_wait3A_2098 = arith.constant 4 : i32
    %dma_wait3A_2099 = arith.constant 3 : i32
    %dma_wait3A_2100 = arith.constant 0 : i32
    %dma_wait3A_2101 = arith.constant 0 : i32
    %dma_wait3A_2102 = tpu.memref_slice %arg6[%dma_wait3A_2099, %dma_wait3A_2100, %dma_wait3A_2101] : memref<4x128x128xf32, #tpu.memory_space<vmem>> -> memref<1x128x128xf32, #tpu.memory_space<vmem>>
    %dma_wait3A_2103 = tpu.memref_squeeze %dma_wait3A_2102 : memref<1x128x128xf32, #tpu.memory_space<vmem>> -> memref<128x128xf32, #tpu.memory_space<vmem>>
    %dma_wait3A_2104 = arith.constant 0 : i32
    %dma_wait3A_2105 = tpu.memref_slice %arg5[%dma_wait3A_2097, %dma_wait3A_2098, %dma_wait3A_2104] : memref<4x20x128xi32, #tpu.memory_space<vmem>> -> memref<1x1x128xi32, #tpu.memory_space<vmem>>
    %dma_wait3A_2106 = tpu.memref_squeeze %dma_wait3A_2105 : memref<1x1x128xi32, #tpu.memory_space<vmem>> -> memref<128xi32, #tpu.memory_space<vmem>>
    %dma_wait3A_2107 = arith.constant 0 : i32
    %dma_wait3A_2108 = arith.constant 0 : i32
    %dma_wait3A_2109 = tpu.memref_slice %arg3[%dma_wait3A_2107, %dma_wait3A_2108] : memref<1000000x128xf32, #tpu.memory_space<hbm>> -> memref<1000000x128xf32, #tpu.memory_space<hbm>>
    tpu.wait_indirect_dma semaphore(%arg10 : memref<!tpu.dma_semaphore, #tpu.memory_space<semaphore_mem>>) src(%dma_wait3A_2109 : memref<1000000x128xf32, #tpu.memory_space<hbm>>) dst(%dma_wait3A_2103 : memref<128x128xf32, #tpu.memory_space<vmem>>)
    %dma_wait3A_2110 = arith.constant 3 : i32
    %dma_wait3A_2111 = arith.constant 5 : i32
    %dma_wait3A_2112 = arith.constant 3 : i32
    %dma_wait3A_2113 = arith.constant 0 : i32
    %dma_wait3A_2114 = arith.constant 0 : i32
    %dma_wait3A_2115 = tpu.memref_slice %arg6[%dma_wait3A_2112, %dma_wait3A_2113, %dma_wait3A_2114] : memref<4x128x128xf32, #tpu.memory_space<vmem>> -> memref<1x128x128xf32, #tpu.memory_space<vmem>>
    %dma_wait3A_2116 = tpu.memref_squeeze %dma_wait3A_2115 : memref<1x128x128xf32, #tpu.memory_space<vmem>> -> memref<128x128xf32, #tpu.memory_space<vmem>>
    %dma_wait3A_2117 = arith.constant 0 : i32
    %dma_wait3A_2118 = tpu.memref_slice %arg5[%dma_wait3A_2110, %dma_wait3A_2111, %dma_wait3A_2117] : memref<4x20x128xi32, #tpu.memory_space<vmem>> -> memref<1x1x128xi32, #tpu.memory_space<vmem>>
    %dma_wait3A_2119 = tpu.memref_squeeze %dma_wait3A_2118 : memref<1x1x128xi32, #tpu.memory_space<vmem>> -> memref<128xi32, #tpu.memory_space<vmem>>
    %dma_wait3A_2120 = arith.constant 0 : i32
    %dma_wait3A_2121 = arith.constant 0 : i32
    %dma_wait3A_2122 = tpu.memref_slice %arg3[%dma_wait3A_2120, %dma_wait3A_2121] : memref<1000000x128xf32, #tpu.memory_space<hbm>> -> memref<1000000x128xf32, #tpu.memory_space<hbm>>
    tpu.wait_indirect_dma semaphore(%arg10 : memref<!tpu.dma_semaphore, #tpu.memory_space<semaphore_mem>>) src(%dma_wait3A_2122 : memref<1000000x128xf32, #tpu.memory_space<hbm>>) dst(%dma_wait3A_2116 : memref<128x128xf32, #tpu.memory_space<vmem>>)
    %dma_wait3A_2123 = arith.constant 3 : i32
    %dma_wait3A_2124 = arith.constant 6 : i32
    %dma_wait3A_2125 = arith.constant 3 : i32
    %dma_wait3A_2126 = arith.constant 0 : i32
    %dma_wait3A_2127 = arith.constant 0 : i32
    %dma_wait3A_2128 = tpu.memref_slice %arg6[%dma_wait3A_2125, %dma_wait3A_2126, %dma_wait3A_2127] : memref<4x128x128xf32, #tpu.memory_space<vmem>> -> memref<1x128x128xf32, #tpu.memory_space<vmem>>
    %dma_wait3A_2129 = tpu.memref_squeeze %dma_wait3A_2128 : memref<1x128x128xf32, #tpu.memory_space<vmem>> -> memref<128x128xf32, #tpu.memory_space<vmem>>
    %dma_wait3A_2130 = arith.constant 0 : i32
    %dma_wait3A_2131 = tpu.memref_slice %arg5[%dma_wait3A_2123, %dma_wait3A_2124, %dma_wait3A_2130] : memref<4x20x128xi32, #tpu.memory_space<vmem>> -> memref<1x1x128xi32, #tpu.memory_space<vmem>>
    %dma_wait3A_2132 = tpu.memref_squeeze %dma_wait3A_2131 : memref<1x1x128xi32, #tpu.memory_space<vmem>> -> memref<128xi32, #tpu.memory_space<vmem>>
    %dma_wait3A_2133 = arith.constant 0 : i32
    %dma_wait3A_2134 = arith.constant 0 : i32
    %dma_wait3A_2135 = tpu.memref_slice %arg3[%dma_wait3A_2133, %dma_wait3A_2134] : memref<1000000x128xf32, #tpu.memory_space<hbm>> -> memref<1000000x128xf32, #tpu.memory_space<hbm>>
    tpu.wait_indirect_dma semaphore(%arg10 : memref<!tpu.dma_semaphore, #tpu.memory_space<semaphore_mem>>) src(%dma_wait3A_2135 : memref<1000000x128xf32, #tpu.memory_space<hbm>>) dst(%dma_wait3A_2129 : memref<128x128xf32, #tpu.memory_space<vmem>>)
    %dma_wait3A_2136 = arith.constant 3 : i32
    %dma_wait3A_2137 = arith.constant 7 : i32
    %dma_wait3A_2138 = arith.constant 3 : i32
    %dma_wait3A_2139 = arith.constant 0 : i32
    %dma_wait3A_2140 = arith.constant 0 : i32
    %dma_wait3A_2141 = tpu.memref_slice %arg6[%dma_wait3A_2138, %dma_wait3A_2139, %dma_wait3A_2140] : memref<4x128x128xf32, #tpu.memory_space<vmem>> -> memref<1x128x128xf32, #tpu.memory_space<vmem>>
    %dma_wait3A_2142 = tpu.memref_squeeze %dma_wait3A_2141 : memref<1x128x128xf32, #tpu.memory_space<vmem>> -> memref<128x128xf32, #tpu.memory_space<vmem>>
    %dma_wait3A_2143 = arith.constant 0 : i32
    %dma_wait3A_2144 = tpu.memref_slice %arg5[%dma_wait3A_2136, %dma_wait3A_2137, %dma_wait3A_2143] : memref<4x20x128xi32, #tpu.memory_space<vmem>> -> memref<1x1x128xi32, #tpu.memory_space<vmem>>
    %dma_wait3A_2145 = tpu.memref_squeeze %dma_wait3A_2144 : memref<1x1x128xi32, #tpu.memory_space<vmem>> -> memref<128xi32, #tpu.memory_space<vmem>>
    %dma_wait3A_2146 = arith.constant 0 : i32
    %dma_wait3A_2147 = arith.constant 0 : i32
    %dma_wait3A_2148 = tpu.memref_slice %arg3[%dma_wait3A_2146, %dma_wait3A_2147] : memref<1000000x128xf32, #tpu.memory_space<hbm>> -> memref<1000000x128xf32, #tpu.memory_space<hbm>>
    tpu.wait_indirect_dma semaphore(%arg10 : memref<!tpu.dma_semaphore, #tpu.memory_space<semaphore_mem>>) src(%dma_wait3A_2148 : memref<1000000x128xf32, #tpu.memory_space<hbm>>) dst(%dma_wait3A_2142 : memref<128x128xf32, #tpu.memory_space<vmem>>)
    %dma_wait3A_2149 = arith.constant 3 : i32
    %dma_wait3A_2150 = arith.constant 8 : i32
    %dma_wait3A_2151 = arith.constant 3 : i32
    %dma_wait3A_2152 = arith.constant 0 : i32
    %dma_wait3A_2153 = arith.constant 0 : i32
    %dma_wait3A_2154 = tpu.memref_slice %arg6[%dma_wait3A_2151, %dma_wait3A_2152, %dma_wait3A_2153] : memref<4x128x128xf32, #tpu.memory_space<vmem>> -> memref<1x128x128xf32, #tpu.memory_space<vmem>>
    %dma_wait3A_2155 = tpu.memref_squeeze %dma_wait3A_2154 : memref<1x128x128xf32, #tpu.memory_space<vmem>> -> memref<128x128xf32, #tpu.memory_space<vmem>>
    %dma_wait3A_2156 = arith.constant 0 : i32
    %dma_wait3A_2157 = tpu.memref_slice %arg5[%dma_wait3A_2149, %dma_wait3A_2150, %dma_wait3A_2156] : memref<4x20x128xi32, #tpu.memory_space<vmem>> -> memref<1x1x128xi32, #tpu.memory_space<vmem>>
    %dma_wait3A_2158 = tpu.memref_squeeze %dma_wait3A_2157 : memref<1x1x128xi32, #tpu.memory_space<vmem>> -> memref<128xi32, #tpu.memory_space<vmem>>
    %dma_wait3A_2159 = arith.constant 0 : i32
    %dma_wait3A_2160 = arith.constant 0 : i32
    %dma_wait3A_2161 = tpu.memref_slice %arg3[%dma_wait3A_2159, %dma_wait3A_2160] : memref<1000000x128xf32, #tpu.memory_space<hbm>> -> memref<1000000x128xf32, #tpu.memory_space<hbm>>
    tpu.wait_indirect_dma semaphore(%arg10 : memref<!tpu.dma_semaphore, #tpu.memory_space<semaphore_mem>>) src(%dma_wait3A_2161 : memref<1000000x128xf32, #tpu.memory_space<hbm>>) dst(%dma_wait3A_2155 : memref<128x128xf32, #tpu.memory_space<vmem>>)
    %dma_wait3A_2162 = arith.constant 3 : i32
    %dma_wait3A_2163 = arith.constant 9 : i32
    %dma_wait3A_2164 = arith.constant 3 : i32
    %dma_wait3A_2165 = arith.constant 0 : i32
    %dma_wait3A_2166 = arith.constant 0 : i32
    %dma_wait3A_2167 = tpu.memref_slice %arg6[%dma_wait3A_2164, %dma_wait3A_2165, %dma_wait3A_2166] : memref<4x128x128xf32, #tpu.memory_space<vmem>> -> memref<1x128x128xf32, #tpu.memory_space<vmem>>
    %dma_wait3A_2168 = tpu.memref_squeeze %dma_wait3A_2167 : memref<1x128x128xf32, #tpu.memory_space<vmem>> -> memref<128x128xf32, #tpu.memory_space<vmem>>
    %dma_wait3A_2169 = arith.constant 0 : i32
    %dma_wait3A_2170 = tpu.memref_slice %arg5[%dma_wait3A_2162, %dma_wait3A_2163, %dma_wait3A_2169] : memref<4x20x128xi32, #tpu.memory_space<vmem>> -> memref<1x1x128xi32, #tpu.memory_space<vmem>>
    %dma_wait3A_2171 = tpu.memref_squeeze %dma_wait3A_2170 : memref<1x1x128xi32, #tpu.memory_space<vmem>> -> memref<128xi32, #tpu.memory_space<vmem>>
    %dma_wait3A_2172 = arith.constant 0 : i32
    %dma_wait3A_2173 = arith.constant 0 : i32
    %dma_wait3A_2174 = tpu.memref_slice %arg3[%dma_wait3A_2172, %dma_wait3A_2173] : memref<1000000x128xf32, #tpu.memory_space<hbm>> -> memref<1000000x128xf32, #tpu.memory_space<hbm>>
    tpu.wait_indirect_dma semaphore(%arg10 : memref<!tpu.dma_semaphore, #tpu.memory_space<semaphore_mem>>) src(%dma_wait3A_2174 : memref<1000000x128xf32, #tpu.memory_space<hbm>>) dst(%dma_wait3A_2168 : memref<128x128xf32, #tpu.memory_space<vmem>>)
    %dma_wait3A_2175 = arith.constant 3 : i32
    %dma_wait3A_2176 = arith.constant 10 : i32
    %dma_wait3A_2177 = arith.constant 3 : i32
    %dma_wait3A_2178 = arith.constant 0 : i32
    %dma_wait3A_2179 = arith.constant 0 : i32
    %dma_wait3A_2180 = tpu.memref_slice %arg6[%dma_wait3A_2177, %dma_wait3A_2178, %dma_wait3A_2179] : memref<4x128x128xf32, #tpu.memory_space<vmem>> -> memref<1x128x128xf32, #tpu.memory_space<vmem>>
    %dma_wait3A_2181 = tpu.memref_squeeze %dma_wait3A_2180 : memref<1x128x128xf32, #tpu.memory_space<vmem>> -> memref<128x128xf32, #tpu.memory_space<vmem>>
    %dma_wait3A_2182 = arith.constant 0 : i32
    %dma_wait3A_2183 = tpu.memref_slice %arg5[%dma_wait3A_2175, %dma_wait3A_2176, %dma_wait3A_2182] : memref<4x20x128xi32, #tpu.memory_space<vmem>> -> memref<1x1x128xi32, #tpu.memory_space<vmem>>
    %dma_wait3A_2184 = tpu.memref_squeeze %dma_wait3A_2183 : memref<1x1x128xi32, #tpu.memory_space<vmem>> -> memref<128xi32, #tpu.memory_space<vmem>>
    %dma_wait3A_2185 = arith.constant 0 : i32
    %dma_wait3A_2186 = arith.constant 0 : i32
    %dma_wait3A_2187 = tpu.memref_slice %arg3[%dma_wait3A_2185, %dma_wait3A_2186] : memref<1000000x128xf32, #tpu.memory_space<hbm>> -> memref<1000000x128xf32, #tpu.memory_space<hbm>>
    tpu.wait_indirect_dma semaphore(%arg10 : memref<!tpu.dma_semaphore, #tpu.memory_space<semaphore_mem>>) src(%dma_wait3A_2187 : memref<1000000x128xf32, #tpu.memory_space<hbm>>) dst(%dma_wait3A_2181 : memref<128x128xf32, #tpu.memory_space<vmem>>)
    %dma_wait3A_2188 = arith.constant 3 : i32
    %dma_wait3A_2189 = arith.constant 11 : i32
    %dma_wait3A_2190 = arith.constant 3 : i32
    %dma_wait3A_2191 = arith.constant 0 : i32
    %dma_wait3A_2192 = arith.constant 0 : i32
    %dma_wait3A_2193 = tpu.memref_slice %arg6[%dma_wait3A_2190, %dma_wait3A_2191, %dma_wait3A_2192] : memref<4x128x128xf32, #tpu.memory_space<vmem>> -> memref<1x128x128xf32, #tpu.memory_space<vmem>>
    %dma_wait3A_2194 = tpu.memref_squeeze %dma_wait3A_2193 : memref<1x128x128xf32, #tpu.memory_space<vmem>> -> memref<128x128xf32, #tpu.memory_space<vmem>>
    %dma_wait3A_2195 = arith.constant 0 : i32
    %dma_wait3A_2196 = tpu.memref_slice %arg5[%dma_wait3A_2188, %dma_wait3A_2189, %dma_wait3A_2195] : memref<4x20x128xi32, #tpu.memory_space<vmem>> -> memref<1x1x128xi32, #tpu.memory_space<vmem>>
    %dma_wait3A_2197 = tpu.memref_squeeze %dma_wait3A_2196 : memref<1x1x128xi32, #tpu.memory_space<vmem>> -> memref<128xi32, #tpu.memory_space<vmem>>
    %dma_wait3A_2198 = arith.constant 0 : i32
    %dma_wait3A_2199 = arith.constant 0 : i32
    %dma_wait3A_2200 = tpu.memref_slice %arg3[%dma_wait3A_2198, %dma_wait3A_2199] : memref<1000000x128xf32, #tpu.memory_space<hbm>> -> memref<1000000x128xf32, #tpu.memory_space<hbm>>
    tpu.wait_indirect_dma semaphore(%arg10 : memref<!tpu.dma_semaphore, #tpu.memory_space<semaphore_mem>>) src(%dma_wait3A_2200 : memref<1000000x128xf32, #tpu.memory_space<hbm>>) dst(%dma_wait3A_2194 : memref<128x128xf32, #tpu.memory_space<vmem>>)
    %dma_wait3A_2201 = arith.constant 3 : i32
    %dma_wait3A_2202 = arith.constant 12 : i32
    %dma_wait3A_2203 = arith.constant 3 : i32
    %dma_wait3A_2204 = arith.constant 0 : i32
    %dma_wait3A_2205 = arith.constant 0 : i32
    %dma_wait3A_2206 = tpu.memref_slice %arg6[%dma_wait3A_2203, %dma_wait3A_2204, %dma_wait3A_2205] : memref<4x128x128xf32, #tpu.memory_space<vmem>> -> memref<1x128x128xf32, #tpu.memory_space<vmem>>
    %dma_wait3A_2207 = tpu.memref_squeeze %dma_wait3A_2206 : memref<1x128x128xf32, #tpu.memory_space<vmem>> -> memref<128x128xf32, #tpu.memory_space<vmem>>
    %dma_wait3A_2208 = arith.constant 0 : i32
    %dma_wait3A_2209 = tpu.memref_slice %arg5[%dma_wait3A_2201, %dma_wait3A_2202, %dma_wait3A_2208] : memref<4x20x128xi32, #tpu.memory_space<vmem>> -> memref<1x1x128xi32, #tpu.memory_space<vmem>>
    %dma_wait3A_2210 = tpu.memref_squeeze %dma_wait3A_2209 : memref<1x1x128xi32, #tpu.memory_space<vmem>> -> memref<128xi32, #tpu.memory_space<vmem>>
    %dma_wait3A_2211 = arith.constant 0 : i32
    %dma_wait3A_2212 = arith.constant 0 : i32
    %dma_wait3A_2213 = tpu.memref_slice %arg3[%dma_wait3A_2211, %dma_wait3A_2212] : memref<1000000x128xf32, #tpu.memory_space<hbm>> -> memref<1000000x128xf32, #tpu.memory_space<hbm>>
    tpu.wait_indirect_dma semaphore(%arg10 : memref<!tpu.dma_semaphore, #tpu.memory_space<semaphore_mem>>) src(%dma_wait3A_2213 : memref<1000000x128xf32, #tpu.memory_space<hbm>>) dst(%dma_wait3A_2207 : memref<128x128xf32, #tpu.memory_space<vmem>>)
    %dma_wait3A_2214 = arith.constant 3 : i32
    %dma_wait3A_2215 = arith.constant 13 : i32
    %dma_wait3A_2216 = arith.constant 3 : i32
    %dma_wait3A_2217 = arith.constant 0 : i32
    %dma_wait3A_2218 = arith.constant 0 : i32
    %dma_wait3A_2219 = tpu.memref_slice %arg6[%dma_wait3A_2216, %dma_wait3A_2217, %dma_wait3A_2218] : memref<4x128x128xf32, #tpu.memory_space<vmem>> -> memref<1x128x128xf32, #tpu.memory_space<vmem>>
    %dma_wait3A_2220 = tpu.memref_squeeze %dma_wait3A_2219 : memref<1x128x128xf32, #tpu.memory_space<vmem>> -> memref<128x128xf32, #tpu.memory_space<vmem>>
    %dma_wait3A_2221 = arith.constant 0 : i32
    %dma_wait3A_2222 = tpu.memref_slice %arg5[%dma_wait3A_2214, %dma_wait3A_2215, %dma_wait3A_2221] : memref<4x20x128xi32, #tpu.memory_space<vmem>> -> memref<1x1x128xi32, #tpu.memory_space<vmem>>
    %dma_wait3A_2223 = tpu.memref_squeeze %dma_wait3A_2222 : memref<1x1x128xi32, #tpu.memory_space<vmem>> -> memref<128xi32, #tpu.memory_space<vmem>>
    %dma_wait3A_2224 = arith.constant 0 : i32
    %dma_wait3A_2225 = arith.constant 0 : i32
    %dma_wait3A_2226 = tpu.memref_slice %arg3[%dma_wait3A_2224, %dma_wait3A_2225] : memref<1000000x128xf32, #tpu.memory_space<hbm>> -> memref<1000000x128xf32, #tpu.memory_space<hbm>>
    tpu.wait_indirect_dma semaphore(%arg10 : memref<!tpu.dma_semaphore, #tpu.memory_space<semaphore_mem>>) src(%dma_wait3A_2226 : memref<1000000x128xf32, #tpu.memory_space<hbm>>) dst(%dma_wait3A_2220 : memref<128x128xf32, #tpu.memory_space<vmem>>)
    %dma_wait3A_2227 = arith.constant 3 : i32
    %dma_wait3A_2228 = arith.constant 14 : i32
    %dma_wait3A_2229 = arith.constant 3 : i32
    %dma_wait3A_2230 = arith.constant 0 : i32
    %dma_wait3A_2231 = arith.constant 0 : i32
    %dma_wait3A_2232 = tpu.memref_slice %arg6[%dma_wait3A_2229, %dma_wait3A_2230, %dma_wait3A_2231] : memref<4x128x128xf32, #tpu.memory_space<vmem>> -> memref<1x128x128xf32, #tpu.memory_space<vmem>>
    %dma_wait3A_2233 = tpu.memref_squeeze %dma_wait3A_2232 : memref<1x128x128xf32, #tpu.memory_space<vmem>> -> memref<128x128xf32, #tpu.memory_space<vmem>>
    %dma_wait3A_2234 = arith.constant 0 : i32
    %dma_wait3A_2235 = tpu.memref_slice %arg5[%dma_wait3A_2227, %dma_wait3A_2228, %dma_wait3A_2234] : memref<4x20x128xi32, #tpu.memory_space<vmem>> -> memref<1x1x128xi32, #tpu.memory_space<vmem>>
    %dma_wait3A_2236 = tpu.memref_squeeze %dma_wait3A_2235 : memref<1x1x128xi32, #tpu.memory_space<vmem>> -> memref<128xi32, #tpu.memory_space<vmem>>
    %dma_wait3A_2237 = arith.constant 0 : i32
    %dma_wait3A_2238 = arith.constant 0 : i32
    %dma_wait3A_2239 = tpu.memref_slice %arg3[%dma_wait3A_2237, %dma_wait3A_2238] : memref<1000000x128xf32, #tpu.memory_space<hbm>> -> memref<1000000x128xf32, #tpu.memory_space<hbm>>
    tpu.wait_indirect_dma semaphore(%arg10 : memref<!tpu.dma_semaphore, #tpu.memory_space<semaphore_mem>>) src(%dma_wait3A_2239 : memref<1000000x128xf32, #tpu.memory_space<hbm>>) dst(%dma_wait3A_2233 : memref<128x128xf32, #tpu.memory_space<vmem>>)
    %dma_wait3A_2240 = arith.constant 3 : i32
    %dma_wait3A_2241 = arith.constant 15 : i32
    %dma_wait3A_2242 = arith.constant 3 : i32
    %dma_wait3A_2243 = arith.constant 0 : i32
    %dma_wait3A_2244 = arith.constant 0 : i32
    %dma_wait3A_2245 = tpu.memref_slice %arg6[%dma_wait3A_2242, %dma_wait3A_2243, %dma_wait3A_2244] : memref<4x128x128xf32, #tpu.memory_space<vmem>> -> memref<1x128x128xf32, #tpu.memory_space<vmem>>
    %dma_wait3A_2246 = tpu.memref_squeeze %dma_wait3A_2245 : memref<1x128x128xf32, #tpu.memory_space<vmem>> -> memref<128x128xf32, #tpu.memory_space<vmem>>
    %dma_wait3A_2247 = arith.constant 0 : i32
    %dma_wait3A_2248 = tpu.memref_slice %arg5[%dma_wait3A_2240, %dma_wait3A_2241, %dma_wait3A_2247] : memref<4x20x128xi32, #tpu.memory_space<vmem>> -> memref<1x1x128xi32, #tpu.memory_space<vmem>>
    %dma_wait3A_2249 = tpu.memref_squeeze %dma_wait3A_2248 : memref<1x1x128xi32, #tpu.memory_space<vmem>> -> memref<128xi32, #tpu.memory_space<vmem>>
    %dma_wait3A_2250 = arith.constant 0 : i32
    %dma_wait3A_2251 = arith.constant 0 : i32
    %dma_wait3A_2252 = tpu.memref_slice %arg3[%dma_wait3A_2250, %dma_wait3A_2251] : memref<1000000x128xf32, #tpu.memory_space<hbm>> -> memref<1000000x128xf32, #tpu.memory_space<hbm>>
    tpu.wait_indirect_dma semaphore(%arg10 : memref<!tpu.dma_semaphore, #tpu.memory_space<semaphore_mem>>) src(%dma_wait3A_2252 : memref<1000000x128xf32, #tpu.memory_space<hbm>>) dst(%dma_wait3A_2246 : memref<128x128xf32, #tpu.memory_space<vmem>>)
    %dma_wait3A_2253 = arith.constant 3 : i32
    %dma_wait3A_2254 = arith.constant 16 : i32
    %dma_wait3A_2255 = arith.constant 3 : i32
    %dma_wait3A_2256 = arith.constant 0 : i32
    %dma_wait3A_2257 = arith.constant 0 : i32
    %dma_wait3A_2258 = tpu.memref_slice %arg6[%dma_wait3A_2255, %dma_wait3A_2256, %dma_wait3A_2257] : memref<4x128x128xf32, #tpu.memory_space<vmem>> -> memref<1x128x128xf32, #tpu.memory_space<vmem>>
    %dma_wait3A_2259 = tpu.memref_squeeze %dma_wait3A_2258 : memref<1x128x128xf32, #tpu.memory_space<vmem>> -> memref<128x128xf32, #tpu.memory_space<vmem>>
    %dma_wait3A_2260 = arith.constant 0 : i32
    %dma_wait3A_2261 = tpu.memref_slice %arg5[%dma_wait3A_2253, %dma_wait3A_2254, %dma_wait3A_2260] : memref<4x20x128xi32, #tpu.memory_space<vmem>> -> memref<1x1x128xi32, #tpu.memory_space<vmem>>
    %dma_wait3A_2262 = tpu.memref_squeeze %dma_wait3A_2261 : memref<1x1x128xi32, #tpu.memory_space<vmem>> -> memref<128xi32, #tpu.memory_space<vmem>>
    %dma_wait3A_2263 = arith.constant 0 : i32
    %dma_wait3A_2264 = arith.constant 0 : i32
    %dma_wait3A_2265 = tpu.memref_slice %arg3[%dma_wait3A_2263, %dma_wait3A_2264] : memref<1000000x128xf32, #tpu.memory_space<hbm>> -> memref<1000000x128xf32, #tpu.memory_space<hbm>>
    tpu.wait_indirect_dma semaphore(%arg10 : memref<!tpu.dma_semaphore, #tpu.memory_space<semaphore_mem>>) src(%dma_wait3A_2265 : memref<1000000x128xf32, #tpu.memory_space<hbm>>) dst(%dma_wait3A_2259 : memref<128x128xf32, #tpu.memory_space<vmem>>)
    %dma_wait3A_2266 = arith.constant 3 : i32
    %dma_wait3A_2267 = arith.constant 17 : i32
    %dma_wait3A_2268 = arith.constant 3 : i32
    %dma_wait3A_2269 = arith.constant 0 : i32
    %dma_wait3A_2270 = arith.constant 0 : i32
    %dma_wait3A_2271 = tpu.memref_slice %arg6[%dma_wait3A_2268, %dma_wait3A_2269, %dma_wait3A_2270] : memref<4x128x128xf32, #tpu.memory_space<vmem>> -> memref<1x128x128xf32, #tpu.memory_space<vmem>>
    %dma_wait3A_2272 = tpu.memref_squeeze %dma_wait3A_2271 : memref<1x128x128xf32, #tpu.memory_space<vmem>> -> memref<128x128xf32, #tpu.memory_space<vmem>>
    %dma_wait3A_2273 = arith.constant 0 : i32
    %dma_wait3A_2274 = tpu.memref_slice %arg5[%dma_wait3A_2266, %dma_wait3A_2267, %dma_wait3A_2273] : memref<4x20x128xi32, #tpu.memory_space<vmem>> -> memref<1x1x128xi32, #tpu.memory_space<vmem>>
    %dma_wait3A_2275 = tpu.memref_squeeze %dma_wait3A_2274 : memref<1x1x128xi32, #tpu.memory_space<vmem>> -> memref<128xi32, #tpu.memory_space<vmem>>
    %dma_wait3A_2276 = arith.constant 0 : i32
    %dma_wait3A_2277 = arith.constant 0 : i32
    %dma_wait3A_2278 = tpu.memref_slice %arg3[%dma_wait3A_2276, %dma_wait3A_2277] : memref<1000000x128xf32, #tpu.memory_space<hbm>> -> memref<1000000x128xf32, #tpu.memory_space<hbm>>
    tpu.wait_indirect_dma semaphore(%arg10 : memref<!tpu.dma_semaphore, #tpu.memory_space<semaphore_mem>>) src(%dma_wait3A_2278 : memref<1000000x128xf32, #tpu.memory_space<hbm>>) dst(%dma_wait3A_2272 : memref<128x128xf32, #tpu.memory_space<vmem>>)
    %dma_wait3A_2279 = arith.constant 3 : i32
    %dma_wait3A_2280 = arith.constant 18 : i32
    %dma_wait3A_2281 = arith.constant 3 : i32
    %dma_wait3A_2282 = arith.constant 0 : i32
    %dma_wait3A_2283 = arith.constant 0 : i32
    %dma_wait3A_2284 = tpu.memref_slice %arg6[%dma_wait3A_2281, %dma_wait3A_2282, %dma_wait3A_2283] : memref<4x128x128xf32, #tpu.memory_space<vmem>> -> memref<1x128x128xf32, #tpu.memory_space<vmem>>
    %dma_wait3A_2285 = tpu.memref_squeeze %dma_wait3A_2284 : memref<1x128x128xf32, #tpu.memory_space<vmem>> -> memref<128x128xf32, #tpu.memory_space<vmem>>
    %dma_wait3A_2286 = arith.constant 0 : i32
    %dma_wait3A_2287 = tpu.memref_slice %arg5[%dma_wait3A_2279, %dma_wait3A_2280, %dma_wait3A_2286] : memref<4x20x128xi32, #tpu.memory_space<vmem>> -> memref<1x1x128xi32, #tpu.memory_space<vmem>>
    %dma_wait3A_2288 = tpu.memref_squeeze %dma_wait3A_2287 : memref<1x1x128xi32, #tpu.memory_space<vmem>> -> memref<128xi32, #tpu.memory_space<vmem>>
    %dma_wait3A_2289 = arith.constant 0 : i32
    %dma_wait3A_2290 = arith.constant 0 : i32
    %dma_wait3A_2291 = tpu.memref_slice %arg3[%dma_wait3A_2289, %dma_wait3A_2290] : memref<1000000x128xf32, #tpu.memory_space<hbm>> -> memref<1000000x128xf32, #tpu.memory_space<hbm>>
    tpu.wait_indirect_dma semaphore(%arg10 : memref<!tpu.dma_semaphore, #tpu.memory_space<semaphore_mem>>) src(%dma_wait3A_2291 : memref<1000000x128xf32, #tpu.memory_space<hbm>>) dst(%dma_wait3A_2285 : memref<128x128xf32, #tpu.memory_space<vmem>>)
    %dma_wait3A_2292 = arith.constant 3 : i32
    %dma_wait3A_2293 = arith.constant 19 : i32
    %dma_wait3A_2294 = arith.constant 3 : i32
    %dma_wait3A_2295 = arith.constant 0 : i32
    %dma_wait3A_2296 = arith.constant 0 : i32
    %dma_wait3A_2297 = tpu.memref_slice %arg6[%dma_wait3A_2294, %dma_wait3A_2295, %dma_wait3A_2296] : memref<4x128x128xf32, #tpu.memory_space<vmem>> -> memref<1x128x128xf32, #tpu.memory_space<vmem>>
    %dma_wait3A_2298 = tpu.memref_squeeze %dma_wait3A_2297 : memref<1x128x128xf32, #tpu.memory_space<vmem>> -> memref<128x128xf32, #tpu.memory_space<vmem>>
    %dma_wait3A_2299 = arith.constant 0 : i32
    %dma_wait3A_2300 = tpu.memref_slice %arg5[%dma_wait3A_2292, %dma_wait3A_2293, %dma_wait3A_2299] : memref<4x20x128xi32, #tpu.memory_space<vmem>> -> memref<1x1x128xi32, #tpu.memory_space<vmem>>
    %dma_wait3A_2301 = tpu.memref_squeeze %dma_wait3A_2300 : memref<1x1x128xi32, #tpu.memory_space<vmem>> -> memref<128xi32, #tpu.memory_space<vmem>>
    %dma_wait3A_2302 = arith.constant 0 : i32
    %dma_wait3A_2303 = arith.constant 0 : i32
    %dma_wait3A_2304 = tpu.memref_slice %arg3[%dma_wait3A_2302, %dma_wait3A_2303] : memref<1000000x128xf32, #tpu.memory_space<hbm>> -> memref<1000000x128xf32, #tpu.memory_space<hbm>>
    tpu.wait_indirect_dma semaphore(%arg10 : memref<!tpu.dma_semaphore, #tpu.memory_space<semaphore_mem>>) src(%dma_wait3A_2304 : memref<1000000x128xf32, #tpu.memory_space<hbm>>) dst(%dma_wait3A_2298 : memref<128x128xf32, #tpu.memory_space<vmem>>)
    %scan3A_2305 = arith.constant 0 : i32
    %scan3A_2306 = arith.constant 0 : i32
    %scan3A_2307 = arith.constant 128 : i32
    %scan3A_2308 = arith.addi %scan3A_2306, %scan3A_2307 : i32
    %scan3A_2309 = arith.constant 1 : i32
    scf.for %scan3A_2382 = %scan3A_2306 to %scan3A_2308 step %scan3A_2309  : i32 {
      %get3A = arith.constant 3 : i32
      %get3A_2383 = arith.index_cast %get3A : i32 to index
      %get3A_2384 = arith.index_cast %scan3A_2382 : i32 to index
      %get3A_2385 = arith.constant 0 : index
      %get3A_2386 = tpu.vector_load %arg6[%get3A_2383, %get3A_2384, %get3A_2385] {strides = array<i32>} : memref<4x128x128xf32, #tpu.memory_space<vmem>>, vector<1x1x16xf32>,
      %get3A_2387 = vector.shape_cast %get3A_2386 : vector<1x1x16xf32> to vector<16xf32>
      %mul3A_2388 = arith.constant 5.000000e-02 : f32
      %mul3A_2389 = vector.broadcast %mul3A_2388 : f32 to vector<16xf32>
      %mul3A_2390 = arith.mulf %get3A_2387, %mul3A_2389 : vector<16xf32>
      %swap3A = arith.constant 3 : i32
      %swap3A_2391 = arith.index_cast %swap3A : i32 to index
      %swap3A_2392 = arith.index_cast %scan3A_2382 : i32 to index
      %swap3A_2393 = arith.constant 0 : index
      %swap3A_2394 = tpu.vector_load %arg6[%swap3A_2391, %swap3A_2392, %swap3A_2393] {strides = array<i32>} : memref<4x128x128xf32, #tpu.memory_space<vmem>>, vector<1x1x16xf32>,
      %swap3A_2395 = vector.shape_cast %swap3A_2394 : vector<1x1x16xf32> to vector<16xf32>
      %swap3A_2396 = vector.shape_cast %mul3A_2390 : vector<16xf32> to vector<1x1x16xf32>
      tpu.vector_store %arg6[%swap3A_2391, %swap3A_2392, %swap3A_2393], %swap3A_2396 {strides = array<i32>} : memref<4x128x128xf32, #tpu.memory_space<vmem>>, vector<1x1x16xf32>,
      %get3A_2397 = arith.constant 3 : i32
      %get3A_2398 = arith.index_cast %get3A_2397 : i32 to index
      %get3A_2399 = arith.index_cast %scan3A_2382 : i32 to index
      %get3A_2400 = arith.constant 16 : index
      %get3A_2401 = tpu.vector_load %arg6[%get3A_2398, %get3A_2399, %get3A_2400] {strides = array<i32>} : memref<4x128x128xf32, #tpu.memory_space<vmem>>, vector<1x1x16xf32>,
      %get3A_2402 = vector.shape_cast %get3A_2401 : vector<1x1x16xf32> to vector<16xf32>
      %mul3A_2403 = arith.constant 5.000000e-02 : f32
      %mul3A_2404 = vector.broadcast %mul3A_2403 : f32 to vector<16xf32>
      %mul3A_2405 = arith.mulf %get3A_2402, %mul3A_2404 : vector<16xf32>
      %swap3A_2406 = arith.constant 3 : i32
      %swap3A_2407 = arith.index_cast %swap3A_2406 : i32 to index
      %swap3A_2408 = arith.index_cast %scan3A_2382 : i32 to index
      %swap3A_2409 = arith.constant 16 : index
      %swap3A_2410 = tpu.vector_load %arg6[%swap3A_2407, %swap3A_2408, %swap3A_2409] {strides = array<i32>} : memref<4x128x128xf32, #tpu.memory_space<vmem>>, vector<1x1x16xf32>,
      %swap3A_2411 = vector.shape_cast %swap3A_2410 : vector<1x1x16xf32> to vector<16xf32>
      %swap3A_2412 = vector.shape_cast %mul3A_2405 : vector<16xf32> to vector<1x1x16xf32>
      tpu.vector_store %arg6[%swap3A_2407, %swap3A_2408, %swap3A_2409], %swap3A_2412 {strides = array<i32>} : memref<4x128x128xf32, #tpu.memory_space<vmem>>, vector<1x1x16xf32>,
      %get3A_2413 = arith.constant 3 : i32
      %get3A_2414 = arith.index_cast %get3A_2413 : i32 to index
      %get3A_2415 = arith.index_cast %scan3A_2382 : i32 to index
      %get3A_2416 = arith.constant 32 : index
      %get3A_2417 = tpu.vector_load %arg6[%get3A_2414, %get3A_2415, %get3A_2416] {strides = array<i32>} : memref<4x128x128xf32, #tpu.memory_space<vmem>>, vector<1x1x16xf32>,
      %get3A_2418 = vector.shape_cast %get3A_2417 : vector<1x1x16xf32> to vector<16xf32>
      %mul3A_2419 = arith.constant 5.000000e-02 : f32
      %mul3A_2420 = vector.broadcast %mul3A_2419 : f32 to vector<16xf32>
      %mul3A_2421 = arith.mulf %get3A_2418, %mul3A_2420 : vector<16xf32>
      %swap3A_2422 = arith.constant 3 : i32
      %swap3A_2423 = arith.index_cast %swap3A_2422 : i32 to index
      %swap3A_2424 = arith.index_cast %scan3A_2382 : i32 to index
      %swap3A_2425 = arith.constant 32 : index
      %swap3A_2426 = tpu.vector_load %arg6[%swap3A_2423, %swap3A_2424, %swap3A_2425] {strides = array<i32>} : memref<4x128x128xf32, #tpu.memory_space<vmem>>, vector<1x1x16xf32>,
      %swap3A_2427 = vector.shape_cast %swap3A_2426 : vector<1x1x16xf32> to vector<16xf32>
      %swap3A_2428 = vector.shape_cast %mul3A_2421 : vector<16xf32> to vector<1x1x16xf32>
      tpu.vector_store %arg6[%swap3A_2423, %swap3A_2424, %swap3A_2425], %swap3A_2428 {strides = array<i32>} : memref<4x128x128xf32, #tpu.memory_space<vmem>>, vector<1x1x16xf32>,
      %get3A_2429 = arith.constant 3 : i32
      %get3A_2430 = arith.index_cast %get3A_2429 : i32 to index
      %get3A_2431 = arith.index_cast %scan3A_2382 : i32 to index
      %get3A_2432 = arith.constant 48 : index
      %get3A_2433 = tpu.vector_load %arg6[%get3A_2430, %get3A_2431, %get3A_2432] {strides = array<i32>} : memref<4x128x128xf32, #tpu.memory_space<vmem>>, vector<1x1x16xf32>,
      %get3A_2434 = vector.shape_cast %get3A_2433 : vector<1x1x16xf32> to vector<16xf32>
      %mul3A_2435 = arith.constant 5.000000e-02 : f32
      %mul3A_2436 = vector.broadcast %mul3A_2435 : f32 to vector<16xf32>
      %mul3A_2437 = arith.mulf %get3A_2434, %mul3A_2436 : vector<16xf32>
      %swap3A_2438 = arith.constant 3 : i32
      %swap3A_2439 = arith.index_cast %swap3A_2438 : i32 to index
      %swap3A_2440 = arith.index_cast %scan3A_2382 : i32 to index
      %swap3A_2441 = arith.constant 48 : index
      %swap3A_2442 = tpu.vector_load %arg6[%swap3A_2439, %swap3A_2440, %swap3A_2441] {strides = array<i32>} : memref<4x128x128xf32, #tpu.memory_space<vmem>>, vector<1x1x16xf32>,
      %swap3A_2443 = vector.shape_cast %swap3A_2442 : vector<1x1x16xf32> to vector<16xf32>
      %swap3A_2444 = vector.shape_cast %mul3A_2437 : vector<16xf32> to vector<1x1x16xf32>
      tpu.vector_store %arg6[%swap3A_2439, %swap3A_2440, %swap3A_2441], %swap3A_2444 {strides = array<i32>} : memref<4x128x128xf32, #tpu.memory_space<vmem>>, vector<1x1x16xf32>,
      %get3A_2445 = arith.constant 3 : i32
      %get3A_2446 = arith.index_cast %get3A_2445 : i32 to index
      %get3A_2447 = arith.index_cast %scan3A_2382 : i32 to index
      %get3A_2448 = arith.constant 64 : index
      %get3A_2449 = tpu.vector_load %arg6[%get3A_2446, %get3A_2447, %get3A_2448] {strides = array<i32>} : memref<4x128x128xf32, #tpu.memory_space<vmem>>, vector<1x1x16xf32>,
      %get3A_2450 = vector.shape_cast %get3A_2449 : vector<1x1x16xf32> to vector<16xf32>
      %mul3A_2451 = arith.constant 5.000000e-02 : f32
      %mul3A_2452 = vector.broadcast %mul3A_2451 : f32 to vector<16xf32>
      %mul3A_2453 = arith.mulf %get3A_2450, %mul3A_2452 : vector<16xf32>
      %swap3A_2454 = arith.constant 3 : i32
      %swap3A_2455 = arith.index_cast %swap3A_2454 : i32 to index
      %swap3A_2456 = arith.index_cast %scan3A_2382 : i32 to index
      %swap3A_2457 = arith.constant 64 : index
      %swap3A_2458 = tpu.vector_load %arg6[%swap3A_2455, %swap3A_2456, %swap3A_2457] {strides = array<i32>} : memref<4x128x128xf32, #tpu.memory_space<vmem>>, vector<1x1x16xf32>,
      %swap3A_2459 = vector.shape_cast %swap3A_2458 : vector<1x1x16xf32> to vector<16xf32>
      %swap3A_2460 = vector.shape_cast %mul3A_2453 : vector<16xf32> to vector<1x1x16xf32>
      tpu.vector_store %arg6[%swap3A_2455, %swap3A_2456, %swap3A_2457], %swap3A_2460 {strides = array<i32>} : memref<4x128x128xf32, #tpu.memory_space<vmem>>, vector<1x1x16xf32>,
      %get3A_2461 = arith.constant 3 : i32
      %get3A_2462 = arith.index_cast %get3A_2461 : i32 to index
      %get3A_2463 = arith.index_cast %scan3A_2382 : i32 to index
      %get3A_2464 = arith.constant 80 : index
      %get3A_2465 = tpu.vector_load %arg6[%get3A_2462, %get3A_2463, %get3A_2464] {strides = array<i32>} : memref<4x128x128xf32, #tpu.memory_space<vmem>>, vector<1x1x16xf32>,
      %get3A_2466 = vector.shape_cast %get3A_2465 : vector<1x1x16xf32> to vector<16xf32>
      %mul3A_2467 = arith.constant 5.000000e-02 : f32
      %mul3A_2468 = vector.broadcast %mul3A_2467 : f32 to vector<16xf32>
      %mul3A_2469 = arith.mulf %get3A_2466, %mul3A_2468 : vector<16xf32>
      %swap3A_2470 = arith.constant 3 : i32
      %swap3A_2471 = arith.index_cast %swap3A_2470 : i32 to index
      %swap3A_2472 = arith.index_cast %scan3A_2382 : i32 to index
      %swap3A_2473 = arith.constant 80 : index
      %swap3A_2474 = tpu.vector_load %arg6[%swap3A_2471, %swap3A_2472, %swap3A_2473] {strides = array<i32>} : memref<4x128x128xf32, #tpu.memory_space<vmem>>, vector<1x1x16xf32>,
      %swap3A_2475 = vector.shape_cast %swap3A_2474 : vector<1x1x16xf32> to vector<16xf32>
      %swap3A_2476 = vector.shape_cast %mul3A_2469 : vector<16xf32> to vector<1x1x16xf32>
      tpu.vector_store %arg6[%swap3A_2471, %swap3A_2472, %swap3A_2473], %swap3A_2476 {strides = array<i32>} : memref<4x128x128xf32, #tpu.memory_space<vmem>>, vector<1x1x16xf32>,
      %get3A_2477 = arith.constant 3 : i32
      %get3A_2478 = arith.index_cast %get3A_2477 : i32 to index
      %get3A_2479 = arith.index_cast %scan3A_2382 : i32 to index
      %get3A_2480 = arith.constant 96 : index
      %get3A_2481 = tpu.vector_load %arg6[%get3A_2478, %get3A_2479, %get3A_2480] {strides = array<i32>} : memref<4x128x128xf32, #tpu.memory_space<vmem>>, vector<1x1x16xf32>,
      %get3A_2482 = vector.shape_cast %get3A_2481 : vector<1x1x16xf32> to vector<16xf32>
      %mul3A_2483 = arith.constant 5.000000e-02 : f32
      %mul3A_2484 = vector.broadcast %mul3A_2483 : f32 to vector<16xf32>
      %mul3A_2485 = arith.mulf %get3A_2482, %mul3A_2484 : vector<16xf32>
      %swap3A_2486 = arith.constant 3 : i32
      %swap3A_2487 = arith.index_cast %swap3A_2486 : i32 to index
      %swap3A_2488 = arith.index_cast %scan3A_2382 : i32 to index
      %swap3A_2489 = arith.constant 96 : index
      %swap3A_2490 = tpu.vector_load %arg6[%swap3A_2487, %swap3A_2488, %swap3A_2489] {strides = array<i32>} : memref<4x128x128xf32, #tpu.memory_space<vmem>>, vector<1x1x16xf32>,
      %swap3A_2491 = vector.shape_cast %swap3A_2490 : vector<1x1x16xf32> to vector<16xf32>
      %swap3A_2492 = vector.shape_cast %mul3A_2485 : vector<16xf32> to vector<1x1x16xf32>
      tpu.vector_store %arg6[%swap3A_2487, %swap3A_2488, %swap3A_2489], %swap3A_2492 {strides = array<i32>} : memref<4x128x128xf32, #tpu.memory_space<vmem>>, vector<1x1x16xf32>,
      %get3A_2493 = arith.constant 3 : i32
      %get3A_2494 = arith.index_cast %get3A_2493 : i32 to index
      %get3A_2495 = arith.index_cast %scan3A_2382 : i32 to index
      %get3A_2496 = arith.constant 112 : index
      %get3A_2497 = tpu.vector_load %arg6[%get3A_2494, %get3A_2495, %get3A_2496] {strides = array<i32>} : memref<4x128x128xf32, #tpu.memory_space<vmem>>, vector<1x1x16xf32>,
      %get3A_2498 = vector.shape_cast %get3A_2497 : vector<1x1x16xf32> to vector<16xf32>
      %mul3A_2499 = arith.constant 5.000000e-02 : f32
      %mul3A_2500 = vector.broadcast %mul3A_2499 : f32 to vector<16xf32>
      %mul3A_2501 = arith.mulf %get3A_2498, %mul3A_2500 : vector<16xf32>
      %swap3A_2502 = arith.constant 3 : i32
      %swap3A_2503 = arith.index_cast %swap3A_2502 : i32 to index
      %swap3A_2504 = arith.index_cast %scan3A_2382 : i32 to index
      %swap3A_2505 = arith.constant 112 : index
      %swap3A_2506 = tpu.vector_load %arg6[%swap3A_2503, %swap3A_2504, %swap3A_2505] {strides = array<i32>} : memref<4x128x128xf32, #tpu.memory_space<vmem>>, vector<1x1x16xf32>,
      %swap3A_2507 = vector.shape_cast %swap3A_2506 : vector<1x1x16xf32> to vector<16xf32>
      %swap3A_2508 = vector.shape_cast %mul3A_2501 : vector<16xf32> to vector<1x1x16xf32>
      tpu.vector_store %arg6[%swap3A_2503, %swap3A_2504, %swap3A_2505], %swap3A_2508 {strides = array<i32>} : memref<4x128x128xf32, #tpu.memory_space<vmem>>, vector<1x1x16xf32>,
    }
    %scan3A_2310 = arith.constant 128 : i32
    %mul3A_2311 = arith.constant 4 : i32
    %mul3A_2312 = arith.muli %add3A, %mul3A_2311 : i32
    %add3A_2313 = arith.constant 3 : i32
    %add3A_2314 = arith.addi %mul3A_2312, %add3A_2313 : i32
    %mul3A_2315 = arith.constant 128 : i32
    %mul3A_2316 = arith.muli %add3A_2314, %mul3A_2315 : i32
    %dma_start3A_2317 = arith.constant 3 : i32
    %dma_start3A_2318 = arith.constant 0 : i32
    %dma_start3A_2319 = arith.constant 0 : i32
    %dma_start3A_2320 = tpu.memref_slice %arg6[%dma_start3A_2317, %dma_start3A_2318, %dma_start3A_2319] : memref<4x128x128xf32, #tpu.memory_space<vmem>> -> memref<1x128x128xf32, #tpu.memory_space<vmem>>
    %dma_start3A_2321 = tpu.memref_squeeze %dma_start3A_2320 : memref<1x128x128xf32, #tpu.memory_space<vmem>> -> memref<128x128xf32, #tpu.memory_space<vmem>>
    %dma_start3A_2322 = arith.constant 0 : i32
    %dma_start3A_2323 = tpu.memref_slice %arg4[%mul3A_2316, %dma_start3A_2322] : memref<16384x128xf32, #tpu.memory_space<hbm>> -> memref<128x128xf32, #tpu.memory_space<hbm>>
    %dma_start3A_2324 = arith.constant 0 : i32
    %dma_start3A_2325 = tpu.memref_slice %arg4[%mul3A_2316, %dma_start3A_2324] : memref<16384x128xf32, #tpu.memory_space<hbm>> -> memref<128x128xf32, #tpu.memory_space<hbm>>
    %dma_start3A_2326 = arith.constant 0 : i32
    %dma_start3A_2327 = arith.constant 0 : i32
    %dma_start3A_2328 = tpu.memref_slice %arg6[%dma_start3A_2317, %dma_start3A_2326, %dma_start3A_2327] : memref<4x128x128xf32, #tpu.memory_space<vmem>> -> memref<1x128x128xf32, #tpu.memory_space<vmem>>
    %dma_start3A_2329 = tpu.memref_squeeze %dma_start3A_2328 : memref<1x128x128xf32, #tpu.memory_space<vmem>> -> memref<128x128xf32, #tpu.memory_space<vmem>>
    tpu.enqueue_dma source(%dma_start3A_2329 : memref<128x128xf32, #tpu.memory_space<vmem>>) target(%dma_start3A_2325 : memref<128x128xf32, #tpu.memory_space<hbm>>) target_semaphore(%arg11 : memref<!tpu.dma_semaphore, #tpu.memory_space<semaphore_mem>>)
    %dma_wait3A_2330 = arith.constant 0 : i32
    %dma_wait3A_2331 = arith.constant 0 : i32
    %dma_wait3A_2332 = arith.constant 0 : i32
    %dma_wait3A_2333 = tpu.memref_slice %arg6[%dma_wait3A_2330, %dma_wait3A_2331, %dma_wait3A_2332] : memref<4x128x128xf32, #tpu.memory_space<vmem>> -> memref<1x128x128xf32, #tpu.memory_space<vmem>>
    %dma_wait3A_2334 = tpu.memref_squeeze %dma_wait3A_2333 : memref<1x128x128xf32, #tpu.memory_space<vmem>> -> memref<128x128xf32, #tpu.memory_space<vmem>>
    %dma_wait3A_2335 = arith.constant 0 : i32
    %dma_wait3A_2336 = tpu.memref_slice %arg4[%mul3A_1461, %dma_wait3A_2335] : memref<16384x128xf32, #tpu.memory_space<hbm>> -> memref<128x128xf32, #tpu.memory_space<hbm>>
    %dma_wait3A_2337 = arith.constant 0 : i32
    %dma_wait3A_2338 = tpu.memref_slice %arg4[%mul3A_1461, %dma_wait3A_2337] : memref<16384x128xf32, #tpu.memory_space<hbm>> -> memref<128x128xf32, #tpu.memory_space<hbm>>
    %dma_wait3A_2339 = arith.constant 0 : i32
    %dma_wait3A_2340 = arith.constant 0 : i32
    %dma_wait3A_2341 = tpu.memref_slice %arg6[%dma_wait3A_2330, %dma_wait3A_2339, %dma_wait3A_2340] : memref<4x128x128xf32, #tpu.memory_space<vmem>> -> memref<1x128x128xf32, #tpu.memory_space<vmem>>
    %dma_wait3A_2342 = tpu.memref_squeeze %dma_wait3A_2341 : memref<1x128x128xf32, #tpu.memory_space<vmem>> -> memref<128x128xf32, #tpu.memory_space<vmem>>
    tpu.wait_dma2 semaphore(%arg11 : memref<!tpu.dma_semaphore, #tpu.memory_space<semaphore_mem>>) src(%dma_wait3A_2342 : memref<128x128xf32, #tpu.memory_space<vmem>>) dst(%dma_wait3A_2338 : memref<128x128xf32, #tpu.memory_space<hbm>>)
    %dma_wait3A_2343 = arith.constant 1 : i32
    %dma_wait3A_2344 = arith.constant 0 : i32
    %dma_wait3A_2345 = arith.constant 0 : i32
    %dma_wait3A_2346 = tpu.memref_slice %arg6[%dma_wait3A_2343, %dma_wait3A_2344, %dma_wait3A_2345] : memref<4x128x128xf32, #tpu.memory_space<vmem>> -> memref<1x128x128xf32, #tpu.memory_space<vmem>>
    %dma_wait3A_2347 = tpu.memref_squeeze %dma_wait3A_2346 : memref<1x128x128xf32, #tpu.memory_space<vmem>> -> memref<128x128xf32, #tpu.memory_space<vmem>>
    %dma_wait3A_2348 = arith.constant 0 : i32
    %dma_wait3A_2349 = tpu.memref_slice %arg4[%mul3A_1746, %dma_wait3A_2348] : memref<16384x128xf32, #tpu.memory_space<hbm>> -> memref<128x128xf32, #tpu.memory_space<hbm>>
    %dma_wait3A_2350 = arith.constant 0 : i32
    %dma_wait3A_2351 = tpu.memref_slice %arg4[%mul3A_1746, %dma_wait3A_2350] : memref<16384x128xf32, #tpu.memory_space<hbm>> -> memref<128x128xf32, #tpu.memory_space<hbm>>
    %dma_wait3A_2352 = arith.constant 0 : i32
    %dma_wait3A_2353 = arith.constant 0 : i32
    %dma_wait3A_2354 = tpu.memref_slice %arg6[%dma_wait3A_2343, %dma_wait3A_2352, %dma_wait3A_2353] : memref<4x128x128xf32, #tpu.memory_space<vmem>> -> memref<1x128x128xf32, #tpu.memory_space<vmem>>
    %dma_wait3A_2355 = tpu.memref_squeeze %dma_wait3A_2354 : memref<1x128x128xf32, #tpu.memory_space<vmem>> -> memref<128x128xf32, #tpu.memory_space<vmem>>
    tpu.wait_dma2 semaphore(%arg11 : memref<!tpu.dma_semaphore, #tpu.memory_space<semaphore_mem>>) src(%dma_wait3A_2355 : memref<128x128xf32, #tpu.memory_space<vmem>>) dst(%dma_wait3A_2351 : memref<128x128xf32, #tpu.memory_space<hbm>>)
    %dma_wait3A_2356 = arith.constant 2 : i32
    %dma_wait3A_2357 = arith.constant 0 : i32
    %dma_wait3A_2358 = arith.constant 0 : i32
    %dma_wait3A_2359 = tpu.memref_slice %arg6[%dma_wait3A_2356, %dma_wait3A_2357, %dma_wait3A_2358] : memref<4x128x128xf32, #tpu.memory_space<vmem>> -> memref<1x128x128xf32, #tpu.memory_space<vmem>>
    %dma_wait3A_2360 = tpu.memref_squeeze %dma_wait3A_2359 : memref<1x128x128xf32, #tpu.memory_space<vmem>> -> memref<128x128xf32, #tpu.memory_space<vmem>>
    %dma_wait3A_2361 = arith.constant 0 : i32
    %dma_wait3A_2362 = tpu.memref_slice %arg4[%mul3A_2031, %dma_wait3A_2361] : memref<16384x128xf32, #tpu.memory_space<hbm>> -> memref<128x128xf32, #tpu.memory_space<hbm>>
    %dma_wait3A_2363 = arith.constant 0 : i32
    %dma_wait3A_2364 = tpu.memref_slice %arg4[%mul3A_2031, %dma_wait3A_2363] : memref<16384x128xf32, #tpu.memory_space<hbm>> -> memref<128x128xf32, #tpu.memory_space<hbm>>
    %dma_wait3A_2365 = arith.constant 0 : i32
    %dma_wait3A_2366 = arith.constant 0 : i32
    %dma_wait3A_2367 = tpu.memref_slice %arg6[%dma_wait3A_2356, %dma_wait3A_2365, %dma_wait3A_2366] : memref<4x128x128xf32, #tpu.memory_space<vmem>> -> memref<1x128x128xf32, #tpu.memory_space<vmem>>
    %dma_wait3A_2368 = tpu.memref_squeeze %dma_wait3A_2367 : memref<1x128x128xf32, #tpu.memory_space<vmem>> -> memref<128x128xf32, #tpu.memory_space<vmem>>
    tpu.wait_dma2 semaphore(%arg11 : memref<!tpu.dma_semaphore, #tpu.memory_space<semaphore_mem>>) src(%dma_wait3A_2368 : memref<128x128xf32, #tpu.memory_space<vmem>>) dst(%dma_wait3A_2364 : memref<128x128xf32, #tpu.memory_space<hbm>>)
    %dma_wait3A_2369 = arith.constant 3 : i32
    %dma_wait3A_2370 = arith.constant 0 : i32
    %dma_wait3A_2371 = arith.constant 0 : i32
    %dma_wait3A_2372 = tpu.memref_slice %arg6[%dma_wait3A_2369, %dma_wait3A_2370, %dma_wait3A_2371] : memref<4x128x128xf32, #tpu.memory_space<vmem>> -> memref<1x128x128xf32, #tpu.memory_space<vmem>>
    %dma_wait3A_2373 = tpu.memref_squeeze %dma_wait3A_2372 : memref<1x128x128xf32, #tpu.memory_space<vmem>> -> memref<128x128xf32, #tpu.memory_space<vmem>>
    %dma_wait3A_2374 = arith.constant 0 : i32
    %dma_wait3A_2375 = tpu.memref_slice %arg4[%mul3A_2316, %dma_wait3A_2374] : memref<16384x128xf32, #tpu.memory_space<hbm>> -> memref<128x128xf32, #tpu.memory_space<hbm>>
    %dma_wait3A_2376 = arith.constant 0 : i32
    %dma_wait3A_2377 = tpu.memref_slice %arg4[%mul3A_2316, %dma_wait3A_2376] : memref<16384x128xf32, #tpu.memory_space<hbm>> -> memref<128x128xf32, #tpu.memory_space<hbm>>
    %dma_wait3A_2378 = arith.constant 0 : i32
    %dma_wait3A_2379 = arith.constant 0 : i32
    %dma_wait3A_2380 = tpu.memref_slice %arg6[%dma_wait3A_2369, %dma_wait3A_2378, %dma_wait3A_2379] : memref<4x128x128xf32, #tpu.memory_space<vmem>> -> memref<1x128x128xf32, #tpu.memory_space<vmem>>
    %dma_wait3A_2381 = tpu.memref_squeeze %dma_wait3A_2380 : memref<1x128x128xf32, #tpu.memory_space<vmem>> -> memref<128x128xf32, #tpu.memory_space<vmem>>
    tpu.wait_dma2 semaphore(%arg11 : memref<!tpu.dma_semaphore, #tpu.memory_space<semaphore_mem>>) src(%dma_wait3A_2381 : memref<128x128xf32, #tpu.memory_space<vmem>>) dst(%dma_wait3A_2377 : memref<128x128xf32, #tpu.memory_space<hbm>>)
    return
  }
}

</mosaic_0001>

<sc_bundles>
// kernel: kernel.3.cloned.1.call-start
scs
__scs_entry_jumppad:
0x0: {  	(pc) =	sbr.rel $0x88, $3  }
0x1: {  	(tag) =	ssettag $0x0;
	lr =	simm.s32 $0x1  }
0x2: {  	[smem:$0x3F9F] =	sst lr;
	_ =	strace $0xD0000000  }
0x3: {  	_ = 	snop  }
0x4: {  	_ = 	snop  }
0x5: {  	_ = 	snop  }
0x6: {  	_ = 	snop  }
0x7: {  	_ = 	snop  }
__scs_overlays_trampoline_lowered:
0x8: {  	[smem:$0x3FAE] =	sst s0  }
0x9: {  	[smem:$0x3FAF] =	sst s1  }
0xa: {  	[smem:$0x3FB0] =	sst s2  }
0xb: {  	[smem:$0x3FB1] =	sst s3  }
0xc: {  	[smem:$0x3FB2] =	sst s4  }
0xd: {  	[smem:$0x3FB3] =	sst s5  }
0xe: {  	[smem:$0x3FB4] =	sst s6  }
0xf: {  	[smem:$0x3FB5] =	sst s7  }
0x10: {  	[smem:$0x3FB6] =	sst s8  }
0x11: {  	[smem:$0x3FB7] =	sst s9;
	s0 =	simm.s32 @!p0 $0x0  }
0x12: {  	s1 =	sld [smem:$0x3F9D];
	s0 =	simm.s32 @p0 $0x1  }
0x13: {  	[smem:$0x3FB8] =	sst s0;
	s0 =	simm.s32 @!p1 $0x0  }
0x14: {  	s2 =	sld [smem:$0x3F9C];
	s0 =	simm.s32 @p1 $0x1  }
0x15: {  	[smem:$0x3FB9] =	sst s0;
	s0 =	simm.s32 @!p2 $0x0  }
0x16: {  	s3 =	sld [smem:$0x3FDB];
	s0 =	simm.s32 @p2 $0x1  }
0x17: {  	s4 =	simm.s32 $0x1BF5;
	[smem:$0x3FBB] =	sst s0  }
0x18: {  	s0 =	sld [smem:$0x3F9E];
	_ =	swait.ge [sflag:s4], $0x0  }
0x19: {  	s7 =	sld [smem:$0x3F9F]  }
0x1a: {  	s8 =	sadd.s32 $0xFFFFE003, lr  }
0x1b: {  	s9 =	sadd.s32 $0xFFFFFEF7, lr;
	s5 =	simm.s32 $0xFFFFFFFF;
	p2 =	slt.u32 s8, $0xFFFFF086  }
0x1c: {  	p1 =	slt.u32 s9, $0xF7A;
	s5 =	simm.s32 @!p2 $0x0  }
0x1d: {  	s5 =	simm.s32 @p1 $0x1;
	p0 =	seq.s32 s7, s2  }
0x1e: {  	s7 =	smul.u32 @!p0 $0xF7A, s2;
	p2 =	seq.s32 @!p0 s5, $0x0  }
0x1f: {  	s9 =	smul.u32 $0xF7A, s1;
	s8 =	simm.s32 @!p0 $0x1BF5;
	p2 =	por !p2, p0  }
0x20: {  	[sflag:s8] =	ssyncset.s32 @!p0 $0xFFFFF086;
	s6 =	sadd.s32 @!p0 s3, s7;
	s7 =	simm.s32 @!p0 $0x108  }
0x21: {  	s3 =	sadd.s32 s3, s9;
	s6 =	sadd.s32 @!p0 $0x88, s6;
	s7 =	simm.s32 @p2 $0x1082  }
0x22: {  	[simem:s7], [sflag:s8] =	dma.local @!p0 [hbm:s6], $0xF7A  }
0x23: {  	s9 =	sor.u32 $0xD0000000, s2;
	s6 =	simm.s32 $0x108;
	_ =	swait.ge @!p0 [sflag:s8], $0x0  }
0x24: {  	s3 =	sadd.s32 $0x88, s3;
	s6 =	simm.s32 @!p1 $0x1082;
	[sflag:s4] =	ssyncset.s32 $0xFFFFF086  }
0x25: {  	[simem:s6], [sflag:s4] =	dma.local [hbm:s3], $0xF7A  }
0x26: {  	[smem:$0x3F9F] =	sst s1;
	(tag) =	ssettag s2;
	_ =	strace s9  }
0x27: {  	s1 =	sld [smem:$0x3FAF]  }
0x28: {  	s2 =	sld [smem:$0x3FB0]  }
0x29: {  	s4 =	sld [smem:$0x3FB2]  }
0x2a: {  	p0 =	seq.s32 s5, $0x0;
	s5 =	sld [smem:$0x3FB3]  }
0x2b: {  	s6 =	sld [smem:$0x3FB4]  }
0x2c: {  	s7 =	sld [smem:$0x3FB5]  }
0x2d: {  	s3 =	simm.s32 $0x108;
	s8 =	sld [smem:$0x3FB6]  }
0x2e: {  	s3 =	simm.s32 @!p0 $0x1082;
	s9 =	sld [smem:$0x3FB7]  }
0x2f: {  	lr =	sadd.s32 s0, s3;
	s0 =	sld [smem:$0x3FAE]  }
0x30: {  	s3 =	sld [smem:$0x3FB1]  }
0x31: {  	[smem:$0x3FBA] =	sst s10  }
0x32: {  	s10 =	sld [smem:$0x3FB8];
	_ =	sdelay $0x3  }
0x33: {  	p0 =	seq.s32 s10, $0x1;
	s10 =	sld [smem:$0x3FBA];
	_ =	sdelay $0x3  }
0x34: {  	[smem:$0x3FBA] =	sst s10  }
0x35: {  	s10 =	sld [smem:$0x3FB9];
	_ =	sdelay $0x3  }
0x36: {  	p1 =	seq.s32 s10, $0x1;
	s10 =	sld [smem:$0x3FBA];
	_ =	sdelay $0x3  }
0x37: {  	[smem:$0x3FBA] =	sst s10  }
0x38: {  	s10 =	sld [smem:$0x3FBB]  }
0x39: {  	_ = 	snop;
	(pc) =	sbr.ind lr, $3  }
0x3a: {  	_ = 	snop  }
0x3b: {  	_ = 	snop  }
0x3c: {  	p2 =	seq.s32 s10, $0x1;
	s10 =	sld [smem:$0x3FBA]  }
0x3d: {  	_ =	shalt  }
0x3e: {  	_ =	shalt  }
0x3f: {  	_ =	shalt  }
0x40: {  	_ =	shalt  }
0x41: {  	_ =	shalt  }
0x42: {  	_ =	shalt  }
0x43: {  	_ =	shalt  }
0x44: {  	_ =	shalt  }
0x45: {  	_ =	shalt  }
0x46: {  	_ =	shalt  }
0x47: {  	_ =	shalt  }
0x48: {  	_ =	shalt  }
0x49: {  	_ =	shalt  }
0x4a: {  	_ =	shalt  }
0x4b: {  	_ =	shalt  }
0x4c: {  	_ =	shalt  }
0x4d: {  	_ =	shalt  }
0x4e: {  	_ =	shalt  }
0x4f: {  	_ =	shalt  }
0x50: {  	_ =	shalt  }
0x51: {  	_ =	shalt  }
0x52: {  	_ =	shalt  }
0x53: {  	_ =	shalt  }
0x54: {  	_ =	shalt  }
0x55: {  	_ =	shalt  }
0x56: {  	_ =	shalt  }
0x57: {  	_ =	shalt  }
0x58: {  	_ =	shalt  }
0x59: {  	_ =	shalt  }
0x5a: {  	_ =	shalt  }
0x5b: {  	_ =	shalt  }
0x5c: {  	_ =	shalt  }
0x5d: {  	_ =	shalt  }
0x5e: {  	_ =	shalt  }
0x5f: {  	_ =	shalt  }
0x60: {  	_ =	shalt  }
0x61: {  	_ =	shalt  }
0x62: {  	_ =	shalt  }
0x63: {  	_ =	shalt  }
0x64: {  	_ =	shalt  }
0x65: {  	_ =	shalt  }
0x66: {  	_ =	shalt  }
0x67: {  	_ =	shalt  }
0x68: {  	_ =	shalt  }
0x69: {  	_ =	shalt  }
0x6a: {  	_ =	shalt  }
0x6b: {  	_ =	shalt  }
0x6c: {  	_ =	shalt  }
0x6d: {  	_ =	shalt  }
0x6e: {  	_ =	shalt  }
0x6f: {  	_ =	shalt  }
0x70: {  	_ =	shalt  }
0x71: {  	_ =	shalt  }
0x72: {  	_ =	shalt  }
0x73: {  	_ =	shalt  }
0x74: {  	_ =	shalt  }
0x75: {  	_ =	shalt  }
0x76: {  	_ =	shalt  }
0x77: {  	_ =	shalt  }
0x78: {  	_ =	shalt  }
0x79: {  	_ =	shalt  }
0x7a: {  	_ =	shalt  }
0x7b: {  	_ =	shalt  }
0x7c: {  	_ =	shalt  }
0x7d: {  	_ =	shalt  }
0x7e: {  	_ =	shalt  }
0x7f: {  	_ =	shalt  }
0x80: {  	_ =	shalt  }
0x81: {  	_ =	shalt  }
0x82: {  	_ =	shalt  }
0x83: {  	_ =	shalt  }
0x84: {  	_ =	shalt  }
0x85: {  	_ =	shalt  }
0x86: {  	_ =	shalt  }
0x87: {  	_ =	shalt  }
.Lfunc_end0:
.L_simem_size_0:
called_computation_lowered:
.L_overlay_start_0:
0x88: {  	s2 =	sld [smem:$0x3FD9]  }
0x89: {  	s3 =	sld [smem:$0x3FFE];
	_ =	sdelay $0x1  }
0x8a: {  	s1 =	srdreg.scid  }
0x8b: {  	s0 =	sand.u32 $0x1, s1  }
0x8c: {  	s18 =	sshll.u32 s0, $0xA;
	s2 =	sadd.s32 s3, s2  }
0x8d: {  	s2 =	sadd.s32 s2, s18  }
0x8e: {  	[smem:$0x3FC6] =	sst s2  }
0x8f: {  	_ = 	snop  }
0x90: {  	s2 =	sld [smem:$0x3FC9]  }
0x91: {  	s19 =	sld [smem:$0x3FC8]  }
0x92: {  	s4 =	sld [smem:$0x3FD0];
	(tm) =	ssettm $0x1  }
0x93: {  	s5 =	sld [smem:$0x3FFB];
	_ =	sdelay $0x3  }
0x94: {  	_ =	strace s5  }
0x95: {  	s5 =	sld [smem:$0x3FFC];
	_ =	sdelay $0x3  }
0x96: {  	_ =	strace s5  }
0x97: {  	s5 =	sld [smem:$0x3FFD];
	_ =	sdelay $0x3  }
0x98: {  	_ =	strace s5  }
0x99: {  	_ =	strace $0x8FFFFFFF  }
0x9a: {  	s20 =	sld [smem:$0x3FDB];
	_ =	sdelay $0x1  }
0x9b: {  	s6 =	simm.s32 $_scs_section_size  }
0x9c: {  	s7 =	simm.s32 $_size__tile_overlayer_lowered;
	s8 =	simm.s32 $_tile_overlayer_lowered  }
0x9d: {  	s23 =	simm.s32 $0x1BFF;
	s22 =	sshll.u32 s8, $0x1;
	s5 =	sadd.s32 s6, s20  }
0x9e: {  	s9 =	simm.s32 $0x0;
	s21 =	sshll.u32 s7, $0x1;
	s7 =	sadd.s32 s22, s5  }
0x9f: {  	[timem:s9], [sflag:s23] =	dma.local [hbm:s7], s21  }
0xa0: {  	_ =	swait.ge [sflag:s23], s21  }
0xa1: {  	s6 =	ssub.s32 $0x0, s21;
	[sflag:s23] =	ssyncset.done $0x0  }
0xa2: {  	[sflag:s23] =	ssyncadd.s32 s6;
	_ =	sdelay $0x1  }
0xa3: {  	s24 =	simm.s32 $0x1B8B  }
0xa4: {  	_ =	swait.ge [sflag:s24], $0x1  }
0xa5: {  	[sflag:s24] =	ssyncset.done $0x0  }
0xa6: {  	s25 =	simm.s32 $0x1B8E;
	[sflag:s24] =	ssyncadd.s32 $0xFFFFFFFF  }
0xa7: {  	s26 =	simm.s32 $execute0_lowered;
	[smem:$0x3FD2] =	sst s25  }
0xa8: {  	s6 =	sshll.u32 s26, $0x1;
	_ =	strace $0x80000046;
	[dreg:$0x1] =	wrdreg $0xFFFFFFFF  }
0xa9: {  	s28 =	simm.s32 $_size_execute0_lowered;
	s5 =	sadd.s32 s5, s6;
	[dreg:$0x0] =	wrdreg $0x0  }
0xaa: {  	s6 =	sshll.u32 s28, $0x1;
	[dreg:$0x2] =	wrdreg s5  }
0xab: {  	[dreg:$0x3] =	wrdreg s6  }
0xac: {  	[dreg:$0x4] =	wrdreg $0xC0  }
0xad: {  	_ =	task [dreg:s9], $0x5FFFF  }
0xae: {  	[dreg:$0x1] =	wrdreg $0xFFFFFFFF  }
0xaf: {  	[dreg:$0x0] =	wrdreg $0x60  }
0xb0: {  	[dreg:$0x2] =	wrdreg s2  }
0xb1: {  	[dreg:$0x3] =	wrdreg s19  }
0xb2: {  	[dreg:$0x4] =	wrdreg s4  }
0xb3: {  	[dreg:$0x5] =	wrdreg $0x9  }
0xb4: {  	_ =	task.clear_ibuf [dreg:s9], $0x6FFFF;
	_ =	strace $0x90000046  }
0xb5: {  	s29 =	simm.s32 $0x9;
	_ =	strace $0x80000048  }
0xb6: {  	_ =	swait.ge [sflag:s29], $0x1  }
0xb7: {  	[sflag:s29] =	ssyncadd.s32 $0xFFFFFFFF  }
0xb8: {  	_ =	strace $0x90000048  }
0xb9: {  	_ =	sfence  }
0xba: {  	s30 =	sld [smem:$0x0];
	_ =	sdelay $0x2  }
0xbb: {  	s31 =	sshll.u32 s1, $0xD;
	s1 =	sshrl.u32 s1, $0x2  }
0xbc: {  	s3 =	sand.u32 $0x4000, s31;
	s1 =	sadd.s32 s1, s30  }
0xbd: {  	s0 =	sor.u32 s3, s0;
	s1 =	sshll.u32 s1, $0x11  }
0xbe: {  	s0 =	sor.u32 s1, s0  }
0xbf: {  	s0 =	sadd.s32 $0x8F2B, s0  }
0xc0: {  	[sflag:s0] =	ssyncadd.remote.s32 $0x1  }
0xc1: {  	_ =	sfence.sel $0xFFFF  }
0xc2: {  	[dreg:$0x0] =	wrdreg $0xFFFFFFFF;
	(pc) =	sbr.abs _section_cstart, $3  }
0xc3: {  	[dreg:$0x1] =	wrdreg $0xFFFFFFFF  }
0xc4: {  	_ =	task.clear_ibuf [dreg:s9], $0x2FFFF;
	_ =	strace $0x9FFFFFFF  }
0xc5: {  	(tm) =	ssettm $0x7FFFFFFF  }
tec
execute0_lowered:
.L_overlay_start_1:
0x0: {  	(tag) =	ssettag $0x1  }
0x1: {  	s0 =	rddreg [dreg:$0x0]  }
0x2: {  	s2 =	rddreg [dreg:$0x1]  }
0x3: {  	s1 =	rddreg [dreg:$0x2]  }
0x4: {  	s4 =	srdreg.scid;
	s5 =	stileid.u32  }
0x5: {  	s3 =	simm.s32 $0x0;
	s17 =	simm.s32 $0x400;
	s18 =	simm.s32 $0x20000  }
0x6: {  	s28 =	simm.s32 $0x80;
	s29 =	simm.s32 $0x3000;
	s30 =	simm.s32 $0x2  }
0x7: {  	s31 =	simm.s32 $0x7000;
	s19 =	simm.s32 $0x0;
	s4 =	sand.u32 $0x1, s4  }
0x8: {  	s5 =	sshll.u32 s5, $0x1;
	[smem:$0x7FF] =	sst s3;
	s6 =	ssub.s32 $0x2, s4  }
0x9: {  	s5 =	sor.u32 s4, s5;
	_ =	strace $0x80000047;
	s20 =	sshrl.u32 s6, $0x1  }
0xa: {  	s7 =	sshll.u32 s5, $0x9;
	s22 =	sshll.u32 s5, $0xD;
	s5 =	simm.s32 $0x4  }
0xb: {  	s9 =	ssub.s32 s6, s20;
	s4 =	sadd.s32 s0, s7;
	s13 =	sor.u32 $0x80, s7  }
0xc: {  	s14 =	sor.u32 $0x100, s7;
	s7 =	sor.u32 $0x180, s7;
	s12 =	sadd.s32 s1, s22  }
0xd: {  	s22 =	simm.s32 $0x1800;
	s21 =	sadd.s32 $0x8000, s4;
	s6 =	sadd.s32 s0, s13  }
0xe: {  	s24 =	sshll.u32 s13, $0x4;
	s25 =	sshll.u32 s14, $0x4;
	s26 =	sshll.u32 s7, $0x4  }
0xf: {  	s16 =	smax.u32 s9, $0x1;
	s9 =	simm.s32 $0x5;
	[dreg:$0x4] =	wrdreg s21  }
0x10: {  	s8 =	sadd.s32 $0x8000, s6;
	s13 =	sadd.s32 s1, s24;
	s15 =	sadd.s32 s1, s26  }
0x11: {  	s24 =	simm.s32 $0x2400;
	[dreg:$0x5] =	wrdreg s8;
	s8 =	sadd.s32 s0, s14  }
0x12: {  	s26 =	simm.s32 $0x1;
	s14 =	sadd.s32 s1, s25;
	s10 =	sadd.s32 $0x8000, s8  }
0x13: {  	s25 =	simm.s32 $0x2C00;
	[dreg:$0x6] =	wrdreg s10;
	s10 =	sadd.s32 s0, s7  }
0x14: {  	s1 =	simm.s32 $0xB000;
	s0 =	simm.s32 $0x3;
	s23 =	sadd.s32 $0x8000, s10  }
0x15: {  	v0 =	vimm.f32 $0.0e+00;
	s7 =	simm.s32 $0xF000;
	[dreg:$0x7] =	wrdreg s23;
	s23 =	simm.s32 $0x2000  }
.LBB2_1:
0x16: {  	[tilespmem:s3], [sflag:$0x1] =	stream.strided.gather [hbm4b:s4+s17], $0x800, s18, s17, $0x38;
	[tilespmem:$0x13000] =	vst v63  }
0x17: {  	s11 =	rddreg [dreg:$0x4];
	s20 =	simm.s32 $0x800  }
0x18: {  	[tilespmem:s20], [sflag:$0x1] =	stream.linear.gather [hbm4b:s11+s3], $0x200, $0x38;
	[tilespmem:$0x13000] =	vst v63  }
0x19: {  	s21 =	simm.s32 $0xC00  }
0x1a: {  	[tilespmem:s21], [sflag:$0x2] =	stream.strided.gather [hbm4b:s6+s17], $0x800, s18, s17, $0x38;
	[tilespmem:$0x13000] =	vst v63  }
0x1b: {  	s20 =	rddreg [dreg:$0x5];
	s21 =	simm.s32 $0x1400  }
0x1c: {  	[tilespmem:s21], [sflag:$0x2] =	stream.linear.gather [hbm4b:s20+s3], $0x200, $0x38;
	[tilespmem:$0x13000] =	vst v63  }
0x1d: {  	_ = 	snop  }
0x1e: {  	[tilespmem:s22], [sflag:$0x3] =	stream.strided.gather [hbm4b:s8+s17], $0x800, s18, s17, $0x38;
	[tilespmem:$0x13000] =	vst v63  }
0x1f: {  	s20 =	rddreg [dreg:$0x6]  }
0x20: {  	[tilespmem:s23], [sflag:$0x3] =	stream.linear.gather [hbm4b:s20+s3], $0x200, $0x38;
	[tilespmem:$0x13000] =	vst v63  }
0x21: {  	_ = 	snop  }
0x22: {  	[tilespmem:s24], [sflag:$0x4] =	stream.strided.gather [hbm4b:s10+s17], $0x800, s18, s17, $0x38;
	[tilespmem:$0x13000] =	vst v63  }
0x23: {  	s21 =	rddreg [dreg:$0x7]  }
0x24: {  	[tilespmem:s25], [sflag:$0x4] =	stream.linear.gather [hbm4b:s21+s3], $0x200, $0x38;
	[tilespmem:$0x13000] =	vst v63  }
0x25: {  	s20 =	simm.s32 $0x0;
	s21 =	simm.s32 $0x200  }
.LBB2_2:
0x26: {  	p0 =	sne.s32 s21, $0xFE00;
	[tilespmem:s20+$0x3070] =	vst v0  }
0x27: {  	[tilespmem:s20+$0x3000] =	vst v0  }
0x28: {  	[tilespmem:s20+$0x3010] =	vst v0  }
.Ltmp0:
0x29: {  	[tilespmem:s20+$0x3020] =	vst v0;
	(pc) =	sbr.rel @p0 .LBB2_2-.Ltmp0, $4  }
0x2a: {  	[tilespmem:s20+$0x3030] =	vst v0  }
0x2b: {  	[tilespmem:s20+$0x3040] =	vst v0  }
0x2c: {  	[tilespmem:s20+$0x3050] =	vst v0  }
0x2d: {  	[tilespmem:s20+$0x3060] =	vst v0;
	s20 =	sshra.s32 s21, $0x2;
	s21 =	sadd.s32 $0x200, s21  }
0x2e: {  	[tilespmem:s20+$0x3070] =	vst v0  }
0x2f: {  	[tilespmem:s20+$0x3000] =	vst v0  }
0x30: {  	[tilespmem:s20+$0x3010] =	vst v0  }
0x31: {  	[tilespmem:s20+$0x3020] =	vst v0  }
0x32: {  	[tilespmem:s20+$0x3030] =	vst v0  }
0x33: {  	[tilespmem:s20+$0x3040] =	vst v0  }
0x34: {  	[tilespmem:s20+$0x3050] =	vst v0  }
0x35: {  	[tilespmem:s20+$0x3060] =	vst v0  }
0x36: {  	_ =	swait.ge [sflag:s26], $0xA00  }
0x37: {  	[sflag:s26] =	ssyncset.done $0x0  }
0x38: {  	s11 =	simm.s32 $0x0;
	[sflag:s26] =	ssyncadd.s32 $0xFFFFF600  }
0x39: {  	[tilespmem:s29], [sflag:$0x1] =	stream.indirect.gather.add.f32 [hbm:s2], $0x80, s11, s28, $0xb8;
	[tilespmem:$0x13000] =	vst v63  }
0x3a: {  	_ = 	snop  }
0x3b: {  	[tilespmem:s29], [sflag:$0x1] =	stream.indirect.gather.add.f32 [hbm:s2], $0x80, s28, s28, $0xb8;
	[tilespmem:$0x13000] =	vst v63  }
0x3c: {  	s11 =	simm.s32 $0x100  }
0x3d: {  	[tilespmem:s29], [sflag:$0x1] =	stream.indirect.gather.add.f32 [hbm:s2], $0x80, s11, s28, $0xb8;
	[tilespmem:$0x13000] =	vst v63  }
0x3e: {  	s20 =	simm.s32 $0x180  }
0x3f: {  	[tilespmem:s29], [sflag:$0x1] =	stream.indirect.gather.add.f32 [hbm:s2], $0x80, s20, s28, $0xb8;
	[tilespmem:$0x13000] =	vst v63  }
0x40: {  	s21 =	simm.s32 $0x200  }
0x41: {  	[tilespmem:s29], [sflag:$0x1] =	stream.indirect.gather.add.f32 [hbm:s2], $0x80, s21, s28, $0xb8;
	[tilespmem:$0x13000] =	vst v63  }
0x42: {  	s20 =	simm.s32 $0x280  }
0x43: {  	[tilespmem:s29], [sflag:$0x1] =	stream.indirect.gather.add.f32 [hbm:s2], $0x80, s20, s28, $0xb8;
	[tilespmem:$0x13000] =	vst v63  }
0x44: {  	s21 =	simm.s32 $0x300  }
0x45: {  	[tilespmem:s29], [sflag:$0x1] =	stream.indirect.gather.add.f32 [hbm:s2], $0x80, s21, s28, $0xb8;
	[tilespmem:$0x13000] =	vst v63  }
0x46: {  	s20 =	simm.s32 $0x380  }
0x47: {  	[tilespmem:s29], [sflag:$0x1] =	stream.indirect.gather.add.f32 [hbm:s2], $0x80, s20, s28, $0xb8;
	[tilespmem:$0x13000] =	vst v63  }
0x48: {  	_ = 	snop  }
0x49: {  	[tilespmem:s29], [sflag:$0x1] =	stream.indirect.gather.add.f32 [hbm:s2], $0x80, s17, s28, $0xb8;
	[tilespmem:$0x13000] =	vst v63  }
0x4a: {  	s21 =	simm.s32 $0x480  }
0x4b: {  	[tilespmem:s29], [sflag:$0x1] =	stream.indirect.gather.add.f32 [hbm:s2], $0x80, s21, s28, $0xb8;
	[tilespmem:$0x13000] =	vst v63  }
0x4c: {  	s20 =	simm.s32 $0x500  }
0x4d: {  	[tilespmem:s29], [sflag:$0x1] =	stream.indirect.gather.add.f32 [hbm:s2], $0x80, s20, s28, $0xb8;
	[tilespmem:$0x13000] =	vst v63  }
0x4e: {  	s21 =	simm.s32 $0x580  }
0x4f: {  	[tilespmem:s29], [sflag:$0x1] =	stream.indirect.gather.add.f32 [hbm:s2], $0x80, s21, s28, $0xb8;
	[tilespmem:$0x13000] =	vst v63  }
0x50: {  	s20 =	simm.s32 $0x600  }
0x51: {  	[tilespmem:s29], [sflag:$0x1] =	stream.indirect.gather.add.f32 [hbm:s2], $0x80, s20, s28, $0xb8;
	[tilespmem:$0x13000] =	vst v63  }
0x52: {  	s21 =	simm.s32 $0x680  }
0x53: {  	[tilespmem:s29], [sflag:$0x1] =	stream.indirect.gather.add.f32 [hbm:s2], $0x80, s21, s28, $0xb8;
	[tilespmem:$0x13000] =	vst v63  }
0x54: {  	s20 =	simm.s32 $0x700  }
0x55: {  	[tilespmem:s29], [sflag:$0x1] =	stream.indirect.gather.add.f32 [hbm:s2], $0x80, s20, s28, $0xb8;
	[tilespmem:$0x13000] =	vst v63  }
0x56: {  	s21 =	simm.s32 $0x780  }
0x57: {  	[tilespmem:s29], [sflag:$0x1] =	stream.indirect.gather.add.f32 [hbm:s2], $0x80, s21, s28, $0xb8;
	[tilespmem:$0x13000] =	vst v63  }
0x58: {  	s20 =	simm.s32 $0x800  }
0x59: {  	[tilespmem:s29], [sflag:$0x1] =	stream.indirect.gather.add.f32 [hbm:s2], $0x80, s20, s28, $0xb8;
	[tilespmem:$0x13000] =	vst v63  }
0x5a: {  	s21 =	simm.s32 $0x880  }
0x5b: {  	[tilespmem:s29], [sflag:$0x1] =	stream.indirect.gather.add.f32 [hbm:s2], $0x80, s21, s28, $0xb8;
	[tilespmem:$0x13000] =	vst v63  }
0x5c: {  	s20 =	simm.s32 $0x900  }
0x5d: {  	[tilespmem:s29], [sflag:$0x1] =	stream.indirect.gather.add.f32 [hbm:s2], $0x80, s20, s28, $0xb8;
	[tilespmem:$0x13000] =	vst v63  }
0x5e: {  	s21 =	simm.s32 $0x980  }
0x5f: {  	[tilespmem:s29], [sflag:$0x1] =	stream.indirect.gather.add.f32 [hbm:s2], $0x80, s21, s28, $0xb8;
	[tilespmem:$0x13000] =	vst v63  }
0x60: {  	s20 =	simm.s32 $0x0;
	s21 =	simm.s32 $0x200  }
.LBB2_4:
0x61: {  	p0 =	sne.s32 s21, $0xFE00;
	[tilespmem:s20+$0x7070] =	vst v0  }
0x62: {  	[tilespmem:s20+$0x7000] =	vst v0  }
0x63: {  	[tilespmem:s20+$0x7010] =	vst v0  }
.Ltmp1:
0x64: {  	[tilespmem:s20+$0x7020] =	vst v0;
	(pc) =	sbr.rel @p0 .LBB2_4-.Ltmp1, $4  }
0x65: {  	[tilespmem:s20+$0x7030] =	vst v0  }
0x66: {  	[tilespmem:s20+$0x7040] =	vst v0  }
0x67: {  	[tilespmem:s20+$0x7050] =	vst v0  }
0x68: {  	[tilespmem:s20+$0x7060] =	vst v0;
	s20 =	sshra.s32 s21, $0x2;
	s21 =	sadd.s32 $0x200, s21  }
0x69: {  	[tilespmem:s20+$0x7070] =	vst v0  }
0x6a: {  	[tilespmem:s20+$0x7000] =	vst v0  }
0x6b: {  	[tilespmem:s20+$0x7010] =	vst v0  }
0x6c: {  	[tilespmem:s20+$0x7020] =	vst v0  }
0x6d: {  	[tilespmem:s20+$0x7030] =	vst v0  }
0x6e: {  	[tilespmem:s20+$0x7040] =	vst v0  }
0x6f: {  	[tilespmem:s20+$0x7050] =	vst v0  }
0x70: {  	[tilespmem:s20+$0x7060] =	vst v0  }
0x71: {  	_ =	swait.ge [sflag:s30], $0xA00  }
0x72: {  	[sflag:s30] =	ssyncset.done $0x0  }
0x73: {  	s11 =	simm.s32 $0xC00;
	[sflag:s30] =	ssyncadd.s32 $0xFFFFF600  }
0x74: {  	[tilespmem:s31], [sflag:$0x2] =	stream.indirect.gather.add.f32 [hbm:s2], $0x80, s11, s28, $0xb8;
	[tilespmem:$0x13000] =	vst v63  }
0x75: {  	s21 =	simm.s32 $0xC80  }
0x76: {  	[tilespmem:s31], [sflag:$0x2] =	stream.indirect.gather.add.f32 [hbm:s2], $0x80, s21, s28, $0xb8;
	[tilespmem:$0x13000] =	vst v63  }
0x77: {  	s20 =	simm.s32 $0xD00  }
0x78: {  	[tilespmem:s31], [sflag:$0x2] =	stream.indirect.gather.add.f32 [hbm:s2], $0x80, s20, s28, $0xb8;
	[tilespmem:$0x13000] =	vst v63  }
0x79: {  	s21 =	simm.s32 $0xD80  }
0x7a: {  	[tilespmem:s31], [sflag:$0x2] =	stream.indirect.gather.add.f32 [hbm:s2], $0x80, s21, s28, $0xb8;
	[tilespmem:$0x13000] =	vst v63  }
0x7b: {  	s20 =	simm.s32 $0xE00  }
0x7c: {  	[tilespmem:s31], [sflag:$0x2] =	stream.indirect.gather.add.f32 [hbm:s2], $0x80, s20, s28, $0xb8;
	[tilespmem:$0x13000] =	vst v63  }
0x7d: {  	s21 =	simm.s32 $0xE80  }
0x7e: {  	[tilespmem:s31], [sflag:$0x2] =	stream.indirect.gather.add.f32 [hbm:s2], $0x80, s21, s28, $0xb8;
	[tilespmem:$0x13000] =	vst v63  }
0x7f: {  	s20 =	simm.s32 $0xF00  }
0x80: {  	[tilespmem:s31], [sflag:$0x2] =	stream.indirect.gather.add.f32 [hbm:s2], $0x80, s20, s28, $0xb8;
	[tilespmem:$0x13000] =	vst v63  }
0x81: {  	s21 =	simm.s32 $0xF80  }
0x82: {  	[tilespmem:s31], [sflag:$0x2] =	stream.indirect.gather.add.f32 [hbm:s2], $0x80, s21, s28, $0xb8;
	[tilespmem:$0x13000] =	vst v63  }
0x83: {  	s20 =	simm.s32 $0x1000  }
0x84: {  	[tilespmem:s31], [sflag:$0x2] =	stream.indirect.gather.add.f32 [hbm:s2], $0x80, s20, s28, $0xb8;
	[tilespmem:$0x13000] =	vst v63  }
0x85: {  	s21 =	simm.s32 $0x1080  }
0x86: {  	[tilespmem:s31], [sflag:$0x2] =	stream.indirect.gather.add.f32 [hbm:s2], $0x80, s21, s28, $0xb8;
	[tilespmem:$0x13000] =	vst v63  }
0x87: {  	s20 =	simm.s32 $0x1100  }
0x88: {  	[tilespmem:s31], [sflag:$0x2] =	stream.indirect.gather.add.f32 [hbm:s2], $0x80, s20, s28, $0xb8;
	[tilespmem:$0x13000] =	vst v63  }
0x89: {  	s21 =	simm.s32 $0x1180  }
0x8a: {  	[tilespmem:s31], [sflag:$0x2] =	stream.indirect.gather.add.f32 [hbm:s2], $0x80, s21, s28, $0xb8;
	[tilespmem:$0x13000] =	vst v63  }
0x8b: {  	s20 =	simm.s32 $0x1200  }
0x8c: {  	[tilespmem:s31], [sflag:$0x2] =	stream.indirect.gather.add.f32 [hbm:s2], $0x80, s20, s28, $0xb8;
	[tilespmem:$0x13000] =	vst v63  }
0x8d: {  	s21 =	simm.s32 $0x1280  }
0x8e: {  	[tilespmem:s31], [sflag:$0x2] =	stream.indirect.gather.add.f32 [hbm:s2], $0x80, s21, s28, $0xb8;
	[tilespmem:$0x13000] =	vst v63  }
0x8f: {  	s20 =	simm.s32 $0x1300  }
0x90: {  	[tilespmem:s31], [sflag:$0x2] =	stream.indirect.gather.add.f32 [hbm:s2], $0x80, s20, s28, $0xb8;
	[tilespmem:$0x13000] =	vst v63  }
0x91: {  	s21 =	simm.s32 $0x1380  }
0x92: {  	[tilespmem:s31], [sflag:$0x2] =	stream.indirect.gather.add.f32 [hbm:s2], $0x80, s21, s28, $0xb8;
	[tilespmem:$0x13000] =	vst v63  }
0x93: {  	s20 =	simm.s32 $0x1400  }
0x94: {  	[tilespmem:s31], [sflag:$0x2] =	stream.indirect.gather.add.f32 [hbm:s2], $0x80, s20, s28, $0xb8;
	[tilespmem:$0x13000] =	vst v63  }
0x95: {  	s21 =	simm.s32 $0x1480  }
0x96: {  	[tilespmem:s31], [sflag:$0x2] =	stream.indirect.gather.add.f32 [hbm:s2], $0x80, s21, s28, $0xb8;
	[tilespmem:$0x13000] =	vst v63  }
0x97: {  	s20 =	simm.s32 $0x1500  }
0x98: {  	[tilespmem:s31], [sflag:$0x2] =	stream.indirect.gather.add.f32 [hbm:s2], $0x80, s20, s28, $0xb8;
	[tilespmem:$0x13000] =	vst v63  }
0x99: {  	s21 =	simm.s32 $0x1580  }
0x9a: {  	[tilespmem:s31], [sflag:$0x2] =	stream.indirect.gather.add.f32 [hbm:s2], $0x80, s21, s28, $0xb8;
	[tilespmem:$0x13000] =	vst v63  }
0x9b: {  	s20 =	simm.s32 $0x0;
	s21 =	simm.s32 $0x200  }
.LBB2_6:
0x9c: {  	p0 =	sne.s32 s21, $0xFE00;
	[tilespmem:s20+$0xB070] =	vst v0  }
0x9d: {  	[tilespmem:s20+$0xB000] =	vst v0  }
0x9e: {  	[tilespmem:s20+$0xB010] =	vst v0  }
.Ltmp2:
0x9f: {  	[tilespmem:s20+$0xB020] =	vst v0;
	(pc) =	sbr.rel @p0 .LBB2_6-.Ltmp2, $4  }
0xa0: {  	[tilespmem:s20+$0xB030] =	vst v0  }
0xa1: {  	[tilespmem:s20+$0xB040] =	vst v0  }
0xa2: {  	[tilespmem:s20+$0xB050] =	vst v0  }
0xa3: {  	[tilespmem:s20+$0xB060] =	vst v0;
	s20 =	sshra.s32 s21, $0x2;
	s21 =	sadd.s32 $0x200, s21  }
0xa4: {  	[tilespmem:s20+$0xB070] =	vst v0  }
0xa5: {  	[tilespmem:s20+$0xB000] =	vst v0  }
0xa6: {  	[tilespmem:s20+$0xB010] =	vst v0  }
0xa7: {  	[tilespmem:s20+$0xB020] =	vst v0  }
0xa8: {  	[tilespmem:s20+$0xB030] =	vst v0  }
0xa9: {  	[tilespmem:s20+$0xB040] =	vst v0  }
0xaa: {  	[tilespmem:s20+$0xB050] =	vst v0  }
0xab: {  	[tilespmem:s20+$0xB060] =	vst v0  }
0xac: {  	_ =	swait.ge [sflag:s0], $0xA00  }
0xad: {  	[sflag:s0] =	ssyncset.done $0x0  }
0xae: {  	[sflag:s0] =	ssyncadd.s32 $0xFFFFF600  }
0xaf: {  	[tilespmem:s1], [sflag:$0x3] =	stream.indirect.gather.add.f32 [hbm:s2], $0x80, s22, s28, $0xb8;
	[tilespmem:$0x13000] =	vst v63  }
0xb0: {  	s11 =	simm.s32 $0x1880  }
0xb1: {  	[tilespmem:s1], [sflag:$0x3] =	stream.indirect.gather.add.f32 [hbm:s2], $0x80, s11, s28, $0xb8;
	[tilespmem:$0x13000] =	vst v63  }
0xb2: {  	s21 =	simm.s32 $0x1900  }
0xb3: {  	[tilespmem:s1], [sflag:$0x3] =	stream.indirect.gather.add.f32 [hbm:s2], $0x80, s21, s28, $0xb8;
	[tilespmem:$0x13000] =	vst v63  }
0xb4: {  	s20 =	simm.s32 $0x1980  }
0xb5: {  	[tilespmem:s1], [sflag:$0x3] =	stream.indirect.gather.add.f32 [hbm:s2], $0x80, s20, s28, $0xb8;
	[tilespmem:$0x13000] =	vst v63  }
0xb6: {  	s21 =	simm.s32 $0x1A00  }
0xb7: {  	[tilespmem:s1], [sflag:$0x3] =	stream.indirect.gather.add.f32 [hbm:s2], $0x80, s21, s28, $0xb8;
	[tilespmem:$0x13000] =	vst v63  }
0xb8: {  	s20 =	simm.s32 $0x1A80  }
0xb9: {  	[tilespmem:s1], [sflag:$0x3] =	stream.indirect.gather.add.f32 [hbm:s2], $0x80, s20, s28, $0xb8;
	[tilespmem:$0x13000] =	vst v63  }
0xba: {  	s21 =	simm.s32 $0x1B00  }
0xbb: {  	[tilespmem:s1], [sflag:$0x3] =	stream.indirect.gather.add.f32 [hbm:s2], $0x80, s21, s28, $0xb8;
	[tilespmem:$0x13000] =	vst v63  }
0xbc: {  	s20 =	simm.s32 $0x1B80  }
0xbd: {  	[tilespmem:s1], [sflag:$0x3] =	stream.indirect.gather.add.f32 [hbm:s2], $0x80, s20, s28, $0xb8;
	[tilespmem:$0x13000] =	vst v63  }
0xbe: {  	s21 =	simm.s32 $0x1C00  }
0xbf: {  	[tilespmem:s1], [sflag:$0x3] =	stream.indirect.gather.add.f32 [hbm:s2], $0x80, s21, s28, $0xb8;
	[tilespmem:$0x13000] =	vst v63  }
0xc0: {  	s20 =	simm.s32 $0x1C80  }
0xc1: {  	[tilespmem:s1], [sflag:$0x3] =	stream.indirect.gather.add.f32 [hbm:s2], $0x80, s20, s28, $0xb8;
	[tilespmem:$0x13000] =	vst v63  }
0xc2: {  	s21 =	simm.s32 $0x1D00  }
0xc3: {  	[tilespmem:s1], [sflag:$0x3] =	stream.indirect.gather.add.f32 [hbm:s2], $0x80, s21, s28, $0xb8;
	[tilespmem:$0x13000] =	vst v63  }
0xc4: {  	s20 =	simm.s32 $0x1D80  }
0xc5: {  	[tilespmem:s1], [sflag:$0x3] =	stream.indirect.gather.add.f32 [hbm:s2], $0x80, s20, s28, $0xb8;
	[tilespmem:$0x13000] =	vst v63  }
0xc6: {  	s21 =	simm.s32 $0x1E00  }
0xc7: {  	[tilespmem:s1], [sflag:$0x3] =	stream.indirect.gather.add.f32 [hbm:s2], $0x80, s21, s28, $0xb8;
	[tilespmem:$0x13000] =	vst v63  }
0xc8: {  	s20 =	simm.s32 $0x1E80  }
0xc9: {  	[tilespmem:s1], [sflag:$0x3] =	stream.indirect.gather.add.f32 [hbm:s2], $0x80, s20, s28, $0xb8;
	[tilespmem:$0x13000] =	vst v63  }
0xca: {  	s21 =	simm.s32 $0x1F00  }
0xcb: {  	[tilespmem:s1], [sflag:$0x3] =	stream.indirect.gather.add.f32 [hbm:s2], $0x80, s21, s28, $0xb8;
	[tilespmem:$0x13000] =	vst v63  }
0xcc: {  	s20 =	simm.s32 $0x1F80  }
0xcd: {  	[tilespmem:s1], [sflag:$0x3] =	stream.indirect.gather.add.f32 [hbm:s2], $0x80, s20, s28, $0xb8;
	[tilespmem:$0x13000] =	vst v63  }
0xce: {  	_ = 	snop  }
0xcf: {  	[tilespmem:s1], [sflag:$0x3] =	stream.indirect.gather.add.f32 [hbm:s2], $0x80, s23, s28, $0xb8;
	[tilespmem:$0x13000] =	vst v63  }
0xd0: {  	s21 =	simm.s32 $0x2080  }
0xd1: {  	[tilespmem:s1], [sflag:$0x3] =	stream.indirect.gather.add.f32 [hbm:s2], $0x80, s21, s28, $0xb8;
	[tilespmem:$0x13000] =	vst v63  }
0xd2: {  	s20 =	simm.s32 $0x2100  }
0xd3: {  	[tilespmem:s1], [sflag:$0x3] =	stream.indirect.gather.add.f32 [hbm:s2], $0x80, s20, s28, $0xb8;
	[tilespmem:$0x13000] =	vst v63  }
0xd4: {  	s21 =	simm.s32 $0x2180  }
0xd5: {  	[tilespmem:s1], [sflag:$0x3] =	stream.indirect.gather.add.f32 [hbm:s2], $0x80, s21, s28, $0xb8;
	[tilespmem:$0x13000] =	vst v63  }
0xd6: {  	s20 =	simm.s32 $0x0;
	s21 =	simm.s32 $0x200  }
.LBB2_8:
0xd7: {  	p0 =	sne.s32 s21, $0xFE00;
	[tilespmem:s20+$0xF070] =	vst v0  }
0xd8: {  	[tilespmem:s20+$0xF000] =	vst v0  }
0xd9: {  	[tilespmem:s20+$0xF010] =	vst v0  }
.Ltmp3:
0xda: {  	[tilespmem:s20+$0xF020] =	vst v0;
	(pc) =	sbr.rel @p0 .LBB2_8-.Ltmp3, $4  }
0xdb: {  	[tilespmem:s20+$0xF030] =	vst v0  }
0xdc: {  	[tilespmem:s20+$0xF040] =	vst v0  }
0xdd: {  	[tilespmem:s20+$0xF050] =	vst v0  }
0xde: {  	[tilespmem:s20+$0xF060] =	vst v0;
	s20 =	sshra.s32 s21, $0x2;
	s21 =	sadd.s32 $0x200, s21  }
0xdf: {  	[tilespmem:s20+$0xF070] =	vst v0  }
0xe0: {  	[tilespmem:s20+$0xF000] =	vst v0  }
0xe1: {  	[tilespmem:s20+$0xF010] =	vst v0  }
0xe2: {  	[tilespmem:s20+$0xF020] =	vst v0  }
0xe3: {  	[tilespmem:s20+$0xF030] =	vst v0  }
0xe4: {  	[tilespmem:s20+$0xF040] =	vst v0  }
0xe5: {  	[tilespmem:s20+$0xF050] =	vst v0  }
0xe6: {  	[tilespmem:s20+$0xF060] =	vst v0  }
0xe7: {  	_ =	swait.ge [sflag:s5], $0xA00  }
0xe8: {  	[sflag:s5] =	ssyncset.done $0x0  }
0xe9: {  	[sflag:s5] =	ssyncadd.s32 $0xFFFFF600  }
0xea: {  	[tilespmem:s7], [sflag:$0x4] =	stream.indirect.gather.add.f32 [hbm:s2], $0x80, s24, s28, $0xb8;
	[tilespmem:$0x13000] =	vst v63  }
0xeb: {  	s11 =	simm.s32 $0x2480  }
0xec: {  	[tilespmem:s7], [sflag:$0x4] =	stream.indirect.gather.add.f32 [hbm:s2], $0x80, s11, s28, $0xb8;
	[tilespmem:$0x13000] =	vst v63  }
0xed: {  	s21 =	simm.s32 $0x2500  }
0xee: {  	[tilespmem:s7], [sflag:$0x4] =	stream.indirect.gather.add.f32 [hbm:s2], $0x80, s21, s28, $0xb8;
	[tilespmem:$0x13000] =	vst v63  }
0xef: {  	s20 =	simm.s32 $0x2580  }
0xf0: {  	[tilespmem:s7], [sflag:$0x4] =	stream.indirect.gather.add.f32 [hbm:s2], $0x80, s20, s28, $0xb8;
	[tilespmem:$0x13000] =	vst v63  }
0xf1: {  	s21 =	simm.s32 $0x2600  }
0xf2: {  	[tilespmem:s7], [sflag:$0x4] =	stream.indirect.gather.add.f32 [hbm:s2], $0x80, s21, s28, $0xb8;
	[tilespmem:$0x13000] =	vst v63  }
0xf3: {  	s20 =	simm.s32 $0x2680  }
0xf4: {  	[tilespmem:s7], [sflag:$0x4] =	stream.indirect.gather.add.f32 [hbm:s2], $0x80, s20, s28, $0xb8;
	[tilespmem:$0x13000] =	vst v63  }
0xf5: {  	s21 =	simm.s32 $0x2700  }
0xf6: {  	[tilespmem:s7], [sflag:$0x4] =	stream.indirect.gather.add.f32 [hbm:s2], $0x80, s21, s28, $0xb8;
	[tilespmem:$0x13000] =	vst v63  }
0xf7: {  	s20 =	simm.s32 $0x2780  }
0xf8: {  	[tilespmem:s7], [sflag:$0x4] =	stream.indirect.gather.add.f32 [hbm:s2], $0x80, s20, s28, $0xb8;
	[tilespmem:$0x13000] =	vst v63  }
0xf9: {  	s21 =	simm.s32 $0x2800  }
0xfa: {  	[tilespmem:s7], [sflag:$0x4] =	stream.indirect.gather.add.f32 [hbm:s2], $0x80, s21, s28, $0xb8;
	[tilespmem:$0x13000] =	vst v63  }
0xfb: {  	s20 =	simm.s32 $0x2880  }
0xfc: {  	[tilespmem:s7], [sflag:$0x4] =	stream.indirect.gather.add.f32 [hbm:s2], $0x80, s20, s28, $0xb8;
	[tilespmem:$0x13000] =	vst v63  }
0xfd: {  	s21 =	simm.s32 $0x2900  }
0xfe: {  	[tilespmem:s7], [sflag:$0x4] =	stream.indirect.gather.add.f32 [hbm:s2], $0x80, s21, s28, $0xb8;
	[tilespmem:$0x13000] =	vst v63  }
0xff: {  	s20 =	simm.s32 $0x2980  }
0x100: {  	[tilespmem:s7], [sflag:$0x4] =	stream.indirect.gather.add.f32 [hbm:s2], $0x80, s20, s28, $0xb8;
	[tilespmem:$0x13000] =	vst v63  }
0x101: {  	s21 =	simm.s32 $0x2A00  }
0x102: {  	[tilespmem:s7], [sflag:$0x4] =	stream.indirect.gather.add.f32 [hbm:s2], $0x80, s21, s28, $0xb8;
	[tilespmem:$0x13000] =	vst v63  }
0x103: {  	s20 =	simm.s32 $0x2A80  }
0x104: {  	[tilespmem:s7], [sflag:$0x4] =	stream.indirect.gather.add.f32 [hbm:s2], $0x80, s20, s28, $0xb8;
	[tilespmem:$0x13000] =	vst v63  }
0x105: {  	s21 =	simm.s32 $0x2B00  }
0x106: {  	[tilespmem:s7], [sflag:$0x4] =	stream.indirect.gather.add.f32 [hbm:s2], $0x80, s21, s28, $0xb8;
	[tilespmem:$0x13000] =	vst v63  }
0x107: {  	s20 =	simm.s32 $0x2B80  }
0x108: {  	[tilespmem:s7], [sflag:$0x4] =	stream.indirect.gather.add.f32 [hbm:s2], $0x80, s20, s28, $0xb8;
	[tilespmem:$0x13000] =	vst v63  }
0x109: {  	_ = 	snop  }
0x10a: {  	[tilespmem:s7], [sflag:$0x4] =	stream.indirect.gather.add.f32 [hbm:s2], $0x80, s25, s28, $0xb8;
	[tilespmem:$0x13000] =	vst v63  }
0x10b: {  	s21 =	simm.s32 $0x2C80  }
0x10c: {  	[tilespmem:s7], [sflag:$0x4] =	stream.indirect.gather.add.f32 [hbm:s2], $0x80, s21, s28, $0xb8;
	[tilespmem:$0x13000] =	vst v63  }
0x10d: {  	s20 =	simm.s32 $0x2D00  }
0x10e: {  	[tilespmem:s7], [sflag:$0x4] =	stream.indirect.gather.add.f32 [hbm:s2], $0x80, s20, s28, $0xb8;
	[tilespmem:$0x13000] =	vst v63  }
0x10f: {  	s21 =	simm.s32 $0x2D80  }
0x110: {  	[tilespmem:s7], [sflag:$0x4] =	stream.indirect.gather.add.f32 [hbm:s2], $0x80, s21, s28, $0xb8;
	[tilespmem:$0x13000] =	vst v63  }
0x111: {  	_ =	swait.ge [sflag:s26], $0x4000  }
0x112: {  	[sflag:s26] =	ssyncset.done $0x0  }
0x113: {  	[sflag:s26] =	ssyncadd.s32 $0xFFFFC000  }
0x114: {  	_ =	swait.ge [sflag:s26], $0x4000  }
0x115: {  	[sflag:s26] =	ssyncset.done $0x0  }
0x116: {  	[sflag:s26] =	ssyncadd.s32 $0xFFFFC000  }
0x117: {  	_ =	swait.ge [sflag:s26], $0x4000  }
0x118: {  	[sflag:s26] =	ssyncset.done $0x0  }
0x119: {  	[sflag:s26] =	ssyncadd.s32 $0xFFFFC000  }
0x11a: {  	_ =	swait.ge [sflag:s26], $0x4000  }
0x11b: {  	[sflag:s26] =	ssyncset.done $0x0  }
0x11c: {  	[sflag:s26] =	ssyncadd.s32 $0xFFFFC000  }
0x11d: {  	_ =	swait.ge [sflag:s26], $0x4000  }
0x11e: {  	[sflag:s26] =	ssyncset.done $0x0  }
0x11f: {  	[sflag:s26] =	ssyncadd.s32 $0xFFFFC000  }
0x120: {  	_ =	swait.ge [sflag:s26], $0x4000  }
0x121: {  	[sflag:s26] =	ssyncset.done $0x0  }
0x122: {  	[sflag:s26] =	ssyncadd.s32 $0xFFFFC000  }
0x123: {  	_ =	swait.ge [sflag:s26], $0x4000  }
0x124: {  	[sflag:s26] =	ssyncset.done $0x0  }
0x125: {  	[sflag:s26] =	ssyncadd.s32 $0xFFFFC000  }
0x126: {  	_ =	swait.ge [sflag:s26], $0x4000  }
0x127: {  	[sflag:s26] =	ssyncset.done $0x0  }
0x128: {  	[sflag:s26] =	ssyncadd.s32 $0xFFFFC000  }
0x129: {  	_ =	swait.ge [sflag:s26], $0x4000  }
0x12a: {  	[sflag:s26] =	ssyncset.done $0x0  }
0x12b: {  	[sflag:s26] =	ssyncadd.s32 $0xFFFFC000  }
0x12c: {  	_ =	swait.ge [sflag:s26], $0x4000  }
0x12d: {  	[sflag:s26] =	ssyncset.done $0x0  }
0x12e: {  	[sflag:s26] =	ssyncadd.s32 $0xFFFFC000  }
0x12f: {  	_ =	swait.ge [sflag:s26], $0x4000  }
0x130: {  	[sflag:s26] =	ssyncset.done $0x0  }
0x131: {  	[sflag:s26] =	ssyncadd.s32 $0xFFFFC000  }
0x132: {  	_ =	swait.ge [sflag:s26], $0x4000  }
0x133: {  	[sflag:s26] =	ssyncset.done $0x0  }
0x134: {  	[sflag:s26] =	ssyncadd.s32 $0xFFFFC000  }
0x135: {  	_ =	swait.ge [sflag:s26], $0x4000  }
0x136: {  	[sflag:s26] =	ssyncset.done $0x0  }
0x137: {  	[sflag:s26] =	ssyncadd.s32 $0xFFFFC000  }
0x138: {  	_ =	swait.ge [sflag:s26], $0x4000  }
0x139: {  	[sflag:s26] =	ssyncset.done $0x0  }
0x13a: {  	[sflag:s26] =	ssyncadd.s32 $0xFFFFC000  }
0x13b: {  	_ =	swait.ge [sflag:s26], $0x4000  }
0x13c: {  	[sflag:s26] =	ssyncset.done $0x0  }
0x13d: {  	[sflag:s26] =	ssyncadd.s32 $0xFFFFC000  }
0x13e: {  	_ =	swait.ge [sflag:s26], $0x4000  }
0x13f: {  	[sflag:s26] =	ssyncset.done $0x0  }
0x140: {  	[sflag:s26] =	ssyncadd.s32 $0xFFFFC000  }
0x141: {  	_ =	swait.ge [sflag:s26], $0x4000  }
0x142: {  	[sflag:s26] =	ssyncset.done $0x0  }
0x143: {  	[sflag:s26] =	ssyncadd.s32 $0xFFFFC000  }
0x144: {  	_ =	swait.ge [sflag:s26], $0x4000  }
0x145: {  	[sflag:s26] =	ssyncset.done $0x0  }
0x146: {  	[sflag:s26] =	ssyncadd.s32 $0xFFFFC000  }
0x147: {  	_ =	swait.ge [sflag:s26], $0x4000  }
0x148: {  	[sflag:s26] =	ssyncset.done $0x0  }
0x149: {  	[sflag:s26] =	ssyncadd.s32 $0xFFFFC000  }
0x14a: {  	_ =	swait.ge [sflag:s26], $0x4000  }
0x14b: {  	[sflag:s26] =	ssyncset.done $0x0  }
0x14c: {  	s20 =	simm.s32 $0x0;
	[sflag:s26] =	ssyncadd.s32 $0xFFFFC000  }
0x14d: {  	v4 =	vld [tilespmem:s20+$0x3000]  }
0x14e: {  	v6 =	vld [tilespmem:s20+$0x3010]  }
0x14f: {  	v5 =	vld [tilespmem:s20+$0x3020]  }
0x150: {  	v3 =	vld [tilespmem:s20+$0x3030]  }
0x151: {  	v1 =	vld [tilespmem:s20+$0x3040]  }
0x152: {  	v2 =	vld [tilespmem:s20+$0x3050];
	v7 =	vmul.f32 $5.000000070e-02, v4  }
0x153: {  	s21 =	simm.s32 $0x200;
	v6 =	vmul.f32 $5.000000070e-02, v6;
	v4 =	vld [tilespmem:s20+$0x3060]  }
.LBB2_10:
0x154: {  	s11 =	sshra.s32 s21, $0x2;
	p0 =	sne.s32 s21, $0xFE00;
	[tilespmem:s20+$0x3000] =	vst v7;
	v5 =	vmul.f32 $5.000000070e-02, v5;
	v7 =	vld [tilespmem:s20+$0x3070]  }
0x155: {  	v8 =	vld [tilespmem:s11+$0x3000];
	[tilespmem:s20+$0x3010] =	vst v6;
	v3 =	vmul.f32 $5.000000070e-02, v3  }
0x156: {  	v6 =	vld [tilespmem:s11+$0x3010];
	[tilespmem:s20+$0x3020] =	vst v5;
	v1 =	vmul.f32 $5.000000070e-02, v1  }
.Ltmp4:
0x157: {  	v5 =	vld [tilespmem:s11+$0x3020];
	[tilespmem:s20+$0x3030] =	vst v3;
	v2 =	vmul.f32 $5.000000070e-02, v2;
	(pc) =	sbr.rel @p0 .LBB2_10-.Ltmp4, $4  }
0x158: {  	v3 =	vld [tilespmem:s11+$0x3030];
	[tilespmem:s20+$0x3040] =	vst v1;
	v4 =	vmul.f32 $5.000000070e-02, v4  }
0x159: {  	v1 =	vld [tilespmem:s11+$0x3040];
	[tilespmem:s20+$0x3050] =	vst v2;
	v9 =	vmul.f32 $5.000000070e-02, v7  }
0x15a: {  	v7 =	vmul.f32 $5.000000070e-02, v8;
	v2 =	vld [tilespmem:s11+$0x3050];
	[tilespmem:s20+$0x3060] =	vst v4  }
0x15b: {  	s21 =	sadd.s32 $0x200, s21;
	v6 =	vmul.f32 $5.000000070e-02, v6;
	v4 =	vld [tilespmem:s11+$0x3060];
	[tilespmem:s20+$0x3070] =	vst v9;
	s20 =	smov.u32 s11  }
0x15c: {  	[tilespmem:s20+$0x3000] =	vst v7;
	v5 =	vmul.f32 $5.000000070e-02, v5;
	v7 =	vld [tilespmem:s20+$0x3070]  }
0x15d: {  	[tilespmem:s20+$0x3010] =	vst v6;
	v3 =	vmul.f32 $5.000000070e-02, v3  }
0x15e: {  	[tilespmem:s20+$0x3020] =	vst v5;
	v1 =	vmul.f32 $5.000000070e-02, v1  }
0x15f: {  	[tilespmem:s20+$0x3030] =	vst v3;
	v2 =	vmul.f32 $5.000000070e-02, v2  }
0x160: {  	[tilespmem:s20+$0x3040] =	vst v1;
	v1 =	vmul.f32 $5.000000070e-02, v4  }
0x161: {  	[tilespmem:s20+$0x3050] =	vst v2;
	v2 =	vmul.f32 $5.000000070e-02, v7  }
0x162: {  	[tilespmem:s20+$0x3060] =	vst v1  }
0x163: {  	s11 =	simm.s32 $0x0;
	[tilespmem:s20+$0x3070] =	vst v2  }
0x164: {  	[hbm4b:s12+s11] =	stream.linear.scatter [tilespmem:s29], [sflag:$0x5], $0x4000, $0x38;
	[tilespmem:$0x13000] =	vst v63  }
0x165: {  	_ =	swait.ge [sflag:s30], $0x4000  }
0x166: {  	[sflag:s30] =	ssyncset.done $0x0  }
0x167: {  	[sflag:s30] =	ssyncadd.s32 $0xFFFFC000  }
0x168: {  	_ =	swait.ge [sflag:s30], $0x4000  }
0x169: {  	[sflag:s30] =	ssyncset.done $0x0  }
0x16a: {  	[sflag:s30] =	ssyncadd.s32 $0xFFFFC000  }
0x16b: {  	_ =	swait.ge [sflag:s30], $0x4000  }
0x16c: {  	[sflag:s30] =	ssyncset.done $0x0  }
0x16d: {  	[sflag:s30] =	ssyncadd.s32 $0xFFFFC000  }
0x16e: {  	_ =	swait.ge [sflag:s30], $0x4000  }
0x16f: {  	[sflag:s30] =	ssyncset.done $0x0  }
0x170: {  	[sflag:s30] =	ssyncadd.s32 $0xFFFFC000  }
0x171: {  	_ =	swait.ge [sflag:s30], $0x4000  }
0x172: {  	[sflag:s30] =	ssyncset.done $0x0  }
0x173: {  	[sflag:s30] =	ssyncadd.s32 $0xFFFFC000  }
0x174: {  	_ =	swait.ge [sflag:s30], $0x4000  }
0x175: {  	[sflag:s30] =	ssyncset.done $0x0  }
0x176: {  	[sflag:s30] =	ssyncadd.s32 $0xFFFFC000  }
0x177: {  	_ =	swait.ge [sflag:s30], $0x4000  }
0x178: {  	[sflag:s30] =	ssyncset.done $0x0  }
0x179: {  	[sflag:s30] =	ssyncadd.s32 $0xFFFFC000  }
0x17a: {  	_ =	swait.ge [sflag:s30], $0x4000  }
0x17b: {  	[sflag:s30] =	ssyncset.done $0x0  }
0x17c: {  	[sflag:s30] =	ssyncadd.s32 $0xFFFFC000  }
0x17d: {  	_ =	swait.ge [sflag:s30], $0x4000  }
0x17e: {  	[sflag:s30] =	ssyncset.done $0x0  }
0x17f: {  	[sflag:s30] =	ssyncadd.s32 $0xFFFFC000  }
0x180: {  	_ =	swait.ge [sflag:s30], $0x4000  }
0x181: {  	[sflag:s30] =	ssyncset.done $0x0  }
0x182: {  	[sflag:s30] =	ssyncadd.s32 $0xFFFFC000  }
0x183: {  	_ =	swait.ge [sflag:s30], $0x4000  }
0x184: {  	[sflag:s30] =	ssyncset.done $0x0  }
0x185: {  	[sflag:s30] =	ssyncadd.s32 $0xFFFFC000  }
0x186: {  	_ =	swait.ge [sflag:s30], $0x4000  }
0x187: {  	[sflag:s30] =	ssyncset.done $0x0  }
0x188: {  	[sflag:s30] =	ssyncadd.s32 $0xFFFFC000  }
0x189: {  	_ =	swait.ge [sflag:s30], $0x4000  }
0x18a: {  	[sflag:s30] =	ssyncset.done $0x0  }
0x18b: {  	[sflag:s30] =	ssyncadd.s32 $0xFFFFC000  }
0x18c: {  	_ =	swait.ge [sflag:s30], $0x4000  }
0x18d: {  	[sflag:s30] =	ssyncset.done $0x0  }
0x18e: {  	[sflag:s30] =	ssyncadd.s32 $0xFFFFC000  }
0x18f: {  	_ =	swait.ge [sflag:s30], $0x4000  }
0x190: {  	[sflag:s30] =	ssyncset.done $0x0  }
0x191: {  	[sflag:s30] =	ssyncadd.s32 $0xFFFFC000  }
0x192: {  	_ =	swait.ge [sflag:s30], $0x4000  }
0x193: {  	[sflag:s30] =	ssyncset.done $0x0  }
0x194: {  	[sflag:s30] =	ssyncadd.s32 $0xFFFFC000  }
0x195: {  	_ =	swait.ge [sflag:s30], $0x4000  }
0x196: {  	[sflag:s30] =	ssyncset.done $0x0  }
0x197: {  	[sflag:s30] =	ssyncadd.s32 $0xFFFFC000  }
0x198: {  	_ =	swait.ge [sflag:s30], $0x4000  }
0x199: {  	[sflag:s30] =	ssyncset.done $0x0  }
0x19a: {  	[sflag:s30] =	ssyncadd.s32 $0xFFFFC000  }
0x19b: {  	_ =	swait.ge [sflag:s30], $0x4000  }
0x19c: {  	[sflag:s30] =	ssyncset.done $0x0  }
0x19d: {  	[sflag:s30] =	ssyncadd.s32 $0xFFFFC000  }
0x19e: {  	_ =	swait.ge [sflag:s30], $0x4000  }
0x19f: {  	[sflag:s30] =	ssyncset.done $0x0  }
0x1a0: {  	s20 =	simm.s32 $0x0;
	[sflag:s30] =	ssyncadd.s32 $0xFFFFC000  }
0x1a1: {  	v4 =	vld [tilespmem:s20+$0x7000]  }
0x1a2: {  	v6 =	vld [tilespmem:s20+$0x7010]  }
0x1a3: {  	v5 =	vld [tilespmem:s20+$0x7020]  }
0x1a4: {  	v3 =	vld [tilespmem:s20+$0x7030]  }
0x1a5: {  	v1 =	vld [tilespmem:s20+$0x7040]  }
0x1a6: {  	v2 =	vld [tilespmem:s20+$0x7050];
	v7 =	vmul.f32 $5.000000070e-02, v4  }
0x1a7: {  	s21 =	simm.s32 $0x200;
	v6 =	vmul.f32 $5.000000070e-02, v6;
	v4 =	vld [tilespmem:s20+$0x7060]  }
.LBB2_12:
0x1a8: {  	s11 =	sshra.s32 s21, $0x2;
	p0 =	sne.s32 s21, $0xFE00;
	[tilespmem:s20+$0x7000] =	vst v7;
	v5 =	vmul.f32 $5.000000070e-02, v5;
	v7 =	vld [tilespmem:s20+$0x7070]  }
0x1a9: {  	v8 =	vld [tilespmem:s11+$0x7000];
	[tilespmem:s20+$0x7010] =	vst v6;
	v3 =	vmul.f32 $5.000000070e-02, v3  }
0x1aa: {  	v6 =	vld [tilespmem:s11+$0x7010];
	[tilespmem:s20+$0x7020] =	vst v5;
	v1 =	vmul.f32 $5.000000070e-02, v1  }
.Ltmp5:
0x1ab: {  	v5 =	vld [tilespmem:s11+$0x7020];
	[tilespmem:s20+$0x7030] =	vst v3;
	v2 =	vmul.f32 $5.000000070e-02, v2;
	(pc) =	sbr.rel @p0 .LBB2_12-.Ltmp5, $4  }
0x1ac: {  	v3 =	vld [tilespmem:s11+$0x7030];
	[tilespmem:s20+$0x7040] =	vst v1;
	v4 =	vmul.f32 $5.000000070e-02, v4  }
0x1ad: {  	v1 =	vld [tilespmem:s11+$0x7040];
	[tilespmem:s20+$0x7050] =	vst v2;
	v9 =	vmul.f32 $5.000000070e-02, v7  }
0x1ae: {  	v7 =	vmul.f32 $5.000000070e-02, v8;
	v2 =	vld [tilespmem:s11+$0x7050];
	[tilespmem:s20+$0x7060] =	vst v4  }
0x1af: {  	s21 =	sadd.s32 $0x200, s21;
	v6 =	vmul.f32 $5.000000070e-02, v6;
	v4 =	vld [tilespmem:s11+$0x7060];
	[tilespmem:s20+$0x7070] =	vst v9;
	s20 =	smov.u32 s11  }
0x1b0: {  	[tilespmem:s20+$0x7000] =	vst v7;
	v5 =	vmul.f32 $5.000000070e-02, v5;
	v7 =	vld [tilespmem:s20+$0x7070]  }
0x1b1: {  	[tilespmem:s20+$0x7010] =	vst v6;
	v3 =	vmul.f32 $5.000000070e-02, v3  }
0x1b2: {  	[tilespmem:s20+$0x7020] =	vst v5;
	v1 =	vmul.f32 $5.000000070e-02, v1  }
0x1b3: {  	[tilespmem:s20+$0x7030] =	vst v3;
	v2 =	vmul.f32 $5.000000070e-02, v2  }
0x1b4: {  	[tilespmem:s20+$0x7040] =	vst v1;
	v1 =	vmul.f32 $5.000000070e-02, v4  }
0x1b5: {  	[tilespmem:s20+$0x7050] =	vst v2;
	v2 =	vmul.f32 $5.000000070e-02, v7  }
0x1b6: {  	[tilespmem:s20+$0x7060] =	vst v1  }
0x1b7: {  	s11 =	simm.s32 $0x0;
	[tilespmem:s20+$0x7070] =	vst v2  }
0x1b8: {  	[hbm4b:s13+s11] =	stream.linear.scatter [tilespmem:s31], [sflag:$0x5], $0x4000, $0x38;
	[tilespmem:$0x13000] =	vst v63  }
0x1b9: {  	_ =	swait.ge [sflag:s0], $0x4000  }
0x1ba: {  	[sflag:s0] =	ssyncset.done $0x0  }
0x1bb: {  	[sflag:s0] =	ssyncadd.s32 $0xFFFFC000  }
0x1bc: {  	_ =	swait.ge [sflag:s0], $0x4000  }
0x1bd: {  	[sflag:s0] =	ssyncset.done $0x0  }
0x1be: {  	[sflag:s0] =	ssyncadd.s32 $0xFFFFC000  }
0x1bf: {  	_ =	swait.ge [sflag:s0], $0x4000  }
0x1c0: {  	[sflag:s0] =	ssyncset.done $0x0  }
0x1c1: {  	[sflag:s0] =	ssyncadd.s32 $0xFFFFC000  }
0x1c2: {  	_ =	swait.ge [sflag:s0], $0x4000  }
0x1c3: {  	[sflag:s0] =	ssyncset.done $0x0  }
0x1c4: {  	[sflag:s0] =	ssyncadd.s32 $0xFFFFC000  }
0x1c5: {  	_ =	swait.ge [sflag:s0], $0x4000  }
0x1c6: {  	[sflag:s0] =	ssyncset.done $0x0  }
0x1c7: {  	[sflag:s0] =	ssyncadd.s32 $0xFFFFC000  }
0x1c8: {  	_ =	swait.ge [sflag:s0], $0x4000  }
0x1c9: {  	[sflag:s0] =	ssyncset.done $0x0  }
0x1ca: {  	[sflag:s0] =	ssyncadd.s32 $0xFFFFC000  }
0x1cb: {  	_ =	swait.ge [sflag:s0], $0x4000  }
0x1cc: {  	[sflag:s0] =	ssyncset.done $0x0  }
0x1cd: {  	[sflag:s0] =	ssyncadd.s32 $0xFFFFC000  }
0x1ce: {  	_ =	swait.ge [sflag:s0], $0x4000  }
0x1cf: {  	[sflag:s0] =	ssyncset.done $0x0  }
0x1d0: {  	[sflag:s0] =	ssyncadd.s32 $0xFFFFC000  }
0x1d1: {  	_ =	swait.ge [sflag:s0], $0x4000  }
0x1d2: {  	[sflag:s0] =	ssyncset.done $0x0  }
0x1d3: {  	[sflag:s0] =	ssyncadd.s32 $0xFFFFC000  }
0x1d4: {  	_ =	swait.ge [sflag:s0], $0x4000  }
0x1d5: {  	[sflag:s0] =	ssyncset.done $0x0  }
0x1d6: {  	[sflag:s0] =	ssyncadd.s32 $0xFFFFC000  }
0x1d7: {  	_ =	swait.ge [sflag:s0], $0x4000  }
0x1d8: {  	[sflag:s0] =	ssyncset.done $0x0  }
0x1d9: {  	[sflag:s0] =	ssyncadd.s32 $0xFFFFC000  }
0x1da: {  	_ =	swait.ge [sflag:s0], $0x4000  }
0x1db: {  	[sflag:s0] =	ssyncset.done $0x0  }
0x1dc: {  	[sflag:s0] =	ssyncadd.s32 $0xFFFFC000  }
0x1dd: {  	_ =	swait.ge [sflag:s0], $0x4000  }
0x1de: {  	[sflag:s0] =	ssyncset.done $0x0  }
0x1df: {  	[sflag:s0] =	ssyncadd.s32 $0xFFFFC000  }
0x1e0: {  	_ =	swait.ge [sflag:s0], $0x4000  }
0x1e1: {  	[sflag:s0] =	ssyncset.done $0x0  }
0x1e2: {  	[sflag:s0] =	ssyncadd.s32 $0xFFFFC000  }
0x1e3: {  	_ =	swait.ge [sflag:s0], $0x4000  }
0x1e4: {  	[sflag:s0] =	ssyncset.done $0x0  }
0x1e5: {  	[sflag:s0] =	ssyncadd.s32 $0xFFFFC000  }
0x1e6: {  	_ =	swait.ge [sflag:s0], $0x4000  }
0x1e7: {  	[sflag:s0] =	ssyncset.done $0x0  }
0x1e8: {  	[sflag:s0] =	ssyncadd.s32 $0xFFFFC000  }
0x1e9: {  	_ =	swait.ge [sflag:s0], $0x4000  }
0x1ea: {  	[sflag:s0] =	ssyncset.done $0x0  }
0x1eb: {  	[sflag:s0] =	ssyncadd.s32 $0xFFFFC000  }
0x1ec: {  	_ =	swait.ge [sflag:s0], $0x4000  }
0x1ed: {  	[sflag:s0] =	ssyncset.done $0x0  }
0x1ee: {  	[sflag:s0] =	ssyncadd.s32 $0xFFFFC000  }
0x1ef: {  	_ =	swait.ge [sflag:s0], $0x4000  }
0x1f0: {  	[sflag:s0] =	ssyncset.done $0x0  }
0x1f1: {  	[sflag:s0] =	ssyncadd.s32 $0xFFFFC000  }
0x1f2: {  	_ =	swait.ge [sflag:s0], $0x4000  }
0x1f3: {  	[sflag:s0] =	ssyncset.done $0x0  }
0x1f4: {  	s20 =	simm.s32 $0x0;
	[sflag:s0] =	ssyncadd.s32 $0xFFFFC000  }
0x1f5: {  	v4 =	vld [tilespmem:s20+$0xB000]  }
0x1f6: {  	v6 =	vld [tilespmem:s20+$0xB010]  }
0x1f7: {  	v5 =	vld [tilespmem:s20+$0xB020]  }
0x1f8: {  	v3 =	vld [tilespmem:s20+$0xB030]  }
0x1f9: {  	v1 =	vld [tilespmem:s20+$0xB040]  }
0x1fa: {  	v2 =	vld [tilespmem:s20+$0xB050];
	v7 =	vmul.f32 $5.000000070e-02, v4  }
0x1fb: {  	s21 =	simm.s32 $0x200;
	v6 =	vmul.f32 $5.000000070e-02, v6;
	v4 =	vld [tilespmem:s20+$0xB060]  }
.LBB2_14:
0x1fc: {  	s11 =	sshra.s32 s21, $0x2;
	p0 =	sne.s32 s21, $0xFE00;
	[tilespmem:s20+$0xB000] =	vst v7;
	v5 =	vmul.f32 $5.000000070e-02, v5;
	v7 =	vld [tilespmem:s20+$0xB070]  }
0x1fd: {  	v8 =	vld [tilespmem:s11+$0xB000];
	[tilespmem:s20+$0xB010] =	vst v6;
	v3 =	vmul.f32 $5.000000070e-02, v3  }
0x1fe: {  	v6 =	vld [tilespmem:s11+$0xB010];
	[tilespmem:s20+$0xB020] =	vst v5;
	v1 =	vmul.f32 $5.000000070e-02, v1  }
.Ltmp6:
0x1ff: {  	v5 =	vld [tilespmem:s11+$0xB020];
	[tilespmem:s20+$0xB030] =	vst v3;
	v2 =	vmul.f32 $5.000000070e-02, v2;
	(pc) =	sbr.rel @p0 .LBB2_14-.Ltmp6, $4  }
0x200: {  	v3 =	vld [tilespmem:s11+$0xB030];
	[tilespmem:s20+$0xB040] =	vst v1;
	v4 =	vmul.f32 $5.000000070e-02, v4  }
0x201: {  	v1 =	vld [tilespmem:s11+$0xB040];
	[tilespmem:s20+$0xB050] =	vst v2;
	v9 =	vmul.f32 $5.000000070e-02, v7  }
0x202: {  	v7 =	vmul.f32 $5.000000070e-02, v8;
	v2 =	vld [tilespmem:s11+$0xB050];
	[tilespmem:s20+$0xB060] =	vst v4  }
0x203: {  	s21 =	sadd.s32 $0x200, s21;
	v6 =	vmul.f32 $5.000000070e-02, v6;
	v4 =	vld [tilespmem:s11+$0xB060];
	[tilespmem:s20+$0xB070] =	vst v9;
	s20 =	smov.u32 s11  }
0x204: {  	[tilespmem:s20+$0xB000] =	vst v7;
	v5 =	vmul.f32 $5.000000070e-02, v5;
	v7 =	vld [tilespmem:s20+$0xB070]  }
0x205: {  	[tilespmem:s20+$0xB010] =	vst v6;
	v3 =	vmul.f32 $5.000000070e-02, v3  }
0x206: {  	[tilespmem:s20+$0xB020] =	vst v5;
	v1 =	vmul.f32 $5.000000070e-02, v1  }
0x207: {  	[tilespmem:s20+$0xB030] =	vst v3;
	v2 =	vmul.f32 $5.000000070e-02, v2  }
0x208: {  	[tilespmem:s20+$0xB040] =	vst v1;
	v1 =	vmul.f32 $5.000000070e-02, v4  }
0x209: {  	[tilespmem:s20+$0xB050] =	vst v2;
	v2 =	vmul.f32 $5.000000070e-02, v7  }
0x20a: {  	[tilespmem:s20+$0xB060] =	vst v1  }
0x20b: {  	s11 =	simm.s32 $0x0;
	[tilespmem:s20+$0xB070] =	vst v2  }
0x20c: {  	[hbm4b:s14+s11] =	stream.linear.scatter [tilespmem:s1], [sflag:$0x5], $0x4000, $0x38;
	[tilespmem:$0x13000] =	vst v63  }
0x20d: {  	_ =	swait.ge [sflag:s5], $0x4000  }
0x20e: {  	[sflag:s5] =	ssyncset.done $0x0  }
0x20f: {  	[sflag:s5] =	ssyncadd.s32 $0xFFFFC000  }
0x210: {  	_ =	swait.ge [sflag:s5], $0x4000  }
0x211: {  	[sflag:s5] =	ssyncset.done $0x0  }
0x212: {  	[sflag:s5] =	ssyncadd.s32 $0xFFFFC000  }
0x213: {  	_ =	swait.ge [sflag:s5], $0x4000  }
0x214: {  	[sflag:s5] =	ssyncset.done $0x0  }
0x215: {  	[sflag:s5] =	ssyncadd.s32 $0xFFFFC000  }
0x216: {  	_ =	swait.ge [sflag:s5], $0x4000  }
0x217: {  	[sflag:s5] =	ssyncset.done $0x0  }
0x218: {  	[sflag:s5] =	ssyncadd.s32 $0xFFFFC000  }
0x219: {  	_ =	swait.ge [sflag:s5], $0x4000  }
0x21a: {  	[sflag:s5] =	ssyncset.done $0x0  }
0x21b: {  	[sflag:s5] =	ssyncadd.s32 $0xFFFFC000  }
0x21c: {  	_ =	swait.ge [sflag:s5], $0x4000  }
0x21d: {  	[sflag:s5] =	ssyncset.done $0x0  }
0x21e: {  	[sflag:s5] =	ssyncadd.s32 $0xFFFFC000  }
0x21f: {  	_ =	swait.ge [sflag:s5], $0x4000  }
0x220: {  	[sflag:s5] =	ssyncset.done $0x0  }
0x221: {  	[sflag:s5] =	ssyncadd.s32 $0xFFFFC000  }
0x222: {  	_ =	swait.ge [sflag:s5], $0x4000  }
0x223: {  	[sflag:s5] =	ssyncset.done $0x0  }
0x224: {  	[sflag:s5] =	ssyncadd.s32 $0xFFFFC000  }
0x225: {  	_ =	swait.ge [sflag:s5], $0x4000  }
0x226: {  	[sflag:s5] =	ssyncset.done $0x0  }
0x227: {  	[sflag:s5] =	ssyncadd.s32 $0xFFFFC000  }
0x228: {  	_ =	swait.ge [sflag:s5], $0x4000  }
0x229: {  	[sflag:s5] =	ssyncset.done $0x0  }
0x22a: {  	[sflag:s5] =	ssyncadd.s32 $0xFFFFC000  }
0x22b: {  	_ =	swait.ge [sflag:s5], $0x4000  }
0x22c: {  	[sflag:s5] =	ssyncset.done $0x0  }
0x22d: {  	[sflag:s5] =	ssyncadd.s32 $0xFFFFC000  }
0x22e: {  	_ =	swait.ge [sflag:s5], $0x4000  }
0x22f: {  	[sflag:s5] =	ssyncset.done $0x0  }
0x230: {  	[sflag:s5] =	ssyncadd.s32 $0xFFFFC000  }
0x231: {  	_ =	swait.ge [sflag:s5], $0x4000  }
0x232: {  	[sflag:s5] =	ssyncset.done $0x0  }
0x233: {  	[sflag:s5] =	ssyncadd.s32 $0xFFFFC000  }
0x234: {  	_ =	swait.ge [sflag:s5], $0x4000  }
0x235: {  	[sflag:s5] =	ssyncset.done $0x0  }
0x236: {  	[sflag:s5] =	ssyncadd.s32 $0xFFFFC000  }
0x237: {  	_ =	swait.ge [sflag:s5], $0x4000  }
0x238: {  	[sflag:s5] =	ssyncset.done $0x0  }
0x239: {  	[sflag:s5] =	ssyncadd.s32 $0xFFFFC000  }
0x23a: {  	_ =	swait.ge [sflag:s5], $0x4000  }
0x23b: {  	[sflag:s5] =	ssyncset.done $0x0  }
0x23c: {  	[sflag:s5] =	ssyncadd.s32 $0xFFFFC000  }
0x23d: {  	_ =	swait.ge [sflag:s5], $0x4000  }
0x23e: {  	[sflag:s5] =	ssyncset.done $0x0  }
0x23f: {  	[sflag:s5] =	ssyncadd.s32 $0xFFFFC000  }
0x240: {  	_ =	swait.ge [sflag:s5], $0x4000  }
0x241: {  	[sflag:s5] =	ssyncset.done $0x0  }
0x242: {  	[sflag:s5] =	ssyncadd.s32 $0xFFFFC000  }
0x243: {  	_ =	swait.ge [sflag:s5], $0x4000  }
0x244: {  	[sflag:s5] =	ssyncset.done $0x0  }
0x245: {  	[sflag:s5] =	ssyncadd.s32 $0xFFFFC000  }
0x246: {  	_ =	swait.ge [sflag:s5], $0x4000  }
0x247: {  	[sflag:s5] =	ssyncset.done $0x0  }
0x248: {  	s20 =	simm.s32 $0x0;
	[sflag:s5] =	ssyncadd.s32 $0xFFFFC000  }
0x249: {  	v4 =	vld [tilespmem:s20+$0xF000]  }
0x24a: {  	v6 =	vld [tilespmem:s20+$0xF010]  }
0x24b: {  	v5 =	vld [tilespmem:s20+$0xF020]  }
0x24c: {  	v3 =	vld [tilespmem:s20+$0xF030]  }
0x24d: {  	v1 =	vld [tilespmem:s20+$0xF040]  }
0x24e: {  	v2 =	vld [tilespmem:s20+$0xF050];
	v7 =	vmul.f32 $5.000000070e-02, v4  }
0x24f: {  	s21 =	simm.s32 $0x200;
	v6 =	vmul.f32 $5.000000070e-02, v6;
	v4 =	vld [tilespmem:s20+$0xF060]  }
.LBB2_16:
0x250: {  	s11 =	sshra.s32 s21, $0x2;
	p0 =	sne.s32 s21, $0xFE00;
	[tilespmem:s20+$0xF000] =	vst v7;
	v5 =	vmul.f32 $5.000000070e-02, v5;
	v7 =	vld [tilespmem:s20+$0xF070]  }
0x251: {  	v8 =	vld [tilespmem:s11+$0xF000];
	[tilespmem:s20+$0xF010] =	vst v6;
	v3 =	vmul.f32 $5.000000070e-02, v3  }
0x252: {  	v6 =	vld [tilespmem:s11+$0xF010];
	[tilespmem:s20+$0xF020] =	vst v5;
	v1 =	vmul.f32 $5.000000070e-02, v1  }
.Ltmp7:
0x253: {  	v5 =	vld [tilespmem:s11+$0xF020];
	[tilespmem:s20+$0xF030] =	vst v3;
	v2 =	vmul.f32 $5.000000070e-02, v2;
	(pc) =	sbr.rel @p0 .LBB2_16-.Ltmp7, $4  }
0x254: {  	v3 =	vld [tilespmem:s11+$0xF030];
	[tilespmem:s20+$0xF040] =	vst v1;
	v4 =	vmul.f32 $5.000000070e-02, v4  }
0x255: {  	v1 =	vld [tilespmem:s11+$0xF040];
	[tilespmem:s20+$0xF050] =	vst v2;
	v9 =	vmul.f32 $5.000000070e-02, v7  }
0x256: {  	v7 =	vmul.f32 $5.000000070e-02, v8;
	v2 =	vld [tilespmem:s11+$0xF050];
	[tilespmem:s20+$0xF060] =	vst v4  }
0x257: {  	s21 =	sadd.s32 $0x200, s21;
	v6 =	vmul.f32 $5.000000070e-02, v6;
	v4 =	vld [tilespmem:s11+$0xF060];
	[tilespmem:s20+$0xF070] =	vst v9;
	s20 =	smov.u32 s11  }
0x258: {  	[tilespmem:s20+$0xF000] =	vst v7;
	v5 =	vmul.f32 $5.000000070e-02, v5;
	v63 =	vld [tilespmem:s20+$0xF070]  }
0x259: {  	[tilespmem:s20+$0xF010] =	vst v6;
	v3 =	vmul.f32 $5.000000070e-02, v3  }
0x25a: {  	[tilespmem:s20+$0xF020] =	vst v5;
	v1 =	vmul.f32 $5.000000070e-02, v1  }
0x25b: {  	[tilespmem:s20+$0xF030] =	vst v3;
	v2 =	vmul.f32 $5.000000070e-02, v2  }
0x25c: {  	[tilespmem:s20+$0xF040] =	vst v1;
	v1 =	vmul.f32 $5.000000070e-02, v4  }
0x25d: {  	[tilespmem:s20+$0xF050] =	vst v2;
	v2 =	vmul.f32 $5.000000070e-02, v63  }
0x25e: {  	[tilespmem:s20+$0xF060] =	vst v1  }
0x25f: {  	[tilespmem:s20+$0xF070] =	vst v2  }
0x260: {  	[hbm4b:s15+s3] =	stream.linear.scatter [tilespmem:s7], [sflag:$0x5], $0x4000, $0x38;
	[tilespmem:$0x13000] =	vst v63  }
0x261: {  	_ =	swait.ge [sflag:s9], $0x4000  }
0x262: {  	[sflag:s9] =	ssyncset.done $0x0  }
0x263: {  	[sflag:s9] =	ssyncadd.s32 $0xFFFFC000  }
0x264: {  	_ =	swait.ge [sflag:s9], $0x4000  }
0x265: {  	[sflag:s9] =	ssyncset.done $0x0  }
0x266: {  	s19 =	sadd.s32 $0x1, s19;
	[sflag:s9] =	ssyncadd.s32 $0xFFFFC000  }
0x267: {  	p0 =	sne.s32 s19, s16;
	_ =	swait.ge [sflag:s9], $0x4000  }
.Ltmp8:
0x268: {  	[sflag:s9] =	ssyncset.done $0x0;
	(pc) =	sbr.rel @p0 .LBB2_1-.Ltmp8, $4  }
0x269: {  	[sflag:s9] =	ssyncadd.s32 $0xFFFFC000  }
0x26a: {  	_ =	swait.ge [sflag:s9], $0x4000  }
0x26b: {  	[sflag:s9] =	ssyncset.done $0x0  }
0x26c: {  	[sflag:s9] =	ssyncadd.s32 $0xFFFFC000  }
0x26d: {  	_ =	sfence.sel $0x180000  }
0x26e: {  	[bflag:$0x0] =	sbarrier.arrive $0xFFFF  }
0x26f: {  	_ =	strace $0x90000047  }
0x270: {  	s0 =	stileid.u32;
	[bflag:$0x2] =	sbarrier.arrive $0xFFFF  }
0x271: {  	p0 =	sne.s32 s0, $0x0;
	s0 =	rddreg [dreg:$0x3]  }
0x272: {  	s0 =	sadd.s32 @!p0 $0x100000, s0  }
0x273: {  	[sflag:s0] =	ssyncadd.tile.s32 @!p0 $0x1;
	_ =	shalt  }
.Lfunc_end2:
_tile_overlayer_lowered:
.L_overlay_start_2:
0x274: {  	(tag) =	ssettag $0x2  }
0x275: {  	s0 =	rddreg [dreg:$0x0];
	s2 =	stileid.u32  }
0x276: {  	s1 =	rddreg [dreg:$0x1];
	p0 =	sne.s32 s2, $0x0  }
0x277: {  	s3 =	rddreg [dreg:$0x2];
	[bflag:$0x3] =	sbarrier.arrive $0xFFFF;
	s2 =	simm.s32 @!p0 $0x1C06  }
0x278: {  	[timem:s3], [sflag:s2] =	dma.local @!p0 [hbm:s0], s1  }
0x279: {  	s0 =	simm.s32 @!p0 $0x6  }
0x27a: {  	_ =	swait.ge @!p0 [sflag:s0], s1  }
0x27b: {  	s1 =	ssub.s32 @!p0 $0x0, s1;
	[sflag:s0] =	ssyncset.done @!p0 $0x0  }
0x27c: {  	[sflag:s0] =	ssyncadd.s32 @!p0 s1  }
0x27d: {  	[bflag:$0x3] =	sbarrier.arrive $0xFFFF  }
0x27e: {  	_ =	shalt  }

</sc_bundles>
